<compile_context>
chip_gen: v7x
topology: tpu7x:2x2x1
jax: 0.10.2.dev20260603
libtpu: 0.0.44.dev20260713+nightly
codegen_flags: <defaults>
</compile_context>

<pallas_src>
import jax
import jax.numpy as jnp
from jax import lax
from jax.experimental import pallas as pl
from jax.experimental.pallas import tpu as pltpu, tpu_sc as plsc

IN_F = 128
OUT_F = 128
N_REL = 8
N_BASE = 4
N_NODE = 10000
N_EDGE = 320000

NC = 2
NS = 16
CH = 128
NCH_TOT = 2560
N_EPAD = NCH_TOT * CH
N0 = 152
N1 = NCH_TOT // NS - N0
PACK = 16384
NPAD = 10240
RPS = NPAD // NS
FB = 2000


def _relmat_kernel(wc_ref, x_ref, wf_ref, y_ref):
    wc = wc_ref[...]
    wf = wf_ref[0]
    a = jnp.concatenate(
        [jnp.dot(wc, wf[4 * q:4 * (q + 1), :], preferred_element_type=jnp.float32)
         for q in range(16)], axis=0)
    y_ref[0] = jnp.dot(x_ref[...], a, preferred_element_type=jnp.float32)


def _pack_kernel(src_ref, rel_ref, dst_ref, p_ref):
    p_ref[...] = (rel_ref[...] * N_NODE + src_ref[...]) * PACK + dst_ref[...]


def _edge_kernel(y_hbm, pk_hbm, zero_hbm, out_hbm,
                 pkc0, pkc1, pkc2, pkc3, pkc4, pkc5, pkc6, pkc7,
                 gs0, ds0, gs1, ds1, rows0, rows1, acc,
                 semp0, semp1, semp2, semp3, semp4, semp5, semp6, semp7,
                 sem0, sem1):
    cid = lax.axis_index("c")
    sid = lax.axis_index("s")
    pkc = [pkc0, pkc1, pkc2, pkc3, pkc4, pkc5, pkc6, pkc7]
    semp = [semp0, semp1, semp2, semp3, semp4, semp5, semp6, semp7]

    pltpu.sync_copy(zero_hbm.at[pl.ds(sid * RPS, RPS)],
                    acc.at[pl.ds(sid * RPS, RPS)])

    def unpack(src_pkc, gs, ds):
        for l in range(CH // 16):
            v = src_pkc[pl.ds(l * 16, 16)]
            gs[pl.ds(l * 16, 16)] = lax.shift_right_logical(v, 14)
            ds[pl.ds(l * 16, 16)] = lax.bitwise_and(v, PACK - 1)

    start = jnp.where(cid == 0, sid * N0, NS * N0 + sid * N1)
    cnt = jnp.where(cid == 0, N0, N1)

    plsc.subcore_barrier()

    for s in range(8):
        pltpu.async_copy(pk_hbm.at[start + s], pkc[s], semp[s])

    def body(g, carry):
        for s in range(8):
            r = 8 * g + s
            p = s % 2
            gs = gs0 if p == 0 else gs1
            ds = ds0 if p == 0 else ds1
            rows = rows0 if p == 0 else rows1
            sem = sem0 if p == 0 else sem1
            pltpu.make_async_copy(pk_hbm.at[start], pkc[s], semp[s]).wait()

            @pl.when(r >= 2)
            def _():
                pltpu.make_async_copy(y_hbm.at[gs], rows, sem).wait()
                pltpu.sync_copy(rows, acc.at[ds], add=True)
            unpack(pkc[s], gs, ds)
            pltpu.async_copy(
                pk_hbm.at[start + jnp.minimum(r + 8, cnt - 1)], pkc[s], semp[s])
            pltpu.async_copy(y_hbm.at[gs], rows, sem)
        return carry
    lax.fori_loop(0, cnt // 8, body, 0)

    @pl.when(cnt > 0)
    def _():
        pltpu.make_async_copy(y_hbm.at[gs0], rows0, sem0).wait()
        pltpu.sync_copy(rows0, acc.at[ds0], add=True)
        pltpu.make_async_copy(y_hbm.at[gs1], rows1, sem1).wait()
        pltpu.sync_copy(rows1, acc.at[ds1], add=True)
    for s in range(8):
        pltpu.make_async_copy(pk_hbm.at[start], pkc[s], semp[s]).wait()

    plsc.subcore_barrier()

    pltpu.sync_copy(acc.at[pl.ds(sid * RPS, RPS)],
                    out_hbm.at[cid, pl.ds(sid * RPS, RPS)])


def _finish_kernel(p_ref, b_ref, h_ref):
    h_ref[...] = jnp.maximum(p_ref[0] + p_ref[1] + b_ref[...], 0.0)


@jax.jit
def kernel(x, edge_index, edge_type, weight, w_comp, bias):
    wfac = weight.reshape(N_REL, 16 * N_BASE, OUT_F)

    y = pl.pallas_call(
        _relmat_kernel,
        grid=(N_REL,),
        in_specs=[
            pl.BlockSpec((N_REL, N_BASE), lambda r: (0, 0)),
            pl.BlockSpec((N_NODE, IN_F), lambda r: (0, 0)),
            pl.BlockSpec((1, 16 * N_BASE, OUT_F), lambda r: (r, 0, 0)),
        ],
        out_specs=pl.BlockSpec((1, N_NODE, OUT_F), lambda r: (r, 0, 0)),
        out_shape=jax.ShapeDtypeStruct((N_REL, N_NODE, OUT_F), jnp.float32),
    )(w_comp, x, wfac)
    ytab = y.reshape(N_REL * N_NODE, OUT_F)

    npad_e = N_EPAD - N_EDGE
    src2 = jnp.concatenate(
        [edge_index[0], jnp.zeros((npad_e,), jnp.int32)]).reshape(-1, 128)
    rel2 = jnp.concatenate(
        [edge_type.astype(jnp.int32), jnp.zeros((npad_e,), jnp.int32)]
    ).reshape(-1, 128)
    dst2 = jnp.concatenate(
        [edge_index[1], jnp.full((npad_e,), N_NODE, jnp.int32)]).reshape(-1, 128)
    packed = pl.pallas_call(
        _pack_kernel,
        out_shape=jax.ShapeDtypeStruct((NCH_TOT, CH), jnp.int32),
    )(src2, rel2, dst2)

    zeros = jnp.zeros((NPAD, OUT_F), jnp.float32)

    mesh = plsc.VectorSubcoreMesh(core_axis_name="c", subcore_axis_name="s",
                                  num_cores=NC, num_subcores=NS)
    part = pl.kernel(
        _edge_kernel,
        out_type=jax.ShapeDtypeStruct((NC, NPAD, OUT_F), jnp.float32),
        mesh=mesh,
        scratch_types=(
            [pltpu.VMEM((CH,), jnp.int32)] * 8
            + [pltpu.VMEM((CH,), jnp.int32)] * 4
            + [pltpu.VMEM((CH, OUT_F), jnp.float32)] * 2
            + [pltpu.VMEM_SHARED((NPAD, OUT_F), jnp.float32)]
            + [pltpu.SemaphoreType.DMA] * 10
        ),
    )(ytab, packed, zeros)
    part = part[:, :N_NODE, :]

    h = pl.pallas_call(
        _finish_kernel,
        grid=(N_NODE // FB,),
        in_specs=[
            pl.BlockSpec((NC, FB, OUT_F), lambda i: (0, i, 0)),
            pl.BlockSpec((1, OUT_F), lambda i: (0, 0)),
        ],
        out_specs=pl.BlockSpec((FB, OUT_F), lambda i: (i, 0)),
        out_shape=jax.ShapeDtypeStruct((N_NODE, OUT_F), jnp.float32),
    )(part, bias.reshape(1, OUT_F))
    return h

# --- scband reference (transcript-rebuilt; emitter-appended) ---
"""Pipeline reference for scband-rgcnlayer-55233279426724 (READ-ONLY COPY).

The authoritative reference and input builder live on the scoring server;
editing this copy changes nothing except your own understanding.
"""

import jax, jax.numpy as jnp
import numpy as np

IN_FEAT = 128
OUT_FEAT = 128
NUM_RELS = 8
NUM_BASES = 4
N_NODES = 10000
N_EDGES = 320000


def setup_inputs(seed: int = 0) -> dict:
    key = jax.random.key(seed)
    k1, k2, k3, k4, k5, k6 = jax.random.split(key, 6)
    x = jax.random.normal(k1, (N_NODES, IN_FEAT), dtype=jnp.float32)
    edge_index = jax.random.randint(k2, (2, N_EDGES), 0, N_NODES, dtype=jnp.int32)
    edge_type = jax.random.randint(k3, (N_EDGES,), 0, NUM_RELS, dtype=jnp.int32)
    # learned parameters (xavier-ish scaling)
    weight = jax.random.normal(k4, (NUM_BASES, IN_FEAT, OUT_FEAT), dtype=jnp.float32) * (2.0 / (IN_FEAT + OUT_FEAT)) ** 0.5
    w_comp = jax.random.normal(k5, (NUM_RELS, NUM_BASES), dtype=jnp.float32) * (2.0 / (NUM_RELS + NUM_BASES)) ** 0.5
    bias = jax.random.normal(k6, (OUT_FEAT,), dtype=jnp.float32) * 0.01
    return {"x": x, "edge_index": edge_index, "edge_type": edge_type,
            "weight": weight, "w_comp": w_comp, "bias": bias}


def reference(x, edge_index, edge_type, weight, w_comp, bias):
    # Basis decomposition, replicating the original view/matmul/view sequence exactly:
    # weight: [num_bases, in_feat, out_feat] -> raw view [in_feat, num_bases, out_feat]
    w = jnp.reshape(weight, (IN_FEAT, NUM_BASES, OUT_FEAT))
    # matmul(w_comp [R,B], w [in,B,out]) -> [in, R, out], then raw view -> [R, in, out]
    w = jnp.matmul(w_comp, w)
    w = jnp.reshape(w, (NUM_RELS, IN_FEAT, OUT_FEAT))
    src = edge_index[0]
    dst = edge_index[1]
    # message: msg_e = x[src_e] @ w[rel_e]; reduce: h2[v] = sum_{e: dst_e = v} msg_e
    # Mathematically identical regrouping (linearity of matmul):
    #   h2[v] = sum_r ( sum_{e: dst=v, rel=r} x[src_e] ) @ w[r]
    # computed via a composite (dst, rel) segment-sum to avoid materializing [E, in, out].
    xs = jnp.take(x, src, axis=0)                       # gather: [E, in_feat]
    seg = dst.astype(jnp.int32) * NUM_RELS + edge_type.astype(jnp.int32)
    agg = jax.ops.segment_sum(xs, seg, num_segments=N_NODES * NUM_RELS)  # scatter-add
    agg = agg.reshape(N_NODES, NUM_RELS, IN_FEAT)
    h = jnp.einsum("nri,rio->no", agg, w)              # [N, out_feat]
    h = h + bias
    h = jax.nn.relu(h)
    return h

if __name__ == "__main__":
    import jax
    _d = setup_inputs()
    print(jax.jit(kernel)(*tuple(_d.values())))

</pallas_src>

<mosaic_0001>
#map = affine_map<(d0, d1) -> (0, 0)>
#map1 = affine_map<(d0, d1) -> (0, 0, 0)>
module attributes {stable_mosaic.version = 14 : i64} {
  func.func @_edge_kernel(%arg0: i32, %arg1: i32, %arg2: memref<80000x128xf32, #tpu.memory_space<hbm>>, %arg3: memref<2560x128xi32, #tpu.memory_space<hbm>>, %arg4: memref<10240x128xf32, #tpu.memory_space<hbm>>, %arg5: memref<2x10240x128xf32, #tpu.memory_space<hbm>>, %arg6: memref<128xi32, #tpu.memory_space<vmem>>, %arg7: memref<128xi32, #tpu.memory_space<vmem>>, %arg8: memref<128xi32, #tpu.memory_space<vmem>>, %arg9: memref<128xi32, #tpu.memory_space<vmem>>, %arg10: memref<128xi32, #tpu.memory_space<vmem>>, %arg11: memref<128xi32, #tpu.memory_space<vmem>>, %arg12: memref<128xi32, #tpu.memory_space<vmem>>, %arg13: memref<128xi32, #tpu.memory_space<vmem>>, %arg14: memref<128xi32, #tpu.memory_space<vmem>>, %arg15: memref<128xi32, #tpu.memory_space<vmem>>, %arg16: memref<128xi32, #tpu.memory_space<vmem>>, %arg17: memref<128xi32, #tpu.memory_space<vmem>>, %arg18: memref<128x128xf32, #tpu.memory_space<vmem>>, %arg19: memref<128x128xf32, #tpu.memory_space<vmem>>, %arg20: memref<10240x128xf32, #tpu.memory_space<vmem_shared>>, %arg21: memref<!tpu.dma_semaphore, #tpu.memory_space<semaphore_mem>>, %arg22: memref<!tpu.dma_semaphore, #tpu.memory_space<semaphore_mem>>, %arg23: memref<!tpu.dma_semaphore, #tpu.memory_space<semaphore_mem>>, %arg24: memref<!tpu.dma_semaphore, #tpu.memory_space<semaphore_mem>>, %arg25: memref<!tpu.dma_semaphore, #tpu.memory_space<semaphore_mem>>, %arg26: memref<!tpu.dma_semaphore, #tpu.memory_space<semaphore_mem>>, %arg27: memref<!tpu.dma_semaphore, #tpu.memory_space<semaphore_mem>>, %arg28: memref<!tpu.dma_semaphore, #tpu.memory_space<semaphore_mem>>, %arg29: memref<!tpu.dma_semaphore, #tpu.memory_space<semaphore_mem>>, %arg30: memref<!tpu.dma_semaphore, #tpu.memory_space<semaphore_mem>>) attributes {dimension_semantics = [#tpu.dimension_semantics<core_parallel>, #tpu.dimension_semantics<subcore_parallel>], iteration_bounds = array<i64: 2, 16>, scalar_prefetch = 0 : i64, scratch_operands = 25 : i64, tpu.core_type = #tpu.core_type<sc_vector_subcore>, window_params = [{transform_indices = #map}, {transform_indices = #map}, {transform_indices = #map}, {transform_indices = #map1}]} {
    %mul3A = arith.constant 640 : i32
    %mul3A_0 = arith.muli %arg1, %mul3A : i32
    %mul3A_1 = arith.constant 640 : i32
    %mul3A_2 = arith.muli %arg1, %mul3A_1 : i32
    "tpu.region"() ({
      %run_scoped3A = tpu.sem_alloc : memref<!tpu.dma_semaphore, #tpu.memory_space<semaphore_mem>>
      %dma_start3A_157 = arith.constant 0 : i32
      %dma_start3A_158 = tpu.memref_slice %arg20[%mul3A_2, %dma_start3A_157] : memref<10240x128xf32, #tpu.memory_space<vmem_shared>> -> memref<640x128xf32, #tpu.memory_space<vmem_shared>>
      %dma_start3A_159 = arith.constant 0 : i32
      %dma_start3A_160 = tpu.memref_slice %arg4[%mul3A_0, %dma_start3A_159] : memref<10240x128xf32, #tpu.memory_space<hbm>> -> memref<640x128xf32, #tpu.memory_space<hbm>>
      tpu.enqueue_dma source(%dma_start3A_160 : memref<640x128xf32, #tpu.memory_space<hbm>>) target(%dma_start3A_158 : memref<640x128xf32, #tpu.memory_space<vmem_shared>>) target_semaphore(%run_scoped3A : memref<!tpu.dma_semaphore, #tpu.memory_space<semaphore_mem>>)
      %dma_wait3A_161 = arith.constant 0 : i32
      %dma_wait3A_162 = tpu.memref_slice %arg20[%mul3A_2, %dma_wait3A_161] : memref<10240x128xf32, #tpu.memory_space<vmem_shared>> -> memref<640x128xf32, #tpu.memory_space<vmem_shared>>
      %dma_wait3A_163 = arith.constant 0 : i32
      %dma_wait3A_164 = tpu.memref_slice %arg4[%mul3A_0, %dma_wait3A_163] : memref<10240x128xf32, #tpu.memory_space<hbm>> -> memref<640x128xf32, #tpu.memory_space<hbm>>
      tpu.wait_dma2 semaphore(%run_scoped3A : memref<!tpu.dma_semaphore, #tpu.memory_space<semaphore_mem>>) src(%dma_wait3A_164 : memref<640x128xf32, #tpu.memory_space<hbm>>) dst(%dma_wait3A_162 : memref<640x128xf32, #tpu.memory_space<vmem_shared>>)
      tpu.yield
    }) : () -> ()
    %eq3A = arith.constant 0 : i32
    %eq3A_3 = arith.cmpi eq, %arg0, %eq3A : i32
    %mul3A_4 = arith.constant 152 : i32
    %mul3A_5 = arith.muli %arg1, %mul3A_4 : i32
    %mul3A_6 = arith.constant 8 : i32
    %mul3A_7 = arith.muli %arg1, %mul3A_6 : i32
    %add3A = arith.constant 2432 : i32
    %add3A_8 = arith.addi %add3A, %mul3A_7 : i32
    %select_n3A = arith.select %eq3A_3, %mul3A_5, %add3A_8 : i32
    %eq3A_9 = arith.constant 0 : i32
    %eq3A_10 = arith.cmpi eq, %arg0, %eq3A_9 : i32
    %jit3A = arith.constant 152 : i32
    %jit3A_11 = arith.constant 8 : i32
    %select_n3A_12 = arith.select %eq3A_10, %jit3A, %jit3A_11 : i32
    %barrier3A = arith.constant 0 : index
    tpu.barrier barrier_id(%barrier3A)
    %add3A_13 = arith.constant 0 : i32
    %add3A_14 = arith.addi %select_n3A, %add3A_13 : i32
    %dma_start3A = arith.constant 0 : i32
    %dma_start3A_15 = tpu.memref_slice %arg3[%add3A_14, %dma_start3A] : memref<2560x128xi32, #tpu.memory_space<hbm>> -> memref<1x128xi32, #tpu.memory_space<hbm>>
    %dma_start3A_16 = tpu.memref_squeeze %dma_start3A_15 : memref<1x128xi32, #tpu.memory_space<hbm>> -> memref<128xi32, #tpu.memory_space<hbm>>
    %dma_start3A_17 = arith.constant 0 : i32
    %dma_start3A_18 = tpu.memref_slice %arg3[%add3A_14, %dma_start3A_17] : memref<2560x128xi32, #tpu.memory_space<hbm>> -> memref<1x128xi32, #tpu.memory_space<hbm>>
    %dma_start3A_19 = tpu.memref_squeeze %dma_start3A_18 : memref<1x128xi32, #tpu.memory_space<hbm>> -> memref<128xi32, #tpu.memory_space<hbm>>
    tpu.enqueue_dma source(%dma_start3A_19 : memref<128xi32, #tpu.memory_space<hbm>>) target(%arg6 : memref<128xi32, #tpu.memory_space<vmem>>) target_semaphore(%arg21 : memref<!tpu.dma_semaphore, #tpu.memory_space<semaphore_mem>>)
    %add3A_20 = arith.constant 1 : i32
    %add3A_21 = arith.addi %select_n3A, %add3A_20 : i32
    %dma_start3A_22 = arith.constant 0 : i32
    %dma_start3A_23 = tpu.memref_slice %arg3[%add3A_21, %dma_start3A_22] : memref<2560x128xi32, #tpu.memory_space<hbm>> -> memref<1x128xi32, #tpu.memory_space<hbm>>
    %dma_start3A_24 = tpu.memref_squeeze %dma_start3A_23 : memref<1x128xi32, #tpu.memory_space<hbm>> -> memref<128xi32, #tpu.memory_space<hbm>>
    %dma_start3A_25 = arith.constant 0 : i32
    %dma_start3A_26 = tpu.memref_slice %arg3[%add3A_21, %dma_start3A_25] : memref<2560x128xi32, #tpu.memory_space<hbm>> -> memref<1x128xi32, #tpu.memory_space<hbm>>
    %dma_start3A_27 = tpu.memref_squeeze %dma_start3A_26 : memref<1x128xi32, #tpu.memory_space<hbm>> -> memref<128xi32, #tpu.memory_space<hbm>>
    tpu.enqueue_dma source(%dma_start3A_27 : memref<128xi32, #tpu.memory_space<hbm>>) target(%arg7 : memref<128xi32, #tpu.memory_space<vmem>>) target_semaphore(%arg22 : memref<!tpu.dma_semaphore, #tpu.memory_space<semaphore_mem>>)
    %add3A_28 = arith.constant 2 : i32
    %add3A_29 = arith.addi %select_n3A, %add3A_28 : i32
    %dma_start3A_30 = arith.constant 0 : i32
    %dma_start3A_31 = tpu.memref_slice %arg3[%add3A_29, %dma_start3A_30] : memref<2560x128xi32, #tpu.memory_space<hbm>> -> memref<1x128xi32, #tpu.memory_space<hbm>>
    %dma_start3A_32 = tpu.memref_squeeze %dma_start3A_31 : memref<1x128xi32, #tpu.memory_space<hbm>> -> memref<128xi32, #tpu.memory_space<hbm>>
    %dma_start3A_33 = arith.constant 0 : i32
    %dma_start3A_34 = tpu.memref_slice %arg3[%add3A_29, %dma_start3A_33] : memref<2560x128xi32, #tpu.memory_space<hbm>> -> memref<1x128xi32, #tpu.memory_space<hbm>>
    %dma_start3A_35 = tpu.memref_squeeze %dma_start3A_34 : memref<1x128xi32, #tpu.memory_space<hbm>> -> memref<128xi32, #tpu.memory_space<hbm>>
    tpu.enqueue_dma source(%dma_start3A_35 : memref<128xi32, #tpu.memory_space<hbm>>) target(%arg8 : memref<128xi32, #tpu.memory_space<vmem>>) target_semaphore(%arg23 : memref<!tpu.dma_semaphore, #tpu.memory_space<semaphore_mem>>)
    %add3A_36 = arith.constant 3 : i32
    %add3A_37 = arith.addi %select_n3A, %add3A_36 : i32
    %dma_start3A_38 = arith.constant 0 : i32
    %dma_start3A_39 = tpu.memref_slice %arg3[%add3A_37, %dma_start3A_38] : memref<2560x128xi32, #tpu.memory_space<hbm>> -> memref<1x128xi32, #tpu.memory_space<hbm>>
    %dma_start3A_40 = tpu.memref_squeeze %dma_start3A_39 : memref<1x128xi32, #tpu.memory_space<hbm>> -> memref<128xi32, #tpu.memory_space<hbm>>
    %dma_start3A_41 = arith.constant 0 : i32
    %dma_start3A_42 = tpu.memref_slice %arg3[%add3A_37, %dma_start3A_41] : memref<2560x128xi32, #tpu.memory_space<hbm>> -> memref<1x128xi32, #tpu.memory_space<hbm>>
    %dma_start3A_43 = tpu.memref_squeeze %dma_start3A_42 : memref<1x128xi32, #tpu.memory_space<hbm>> -> memref<128xi32, #tpu.memory_space<hbm>>
    tpu.enqueue_dma source(%dma_start3A_43 : memref<128xi32, #tpu.memory_space<hbm>>) target(%arg9 : memref<128xi32, #tpu.memory_space<vmem>>) target_semaphore(%arg24 : memref<!tpu.dma_semaphore, #tpu.memory_space<semaphore_mem>>)
    %add3A_44 = arith.constant 4 : i32
    %add3A_45 = arith.addi %select_n3A, %add3A_44 : i32
    %dma_start3A_46 = arith.constant 0 : i32
    %dma_start3A_47 = tpu.memref_slice %arg3[%add3A_45, %dma_start3A_46] : memref<2560x128xi32, #tpu.memory_space<hbm>> -> memref<1x128xi32, #tpu.memory_space<hbm>>
    %dma_start3A_48 = tpu.memref_squeeze %dma_start3A_47 : memref<1x128xi32, #tpu.memory_space<hbm>> -> memref<128xi32, #tpu.memory_space<hbm>>
    %dma_start3A_49 = arith.constant 0 : i32
    %dma_start3A_50 = tpu.memref_slice %arg3[%add3A_45, %dma_start3A_49] : memref<2560x128xi32, #tpu.memory_space<hbm>> -> memref<1x128xi32, #tpu.memory_space<hbm>>
    %dma_start3A_51 = tpu.memref_squeeze %dma_start3A_50 : memref<1x128xi32, #tpu.memory_space<hbm>> -> memref<128xi32, #tpu.memory_space<hbm>>
    tpu.enqueue_dma source(%dma_start3A_51 : memref<128xi32, #tpu.memory_space<hbm>>) target(%arg10 : memref<128xi32, #tpu.memory_space<vmem>>) target_semaphore(%arg25 : memref<!tpu.dma_semaphore, #tpu.memory_space<semaphore_mem>>)
    %add3A_52 = arith.constant 5 : i32
    %add3A_53 = arith.addi %select_n3A, %add3A_52 : i32
    %dma_start3A_54 = arith.constant 0 : i32
    %dma_start3A_55 = tpu.memref_slice %arg3[%add3A_53, %dma_start3A_54] : memref<2560x128xi32, #tpu.memory_space<hbm>> -> memref<1x128xi32, #tpu.memory_space<hbm>>
    %dma_start3A_56 = tpu.memref_squeeze %dma_start3A_55 : memref<1x128xi32, #tpu.memory_space<hbm>> -> memref<128xi32, #tpu.memory_space<hbm>>
    %dma_start3A_57 = arith.constant 0 : i32
    %dma_start3A_58 = tpu.memref_slice %arg3[%add3A_53, %dma_start3A_57] : memref<2560x128xi32, #tpu.memory_space<hbm>> -> memref<1x128xi32, #tpu.memory_space<hbm>>
    %dma_start3A_59 = tpu.memref_squeeze %dma_start3A_58 : memref<1x128xi32, #tpu.memory_space<hbm>> -> memref<128xi32, #tpu.memory_space<hbm>>
    tpu.enqueue_dma source(%dma_start3A_59 : memref<128xi32, #tpu.memory_space<hbm>>) target(%arg11 : memref<128xi32, #tpu.memory_space<vmem>>) target_semaphore(%arg26 : memref<!tpu.dma_semaphore, #tpu.memory_space<semaphore_mem>>)
    %add3A_60 = arith.constant 6 : i32
    %add3A_61 = arith.addi %select_n3A, %add3A_60 : i32
    %dma_start3A_62 = arith.constant 0 : i32
    %dma_start3A_63 = tpu.memref_slice %arg3[%add3A_61, %dma_start3A_62] : memref<2560x128xi32, #tpu.memory_space<hbm>> -> memref<1x128xi32, #tpu.memory_space<hbm>>
    %dma_start3A_64 = tpu.memref_squeeze %dma_start3A_63 : memref<1x128xi32, #tpu.memory_space<hbm>> -> memref<128xi32, #tpu.memory_space<hbm>>
    %dma_start3A_65 = arith.constant 0 : i32
    %dma_start3A_66 = tpu.memref_slice %arg3[%add3A_61, %dma_start3A_65] : memref<2560x128xi32, #tpu.memory_space<hbm>> -> memref<1x128xi32, #tpu.memory_space<hbm>>
    %dma_start3A_67 = tpu.memref_squeeze %dma_start3A_66 : memref<1x128xi32, #tpu.memory_space<hbm>> -> memref<128xi32, #tpu.memory_space<hbm>>
    tpu.enqueue_dma source(%dma_start3A_67 : memref<128xi32, #tpu.memory_space<hbm>>) target(%arg12 : memref<128xi32, #tpu.memory_space<vmem>>) target_semaphore(%arg27 : memref<!tpu.dma_semaphore, #tpu.memory_space<semaphore_mem>>)
    %add3A_68 = arith.constant 7 : i32
    %add3A_69 = arith.addi %select_n3A, %add3A_68 : i32
    %dma_start3A_70 = arith.constant 0 : i32
    %dma_start3A_71 = tpu.memref_slice %arg3[%add3A_69, %dma_start3A_70] : memref<2560x128xi32, #tpu.memory_space<hbm>> -> memref<1x128xi32, #tpu.memory_space<hbm>>
    %dma_start3A_72 = tpu.memref_squeeze %dma_start3A_71 : memref<1x128xi32, #tpu.memory_space<hbm>> -> memref<128xi32, #tpu.memory_space<hbm>>
    %dma_start3A_73 = arith.constant 0 : i32
    %dma_start3A_74 = tpu.memref_slice %arg3[%add3A_69, %dma_start3A_73] : memref<2560x128xi32, #tpu.memory_space<hbm>> -> memref<1x128xi32, #tpu.memory_space<hbm>>
    %dma_start3A_75 = tpu.memref_squeeze %dma_start3A_74 : memref<1x128xi32, #tpu.memory_space<hbm>> -> memref<128xi32, #tpu.memory_space<hbm>>
    tpu.enqueue_dma source(%dma_start3A_75 : memref<128xi32, #tpu.memory_space<hbm>>) target(%arg13 : memref<128xi32, #tpu.memory_space<vmem>>) target_semaphore(%arg28 : memref<!tpu.dma_semaphore, #tpu.memory_space<semaphore_mem>>)
    %jit3A_76 = arith.constant 8 : i32
    %div3A = arith.divsi %select_n3A_12, %jit3A_76 : i32
    %sign3A = arith.constant 0 : i32
    %sign3A_77 = arith.cmpi sgt, %select_n3A_12, %sign3A : i32
    %sign3A_78 = arith.extui %sign3A_77 : i1 to i32
    %sign3A_79 = arith.constant 0 : i32
    %sign3A_80 = arith.cmpi slt, %select_n3A_12, %sign3A_79 : i32
    %sign3A_81 = arith.extui %sign3A_80 : i1 to i32
    %sign3A_82 = arith.subi %sign3A_78, %sign3A_81 : i32
    %sign3A_83 = arith.constant 0 : i32
    %sign3A_84 = arith.cmpi sgt, %jit3A_76, %sign3A_83 : i32
    %sign3A_85 = arith.extui %sign3A_84 : i1 to i32
    %sign3A_86 = arith.constant 0 : i32
    %sign3A_87 = arith.cmpi slt, %jit3A_76, %sign3A_86 : i32
    %sign3A_88 = arith.extui %sign3A_87 : i1 to i32
    %sign3A_89 = arith.subi %sign3A_85, %sign3A_88 : i32
    %ne3A = arith.cmpi ne, %sign3A_82, %sign3A_89 : i32
    %rem3A = arith.remsi %select_n3A_12, %jit3A_76 : i32
    %ne3A_90 = arith.constant 0 : i32
    %ne3A_91 = arith.cmpi ne, %rem3A, %ne3A_90 : i32
    %and3A = arith.andi %ne3A, %ne3A_91 : i1
    %sub3A = arith.constant 1 : i32
    %sub3A_92 = arith.subi %div3A, %sub3A : i32
    %select_n3A_93 = arith.select %and3A, %sub3A_92, %div3A : i32
    %while3A = arith.constant 0 : i32
    %while3A_94 = arith.constant 0 : i32
    %while3A_95 = arith.subi %select_n3A_93, %while3A_94 : i32
    %while3A_96 = arith.addi %while3A_94, %while3A_95 : i32
    %while3A_97 = arith.constant 1 : i32
    %while3A_98 = arith.divsi %while3A_95, %while3A_97 : i32
    %while3A_99 = arith.muli %while3A_98, %while3A_97 : i32
    %while3A_100 = arith.addi %while3A_94, %while3A_99 : i32
    %while3A_101 = arith.constant 1 : i32
    scf.for %while3A_157 = %while3A_94 to %while3A_100 step %while3A_101  : i32 {
      %mul3A_158 = arith.constant 8 : i32
      %mul3A_159 = arith.muli %mul3A_158, %while3A_157 : i32
      %add3A_160 = arith.constant 0 : i32
      %add3A_161 = arith.addi %mul3A_159, %add3A_160 : i32
      %dma_wait3A_162 = arith.constant 0 : i32
      %dma_wait3A_163 = tpu.memref_slice %arg3[%select_n3A, %dma_wait3A_162] : memref<2560x128xi32, #tpu.memory_space<hbm>> -> memref<1x128xi32, #tpu.memory_space<hbm>>
      %dma_wait3A_164 = tpu.memref_squeeze %dma_wait3A_163 : memref<1x128xi32, #tpu.memory_space<hbm>> -> memref<128xi32, #tpu.memory_space<hbm>>
      %dma_wait3A_165 = arith.constant 0 : i32
      %dma_wait3A_166 = tpu.memref_slice %arg3[%select_n3A, %dma_wait3A_165] : memref<2560x128xi32, #tpu.memory_space<hbm>> -> memref<1x128xi32, #tpu.memory_space<hbm>>
      %dma_wait3A_167 = tpu.memref_squeeze %dma_wait3A_166 : memref<1x128xi32, #tpu.memory_space<hbm>> -> memref<128xi32, #tpu.memory_space<hbm>>
      tpu.wait_dma2 semaphore(%arg21 : memref<!tpu.dma_semaphore, #tpu.memory_space<semaphore_mem>>) src(%dma_wait3A_167 : memref<128xi32, #tpu.memory_space<hbm>>) dst(%arg6 : memref<128xi32, #tpu.memory_space<vmem>>)
      %ge3A = arith.constant 2 : i32
      %ge3A_168 = arith.cmpi sge, %add3A_161, %ge3A : i32
      %convert_element_type3A_169 = arith.extui %ge3A_168 : i1 to i32
      %cond3A_170 = arith.constant 0 : i32
      %cond3A_171 = arith.cmpi ne, %convert_element_type3A_169, %cond3A_170 : i32
      scf.if %cond3A_171 {
        %dma_wait3A_1481 = arith.constant 0 : i32
        %dma_wait3A_1482 = arith.constant 0 : i32
        %dma_wait3A_1483 = tpu.memref_slice %arg2[%dma_wait3A_1481, %dma_wait3A_1482] : memref<80000x128xf32, #tpu.memory_space<hbm>> -> memref<80000x128xf32, #tpu.memory_space<hbm>>
        tpu.wait_indirect_dma semaphore(%arg29 : memref<!tpu.dma_semaphore, #tpu.memory_space<semaphore_mem>>) src(%dma_wait3A_1483 : memref<80000x128xf32, #tpu.memory_space<hbm>>) dst(%arg18 : memref<128x128xf32, #tpu.memory_space<vmem>>)
        "tpu.region"() ({
          %run_scoped3A = tpu.sem_alloc : memref<!tpu.dma_semaphore, #tpu.memory_space<semaphore_mem>>
          %dma_start3A_1484 = arith.constant 0 : i32
          %dma_start3A_1485 = arith.constant 0 : i32
          %dma_start3A_1486 = tpu.memref_slice %arg20[%dma_start3A_1484, %dma_start3A_1485] : memref<10240x128xf32, #tpu.memory_space<vmem_shared>> -> memref<10240x128xf32, #tpu.memory_space<vmem_shared>>
          tpu.enqueue_indirect_dma source(%arg18 : memref<128x128xf32, #tpu.memory_space<vmem>>) target(%dma_start3A_1486 : memref<10240x128xf32, #tpu.memory_space<vmem_shared>>) offsets(%arg15 : memref<128xi32, #tpu.memory_space<vmem>>) semaphore(%run_scoped3A : memref<!tpu.dma_semaphore, #tpu.memory_space<semaphore_mem>>) {add = true}
          %dma_wait3A_1487 = arith.constant 0 : i32
          %dma_wait3A_1488 = arith.constant 0 : i32
          %dma_wait3A_1489 = tpu.memref_slice %arg20[%dma_wait3A_1487, %dma_wait3A_1488] : memref<10240x128xf32, #tpu.memory_space<vmem_shared>> -> memref<10240x128xf32, #tpu.memory_space<vmem_shared>>
          tpu.wait_indirect_dma semaphore(%run_scoped3A : memref<!tpu.dma_semaphore, #tpu.memory_space<semaphore_mem>>) src(%arg18 : memref<128x128xf32, #tpu.memory_space<vmem>>) dst(%dma_wait3A_1489 : memref<10240x128xf32, #tpu.memory_space<vmem_shared>>)
          tpu.yield
        }) : () -> ()
      } else {
      }
      %get3A = arith.constant 0 : index
      %get3A_172 = tpu.vector_load %arg6[%get3A] {strides = array<i32>} : memref<128xi32, #tpu.memory_space<vmem>>, vector<16xi32>,
      %get3A_173 = vector.shape_cast %get3A_172 : vector<16xi32> to vector<16xi32>
      %shift_right_logical3A = arith.constant 14 : i32
      %shift_right_logical3A_174 = vector.broadcast %shift_right_logical3A : i32 to vector<16xi32>
      %shift_right_logical3A_175 = arith.shrui %get3A_173, %shift_right_logical3A_174 : vector<16xi32>
      %swap3A = arith.constant 0 : index
      %swap3A_176 = tpu.vector_load %arg14[%swap3A] {strides = array<i32>} : memref<128xi32, #tpu.memory_space<vmem>>, vector<16xi32>,
      %swap3A_177 = vector.shape_cast %swap3A_176 : vector<16xi32> to vector<16xi32>
      %swap3A_178 = vector.shape_cast %shift_right_logical3A_175 : vector<16xi32> to vector<16xi32>
      tpu.vector_store %arg14[%swap3A], %swap3A_178 {strides = array<i32>} : memref<128xi32, #tpu.memory_space<vmem>>, vector<16xi32>,
      %and3A_179 = arith.constant 16383 : i32
      %and3A_180 = vector.broadcast %and3A_179 : i32 to vector<16xi32>
      %and3A_181 = arith.andi %get3A_173, %and3A_180 : vector<16xi32>
      %swap3A_182 = arith.constant 0 : index
      %swap3A_183 = tpu.vector_load %arg15[%swap3A_182] {strides = array<i32>} : memref<128xi32, #tpu.memory_space<vmem>>, vector<16xi32>,
      %swap3A_184 = vector.shape_cast %swap3A_183 : vector<16xi32> to vector<16xi32>
      %swap3A_185 = vector.shape_cast %and3A_181 : vector<16xi32> to vector<16xi32>
      tpu.vector_store %arg15[%swap3A_182], %swap3A_185 {strides = array<i32>} : memref<128xi32, #tpu.memory_space<vmem>>, vector<16xi32>,
      %get3A_186 = arith.constant 16 : index
      %get3A_187 = tpu.vector_load %arg6[%get3A_186] {strides = array<i32>} : memref<128xi32, #tpu.memory_space<vmem>>, vector<16xi32>,
      %get3A_188 = vector.shape_cast %get3A_187 : vector<16xi32> to vector<16xi32>
      %shift_right_logical3A_189 = arith.constant 14 : i32
      %shift_right_logical3A_190 = vector.broadcast %shift_right_logical3A_189 : i32 to vector<16xi32>
      %shift_right_logical3A_191 = arith.shrui %get3A_188, %shift_right_logical3A_190 : vector<16xi32>
      %swap3A_192 = arith.constant 16 : index
      %swap3A_193 = tpu.vector_load %arg14[%swap3A_192] {strides = array<i32>} : memref<128xi32, #tpu.memory_space<vmem>>, vector<16xi32>,
      %swap3A_194 = vector.shape_cast %swap3A_193 : vector<16xi32> to vector<16xi32>
      %swap3A_195 = vector.shape_cast %shift_right_logical3A_191 : vector<16xi32> to vector<16xi32>
      tpu.vector_store %arg14[%swap3A_192], %swap3A_195 {strides = array<i32>} : memref<128xi32, #tpu.memory_space<vmem>>, vector<16xi32>,
      %and3A_196 = arith.constant 16383 : i32
      %and3A_197 = vector.broadcast %and3A_196 : i32 to vector<16xi32>
      %and3A_198 = arith.andi %get3A_188, %and3A_197 : vector<16xi32>
      %swap3A_199 = arith.constant 16 : index
      %swap3A_200 = tpu.vector_load %arg15[%swap3A_199] {strides = array<i32>} : memref<128xi32, #tpu.memory_space<vmem>>, vector<16xi32>,
      %swap3A_201 = vector.shape_cast %swap3A_200 : vector<16xi32> to vector<16xi32>
      %swap3A_202 = vector.shape_cast %and3A_198 : vector<16xi32> to vector<16xi32>
      tpu.vector_store %arg15[%swap3A_199], %swap3A_202 {strides = array<i32>} : memref<128xi32, #tpu.memory_space<vmem>>, vector<16xi32>,
      %get3A_203 = arith.constant 32 : index
      %get3A_204 = tpu.vector_load %arg6[%get3A_203] {strides = array<i32>} : memref<128xi32, #tpu.memory_space<vmem>>, vector<16xi32>,
      %get3A_205 = vector.shape_cast %get3A_204 : vector<16xi32> to vector<16xi32>
      %shift_right_logical3A_206 = arith.constant 14 : i32
      %shift_right_logical3A_207 = vector.broadcast %shift_right_logical3A_206 : i32 to vector<16xi32>
      %shift_right_logical3A_208 = arith.shrui %get3A_205, %shift_right_logical3A_207 : vector<16xi32>
      %swap3A_209 = arith.constant 32 : index
      %swap3A_210 = tpu.vector_load %arg14[%swap3A_209] {strides = array<i32>} : memref<128xi32, #tpu.memory_space<vmem>>, vector<16xi32>,
      %swap3A_211 = vector.shape_cast %swap3A_210 : vector<16xi32> to vector<16xi32>
      %swap3A_212 = vector.shape_cast %shift_right_logical3A_208 : vector<16xi32> to vector<16xi32>
      tpu.vector_store %arg14[%swap3A_209], %swap3A_212 {strides = array<i32>} : memref<128xi32, #tpu.memory_space<vmem>>, vector<16xi32>,
      %and3A_213 = arith.constant 16383 : i32
      %and3A_214 = vector.broadcast %and3A_213 : i32 to vector<16xi32>
      %and3A_215 = arith.andi %get3A_205, %and3A_214 : vector<16xi32>
      %swap3A_216 = arith.constant 32 : index
      %swap3A_217 = tpu.vector_load %arg15[%swap3A_216] {strides = array<i32>} : memref<128xi32, #tpu.memory_space<vmem>>, vector<16xi32>,
      %swap3A_218 = vector.shape_cast %swap3A_217 : vector<16xi32> to vector<16xi32>
      %swap3A_219 = vector.shape_cast %and3A_215 : vector<16xi32> to vector<16xi32>
      tpu.vector_store %arg15[%swap3A_216], %swap3A_219 {strides = array<i32>} : memref<128xi32, #tpu.memory_space<vmem>>, vector<16xi32>,
      %get3A_220 = arith.constant 48 : index
      %get3A_221 = tpu.vector_load %arg6[%get3A_220] {strides = array<i32>} : memref<128xi32, #tpu.memory_space<vmem>>, vector<16xi32>,
      %get3A_222 = vector.shape_cast %get3A_221 : vector<16xi32> to vector<16xi32>
      %shift_right_logical3A_223 = arith.constant 14 : i32
      %shift_right_logical3A_224 = vector.broadcast %shift_right_logical3A_223 : i32 to vector<16xi32>
      %shift_right_logical3A_225 = arith.shrui %get3A_222, %shift_right_logical3A_224 : vector<16xi32>
      %swap3A_226 = arith.constant 48 : index
      %swap3A_227 = tpu.vector_load %arg14[%swap3A_226] {strides = array<i32>} : memref<128xi32, #tpu.memory_space<vmem>>, vector<16xi32>,
      %swap3A_228 = vector.shape_cast %swap3A_227 : vector<16xi32> to vector<16xi32>
      %swap3A_229 = vector.shape_cast %shift_right_logical3A_225 : vector<16xi32> to vector<16xi32>
      tpu.vector_store %arg14[%swap3A_226], %swap3A_229 {strides = array<i32>} : memref<128xi32, #tpu.memory_space<vmem>>, vector<16xi32>,
      %and3A_230 = arith.constant 16383 : i32
      %and3A_231 = vector.broadcast %and3A_230 : i32 to vector<16xi32>
      %and3A_232 = arith.andi %get3A_222, %and3A_231 : vector<16xi32>
      %swap3A_233 = arith.constant 48 : index
      %swap3A_234 = tpu.vector_load %arg15[%swap3A_233] {strides = array<i32>} : memref<128xi32, #tpu.memory_space<vmem>>, vector<16xi32>,
      %swap3A_235 = vector.shape_cast %swap3A_234 : vector<16xi32> to vector<16xi32>
      %swap3A_236 = vector.shape_cast %and3A_232 : vector<16xi32> to vector<16xi32>
      tpu.vector_store %arg15[%swap3A_233], %swap3A_236 {strides = array<i32>} : memref<128xi32, #tpu.memory_space<vmem>>, vector<16xi32>,
      %get3A_237 = arith.constant 64 : index
      %get3A_238 = tpu.vector_load %arg6[%get3A_237] {strides = array<i32>} : memref<128xi32, #tpu.memory_space<vmem>>, vector<16xi32>,
      %get3A_239 = vector.shape_cast %get3A_238 : vector<16xi32> to vector<16xi32>
      %shift_right_logical3A_240 = arith.constant 14 : i32
      %shift_right_logical3A_241 = vector.broadcast %shift_right_logical3A_240 : i32 to vector<16xi32>
      %shift_right_logical3A_242 = arith.shrui %get3A_239, %shift_right_logical3A_241 : vector<16xi32>
      %swap3A_243 = arith.constant 64 : index
      %swap3A_244 = tpu.vector_load %arg14[%swap3A_243] {strides = array<i32>} : memref<128xi32, #tpu.memory_space<vmem>>, vector<16xi32>,
      %swap3A_245 = vector.shape_cast %swap3A_244 : vector<16xi32> to vector<16xi32>
      %swap3A_246 = vector.shape_cast %shift_right_logical3A_242 : vector<16xi32> to vector<16xi32>
      tpu.vector_store %arg14[%swap3A_243], %swap3A_246 {strides = array<i32>} : memref<128xi32, #tpu.memory_space<vmem>>, vector<16xi32>,
      %and3A_247 = arith.constant 16383 : i32
      %and3A_248 = vector.broadcast %and3A_247 : i32 to vector<16xi32>
      %and3A_249 = arith.andi %get3A_239, %and3A_248 : vector<16xi32>
      %swap3A_250 = arith.constant 64 : index
      %swap3A_251 = tpu.vector_load %arg15[%swap3A_250] {strides = array<i32>} : memref<128xi32, #tpu.memory_space<vmem>>, vector<16xi32>,
      %swap3A_252 = vector.shape_cast %swap3A_251 : vector<16xi32> to vector<16xi32>
      %swap3A_253 = vector.shape_cast %and3A_249 : vector<16xi32> to vector<16xi32>
      tpu.vector_store %arg15[%swap3A_250], %swap3A_253 {strides = array<i32>} : memref<128xi32, #tpu.memory_space<vmem>>, vector<16xi32>,
      %get3A_254 = arith.constant 80 : index
      %get3A_255 = tpu.vector_load %arg6[%get3A_254] {strides = array<i32>} : memref<128xi32, #tpu.memory_space<vmem>>, vector<16xi32>,
      %get3A_256 = vector.shape_cast %get3A_255 : vector<16xi32> to vector<16xi32>
      %shift_right_logical3A_257 = arith.constant 14 : i32
      %shift_right_logical3A_258 = vector.broadcast %shift_right_logical3A_257 : i32 to vector<16xi32>
      %shift_right_logical3A_259 = arith.shrui %get3A_256, %shift_right_logical3A_258 : vector<16xi32>
      %swap3A_260 = arith.constant 80 : index
      %swap3A_261 = tpu.vector_load %arg14[%swap3A_260] {strides = array<i32>} : memref<128xi32, #tpu.memory_space<vmem>>, vector<16xi32>,
      %swap3A_262 = vector.shape_cast %swap3A_261 : vector<16xi32> to vector<16xi32>
      %swap3A_263 = vector.shape_cast %shift_right_logical3A_259 : vector<16xi32> to vector<16xi32>
      tpu.vector_store %arg14[%swap3A_260], %swap3A_263 {strides = array<i32>} : memref<128xi32, #tpu.memory_space<vmem>>, vector<16xi32>,
      %and3A_264 = arith.constant 16383 : i32
      %and3A_265 = vector.broadcast %and3A_264 : i32 to vector<16xi32>
      %and3A_266 = arith.andi %get3A_256, %and3A_265 : vector<16xi32>
      %swap3A_267 = arith.constant 80 : index
      %swap3A_268 = tpu.vector_load %arg15[%swap3A_267] {strides = array<i32>} : memref<128xi32, #tpu.memory_space<vmem>>, vector<16xi32>,
      %swap3A_269 = vector.shape_cast %swap3A_268 : vector<16xi32> to vector<16xi32>
      %swap3A_270 = vector.shape_cast %and3A_266 : vector<16xi32> to vector<16xi32>
      tpu.vector_store %arg15[%swap3A_267], %swap3A_270 {strides = array<i32>} : memref<128xi32, #tpu.memory_space<vmem>>, vector<16xi32>,
      %get3A_271 = arith.constant 96 : index
      %get3A_272 = tpu.vector_load %arg6[%get3A_271] {strides = array<i32>} : memref<128xi32, #tpu.memory_space<vmem>>, vector<16xi32>,
      %get3A_273 = vector.shape_cast %get3A_272 : vector<16xi32> to vector<16xi32>
      %shift_right_logical3A_274 = arith.constant 14 : i32
      %shift_right_logical3A_275 = vector.broadcast %shift_right_logical3A_274 : i32 to vector<16xi32>
      %shift_right_logical3A_276 = arith.shrui %get3A_273, %shift_right_logical3A_275 : vector<16xi32>
      %swap3A_277 = arith.constant 96 : index
      %swap3A_278 = tpu.vector_load %arg14[%swap3A_277] {strides = array<i32>} : memref<128xi32, #tpu.memory_space<vmem>>, vector<16xi32>,
      %swap3A_279 = vector.shape_cast %swap3A_278 : vector<16xi32> to vector<16xi32>
      %swap3A_280 = vector.shape_cast %shift_right_logical3A_276 : vector<16xi32> to vector<16xi32>
      tpu.vector_store %arg14[%swap3A_277], %swap3A_280 {strides = array<i32>} : memref<128xi32, #tpu.memory_space<vmem>>, vector<16xi32>,
      %and3A_281 = arith.constant 16383 : i32
      %and3A_282 = vector.broadcast %and3A_281 : i32 to vector<16xi32>
      %and3A_283 = arith.andi %get3A_273, %and3A_282 : vector<16xi32>
      %swap3A_284 = arith.constant 96 : index
      %swap3A_285 = tpu.vector_load %arg15[%swap3A_284] {strides = array<i32>} : memref<128xi32, #tpu.memory_space<vmem>>, vector<16xi32>,
      %swap3A_286 = vector.shape_cast %swap3A_285 : vector<16xi32> to vector<16xi32>
      %swap3A_287 = vector.shape_cast %and3A_283 : vector<16xi32> to vector<16xi32>
      tpu.vector_store %arg15[%swap3A_284], %swap3A_287 {strides = array<i32>} : memref<128xi32, #tpu.memory_space<vmem>>, vector<16xi32>,
      %get3A_288 = arith.constant 112 : index
      %get3A_289 = tpu.vector_load %arg6[%get3A_288] {strides = array<i32>} : memref<128xi32, #tpu.memory_space<vmem>>, vector<16xi32>,
      %get3A_290 = vector.shape_cast %get3A_289 : vector<16xi32> to vector<16xi32>
      %shift_right_logical3A_291 = arith.constant 14 : i32
      %shift_right_logical3A_292 = vector.broadcast %shift_right_logical3A_291 : i32 to vector<16xi32>
      %shift_right_logical3A_293 = arith.shrui %get3A_290, %shift_right_logical3A_292 : vector<16xi32>
      %swap3A_294 = arith.constant 112 : index
      %swap3A_295 = tpu.vector_load %arg14[%swap3A_294] {strides = array<i32>} : memref<128xi32, #tpu.memory_space<vmem>>, vector<16xi32>,
      %swap3A_296 = vector.shape_cast %swap3A_295 : vector<16xi32> to vector<16xi32>
      %swap3A_297 = vector.shape_cast %shift_right_logical3A_293 : vector<16xi32> to vector<16xi32>
      tpu.vector_store %arg14[%swap3A_294], %swap3A_297 {strides = array<i32>} : memref<128xi32, #tpu.memory_space<vmem>>, vector<16xi32>,
      %and3A_298 = arith.constant 16383 : i32
      %and3A_299 = vector.broadcast %and3A_298 : i32 to vector<16xi32>
      %and3A_300 = arith.andi %get3A_290, %and3A_299 : vector<16xi32>
      %swap3A_301 = arith.constant 112 : index
      %swap3A_302 = tpu.vector_load %arg15[%swap3A_301] {strides = array<i32>} : memref<128xi32, #tpu.memory_space<vmem>>, vector<16xi32>,
      %swap3A_303 = vector.shape_cast %swap3A_302 : vector<16xi32> to vector<16xi32>
      %swap3A_304 = vector.shape_cast %and3A_300 : vector<16xi32> to vector<16xi32>
      tpu.vector_store %arg15[%swap3A_301], %swap3A_304 {strides = array<i32>} : memref<128xi32, #tpu.memory_space<vmem>>, vector<16xi32>,
      %add3A_305 = arith.constant 8 : i32
      %add3A_306 = arith.addi %add3A_161, %add3A_305 : i32
      %sub3A_307 = arith.constant 1 : i32
      %sub3A_308 = arith.subi %select_n3A_12, %sub3A_307 : i32
      %min3A = arith.minsi %add3A_306, %sub3A_308 : i32
      %add3A_309 = arith.addi %select_n3A, %min3A : i32
      %dma_start3A_310 = arith.constant 0 : i32
      %dma_start3A_311 = tpu.memref_slice %arg3[%add3A_309, %dma_start3A_310] : memref<2560x128xi32, #tpu.memory_space<hbm>> -> memref<1x128xi32, #tpu.memory_space<hbm>>
      %dma_start3A_312 = tpu.memref_squeeze %dma_start3A_311 : memref<1x128xi32, #tpu.memory_space<hbm>> -> memref<128xi32, #tpu.memory_space<hbm>>
      %dma_start3A_313 = arith.constant 0 : i32
      %dma_start3A_314 = tpu.memref_slice %arg3[%add3A_309, %dma_start3A_313] : memref<2560x128xi32, #tpu.memory_space<hbm>> -> memref<1x128xi32, #tpu.memory_space<hbm>>
      %dma_start3A_315 = tpu.memref_squeeze %dma_start3A_314 : memref<1x128xi32, #tpu.memory_space<hbm>> -> memref<128xi32, #tpu.memory_space<hbm>>
      tpu.enqueue_dma source(%dma_start3A_315 : memref<128xi32, #tpu.memory_space<hbm>>) target(%arg6 : memref<128xi32, #tpu.memory_space<vmem>>) target_semaphore(%arg21 : memref<!tpu.dma_semaphore, #tpu.memory_space<semaphore_mem>>)
      %dma_start3A_316 = arith.constant 0 : i32
      %dma_start3A_317 = arith.constant 0 : i32
      %dma_start3A_318 = tpu.memref_slice %arg2[%dma_start3A_316, %dma_start3A_317] : memref<80000x128xf32, #tpu.memory_space<hbm>> -> memref<80000x128xf32, #tpu.memory_space<hbm>>
      tpu.enqueue_indirect_dma source(%dma_start3A_318 : memref<80000x128xf32, #tpu.memory_space<hbm>>) target(%arg18 : memref<128x128xf32, #tpu.memory_space<vmem>>) offsets(%arg14 : memref<128xi32, #tpu.memory_space<vmem>>) semaphore(%arg29 : memref<!tpu.dma_semaphore, #tpu.memory_space<semaphore_mem>>)
      %mul3A_319 = arith.constant 8 : i32
      %mul3A_320 = arith.muli %mul3A_319, %while3A_157 : i32
      %add3A_321 = arith.constant 1 : i32
      %add3A_322 = arith.addi %mul3A_320, %add3A_321 : i32
      %dma_wait3A_323 = arith.constant 0 : i32
      %dma_wait3A_324 = tpu.memref_slice %arg3[%select_n3A, %dma_wait3A_323] : memref<2560x128xi32, #tpu.memory_space<hbm>> -> memref<1x128xi32, #tpu.memory_space<hbm>>
      %dma_wait3A_325 = tpu.memref_squeeze %dma_wait3A_324 : memref<1x128xi32, #tpu.memory_space<hbm>> -> memref<128xi32, #tpu.memory_space<hbm>>
      %dma_wait3A_326 = arith.constant 0 : i32
      %dma_wait3A_327 = tpu.memref_slice %arg3[%select_n3A, %dma_wait3A_326] : memref<2560x128xi32, #tpu.memory_space<hbm>> -> memref<1x128xi32, #tpu.memory_space<hbm>>
      %dma_wait3A_328 = tpu.memref_squeeze %dma_wait3A_327 : memref<1x128xi32, #tpu.memory_space<hbm>> -> memref<128xi32, #tpu.memory_space<hbm>>
      tpu.wait_dma2 semaphore(%arg22 : memref<!tpu.dma_semaphore, #tpu.memory_space<semaphore_mem>>) src(%dma_wait3A_328 : memref<128xi32, #tpu.memory_space<hbm>>) dst(%arg7 : memref<128xi32, #tpu.memory_space<vmem>>)
      %ge3A_329 = arith.constant 2 : i32
      %ge3A_330 = arith.cmpi sge, %add3A_322, %ge3A_329 : i32
      %convert_element_type3A_331 = arith.extui %ge3A_330 : i1 to i32
      %cond3A_332 = arith.constant 0 : i32
      %cond3A_333 = arith.cmpi ne, %convert_element_type3A_331, %cond3A_332 : i32
      scf.if %cond3A_333 {
        %dma_wait3A_1481 = arith.constant 0 : i32
        %dma_wait3A_1482 = arith.constant 0 : i32
        %dma_wait3A_1483 = tpu.memref_slice %arg2[%dma_wait3A_1481, %dma_wait3A_1482] : memref<80000x128xf32, #tpu.memory_space<hbm>> -> memref<80000x128xf32, #tpu.memory_space<hbm>>
        tpu.wait_indirect_dma semaphore(%arg30 : memref<!tpu.dma_semaphore, #tpu.memory_space<semaphore_mem>>) src(%dma_wait3A_1483 : memref<80000x128xf32, #tpu.memory_space<hbm>>) dst(%arg19 : memref<128x128xf32, #tpu.memory_space<vmem>>)
        "tpu.region"() ({
          %run_scoped3A = tpu.sem_alloc : memref<!tpu.dma_semaphore, #tpu.memory_space<semaphore_mem>>
          %dma_start3A_1484 = arith.constant 0 : i32
          %dma_start3A_1485 = arith.constant 0 : i32
          %dma_start3A_1486 = tpu.memref_slice %arg20[%dma_start3A_1484, %dma_start3A_1485] : memref<10240x128xf32, #tpu.memory_space<vmem_shared>> -> memref<10240x128xf32, #tpu.memory_space<vmem_shared>>
          tpu.enqueue_indirect_dma source(%arg19 : memref<128x128xf32, #tpu.memory_space<vmem>>) target(%dma_start3A_1486 : memref<10240x128xf32, #tpu.memory_space<vmem_shared>>) offsets(%arg17 : memref<128xi32, #tpu.memory_space<vmem>>) semaphore(%run_scoped3A : memref<!tpu.dma_semaphore, #tpu.memory_space<semaphore_mem>>) {add = true}
          %dma_wait3A_1487 = arith.constant 0 : i32
          %dma_wait3A_1488 = arith.constant 0 : i32
          %dma_wait3A_1489 = tpu.memref_slice %arg20[%dma_wait3A_1487, %dma_wait3A_1488] : memref<10240x128xf32, #tpu.memory_space<vmem_shared>> -> memref<10240x128xf32, #tpu.memory_space<vmem_shared>>
          tpu.wait_indirect_dma semaphore(%run_scoped3A : memref<!tpu.dma_semaphore, #tpu.memory_space<semaphore_mem>>) src(%arg19 : memref<128x128xf32, #tpu.memory_space<vmem>>) dst(%dma_wait3A_1489 : memref<10240x128xf32, #tpu.memory_space<vmem_shared>>)
          tpu.yield
        }) : () -> ()
      } else {
      }
      %get3A_334 = arith.constant 0 : index
      %get3A_335 = tpu.vector_load %arg7[%get3A_334] {strides = array<i32>} : memref<128xi32, #tpu.memory_space<vmem>>, vector<16xi32>,
      %get3A_336 = vector.shape_cast %get3A_335 : vector<16xi32> to vector<16xi32>
      %shift_right_logical3A_337 = arith.constant 14 : i32
      %shift_right_logical3A_338 = vector.broadcast %shift_right_logical3A_337 : i32 to vector<16xi32>
      %shift_right_logical3A_339 = arith.shrui %get3A_336, %shift_right_logical3A_338 : vector<16xi32>
      %swap3A_340 = arith.constant 0 : index
      %swap3A_341 = tpu.vector_load %arg16[%swap3A_340] {strides = array<i32>} : memref<128xi32, #tpu.memory_space<vmem>>, vector<16xi32>,
      %swap3A_342 = vector.shape_cast %swap3A_341 : vector<16xi32> to vector<16xi32>
      %swap3A_343 = vector.shape_cast %shift_right_logical3A_339 : vector<16xi32> to vector<16xi32>
      tpu.vector_store %arg16[%swap3A_340], %swap3A_343 {strides = array<i32>} : memref<128xi32, #tpu.memory_space<vmem>>, vector<16xi32>,
      %and3A_344 = arith.constant 16383 : i32
      %and3A_345 = vector.broadcast %and3A_344 : i32 to vector<16xi32>
      %and3A_346 = arith.andi %get3A_336, %and3A_345 : vector<16xi32>
      %swap3A_347 = arith.constant 0 : index
      %swap3A_348 = tpu.vector_load %arg17[%swap3A_347] {strides = array<i32>} : memref<128xi32, #tpu.memory_space<vmem>>, vector<16xi32>,
      %swap3A_349 = vector.shape_cast %swap3A_348 : vector<16xi32> to vector<16xi32>
      %swap3A_350 = vector.shape_cast %and3A_346 : vector<16xi32> to vector<16xi32>
      tpu.vector_store %arg17[%swap3A_347], %swap3A_350 {strides = array<i32>} : memref<128xi32, #tpu.memory_space<vmem>>, vector<16xi32>,
      %get3A_351 = arith.constant 16 : index
      %get3A_352 = tpu.vector_load %arg7[%get3A_351] {strides = array<i32>} : memref<128xi32, #tpu.memory_space<vmem>>, vector<16xi32>,
      %get3A_353 = vector.shape_cast %get3A_352 : vector<16xi32> to vector<16xi32>
      %shift_right_logical3A_354 = arith.constant 14 : i32
      %shift_right_logical3A_355 = vector.broadcast %shift_right_logical3A_354 : i32 to vector<16xi32>
      %shift_right_logical3A_356 = arith.shrui %get3A_353, %shift_right_logical3A_355 : vector<16xi32>
      %swap3A_357 = arith.constant 16 : index
      %swap3A_358 = tpu.vector_load %arg16[%swap3A_357] {strides = array<i32>} : memref<128xi32, #tpu.memory_space<vmem>>, vector<16xi32>,
      %swap3A_359 = vector.shape_cast %swap3A_358 : vector<16xi32> to vector<16xi32>
      %swap3A_360 = vector.shape_cast %shift_right_logical3A_356 : vector<16xi32> to vector<16xi32>
      tpu.vector_store %arg16[%swap3A_357], %swap3A_360 {strides = array<i32>} : memref<128xi32, #tpu.memory_space<vmem>>, vector<16xi32>,
      %and3A_361 = arith.constant 16383 : i32
      %and3A_362 = vector.broadcast %and3A_361 : i32 to vector<16xi32>
      %and3A_363 = arith.andi %get3A_353, %and3A_362 : vector<16xi32>
      %swap3A_364 = arith.constant 16 : index
      %swap3A_365 = tpu.vector_load %arg17[%swap3A_364] {strides = array<i32>} : memref<128xi32, #tpu.memory_space<vmem>>, vector<16xi32>,
      %swap3A_366 = vector.shape_cast %swap3A_365 : vector<16xi32> to vector<16xi32>
      %swap3A_367 = vector.shape_cast %and3A_363 : vector<16xi32> to vector<16xi32>
      tpu.vector_store %arg17[%swap3A_364], %swap3A_367 {strides = array<i32>} : memref<128xi32, #tpu.memory_space<vmem>>, vector<16xi32>,
      %get3A_368 = arith.constant 32 : index
      %get3A_369 = tpu.vector_load %arg7[%get3A_368] {strides = array<i32>} : memref<128xi32, #tpu.memory_space<vmem>>, vector<16xi32>,
      %get3A_370 = vector.shape_cast %get3A_369 : vector<16xi32> to vector<16xi32>
      %shift_right_logical3A_371 = arith.constant 14 : i32
      %shift_right_logical3A_372 = vector.broadcast %shift_right_logical3A_371 : i32 to vector<16xi32>
      %shift_right_logical3A_373 = arith.shrui %get3A_370, %shift_right_logical3A_372 : vector<16xi32>
      %swap3A_374 = arith.constant 32 : index
      %swap3A_375 = tpu.vector_load %arg16[%swap3A_374] {strides = array<i32>} : memref<128xi32, #tpu.memory_space<vmem>>, vector<16xi32>,
      %swap3A_376 = vector.shape_cast %swap3A_375 : vector<16xi32> to vector<16xi32>
      %swap3A_377 = vector.shape_cast %shift_right_logical3A_373 : vector<16xi32> to vector<16xi32>
      tpu.vector_store %arg16[%swap3A_374], %swap3A_377 {strides = array<i32>} : memref<128xi32, #tpu.memory_space<vmem>>, vector<16xi32>,
      %and3A_378 = arith.constant 16383 : i32
      %and3A_379 = vector.broadcast %and3A_378 : i32 to vector<16xi32>
      %and3A_380 = arith.andi %get3A_370, %and3A_379 : vector<16xi32>
      %swap3A_381 = arith.constant 32 : index
      %swap3A_382 = tpu.vector_load %arg17[%swap3A_381] {strides = array<i32>} : memref<128xi32, #tpu.memory_space<vmem>>, vector<16xi32>,
      %swap3A_383 = vector.shape_cast %swap3A_382 : vector<16xi32> to vector<16xi32>
      %swap3A_384 = vector.shape_cast %and3A_380 : vector<16xi32> to vector<16xi32>
      tpu.vector_store %arg17[%swap3A_381], %swap3A_384 {strides = array<i32>} : memref<128xi32, #tpu.memory_space<vmem>>, vector<16xi32>,
      %get3A_385 = arith.constant 48 : index
      %get3A_386 = tpu.vector_load %arg7[%get3A_385] {strides = array<i32>} : memref<128xi32, #tpu.memory_space<vmem>>, vector<16xi32>,
      %get3A_387 = vector.shape_cast %get3A_386 : vector<16xi32> to vector<16xi32>
      %shift_right_logical3A_388 = arith.constant 14 : i32
      %shift_right_logical3A_389 = vector.broadcast %shift_right_logical3A_388 : i32 to vector<16xi32>
      %shift_right_logical3A_390 = arith.shrui %get3A_387, %shift_right_logical3A_389 : vector<16xi32>
      %swap3A_391 = arith.constant 48 : index
      %swap3A_392 = tpu.vector_load %arg16[%swap3A_391] {strides = array<i32>} : memref<128xi32, #tpu.memory_space<vmem>>, vector<16xi32>,
      %swap3A_393 = vector.shape_cast %swap3A_392 : vector<16xi32> to vector<16xi32>
      %swap3A_394 = vector.shape_cast %shift_right_logical3A_390 : vector<16xi32> to vector<16xi32>
      tpu.vector_store %arg16[%swap3A_391], %swap3A_394 {strides = array<i32>} : memref<128xi32, #tpu.memory_space<vmem>>, vector<16xi32>,
      %and3A_395 = arith.constant 16383 : i32
      %and3A_396 = vector.broadcast %and3A_395 : i32 to vector<16xi32>
      %and3A_397 = arith.andi %get3A_387, %and3A_396 : vector<16xi32>
      %swap3A_398 = arith.constant 48 : index
      %swap3A_399 = tpu.vector_load %arg17[%swap3A_398] {strides = array<i32>} : memref<128xi32, #tpu.memory_space<vmem>>, vector<16xi32>,
      %swap3A_400 = vector.shape_cast %swap3A_399 : vector<16xi32> to vector<16xi32>
      %swap3A_401 = vector.shape_cast %and3A_397 : vector<16xi32> to vector<16xi32>
      tpu.vector_store %arg17[%swap3A_398], %swap3A_401 {strides = array<i32>} : memref<128xi32, #tpu.memory_space<vmem>>, vector<16xi32>,
      %get3A_402 = arith.constant 64 : index
      %get3A_403 = tpu.vector_load %arg7[%get3A_402] {strides = array<i32>} : memref<128xi32, #tpu.memory_space<vmem>>, vector<16xi32>,
      %get3A_404 = vector.shape_cast %get3A_403 : vector<16xi32> to vector<16xi32>
      %shift_right_logical3A_405 = arith.constant 14 : i32
      %shift_right_logical3A_406 = vector.broadcast %shift_right_logical3A_405 : i32 to vector<16xi32>
      %shift_right_logical3A_407 = arith.shrui %get3A_404, %shift_right_logical3A_406 : vector<16xi32>
      %swap3A_408 = arith.constant 64 : index
      %swap3A_409 = tpu.vector_load %arg16[%swap3A_408] {strides = array<i32>} : memref<128xi32, #tpu.memory_space<vmem>>, vector<16xi32>,
      %swap3A_410 = vector.shape_cast %swap3A_409 : vector<16xi32> to vector<16xi32>
      %swap3A_411 = vector.shape_cast %shift_right_logical3A_407 : vector<16xi32> to vector<16xi32>
      tpu.vector_store %arg16[%swap3A_408], %swap3A_411 {strides = array<i32>} : memref<128xi32, #tpu.memory_space<vmem>>, vector<16xi32>,
      %and3A_412 = arith.constant 16383 : i32
      %and3A_413 = vector.broadcast %and3A_412 : i32 to vector<16xi32>
      %and3A_414 = arith.andi %get3A_404, %and3A_413 : vector<16xi32>
      %swap3A_415 = arith.constant 64 : index
      %swap3A_416 = tpu.vector_load %arg17[%swap3A_415] {strides = array<i32>} : memref<128xi32, #tpu.memory_space<vmem>>, vector<16xi32>,
      %swap3A_417 = vector.shape_cast %swap3A_416 : vector<16xi32> to vector<16xi32>
      %swap3A_418 = vector.shape_cast %and3A_414 : vector<16xi32> to vector<16xi32>
      tpu.vector_store %arg17[%swap3A_415], %swap3A_418 {strides = array<i32>} : memref<128xi32, #tpu.memory_space<vmem>>, vector<16xi32>,
      %get3A_419 = arith.constant 80 : index
      %get3A_420 = tpu.vector_load %arg7[%get3A_419] {strides = array<i32>} : memref<128xi32, #tpu.memory_space<vmem>>, vector<16xi32>,
      %get3A_421 = vector.shape_cast %get3A_420 : vector<16xi32> to vector<16xi32>
      %shift_right_logical3A_422 = arith.constant 14 : i32
      %shift_right_logical3A_423 = vector.broadcast %shift_right_logical3A_422 : i32 to vector<16xi32>
      %shift_right_logical3A_424 = arith.shrui %get3A_421, %shift_right_logical3A_423 : vector<16xi32>
      %swap3A_425 = arith.constant 80 : index
      %swap3A_426 = tpu.vector_load %arg16[%swap3A_425] {strides = array<i32>} : memref<128xi32, #tpu.memory_space<vmem>>, vector<16xi32>,
      %swap3A_427 = vector.shape_cast %swap3A_426 : vector<16xi32> to vector<16xi32>
      %swap3A_428 = vector.shape_cast %shift_right_logical3A_424 : vector<16xi32> to vector<16xi32>
      tpu.vector_store %arg16[%swap3A_425], %swap3A_428 {strides = array<i32>} : memref<128xi32, #tpu.memory_space<vmem>>, vector<16xi32>,
      %and3A_429 = arith.constant 16383 : i32
      %and3A_430 = vector.broadcast %and3A_429 : i32 to vector<16xi32>
      %and3A_431 = arith.andi %get3A_421, %and3A_430 : vector<16xi32>
      %swap3A_432 = arith.constant 80 : index
      %swap3A_433 = tpu.vector_load %arg17[%swap3A_432] {strides = array<i32>} : memref<128xi32, #tpu.memory_space<vmem>>, vector<16xi32>,
      %swap3A_434 = vector.shape_cast %swap3A_433 : vector<16xi32> to vector<16xi32>
      %swap3A_435 = vector.shape_cast %and3A_431 : vector<16xi32> to vector<16xi32>
      tpu.vector_store %arg17[%swap3A_432], %swap3A_435 {strides = array<i32>} : memref<128xi32, #tpu.memory_space<vmem>>, vector<16xi32>,
      %get3A_436 = arith.constant 96 : index
      %get3A_437 = tpu.vector_load %arg7[%get3A_436] {strides = array<i32>} : memref<128xi32, #tpu.memory_space<vmem>>, vector<16xi32>,
      %get3A_438 = vector.shape_cast %get3A_437 : vector<16xi32> to vector<16xi32>
      %shift_right_logical3A_439 = arith.constant 14 : i32
      %shift_right_logical3A_440 = vector.broadcast %shift_right_logical3A_439 : i32 to vector<16xi32>
      %shift_right_logical3A_441 = arith.shrui %get3A_438, %shift_right_logical3A_440 : vector<16xi32>
      %swap3A_442 = arith.constant 96 : index
      %swap3A_443 = tpu.vector_load %arg16[%swap3A_442] {strides = array<i32>} : memref<128xi32, #tpu.memory_space<vmem>>, vector<16xi32>,
      %swap3A_444 = vector.shape_cast %swap3A_443 : vector<16xi32> to vector<16xi32>
      %swap3A_445 = vector.shape_cast %shift_right_logical3A_441 : vector<16xi32> to vector<16xi32>
      tpu.vector_store %arg16[%swap3A_442], %swap3A_445 {strides = array<i32>} : memref<128xi32, #tpu.memory_space<vmem>>, vector<16xi32>,
      %and3A_446 = arith.constant 16383 : i32
      %and3A_447 = vector.broadcast %and3A_446 : i32 to vector<16xi32>
      %and3A_448 = arith.andi %get3A_438, %and3A_447 : vector<16xi32>
      %swap3A_449 = arith.constant 96 : index
      %swap3A_450 = tpu.vector_load %arg17[%swap3A_449] {strides = array<i32>} : memref<128xi32, #tpu.memory_space<vmem>>, vector<16xi32>,
      %swap3A_451 = vector.shape_cast %swap3A_450 : vector<16xi32> to vector<16xi32>
      %swap3A_452 = vector.shape_cast %and3A_448 : vector<16xi32> to vector<16xi32>
      tpu.vector_store %arg17[%swap3A_449], %swap3A_452 {strides = array<i32>} : memref<128xi32, #tpu.memory_space<vmem>>, vector<16xi32>,
      %get3A_453 = arith.constant 112 : index
      %get3A_454 = tpu.vector_load %arg7[%get3A_453] {strides = array<i32>} : memref<128xi32, #tpu.memory_space<vmem>>, vector<16xi32>,
      %get3A_455 = vector.shape_cast %get3A_454 : vector<16xi32> to vector<16xi32>
      %shift_right_logical3A_456 = arith.constant 14 : i32
      %shift_right_logical3A_457 = vector.broadcast %shift_right_logical3A_456 : i32 to vector<16xi32>
      %shift_right_logical3A_458 = arith.shrui %get3A_455, %shift_right_logical3A_457 : vector<16xi32>
      %swap3A_459 = arith.constant 112 : index
      %swap3A_460 = tpu.vector_load %arg16[%swap3A_459] {strides = array<i32>} : memref<128xi32, #tpu.memory_space<vmem>>, vector<16xi32>,
      %swap3A_461 = vector.shape_cast %swap3A_460 : vector<16xi32> to vector<16xi32>
      %swap3A_462 = vector.shape_cast %shift_right_logical3A_458 : vector<16xi32> to vector<16xi32>
      tpu.vector_store %arg16[%swap3A_459], %swap3A_462 {strides = array<i32>} : memref<128xi32, #tpu.memory_space<vmem>>, vector<16xi32>,
      %and3A_463 = arith.constant 16383 : i32
      %and3A_464 = vector.broadcast %and3A_463 : i32 to vector<16xi32>
      %and3A_465 = arith.andi %get3A_455, %and3A_464 : vector<16xi32>
      %swap3A_466 = arith.constant 112 : index
      %swap3A_467 = tpu.vector_load %arg17[%swap3A_466] {strides = array<i32>} : memref<128xi32, #tpu.memory_space<vmem>>, vector<16xi32>,
      %swap3A_468 = vector.shape_cast %swap3A_467 : vector<16xi32> to vector<16xi32>
      %swap3A_469 = vector.shape_cast %and3A_465 : vector<16xi32> to vector<16xi32>
      tpu.vector_store %arg17[%swap3A_466], %swap3A_469 {strides = array<i32>} : memref<128xi32, #tpu.memory_space<vmem>>, vector<16xi32>,
      %add3A_470 = arith.constant 8 : i32
      %add3A_471 = arith.addi %add3A_322, %add3A_470 : i32
      %sub3A_472 = arith.constant 1 : i32
      %sub3A_473 = arith.subi %select_n3A_12, %sub3A_472 : i32
      %min3A_474 = arith.minsi %add3A_471, %sub3A_473 : i32
      %add3A_475 = arith.addi %select_n3A, %min3A_474 : i32
      %dma_start3A_476 = arith.constant 0 : i32
      %dma_start3A_477 = tpu.memref_slice %arg3[%add3A_475, %dma_start3A_476] : memref<2560x128xi32, #tpu.memory_space<hbm>> -> memref<1x128xi32, #tpu.memory_space<hbm>>
      %dma_start3A_478 = tpu.memref_squeeze %dma_start3A_477 : memref<1x128xi32, #tpu.memory_space<hbm>> -> memref<128xi32, #tpu.memory_space<hbm>>
      %dma_start3A_479 = arith.constant 0 : i32
      %dma_start3A_480 = tpu.memref_slice %arg3[%add3A_475, %dma_start3A_479] : memref<2560x128xi32, #tpu.memory_space<hbm>> -> memref<1x128xi32, #tpu.memory_space<hbm>>
      %dma_start3A_481 = tpu.memref_squeeze %dma_start3A_480 : memref<1x128xi32, #tpu.memory_space<hbm>> -> memref<128xi32, #tpu.memory_space<hbm>>
      tpu.enqueue_dma source(%dma_start3A_481 : memref<128xi32, #tpu.memory_space<hbm>>) target(%arg7 : memref<128xi32, #tpu.memory_space<vmem>>) target_semaphore(%arg22 : memref<!tpu.dma_semaphore, #tpu.memory_space<semaphore_mem>>)
      %dma_start3A_482 = arith.constant 0 : i32
      %dma_start3A_483 = arith.constant 0 : i32
      %dma_start3A_484 = tpu.memref_slice %arg2[%dma_start3A_482, %dma_start3A_483] : memref<80000x128xf32, #tpu.memory_space<hbm>> -> memref<80000x128xf32, #tpu.memory_space<hbm>>
      tpu.enqueue_indirect_dma source(%dma_start3A_484 : memref<80000x128xf32, #tpu.memory_space<hbm>>) target(%arg19 : memref<128x128xf32, #tpu.memory_space<vmem>>) offsets(%arg16 : memref<128xi32, #tpu.memory_space<vmem>>) semaphore(%arg30 : memref<!tpu.dma_semaphore, #tpu.memory_space<semaphore_mem>>)
      %mul3A_485 = arith.constant 8 : i32
      %mul3A_486 = arith.muli %mul3A_485, %while3A_157 : i32
      %add3A_487 = arith.constant 2 : i32
      %add3A_488 = arith.addi %mul3A_486, %add3A_487 : i32
      %dma_wait3A_489 = arith.constant 0 : i32
      %dma_wait3A_490 = tpu.memref_slice %arg3[%select_n3A, %dma_wait3A_489] : memref<2560x128xi32, #tpu.memory_space<hbm>> -> memref<1x128xi32, #tpu.memory_space<hbm>>
      %dma_wait3A_491 = tpu.memref_squeeze %dma_wait3A_490 : memref<1x128xi32, #tpu.memory_space<hbm>> -> memref<128xi32, #tpu.memory_space<hbm>>
      %dma_wait3A_492 = arith.constant 0 : i32
      %dma_wait3A_493 = tpu.memref_slice %arg3[%select_n3A, %dma_wait3A_492] : memref<2560x128xi32, #tpu.memory_space<hbm>> -> memref<1x128xi32, #tpu.memory_space<hbm>>
      %dma_wait3A_494 = tpu.memref_squeeze %dma_wait3A_493 : memref<1x128xi32, #tpu.memory_space<hbm>> -> memref<128xi32, #tpu.memory_space<hbm>>
      tpu.wait_dma2 semaphore(%arg23 : memref<!tpu.dma_semaphore, #tpu.memory_space<semaphore_mem>>) src(%dma_wait3A_494 : memref<128xi32, #tpu.memory_space<hbm>>) dst(%arg8 : memref<128xi32, #tpu.memory_space<vmem>>)
      %ge3A_495 = arith.constant 2 : i32
      %ge3A_496 = arith.cmpi sge, %add3A_488, %ge3A_495 : i32
      %convert_element_type3A_497 = arith.extui %ge3A_496 : i1 to i32
      %cond3A_498 = arith.constant 0 : i32
      %cond3A_499 = arith.cmpi ne, %convert_element_type3A_497, %cond3A_498 : i32
      scf.if %cond3A_499 {
        %dma_wait3A_1481 = arith.constant 0 : i32
        %dma_wait3A_1482 = arith.constant 0 : i32
        %dma_wait3A_1483 = tpu.memref_slice %arg2[%dma_wait3A_1481, %dma_wait3A_1482] : memref<80000x128xf32, #tpu.memory_space<hbm>> -> memref<80000x128xf32, #tpu.memory_space<hbm>>
        tpu.wait_indirect_dma semaphore(%arg29 : memref<!tpu.dma_semaphore, #tpu.memory_space<semaphore_mem>>) src(%dma_wait3A_1483 : memref<80000x128xf32, #tpu.memory_space<hbm>>) dst(%arg18 : memref<128x128xf32, #tpu.memory_space<vmem>>)
        "tpu.region"() ({
          %run_scoped3A = tpu.sem_alloc : memref<!tpu.dma_semaphore, #tpu.memory_space<semaphore_mem>>
          %dma_start3A_1484 = arith.constant 0 : i32
          %dma_start3A_1485 = arith.constant 0 : i32
          %dma_start3A_1486 = tpu.memref_slice %arg20[%dma_start3A_1484, %dma_start3A_1485] : memref<10240x128xf32, #tpu.memory_space<vmem_shared>> -> memref<10240x128xf32, #tpu.memory_space<vmem_shared>>
          tpu.enqueue_indirect_dma source(%arg18 : memref<128x128xf32, #tpu.memory_space<vmem>>) target(%dma_start3A_1486 : memref<10240x128xf32, #tpu.memory_space<vmem_shared>>) offsets(%arg15 : memref<128xi32, #tpu.memory_space<vmem>>) semaphore(%run_scoped3A : memref<!tpu.dma_semaphore, #tpu.memory_space<semaphore_mem>>) {add = true}
          %dma_wait3A_1487 = arith.constant 0 : i32
          %dma_wait3A_1488 = arith.constant 0 : i32
          %dma_wait3A_1489 = tpu.memref_slice %arg20[%dma_wait3A_1487, %dma_wait3A_1488] : memref<10240x128xf32, #tpu.memory_space<vmem_shared>> -> memref<10240x128xf32, #tpu.memory_space<vmem_shared>>
          tpu.wait_indirect_dma semaphore(%run_scoped3A : memref<!tpu.dma_semaphore, #tpu.memory_space<semaphore_mem>>) src(%arg18 : memref<128x128xf32, #tpu.memory_space<vmem>>) dst(%dma_wait3A_1489 : memref<10240x128xf32, #tpu.memory_space<vmem_shared>>)
          tpu.yield
        }) : () -> ()
      } else {
      }
      %get3A_500 = arith.constant 0 : index
      %get3A_501 = tpu.vector_load %arg8[%get3A_500] {strides = array<i32>} : memref<128xi32, #tpu.memory_space<vmem>>, vector<16xi32>,
      %get3A_502 = vector.shape_cast %get3A_501 : vector<16xi32> to vector<16xi32>
      %shift_right_logical3A_503 = arith.constant 14 : i32
      %shift_right_logical3A_504 = vector.broadcast %shift_right_logical3A_503 : i32 to vector<16xi32>
      %shift_right_logical3A_505 = arith.shrui %get3A_502, %shift_right_logical3A_504 : vector<16xi32>
      %swap3A_506 = arith.constant 0 : index
      %swap3A_507 = tpu.vector_load %arg14[%swap3A_506] {strides = array<i32>} : memref<128xi32, #tpu.memory_space<vmem>>, vector<16xi32>,
      %swap3A_508 = vector.shape_cast %swap3A_507 : vector<16xi32> to vector<16xi32>
      %swap3A_509 = vector.shape_cast %shift_right_logical3A_505 : vector<16xi32> to vector<16xi32>
      tpu.vector_store %arg14[%swap3A_506], %swap3A_509 {strides = array<i32>} : memref<128xi32, #tpu.memory_space<vmem>>, vector<16xi32>,
      %and3A_510 = arith.constant 16383 : i32
      %and3A_511 = vector.broadcast %and3A_510 : i32 to vector<16xi32>
      %and3A_512 = arith.andi %get3A_502, %and3A_511 : vector<16xi32>
      %swap3A_513 = arith.constant 0 : index
      %swap3A_514 = tpu.vector_load %arg15[%swap3A_513] {strides = array<i32>} : memref<128xi32, #tpu.memory_space<vmem>>, vector<16xi32>,
      %swap3A_515 = vector.shape_cast %swap3A_514 : vector<16xi32> to vector<16xi32>
      %swap3A_516 = vector.shape_cast %and3A_512 : vector<16xi32> to vector<16xi32>
      tpu.vector_store %arg15[%swap3A_513], %swap3A_516 {strides = array<i32>} : memref<128xi32, #tpu.memory_space<vmem>>, vector<16xi32>,
      %get3A_517 = arith.constant 16 : index
      %get3A_518 = tpu.vector_load %arg8[%get3A_517] {strides = array<i32>} : memref<128xi32, #tpu.memory_space<vmem>>, vector<16xi32>,
      %get3A_519 = vector.shape_cast %get3A_518 : vector<16xi32> to vector<16xi32>
      %shift_right_logical3A_520 = arith.constant 14 : i32
      %shift_right_logical3A_521 = vector.broadcast %shift_right_logical3A_520 : i32 to vector<16xi32>
      %shift_right_logical3A_522 = arith.shrui %get3A_519, %shift_right_logical3A_521 : vector<16xi32>
      %swap3A_523 = arith.constant 16 : index
      %swap3A_524 = tpu.vector_load %arg14[%swap3A_523] {strides = array<i32>} : memref<128xi32, #tpu.memory_space<vmem>>, vector<16xi32>,
      %swap3A_525 = vector.shape_cast %swap3A_524 : vector<16xi32> to vector<16xi32>
      %swap3A_526 = vector.shape_cast %shift_right_logical3A_522 : vector<16xi32> to vector<16xi32>
      tpu.vector_store %arg14[%swap3A_523], %swap3A_526 {strides = array<i32>} : memref<128xi32, #tpu.memory_space<vmem>>, vector<16xi32>,
      %and3A_527 = arith.constant 16383 : i32
      %and3A_528 = vector.broadcast %and3A_527 : i32 to vector<16xi32>
      %and3A_529 = arith.andi %get3A_519, %and3A_528 : vector<16xi32>
      %swap3A_530 = arith.constant 16 : index
      %swap3A_531 = tpu.vector_load %arg15[%swap3A_530] {strides = array<i32>} : memref<128xi32, #tpu.memory_space<vmem>>, vector<16xi32>,
      %swap3A_532 = vector.shape_cast %swap3A_531 : vector<16xi32> to vector<16xi32>
      %swap3A_533 = vector.shape_cast %and3A_529 : vector<16xi32> to vector<16xi32>
      tpu.vector_store %arg15[%swap3A_530], %swap3A_533 {strides = array<i32>} : memref<128xi32, #tpu.memory_space<vmem>>, vector<16xi32>,
      %get3A_534 = arith.constant 32 : index
      %get3A_535 = tpu.vector_load %arg8[%get3A_534] {strides = array<i32>} : memref<128xi32, #tpu.memory_space<vmem>>, vector<16xi32>,
      %get3A_536 = vector.shape_cast %get3A_535 : vector<16xi32> to vector<16xi32>
      %shift_right_logical3A_537 = arith.constant 14 : i32
      %shift_right_logical3A_538 = vector.broadcast %shift_right_logical3A_537 : i32 to vector<16xi32>
      %shift_right_logical3A_539 = arith.shrui %get3A_536, %shift_right_logical3A_538 : vector<16xi32>
      %swap3A_540 = arith.constant 32 : index
      %swap3A_541 = tpu.vector_load %arg14[%swap3A_540] {strides = array<i32>} : memref<128xi32, #tpu.memory_space<vmem>>, vector<16xi32>,
      %swap3A_542 = vector.shape_cast %swap3A_541 : vector<16xi32> to vector<16xi32>
      %swap3A_543 = vector.shape_cast %shift_right_logical3A_539 : vector<16xi32> to vector<16xi32>
      tpu.vector_store %arg14[%swap3A_540], %swap3A_543 {strides = array<i32>} : memref<128xi32, #tpu.memory_space<vmem>>, vector<16xi32>,
      %and3A_544 = arith.constant 16383 : i32
      %and3A_545 = vector.broadcast %and3A_544 : i32 to vector<16xi32>
      %and3A_546 = arith.andi %get3A_536, %and3A_545 : vector<16xi32>
      %swap3A_547 = arith.constant 32 : index
      %swap3A_548 = tpu.vector_load %arg15[%swap3A_547] {strides = array<i32>} : memref<128xi32, #tpu.memory_space<vmem>>, vector<16xi32>,
      %swap3A_549 = vector.shape_cast %swap3A_548 : vector<16xi32> to vector<16xi32>
      %swap3A_550 = vector.shape_cast %and3A_546 : vector<16xi32> to vector<16xi32>
      tpu.vector_store %arg15[%swap3A_547], %swap3A_550 {strides = array<i32>} : memref<128xi32, #tpu.memory_space<vmem>>, vector<16xi32>,
      %get3A_551 = arith.constant 48 : index
      %get3A_552 = tpu.vector_load %arg8[%get3A_551] {strides = array<i32>} : memref<128xi32, #tpu.memory_space<vmem>>, vector<16xi32>,
      %get3A_553 = vector.shape_cast %get3A_552 : vector<16xi32> to vector<16xi32>
      %shift_right_logical3A_554 = arith.constant 14 : i32
      %shift_right_logical3A_555 = vector.broadcast %shift_right_logical3A_554 : i32 to vector<16xi32>
      %shift_right_logical3A_556 = arith.shrui %get3A_553, %shift_right_logical3A_555 : vector<16xi32>
      %swap3A_557 = arith.constant 48 : index
      %swap3A_558 = tpu.vector_load %arg14[%swap3A_557] {strides = array<i32>} : memref<128xi32, #tpu.memory_space<vmem>>, vector<16xi32>,
      %swap3A_559 = vector.shape_cast %swap3A_558 : vector<16xi32> to vector<16xi32>
      %swap3A_560 = vector.shape_cast %shift_right_logical3A_556 : vector<16xi32> to vector<16xi32>
      tpu.vector_store %arg14[%swap3A_557], %swap3A_560 {strides = array<i32>} : memref<128xi32, #tpu.memory_space<vmem>>, vector<16xi32>,
      %and3A_561 = arith.constant 16383 : i32
      %and3A_562 = vector.broadcast %and3A_561 : i32 to vector<16xi32>
      %and3A_563 = arith.andi %get3A_553, %and3A_562 : vector<16xi32>
      %swap3A_564 = arith.constant 48 : index
      %swap3A_565 = tpu.vector_load %arg15[%swap3A_564] {strides = array<i32>} : memref<128xi32, #tpu.memory_space<vmem>>, vector<16xi32>,
      %swap3A_566 = vector.shape_cast %swap3A_565 : vector<16xi32> to vector<16xi32>
      %swap3A_567 = vector.shape_cast %and3A_563 : vector<16xi32> to vector<16xi32>
      tpu.vector_store %arg15[%swap3A_564], %swap3A_567 {strides = array<i32>} : memref<128xi32, #tpu.memory_space<vmem>>, vector<16xi32>,
      %get3A_568 = arith.constant 64 : index
      %get3A_569 = tpu.vector_load %arg8[%get3A_568] {strides = array<i32>} : memref<128xi32, #tpu.memory_space<vmem>>, vector<16xi32>,
      %get3A_570 = vector.shape_cast %get3A_569 : vector<16xi32> to vector<16xi32>
      %shift_right_logical3A_571 = arith.constant 14 : i32
      %shift_right_logical3A_572 = vector.broadcast %shift_right_logical3A_571 : i32 to vector<16xi32>
      %shift_right_logical3A_573 = arith.shrui %get3A_570, %shift_right_logical3A_572 : vector<16xi32>
      %swap3A_574 = arith.constant 64 : index
      %swap3A_575 = tpu.vector_load %arg14[%swap3A_574] {strides = array<i32>} : memref<128xi32, #tpu.memory_space<vmem>>, vector<16xi32>,
      %swap3A_576 = vector.shape_cast %swap3A_575 : vector<16xi32> to vector<16xi32>
      %swap3A_577 = vector.shape_cast %shift_right_logical3A_573 : vector<16xi32> to vector<16xi32>
      tpu.vector_store %arg14[%swap3A_574], %swap3A_577 {strides = array<i32>} : memref<128xi32, #tpu.memory_space<vmem>>, vector<16xi32>,
      %and3A_578 = arith.constant 16383 : i32
      %and3A_579 = vector.broadcast %and3A_578 : i32 to vector<16xi32>
      %and3A_580 = arith.andi %get3A_570, %and3A_579 : vector<16xi32>
      %swap3A_581 = arith.constant 64 : index
      %swap3A_582 = tpu.vector_load %arg15[%swap3A_581] {strides = array<i32>} : memref<128xi32, #tpu.memory_space<vmem>>, vector<16xi32>,
      %swap3A_583 = vector.shape_cast %swap3A_582 : vector<16xi32> to vector<16xi32>
      %swap3A_584 = vector.shape_cast %and3A_580 : vector<16xi32> to vector<16xi32>
      tpu.vector_store %arg15[%swap3A_581], %swap3A_584 {strides = array<i32>} : memref<128xi32, #tpu.memory_space<vmem>>, vector<16xi32>,
      %get3A_585 = arith.constant 80 : index
      %get3A_586 = tpu.vector_load %arg8[%get3A_585] {strides = array<i32>} : memref<128xi32, #tpu.memory_space<vmem>>, vector<16xi32>,
      %get3A_587 = vector.shape_cast %get3A_586 : vector<16xi32> to vector<16xi32>
      %shift_right_logical3A_588 = arith.constant 14 : i32
      %shift_right_logical3A_589 = vector.broadcast %shift_right_logical3A_588 : i32 to vector<16xi32>
      %shift_right_logical3A_590 = arith.shrui %get3A_587, %shift_right_logical3A_589 : vector<16xi32>
      %swap3A_591 = arith.constant 80 : index
      %swap3A_592 = tpu.vector_load %arg14[%swap3A_591] {strides = array<i32>} : memref<128xi32, #tpu.memory_space<vmem>>, vector<16xi32>,
      %swap3A_593 = vector.shape_cast %swap3A_592 : vector<16xi32> to vector<16xi32>
      %swap3A_594 = vector.shape_cast %shift_right_logical3A_590 : vector<16xi32> to vector<16xi32>
      tpu.vector_store %arg14[%swap3A_591], %swap3A_594 {strides = array<i32>} : memref<128xi32, #tpu.memory_space<vmem>>, vector<16xi32>,
      %and3A_595 = arith.constant 16383 : i32
      %and3A_596 = vector.broadcast %and3A_595 : i32 to vector<16xi32>
      %and3A_597 = arith.andi %get3A_587, %and3A_596 : vector<16xi32>
      %swap3A_598 = arith.constant 80 : index
      %swap3A_599 = tpu.vector_load %arg15[%swap3A_598] {strides = array<i32>} : memref<128xi32, #tpu.memory_space<vmem>>, vector<16xi32>,
      %swap3A_600 = vector.shape_cast %swap3A_599 : vector<16xi32> to vector<16xi32>
      %swap3A_601 = vector.shape_cast %and3A_597 : vector<16xi32> to vector<16xi32>
      tpu.vector_store %arg15[%swap3A_598], %swap3A_601 {strides = array<i32>} : memref<128xi32, #tpu.memory_space<vmem>>, vector<16xi32>,
      %get3A_602 = arith.constant 96 : index
      %get3A_603 = tpu.vector_load %arg8[%get3A_602] {strides = array<i32>} : memref<128xi32, #tpu.memory_space<vmem>>, vector<16xi32>,
      %get3A_604 = vector.shape_cast %get3A_603 : vector<16xi32> to vector<16xi32>
      %shift_right_logical3A_605 = arith.constant 14 : i32
      %shift_right_logical3A_606 = vector.broadcast %shift_right_logical3A_605 : i32 to vector<16xi32>
      %shift_right_logical3A_607 = arith.shrui %get3A_604, %shift_right_logical3A_606 : vector<16xi32>
      %swap3A_608 = arith.constant 96 : index
      %swap3A_609 = tpu.vector_load %arg14[%swap3A_608] {strides = array<i32>} : memref<128xi32, #tpu.memory_space<vmem>>, vector<16xi32>,
      %swap3A_610 = vector.shape_cast %swap3A_609 : vector<16xi32> to vector<16xi32>
      %swap3A_611 = vector.shape_cast %shift_right_logical3A_607 : vector<16xi32> to vector<16xi32>
      tpu.vector_store %arg14[%swap3A_608], %swap3A_611 {strides = array<i32>} : memref<128xi32, #tpu.memory_space<vmem>>, vector<16xi32>,
      %and3A_612 = arith.constant 16383 : i32
      %and3A_613 = vector.broadcast %and3A_612 : i32 to vector<16xi32>
      %and3A_614 = arith.andi %get3A_604, %and3A_613 : vector<16xi32>
      %swap3A_615 = arith.constant 96 : index
      %swap3A_616 = tpu.vector_load %arg15[%swap3A_615] {strides = array<i32>} : memref<128xi32, #tpu.memory_space<vmem>>, vector<16xi32>,
      %swap3A_617 = vector.shape_cast %swap3A_616 : vector<16xi32> to vector<16xi32>
      %swap3A_618 = vector.shape_cast %and3A_614 : vector<16xi32> to vector<16xi32>
      tpu.vector_store %arg15[%swap3A_615], %swap3A_618 {strides = array<i32>} : memref<128xi32, #tpu.memory_space<vmem>>, vector<16xi32>,
      %get3A_619 = arith.constant 112 : index
      %get3A_620 = tpu.vector_load %arg8[%get3A_619] {strides = array<i32>} : memref<128xi32, #tpu.memory_space<vmem>>, vector<16xi32>,
      %get3A_621 = vector.shape_cast %get3A_620 : vector<16xi32> to vector<16xi32>
      %shift_right_logical3A_622 = arith.constant 14 : i32
      %shift_right_logical3A_623 = vector.broadcast %shift_right_logical3A_622 : i32 to vector<16xi32>
      %shift_right_logical3A_624 = arith.shrui %get3A_621, %shift_right_logical3A_623 : vector<16xi32>
      %swap3A_625 = arith.constant 112 : index
      %swap3A_626 = tpu.vector_load %arg14[%swap3A_625] {strides = array<i32>} : memref<128xi32, #tpu.memory_space<vmem>>, vector<16xi32>,
      %swap3A_627 = vector.shape_cast %swap3A_626 : vector<16xi32> to vector<16xi32>
      %swap3A_628 = vector.shape_cast %shift_right_logical3A_624 : vector<16xi32> to vector<16xi32>
      tpu.vector_store %arg14[%swap3A_625], %swap3A_628 {strides = array<i32>} : memref<128xi32, #tpu.memory_space<vmem>>, vector<16xi32>,
      %and3A_629 = arith.constant 16383 : i32
      %and3A_630 = vector.broadcast %and3A_629 : i32 to vector<16xi32>
      %and3A_631 = arith.andi %get3A_621, %and3A_630 : vector<16xi32>
      %swap3A_632 = arith.constant 112 : index
      %swap3A_633 = tpu.vector_load %arg15[%swap3A_632] {strides = array<i32>} : memref<128xi32, #tpu.memory_space<vmem>>, vector<16xi32>,
      %swap3A_634 = vector.shape_cast %swap3A_633 : vector<16xi32> to vector<16xi32>
      %swap3A_635 = vector.shape_cast %and3A_631 : vector<16xi32> to vector<16xi32>
      tpu.vector_store %arg15[%swap3A_632], %swap3A_635 {strides = array<i32>} : memref<128xi32, #tpu.memory_space<vmem>>, vector<16xi32>,
      %add3A_636 = arith.constant 8 : i32
      %add3A_637 = arith.addi %add3A_488, %add3A_636 : i32
      %sub3A_638 = arith.constant 1 : i32
      %sub3A_639 = arith.subi %select_n3A_12, %sub3A_638 : i32
      %min3A_640 = arith.minsi %add3A_637, %sub3A_639 : i32
      %add3A_641 = arith.addi %select_n3A, %min3A_640 : i32
      %dma_start3A_642 = arith.constant 0 : i32
      %dma_start3A_643 = tpu.memref_slice %arg3[%add3A_641, %dma_start3A_642] : memref<2560x128xi32, #tpu.memory_space<hbm>> -> memref<1x128xi32, #tpu.memory_space<hbm>>
      %dma_start3A_644 = tpu.memref_squeeze %dma_start3A_643 : memref<1x128xi32, #tpu.memory_space<hbm>> -> memref<128xi32, #tpu.memory_space<hbm>>
      %dma_start3A_645 = arith.constant 0 : i32
      %dma_start3A_646 = tpu.memref_slice %arg3[%add3A_641, %dma_start3A_645] : memref<2560x128xi32, #tpu.memory_space<hbm>> -> memref<1x128xi32, #tpu.memory_space<hbm>>
      %dma_start3A_647 = tpu.memref_squeeze %dma_start3A_646 : memref<1x128xi32, #tpu.memory_space<hbm>> -> memref<128xi32, #tpu.memory_space<hbm>>
      tpu.enqueue_dma source(%dma_start3A_647 : memref<128xi32, #tpu.memory_space<hbm>>) target(%arg8 : memref<128xi32, #tpu.memory_space<vmem>>) target_semaphore(%arg23 : memref<!tpu.dma_semaphore, #tpu.memory_space<semaphore_mem>>)
      %dma_start3A_648 = arith.constant 0 : i32
      %dma_start3A_649 = arith.constant 0 : i32
      %dma_start3A_650 = tpu.memref_slice %arg2[%dma_start3A_648, %dma_start3A_649] : memref<80000x128xf32, #tpu.memory_space<hbm>> -> memref<80000x128xf32, #tpu.memory_space<hbm>>
      tpu.enqueue_indirect_dma source(%dma_start3A_650 : memref<80000x128xf32, #tpu.memory_space<hbm>>) target(%arg18 : memref<128x128xf32, #tpu.memory_space<vmem>>) offsets(%arg14 : memref<128xi32, #tpu.memory_space<vmem>>) semaphore(%arg29 : memref<!tpu.dma_semaphore, #tpu.memory_space<semaphore_mem>>)
      %mul3A_651 = arith.constant 8 : i32
      %mul3A_652 = arith.muli %mul3A_651, %while3A_157 : i32
      %add3A_653 = arith.constant 3 : i32
      %add3A_654 = arith.addi %mul3A_652, %add3A_653 : i32
      %dma_wait3A_655 = arith.constant 0 : i32
      %dma_wait3A_656 = tpu.memref_slice %arg3[%select_n3A, %dma_wait3A_655] : memref<2560x128xi32, #tpu.memory_space<hbm>> -> memref<1x128xi32, #tpu.memory_space<hbm>>
      %dma_wait3A_657 = tpu.memref_squeeze %dma_wait3A_656 : memref<1x128xi32, #tpu.memory_space<hbm>> -> memref<128xi32, #tpu.memory_space<hbm>>
      %dma_wait3A_658 = arith.constant 0 : i32
      %dma_wait3A_659 = tpu.memref_slice %arg3[%select_n3A, %dma_wait3A_658] : memref<2560x128xi32, #tpu.memory_space<hbm>> -> memref<1x128xi32, #tpu.memory_space<hbm>>
      %dma_wait3A_660 = tpu.memref_squeeze %dma_wait3A_659 : memref<1x128xi32, #tpu.memory_space<hbm>> -> memref<128xi32, #tpu.memory_space<hbm>>
      tpu.wait_dma2 semaphore(%arg24 : memref<!tpu.dma_semaphore, #tpu.memory_space<semaphore_mem>>) src(%dma_wait3A_660 : memref<128xi32, #tpu.memory_space<hbm>>) dst(%arg9 : memref<128xi32, #tpu.memory_space<vmem>>)
      %ge3A_661 = arith.constant 2 : i32
      %ge3A_662 = arith.cmpi sge, %add3A_654, %ge3A_661 : i32
      %convert_element_type3A_663 = arith.extui %ge3A_662 : i1 to i32
      %cond3A_664 = arith.constant 0 : i32
      %cond3A_665 = arith.cmpi ne, %convert_element_type3A_663, %cond3A_664 : i32
      scf.if %cond3A_665 {
        %dma_wait3A_1481 = arith.constant 0 : i32
        %dma_wait3A_1482 = arith.constant 0 : i32
        %dma_wait3A_1483 = tpu.memref_slice %arg2[%dma_wait3A_1481, %dma_wait3A_1482] : memref<80000x128xf32, #tpu.memory_space<hbm>> -> memref<80000x128xf32, #tpu.memory_space<hbm>>
        tpu.wait_indirect_dma semaphore(%arg30 : memref<!tpu.dma_semaphore, #tpu.memory_space<semaphore_mem>>) src(%dma_wait3A_1483 : memref<80000x128xf32, #tpu.memory_space<hbm>>) dst(%arg19 : memref<128x128xf32, #tpu.memory_space<vmem>>)
        "tpu.region"() ({
          %run_scoped3A = tpu.sem_alloc : memref<!tpu.dma_semaphore, #tpu.memory_space<semaphore_mem>>
          %dma_start3A_1484 = arith.constant 0 : i32
          %dma_start3A_1485 = arith.constant 0 : i32
          %dma_start3A_1486 = tpu.memref_slice %arg20[%dma_start3A_1484, %dma_start3A_1485] : memref<10240x128xf32, #tpu.memory_space<vmem_shared>> -> memref<10240x128xf32, #tpu.memory_space<vmem_shared>>
          tpu.enqueue_indirect_dma source(%arg19 : memref<128x128xf32, #tpu.memory_space<vmem>>) target(%dma_start3A_1486 : memref<10240x128xf32, #tpu.memory_space<vmem_shared>>) offsets(%arg17 : memref<128xi32, #tpu.memory_space<vmem>>) semaphore(%run_scoped3A : memref<!tpu.dma_semaphore, #tpu.memory_space<semaphore_mem>>) {add = true}
          %dma_wait3A_1487 = arith.constant 0 : i32
          %dma_wait3A_1488 = arith.constant 0 : i32
          %dma_wait3A_1489 = tpu.memref_slice %arg20[%dma_wait3A_1487, %dma_wait3A_1488] : memref<10240x128xf32, #tpu.memory_space<vmem_shared>> -> memref<10240x128xf32, #tpu.memory_space<vmem_shared>>
          tpu.wait_indirect_dma semaphore(%run_scoped3A : memref<!tpu.dma_semaphore, #tpu.memory_space<semaphore_mem>>) src(%arg19 : memref<128x128xf32, #tpu.memory_space<vmem>>) dst(%dma_wait3A_1489 : memref<10240x128xf32, #tpu.memory_space<vmem_shared>>)
          tpu.yield
        }) : () -> ()
      } else {
      }
      %get3A_666 = arith.constant 0 : index
      %get3A_667 = tpu.vector_load %arg9[%get3A_666] {strides = array<i32>} : memref<128xi32, #tpu.memory_space<vmem>>, vector<16xi32>,
      %get3A_668 = vector.shape_cast %get3A_667 : vector<16xi32> to vector<16xi32>
      %shift_right_logical3A_669 = arith.constant 14 : i32
      %shift_right_logical3A_670 = vector.broadcast %shift_right_logical3A_669 : i32 to vector<16xi32>
      %shift_right_logical3A_671 = arith.shrui %get3A_668, %shift_right_logical3A_670 : vector<16xi32>
      %swap3A_672 = arith.constant 0 : index
      %swap3A_673 = tpu.vector_load %arg16[%swap3A_672] {strides = array<i32>} : memref<128xi32, #tpu.memory_space<vmem>>, vector<16xi32>,
      %swap3A_674 = vector.shape_cast %swap3A_673 : vector<16xi32> to vector<16xi32>
      %swap3A_675 = vector.shape_cast %shift_right_logical3A_671 : vector<16xi32> to vector<16xi32>
      tpu.vector_store %arg16[%swap3A_672], %swap3A_675 {strides = array<i32>} : memref<128xi32, #tpu.memory_space<vmem>>, vector<16xi32>,
      %and3A_676 = arith.constant 16383 : i32
      %and3A_677 = vector.broadcast %and3A_676 : i32 to vector<16xi32>
      %and3A_678 = arith.andi %get3A_668, %and3A_677 : vector<16xi32>
      %swap3A_679 = arith.constant 0 : index
      %swap3A_680 = tpu.vector_load %arg17[%swap3A_679] {strides = array<i32>} : memref<128xi32, #tpu.memory_space<vmem>>, vector<16xi32>,
      %swap3A_681 = vector.shape_cast %swap3A_680 : vector<16xi32> to vector<16xi32>
      %swap3A_682 = vector.shape_cast %and3A_678 : vector<16xi32> to vector<16xi32>
      tpu.vector_store %arg17[%swap3A_679], %swap3A_682 {strides = array<i32>} : memref<128xi32, #tpu.memory_space<vmem>>, vector<16xi32>,
      %get3A_683 = arith.constant 16 : index
      %get3A_684 = tpu.vector_load %arg9[%get3A_683] {strides = array<i32>} : memref<128xi32, #tpu.memory_space<vmem>>, vector<16xi32>,
      %get3A_685 = vector.shape_cast %get3A_684 : vector<16xi32> to vector<16xi32>
      %shift_right_logical3A_686 = arith.constant 14 : i32
      %shift_right_logical3A_687 = vector.broadcast %shift_right_logical3A_686 : i32 to vector<16xi32>
      %shift_right_logical3A_688 = arith.shrui %get3A_685, %shift_right_logical3A_687 : vector<16xi32>
      %swap3A_689 = arith.constant 16 : index
      %swap3A_690 = tpu.vector_load %arg16[%swap3A_689] {strides = array<i32>} : memref<128xi32, #tpu.memory_space<vmem>>, vector<16xi32>,
      %swap3A_691 = vector.shape_cast %swap3A_690 : vector<16xi32> to vector<16xi32>
      %swap3A_692 = vector.shape_cast %shift_right_logical3A_688 : vector<16xi32> to vector<16xi32>
      tpu.vector_store %arg16[%swap3A_689], %swap3A_692 {strides = array<i32>} : memref<128xi32, #tpu.memory_space<vmem>>, vector<16xi32>,
      %and3A_693 = arith.constant 16383 : i32
      %and3A_694 = vector.broadcast %and3A_693 : i32 to vector<16xi32>
      %and3A_695 = arith.andi %get3A_685, %and3A_694 : vector<16xi32>
      %swap3A_696 = arith.constant 16 : index
      %swap3A_697 = tpu.vector_load %arg17[%swap3A_696] {strides = array<i32>} : memref<128xi32, #tpu.memory_space<vmem>>, vector<16xi32>,
      %swap3A_698 = vector.shape_cast %swap3A_697 : vector<16xi32> to vector<16xi32>
      %swap3A_699 = vector.shape_cast %and3A_695 : vector<16xi32> to vector<16xi32>
      tpu.vector_store %arg17[%swap3A_696], %swap3A_699 {strides = array<i32>} : memref<128xi32, #tpu.memory_space<vmem>>, vector<16xi32>,
      %get3A_700 = arith.constant 32 : index
      %get3A_701 = tpu.vector_load %arg9[%get3A_700] {strides = array<i32>} : memref<128xi32, #tpu.memory_space<vmem>>, vector<16xi32>,
      %get3A_702 = vector.shape_cast %get3A_701 : vector<16xi32> to vector<16xi32>
      %shift_right_logical3A_703 = arith.constant 14 : i32
      %shift_right_logical3A_704 = vector.broadcast %shift_right_logical3A_703 : i32 to vector<16xi32>
      %shift_right_logical3A_705 = arith.shrui %get3A_702, %shift_right_logical3A_704 : vector<16xi32>
      %swap3A_706 = arith.constant 32 : index
      %swap3A_707 = tpu.vector_load %arg16[%swap3A_706] {strides = array<i32>} : memref<128xi32, #tpu.memory_space<vmem>>, vector<16xi32>,
      %swap3A_708 = vector.shape_cast %swap3A_707 : vector<16xi32> to vector<16xi32>
      %swap3A_709 = vector.shape_cast %shift_right_logical3A_705 : vector<16xi32> to vector<16xi32>
      tpu.vector_store %arg16[%swap3A_706], %swap3A_709 {strides = array<i32>} : memref<128xi32, #tpu.memory_space<vmem>>, vector<16xi32>,
      %and3A_710 = arith.constant 16383 : i32
      %and3A_711 = vector.broadcast %and3A_710 : i32 to vector<16xi32>
      %and3A_712 = arith.andi %get3A_702, %and3A_711 : vector<16xi32>
      %swap3A_713 = arith.constant 32 : index
      %swap3A_714 = tpu.vector_load %arg17[%swap3A_713] {strides = array<i32>} : memref<128xi32, #tpu.memory_space<vmem>>, vector<16xi32>,
      %swap3A_715 = vector.shape_cast %swap3A_714 : vector<16xi32> to vector<16xi32>
      %swap3A_716 = vector.shape_cast %and3A_712 : vector<16xi32> to vector<16xi32>
      tpu.vector_store %arg17[%swap3A_713], %swap3A_716 {strides = array<i32>} : memref<128xi32, #tpu.memory_space<vmem>>, vector<16xi32>,
      %get3A_717 = arith.constant 48 : index
      %get3A_718 = tpu.vector_load %arg9[%get3A_717] {strides = array<i32>} : memref<128xi32, #tpu.memory_space<vmem>>, vector<16xi32>,
      %get3A_719 = vector.shape_cast %get3A_718 : vector<16xi32> to vector<16xi32>
      %shift_right_logical3A_720 = arith.constant 14 : i32
      %shift_right_logical3A_721 = vector.broadcast %shift_right_logical3A_720 : i32 to vector<16xi32>
      %shift_right_logical3A_722 = arith.shrui %get3A_719, %shift_right_logical3A_721 : vector<16xi32>
      %swap3A_723 = arith.constant 48 : index
      %swap3A_724 = tpu.vector_load %arg16[%swap3A_723] {strides = array<i32>} : memref<128xi32, #tpu.memory_space<vmem>>, vector<16xi32>,
      %swap3A_725 = vector.shape_cast %swap3A_724 : vector<16xi32> to vector<16xi32>
      %swap3A_726 = vector.shape_cast %shift_right_logical3A_722 : vector<16xi32> to vector<16xi32>
      tpu.vector_store %arg16[%swap3A_723], %swap3A_726 {strides = array<i32>} : memref<128xi32, #tpu.memory_space<vmem>>, vector<16xi32>,
      %and3A_727 = arith.constant 16383 : i32
      %and3A_728 = vector.broadcast %and3A_727 : i32 to vector<16xi32>
      %and3A_729 = arith.andi %get3A_719, %and3A_728 : vector<16xi32>
      %swap3A_730 = arith.constant 48 : index
      %swap3A_731 = tpu.vector_load %arg17[%swap3A_730] {strides = array<i32>} : memref<128xi32, #tpu.memory_space<vmem>>, vector<16xi32>,
      %swap3A_732 = vector.shape_cast %swap3A_731 : vector<16xi32> to vector<16xi32>
      %swap3A_733 = vector.shape_cast %and3A_729 : vector<16xi32> to vector<16xi32>
      tpu.vector_store %arg17[%swap3A_730], %swap3A_733 {strides = array<i32>} : memref<128xi32, #tpu.memory_space<vmem>>, vector<16xi32>,
      %get3A_734 = arith.constant 64 : index
      %get3A_735 = tpu.vector_load %arg9[%get3A_734] {strides = array<i32>} : memref<128xi32, #tpu.memory_space<vmem>>, vector<16xi32>,
      %get3A_736 = vector.shape_cast %get3A_735 : vector<16xi32> to vector<16xi32>
      %shift_right_logical3A_737 = arith.constant 14 : i32
      %shift_right_logical3A_738 = vector.broadcast %shift_right_logical3A_737 : i32 to vector<16xi32>
      %shift_right_logical3A_739 = arith.shrui %get3A_736, %shift_right_logical3A_738 : vector<16xi32>
      %swap3A_740 = arith.constant 64 : index
      %swap3A_741 = tpu.vector_load %arg16[%swap3A_740] {strides = array<i32>} : memref<128xi32, #tpu.memory_space<vmem>>, vector<16xi32>,
      %swap3A_742 = vector.shape_cast %swap3A_741 : vector<16xi32> to vector<16xi32>
      %swap3A_743 = vector.shape_cast %shift_right_logical3A_739 : vector<16xi32> to vector<16xi32>
      tpu.vector_store %arg16[%swap3A_740], %swap3A_743 {strides = array<i32>} : memref<128xi32, #tpu.memory_space<vmem>>, vector<16xi32>,
      %and3A_744 = arith.constant 16383 : i32
      %and3A_745 = vector.broadcast %and3A_744 : i32 to vector<16xi32>
      %and3A_746 = arith.andi %get3A_736, %and3A_745 : vector<16xi32>
      %swap3A_747 = arith.constant 64 : index
      %swap3A_748 = tpu.vector_load %arg17[%swap3A_747] {strides = array<i32>} : memref<128xi32, #tpu.memory_space<vmem>>, vector<16xi32>,
      %swap3A_749 = vector.shape_cast %swap3A_748 : vector<16xi32> to vector<16xi32>
      %swap3A_750 = vector.shape_cast %and3A_746 : vector<16xi32> to vector<16xi32>
      tpu.vector_store %arg17[%swap3A_747], %swap3A_750 {strides = array<i32>} : memref<128xi32, #tpu.memory_space<vmem>>, vector<16xi32>,
      %get3A_751 = arith.constant 80 : index
      %get3A_752 = tpu.vector_load %arg9[%get3A_751] {strides = array<i32>} : memref<128xi32, #tpu.memory_space<vmem>>, vector<16xi32>,
      %get3A_753 = vector.shape_cast %get3A_752 : vector<16xi32> to vector<16xi32>
      %shift_right_logical3A_754 = arith.constant 14 : i32
      %shift_right_logical3A_755 = vector.broadcast %shift_right_logical3A_754 : i32 to vector<16xi32>
      %shift_right_logical3A_756 = arith.shrui %get3A_753, %shift_right_logical3A_755 : vector<16xi32>
      %swap3A_757 = arith.constant 80 : index
      %swap3A_758 = tpu.vector_load %arg16[%swap3A_757] {strides = array<i32>} : memref<128xi32, #tpu.memory_space<vmem>>, vector<16xi32>,
      %swap3A_759 = vector.shape_cast %swap3A_758 : vector<16xi32> to vector<16xi32>
      %swap3A_760 = vector.shape_cast %shift_right_logical3A_756 : vector<16xi32> to vector<16xi32>
      tpu.vector_store %arg16[%swap3A_757], %swap3A_760 {strides = array<i32>} : memref<128xi32, #tpu.memory_space<vmem>>, vector<16xi32>,
      %and3A_761 = arith.constant 16383 : i32
      %and3A_762 = vector.broadcast %and3A_761 : i32 to vector<16xi32>
      %and3A_763 = arith.andi %get3A_753, %and3A_762 : vector<16xi32>
      %swap3A_764 = arith.constant 80 : index
      %swap3A_765 = tpu.vector_load %arg17[%swap3A_764] {strides = array<i32>} : memref<128xi32, #tpu.memory_space<vmem>>, vector<16xi32>,
      %swap3A_766 = vector.shape_cast %swap3A_765 : vector<16xi32> to vector<16xi32>
      %swap3A_767 = vector.shape_cast %and3A_763 : vector<16xi32> to vector<16xi32>
      tpu.vector_store %arg17[%swap3A_764], %swap3A_767 {strides = array<i32>} : memref<128xi32, #tpu.memory_space<vmem>>, vector<16xi32>,
      %get3A_768 = arith.constant 96 : index
      %get3A_769 = tpu.vector_load %arg9[%get3A_768] {strides = array<i32>} : memref<128xi32, #tpu.memory_space<vmem>>, vector<16xi32>,
      %get3A_770 = vector.shape_cast %get3A_769 : vector<16xi32> to vector<16xi32>
      %shift_right_logical3A_771 = arith.constant 14 : i32
      %shift_right_logical3A_772 = vector.broadcast %shift_right_logical3A_771 : i32 to vector<16xi32>
      %shift_right_logical3A_773 = arith.shrui %get3A_770, %shift_right_logical3A_772 : vector<16xi32>
      %swap3A_774 = arith.constant 96 : index
      %swap3A_775 = tpu.vector_load %arg16[%swap3A_774] {strides = array<i32>} : memref<128xi32, #tpu.memory_space<vmem>>, vector<16xi32>,
      %swap3A_776 = vector.shape_cast %swap3A_775 : vector<16xi32> to vector<16xi32>
      %swap3A_777 = vector.shape_cast %shift_right_logical3A_773 : vector<16xi32> to vector<16xi32>
      tpu.vector_store %arg16[%swap3A_774], %swap3A_777 {strides = array<i32>} : memref<128xi32, #tpu.memory_space<vmem>>, vector<16xi32>,
      %and3A_778 = arith.constant 16383 : i32
      %and3A_779 = vector.broadcast %and3A_778 : i32 to vector<16xi32>
      %and3A_780 = arith.andi %get3A_770, %and3A_779 : vector<16xi32>
      %swap3A_781 = arith.constant 96 : index
      %swap3A_782 = tpu.vector_load %arg17[%swap3A_781] {strides = array<i32>} : memref<128xi32, #tpu.memory_space<vmem>>, vector<16xi32>,
      %swap3A_783 = vector.shape_cast %swap3A_782 : vector<16xi32> to vector<16xi32>
      %swap3A_784 = vector.shape_cast %and3A_780 : vector<16xi32> to vector<16xi32>
      tpu.vector_store %arg17[%swap3A_781], %swap3A_784 {strides = array<i32>} : memref<128xi32, #tpu.memory_space<vmem>>, vector<16xi32>,
      %get3A_785 = arith.constant 112 : index
      %get3A_786 = tpu.vector_load %arg9[%get3A_785] {strides = array<i32>} : memref<128xi32, #tpu.memory_space<vmem>>, vector<16xi32>,
      %get3A_787 = vector.shape_cast %get3A_786 : vector<16xi32> to vector<16xi32>
      %shift_right_logical3A_788 = arith.constant 14 : i32
      %shift_right_logical3A_789 = vector.broadcast %shift_right_logical3A_788 : i32 to vector<16xi32>
      %shift_right_logical3A_790 = arith.shrui %get3A_787, %shift_right_logical3A_789 : vector<16xi32>
      %swap3A_791 = arith.constant 112 : index
      %swap3A_792 = tpu.vector_load %arg16[%swap3A_791] {strides = array<i32>} : memref<128xi32, #tpu.memory_space<vmem>>, vector<16xi32>,
      %swap3A_793 = vector.shape_cast %swap3A_792 : vector<16xi32> to vector<16xi32>
      %swap3A_794 = vector.shape_cast %shift_right_logical3A_790 : vector<16xi32> to vector<16xi32>
      tpu.vector_store %arg16[%swap3A_791], %swap3A_794 {strides = array<i32>} : memref<128xi32, #tpu.memory_space<vmem>>, vector<16xi32>,
      %and3A_795 = arith.constant 16383 : i32
      %and3A_796 = vector.broadcast %and3A_795 : i32 to vector<16xi32>
      %and3A_797 = arith.andi %get3A_787, %and3A_796 : vector<16xi32>
      %swap3A_798 = arith.constant 112 : index
      %swap3A_799 = tpu.vector_load %arg17[%swap3A_798] {strides = array<i32>} : memref<128xi32, #tpu.memory_space<vmem>>, vector<16xi32>,
      %swap3A_800 = vector.shape_cast %swap3A_799 : vector<16xi32> to vector<16xi32>
      %swap3A_801 = vector.shape_cast %and3A_797 : vector<16xi32> to vector<16xi32>
      tpu.vector_store %arg17[%swap3A_798], %swap3A_801 {strides = array<i32>} : memref<128xi32, #tpu.memory_space<vmem>>, vector<16xi32>,
      %add3A_802 = arith.constant 8 : i32
      %add3A_803 = arith.addi %add3A_654, %add3A_802 : i32
      %sub3A_804 = arith.constant 1 : i32
      %sub3A_805 = arith.subi %select_n3A_12, %sub3A_804 : i32
      %min3A_806 = arith.minsi %add3A_803, %sub3A_805 : i32
      %add3A_807 = arith.addi %select_n3A, %min3A_806 : i32
      %dma_start3A_808 = arith.constant 0 : i32
      %dma_start3A_809 = tpu.memref_slice %arg3[%add3A_807, %dma_start3A_808] : memref<2560x128xi32, #tpu.memory_space<hbm>> -> memref<1x128xi32, #tpu.memory_space<hbm>>
      %dma_start3A_810 = tpu.memref_squeeze %dma_start3A_809 : memref<1x128xi32, #tpu.memory_space<hbm>> -> memref<128xi32, #tpu.memory_space<hbm>>
      %dma_start3A_811 = arith.constant 0 : i32
      %dma_start3A_812 = tpu.memref_slice %arg3[%add3A_807, %dma_start3A_811] : memref<2560x128xi32, #tpu.memory_space<hbm>> -> memref<1x128xi32, #tpu.memory_space<hbm>>
      %dma_start3A_813 = tpu.memref_squeeze %dma_start3A_812 : memref<1x128xi32, #tpu.memory_space<hbm>> -> memref<128xi32, #tpu.memory_space<hbm>>
      tpu.enqueue_dma source(%dma_start3A_813 : memref<128xi32, #tpu.memory_space<hbm>>) target(%arg9 : memref<128xi32, #tpu.memory_space<vmem>>) target_semaphore(%arg24 : memref<!tpu.dma_semaphore, #tpu.memory_space<semaphore_mem>>)
      %dma_start3A_814 = arith.constant 0 : i32
      %dma_start3A_815 = arith.constant 0 : i32
      %dma_start3A_816 = tpu.memref_slice %arg2[%dma_start3A_814, %dma_start3A_815] : memref<80000x128xf32, #tpu.memory_space<hbm>> -> memref<80000x128xf32, #tpu.memory_space<hbm>>
      tpu.enqueue_indirect_dma source(%dma_start3A_816 : memref<80000x128xf32, #tpu.memory_space<hbm>>) target(%arg19 : memref<128x128xf32, #tpu.memory_space<vmem>>) offsets(%arg16 : memref<128xi32, #tpu.memory_space<vmem>>) semaphore(%arg30 : memref<!tpu.dma_semaphore, #tpu.memory_space<semaphore_mem>>)
      %mul3A_817 = arith.constant 8 : i32
      %mul3A_818 = arith.muli %mul3A_817, %while3A_157 : i32
      %add3A_819 = arith.constant 4 : i32
      %add3A_820 = arith.addi %mul3A_818, %add3A_819 : i32
      %dma_wait3A_821 = arith.constant 0 : i32
      %dma_wait3A_822 = tpu.memref_slice %arg3[%select_n3A, %dma_wait3A_821] : memref<2560x128xi32, #tpu.memory_space<hbm>> -> memref<1x128xi32, #tpu.memory_space<hbm>>
      %dma_wait3A_823 = tpu.memref_squeeze %dma_wait3A_822 : memref<1x128xi32, #tpu.memory_space<hbm>> -> memref<128xi32, #tpu.memory_space<hbm>>
      %dma_wait3A_824 = arith.constant 0 : i32
      %dma_wait3A_825 = tpu.memref_slice %arg3[%select_n3A, %dma_wait3A_824] : memref<2560x128xi32, #tpu.memory_space<hbm>> -> memref<1x128xi32, #tpu.memory_space<hbm>>
      %dma_wait3A_826 = tpu.memref_squeeze %dma_wait3A_825 : memref<1x128xi32, #tpu.memory_space<hbm>> -> memref<128xi32, #tpu.memory_space<hbm>>
      tpu.wait_dma2 semaphore(%arg25 : memref<!tpu.dma_semaphore, #tpu.memory_space<semaphore_mem>>) src(%dma_wait3A_826 : memref<128xi32, #tpu.memory_space<hbm>>) dst(%arg10 : memref<128xi32, #tpu.memory_space<vmem>>)
      %ge3A_827 = arith.constant 2 : i32
      %ge3A_828 = arith.cmpi sge, %add3A_820, %ge3A_827 : i32
      %convert_element_type3A_829 = arith.extui %ge3A_828 : i1 to i32
      %cond3A_830 = arith.constant 0 : i32
      %cond3A_831 = arith.cmpi ne, %convert_element_type3A_829, %cond3A_830 : i32
      scf.if %cond3A_831 {
        %dma_wait3A_1481 = arith.constant 0 : i32
        %dma_wait3A_1482 = arith.constant 0 : i32
        %dma_wait3A_1483 = tpu.memref_slice %arg2[%dma_wait3A_1481, %dma_wait3A_1482] : memref<80000x128xf32, #tpu.memory_space<hbm>> -> memref<80000x128xf32, #tpu.memory_space<hbm>>
        tpu.wait_indirect_dma semaphore(%arg29 : memref<!tpu.dma_semaphore, #tpu.memory_space<semaphore_mem>>) src(%dma_wait3A_1483 : memref<80000x128xf32, #tpu.memory_space<hbm>>) dst(%arg18 : memref<128x128xf32, #tpu.memory_space<vmem>>)
        "tpu.region"() ({
          %run_scoped3A = tpu.sem_alloc : memref<!tpu.dma_semaphore, #tpu.memory_space<semaphore_mem>>
          %dma_start3A_1484 = arith.constant 0 : i32
          %dma_start3A_1485 = arith.constant 0 : i32
          %dma_start3A_1486 = tpu.memref_slice %arg20[%dma_start3A_1484, %dma_start3A_1485] : memref<10240x128xf32, #tpu.memory_space<vmem_shared>> -> memref<10240x128xf32, #tpu.memory_space<vmem_shared>>
          tpu.enqueue_indirect_dma source(%arg18 : memref<128x128xf32, #tpu.memory_space<vmem>>) target(%dma_start3A_1486 : memref<10240x128xf32, #tpu.memory_space<vmem_shared>>) offsets(%arg15 : memref<128xi32, #tpu.memory_space<vmem>>) semaphore(%run_scoped3A : memref<!tpu.dma_semaphore, #tpu.memory_space<semaphore_mem>>) {add = true}
          %dma_wait3A_1487 = arith.constant 0 : i32
          %dma_wait3A_1488 = arith.constant 0 : i32
          %dma_wait3A_1489 = tpu.memref_slice %arg20[%dma_wait3A_1487, %dma_wait3A_1488] : memref<10240x128xf32, #tpu.memory_space<vmem_shared>> -> memref<10240x128xf32, #tpu.memory_space<vmem_shared>>
          tpu.wait_indirect_dma semaphore(%run_scoped3A : memref<!tpu.dma_semaphore, #tpu.memory_space<semaphore_mem>>) src(%arg18 : memref<128x128xf32, #tpu.memory_space<vmem>>) dst(%dma_wait3A_1489 : memref<10240x128xf32, #tpu.memory_space<vmem_shared>>)
          tpu.yield
        }) : () -> ()
      } else {
      }
      %get3A_832 = arith.constant 0 : index
      %get3A_833 = tpu.vector_load %arg10[%get3A_832] {strides = array<i32>} : memref<128xi32, #tpu.memory_space<vmem>>, vector<16xi32>,
      %get3A_834 = vector.shape_cast %get3A_833 : vector<16xi32> to vector<16xi32>
      %shift_right_logical3A_835 = arith.constant 14 : i32
      %shift_right_logical3A_836 = vector.broadcast %shift_right_logical3A_835 : i32 to vector<16xi32>
      %shift_right_logical3A_837 = arith.shrui %get3A_834, %shift_right_logical3A_836 : vector<16xi32>
      %swap3A_838 = arith.constant 0 : index
      %swap3A_839 = tpu.vector_load %arg14[%swap3A_838] {strides = array<i32>} : memref<128xi32, #tpu.memory_space<vmem>>, vector<16xi32>,
      %swap3A_840 = vector.shape_cast %swap3A_839 : vector<16xi32> to vector<16xi32>
      %swap3A_841 = vector.shape_cast %shift_right_logical3A_837 : vector<16xi32> to vector<16xi32>
      tpu.vector_store %arg14[%swap3A_838], %swap3A_841 {strides = array<i32>} : memref<128xi32, #tpu.memory_space<vmem>>, vector<16xi32>,
      %and3A_842 = arith.constant 16383 : i32
      %and3A_843 = vector.broadcast %and3A_842 : i32 to vector<16xi32>
      %and3A_844 = arith.andi %get3A_834, %and3A_843 : vector<16xi32>
      %swap3A_845 = arith.constant 0 : index
      %swap3A_846 = tpu.vector_load %arg15[%swap3A_845] {strides = array<i32>} : memref<128xi32, #tpu.memory_space<vmem>>, vector<16xi32>,
      %swap3A_847 = vector.shape_cast %swap3A_846 : vector<16xi32> to vector<16xi32>
      %swap3A_848 = vector.shape_cast %and3A_844 : vector<16xi32> to vector<16xi32>
      tpu.vector_store %arg15[%swap3A_845], %swap3A_848 {strides = array<i32>} : memref<128xi32, #tpu.memory_space<vmem>>, vector<16xi32>,
      %get3A_849 = arith.constant 16 : index
      %get3A_850 = tpu.vector_load %arg10[%get3A_849] {strides = array<i32>} : memref<128xi32, #tpu.memory_space<vmem>>, vector<16xi32>,
      %get3A_851 = vector.shape_cast %get3A_850 : vector<16xi32> to vector<16xi32>
      %shift_right_logical3A_852 = arith.constant 14 : i32
      %shift_right_logical3A_853 = vector.broadcast %shift_right_logical3A_852 : i32 to vector<16xi32>
      %shift_right_logical3A_854 = arith.shrui %get3A_851, %shift_right_logical3A_853 : vector<16xi32>
      %swap3A_855 = arith.constant 16 : index
      %swap3A_856 = tpu.vector_load %arg14[%swap3A_855] {strides = array<i32>} : memref<128xi32, #tpu.memory_space<vmem>>, vector<16xi32>,
      %swap3A_857 = vector.shape_cast %swap3A_856 : vector<16xi32> to vector<16xi32>
      %swap3A_858 = vector.shape_cast %shift_right_logical3A_854 : vector<16xi32> to vector<16xi32>
      tpu.vector_store %arg14[%swap3A_855], %swap3A_858 {strides = array<i32>} : memref<128xi32, #tpu.memory_space<vmem>>, vector<16xi32>,
      %and3A_859 = arith.constant 16383 : i32
      %and3A_860 = vector.broadcast %and3A_859 : i32 to vector<16xi32>
      %and3A_861 = arith.andi %get3A_851, %and3A_860 : vector<16xi32>
      %swap3A_862 = arith.constant 16 : index
      %swap3A_863 = tpu.vector_load %arg15[%swap3A_862] {strides = array<i32>} : memref<128xi32, #tpu.memory_space<vmem>>, vector<16xi32>,
      %swap3A_864 = vector.shape_cast %swap3A_863 : vector<16xi32> to vector<16xi32>
      %swap3A_865 = vector.shape_cast %and3A_861 : vector<16xi32> to vector<16xi32>
      tpu.vector_store %arg15[%swap3A_862], %swap3A_865 {strides = array<i32>} : memref<128xi32, #tpu.memory_space<vmem>>, vector<16xi32>,
      %get3A_866 = arith.constant 32 : index
      %get3A_867 = tpu.vector_load %arg10[%get3A_866] {strides = array<i32>} : memref<128xi32, #tpu.memory_space<vmem>>, vector<16xi32>,
      %get3A_868 = vector.shape_cast %get3A_867 : vector<16xi32> to vector<16xi32>
      %shift_right_logical3A_869 = arith.constant 14 : i32
      %shift_right_logical3A_870 = vector.broadcast %shift_right_logical3A_869 : i32 to vector<16xi32>
      %shift_right_logical3A_871 = arith.shrui %get3A_868, %shift_right_logical3A_870 : vector<16xi32>
      %swap3A_872 = arith.constant 32 : index
      %swap3A_873 = tpu.vector_load %arg14[%swap3A_872] {strides = array<i32>} : memref<128xi32, #tpu.memory_space<vmem>>, vector<16xi32>,
      %swap3A_874 = vector.shape_cast %swap3A_873 : vector<16xi32> to vector<16xi32>
      %swap3A_875 = vector.shape_cast %shift_right_logical3A_871 : vector<16xi32> to vector<16xi32>
      tpu.vector_store %arg14[%swap3A_872], %swap3A_875 {strides = array<i32>} : memref<128xi32, #tpu.memory_space<vmem>>, vector<16xi32>,
      %and3A_876 = arith.constant 16383 : i32
      %and3A_877 = vector.broadcast %and3A_876 : i32 to vector<16xi32>
      %and3A_878 = arith.andi %get3A_868, %and3A_877 : vector<16xi32>
      %swap3A_879 = arith.constant 32 : index
      %swap3A_880 = tpu.vector_load %arg15[%swap3A_879] {strides = array<i32>} : memref<128xi32, #tpu.memory_space<vmem>>, vector<16xi32>,
      %swap3A_881 = vector.shape_cast %swap3A_880 : vector<16xi32> to vector<16xi32>
      %swap3A_882 = vector.shape_cast %and3A_878 : vector<16xi32> to vector<16xi32>
      tpu.vector_store %arg15[%swap3A_879], %swap3A_882 {strides = array<i32>} : memref<128xi32, #tpu.memory_space<vmem>>, vector<16xi32>,
      %get3A_883 = arith.constant 48 : index
      %get3A_884 = tpu.vector_load %arg10[%get3A_883] {strides = array<i32>} : memref<128xi32, #tpu.memory_space<vmem>>, vector<16xi32>,
      %get3A_885 = vector.shape_cast %get3A_884 : vector<16xi32> to vector<16xi32>
      %shift_right_logical3A_886 = arith.constant 14 : i32
      %shift_right_logical3A_887 = vector.broadcast %shift_right_logical3A_886 : i32 to vector<16xi32>
      %shift_right_logical3A_888 = arith.shrui %get3A_885, %shift_right_logical3A_887 : vector<16xi32>
      %swap3A_889 = arith.constant 48 : index
      %swap3A_890 = tpu.vector_load %arg14[%swap3A_889] {strides = array<i32>} : memref<128xi32, #tpu.memory_space<vmem>>, vector<16xi32>,
      %swap3A_891 = vector.shape_cast %swap3A_890 : vector<16xi32> to vector<16xi32>
      %swap3A_892 = vector.shape_cast %shift_right_logical3A_888 : vector<16xi32> to vector<16xi32>
      tpu.vector_store %arg14[%swap3A_889], %swap3A_892 {strides = array<i32>} : memref<128xi32, #tpu.memory_space<vmem>>, vector<16xi32>,
      %and3A_893 = arith.constant 16383 : i32
      %and3A_894 = vector.broadcast %and3A_893 : i32 to vector<16xi32>
      %and3A_895 = arith.andi %get3A_885, %and3A_894 : vector<16xi32>
      %swap3A_896 = arith.constant 48 : index
      %swap3A_897 = tpu.vector_load %arg15[%swap3A_896] {strides = array<i32>} : memref<128xi32, #tpu.memory_space<vmem>>, vector<16xi32>,
      %swap3A_898 = vector.shape_cast %swap3A_897 : vector<16xi32> to vector<16xi32>
      %swap3A_899 = vector.shape_cast %and3A_895 : vector<16xi32> to vector<16xi32>
      tpu.vector_store %arg15[%swap3A_896], %swap3A_899 {strides = array<i32>} : memref<128xi32, #tpu.memory_space<vmem>>, vector<16xi32>,
      %get3A_900 = arith.constant 64 : index
      %get3A_901 = tpu.vector_load %arg10[%get3A_900] {strides = array<i32>} : memref<128xi32, #tpu.memory_space<vmem>>, vector<16xi32>,
      %get3A_902 = vector.shape_cast %get3A_901 : vector<16xi32> to vector<16xi32>
      %shift_right_logical3A_903 = arith.constant 14 : i32
      %shift_right_logical3A_904 = vector.broadcast %shift_right_logical3A_903 : i32 to vector<16xi32>
      %shift_right_logical3A_905 = arith.shrui %get3A_902, %shift_right_logical3A_904 : vector<16xi32>
      %swap3A_906 = arith.constant 64 : index
      %swap3A_907 = tpu.vector_load %arg14[%swap3A_906] {strides = array<i32>} : memref<128xi32, #tpu.memory_space<vmem>>, vector<16xi32>,
      %swap3A_908 = vector.shape_cast %swap3A_907 : vector<16xi32> to vector<16xi32>
      %swap3A_909 = vector.shape_cast %shift_right_logical3A_905 : vector<16xi32> to vector<16xi32>
      tpu.vector_store %arg14[%swap3A_906], %swap3A_909 {strides = array<i32>} : memref<128xi32, #tpu.memory_space<vmem>>, vector<16xi32>,
      %and3A_910 = arith.constant 16383 : i32
      %and3A_911 = vector.broadcast %and3A_910 : i32 to vector<16xi32>
      %and3A_912 = arith.andi %get3A_902, %and3A_911 : vector<16xi32>
      %swap3A_913 = arith.constant 64 : index
      %swap3A_914 = tpu.vector_load %arg15[%swap3A_913] {strides = array<i32>} : memref<128xi32, #tpu.memory_space<vmem>>, vector<16xi32>,
      %swap3A_915 = vector.shape_cast %swap3A_914 : vector<16xi32> to vector<16xi32>
      %swap3A_916 = vector.shape_cast %and3A_912 : vector<16xi32> to vector<16xi32>
      tpu.vector_store %arg15[%swap3A_913], %swap3A_916 {strides = array<i32>} : memref<128xi32, #tpu.memory_space<vmem>>, vector<16xi32>,
      %get3A_917 = arith.constant 80 : index
      %get3A_918 = tpu.vector_load %arg10[%get3A_917] {strides = array<i32>} : memref<128xi32, #tpu.memory_space<vmem>>, vector<16xi32>,
      %get3A_919 = vector.shape_cast %get3A_918 : vector<16xi32> to vector<16xi32>
      %shift_right_logical3A_920 = arith.constant 14 : i32
      %shift_right_logical3A_921 = vector.broadcast %shift_right_logical3A_920 : i32 to vector<16xi32>
      %shift_right_logical3A_922 = arith.shrui %get3A_919, %shift_right_logical3A_921 : vector<16xi32>
      %swap3A_923 = arith.constant 80 : index
      %swap3A_924 = tpu.vector_load %arg14[%swap3A_923] {strides = array<i32>} : memref<128xi32, #tpu.memory_space<vmem>>, vector<16xi32>,
      %swap3A_925 = vector.shape_cast %swap3A_924 : vector<16xi32> to vector<16xi32>
      %swap3A_926 = vector.shape_cast %shift_right_logical3A_922 : vector<16xi32> to vector<16xi32>
      tpu.vector_store %arg14[%swap3A_923], %swap3A_926 {strides = array<i32>} : memref<128xi32, #tpu.memory_space<vmem>>, vector<16xi32>,
      %and3A_927 = arith.constant 16383 : i32
      %and3A_928 = vector.broadcast %and3A_927 : i32 to vector<16xi32>
      %and3A_929 = arith.andi %get3A_919, %and3A_928 : vector<16xi32>
      %swap3A_930 = arith.constant 80 : index
      %swap3A_931 = tpu.vector_load %arg15[%swap3A_930] {strides = array<i32>} : memref<128xi32, #tpu.memory_space<vmem>>, vector<16xi32>,
      %swap3A_932 = vector.shape_cast %swap3A_931 : vector<16xi32> to vector<16xi32>
      %swap3A_933 = vector.shape_cast %and3A_929 : vector<16xi32> to vector<16xi32>
      tpu.vector_store %arg15[%swap3A_930], %swap3A_933 {strides = array<i32>} : memref<128xi32, #tpu.memory_space<vmem>>, vector<16xi32>,
      %get3A_934 = arith.constant 96 : index
      %get3A_935 = tpu.vector_load %arg10[%get3A_934] {strides = array<i32>} : memref<128xi32, #tpu.memory_space<vmem>>, vector<16xi32>,
      %get3A_936 = vector.shape_cast %get3A_935 : vector<16xi32> to vector<16xi32>
      %shift_right_logical3A_937 = arith.constant 14 : i32
      %shift_right_logical3A_938 = vector.broadcast %shift_right_logical3A_937 : i32 to vector<16xi32>
      %shift_right_logical3A_939 = arith.shrui %get3A_936, %shift_right_logical3A_938 : vector<16xi32>
      %swap3A_940 = arith.constant 96 : index
      %swap3A_941 = tpu.vector_load %arg14[%swap3A_940] {strides = array<i32>} : memref<128xi32, #tpu.memory_space<vmem>>, vector<16xi32>,
      %swap3A_942 = vector.shape_cast %swap3A_941 : vector<16xi32> to vector<16xi32>
      %swap3A_943 = vector.shape_cast %shift_right_logical3A_939 : vector<16xi32> to vector<16xi32>
      tpu.vector_store %arg14[%swap3A_940], %swap3A_943 {strides = array<i32>} : memref<128xi32, #tpu.memory_space<vmem>>, vector<16xi32>,
      %and3A_944 = arith.constant 16383 : i32
      %and3A_945 = vector.broadcast %and3A_944 : i32 to vector<16xi32>
      %and3A_946 = arith.andi %get3A_936, %and3A_945 : vector<16xi32>
      %swap3A_947 = arith.constant 96 : index
      %swap3A_948 = tpu.vector_load %arg15[%swap3A_947] {strides = array<i32>} : memref<128xi32, #tpu.memory_space<vmem>>, vector<16xi32>,
      %swap3A_949 = vector.shape_cast %swap3A_948 : vector<16xi32> to vector<16xi32>
      %swap3A_950 = vector.shape_cast %and3A_946 : vector<16xi32> to vector<16xi32>
      tpu.vector_store %arg15[%swap3A_947], %swap3A_950 {strides = array<i32>} : memref<128xi32, #tpu.memory_space<vmem>>, vector<16xi32>,
      %get3A_951 = arith.constant 112 : index
      %get3A_952 = tpu.vector_load %arg10[%get3A_951] {strides = array<i32>} : memref<128xi32, #tpu.memory_space<vmem>>, vector<16xi32>,
      %get3A_953 = vector.shape_cast %get3A_952 : vector<16xi32> to vector<16xi32>
      %shift_right_logical3A_954 = arith.constant 14 : i32
      %shift_right_logical3A_955 = vector.broadcast %shift_right_logical3A_954 : i32 to vector<16xi32>
      %shift_right_logical3A_956 = arith.shrui %get3A_953, %shift_right_logical3A_955 : vector<16xi32>
      %swap3A_957 = arith.constant 112 : index
      %swap3A_958 = tpu.vector_load %arg14[%swap3A_957] {strides = array<i32>} : memref<128xi32, #tpu.memory_space<vmem>>, vector<16xi32>,
      %swap3A_959 = vector.shape_cast %swap3A_958 : vector<16xi32> to vector<16xi32>
      %swap3A_960 = vector.shape_cast %shift_right_logical3A_956 : vector<16xi32> to vector<16xi32>
      tpu.vector_store %arg14[%swap3A_957], %swap3A_960 {strides = array<i32>} : memref<128xi32, #tpu.memory_space<vmem>>, vector<16xi32>,
      %and3A_961 = arith.constant 16383 : i32
      %and3A_962 = vector.broadcast %and3A_961 : i32 to vector<16xi32>
      %and3A_963 = arith.andi %get3A_953, %and3A_962 : vector<16xi32>
      %swap3A_964 = arith.constant 112 : index
      %swap3A_965 = tpu.vector_load %arg15[%swap3A_964] {strides = array<i32>} : memref<128xi32, #tpu.memory_space<vmem>>, vector<16xi32>,
      %swap3A_966 = vector.shape_cast %swap3A_965 : vector<16xi32> to vector<16xi32>
      %swap3A_967 = vector.shape_cast %and3A_963 : vector<16xi32> to vector<16xi32>
      tpu.vector_store %arg15[%swap3A_964], %swap3A_967 {strides = array<i32>} : memref<128xi32, #tpu.memory_space<vmem>>, vector<16xi32>,
      %add3A_968 = arith.constant 8 : i32
      %add3A_969 = arith.addi %add3A_820, %add3A_968 : i32
      %sub3A_970 = arith.constant 1 : i32
      %sub3A_971 = arith.subi %select_n3A_12, %sub3A_970 : i32
      %min3A_972 = arith.minsi %add3A_969, %sub3A_971 : i32
      %add3A_973 = arith.addi %select_n3A, %min3A_972 : i32
      %dma_start3A_974 = arith.constant 0 : i32
      %dma_start3A_975 = tpu.memref_slice %arg3[%add3A_973, %dma_start3A_974] : memref<2560x128xi32, #tpu.memory_space<hbm>> -> memref<1x128xi32, #tpu.memory_space<hbm>>
      %dma_start3A_976 = tpu.memref_squeeze %dma_start3A_975 : memref<1x128xi32, #tpu.memory_space<hbm>> -> memref<128xi32, #tpu.memory_space<hbm>>
      %dma_start3A_977 = arith.constant 0 : i32
      %dma_start3A_978 = tpu.memref_slice %arg3[%add3A_973, %dma_start3A_977] : memref<2560x128xi32, #tpu.memory_space<hbm>> -> memref<1x128xi32, #tpu.memory_space<hbm>>
      %dma_start3A_979 = tpu.memref_squeeze %dma_start3A_978 : memref<1x128xi32, #tpu.memory_space<hbm>> -> memref<128xi32, #tpu.memory_space<hbm>>
      tpu.enqueue_dma source(%dma_start3A_979 : memref<128xi32, #tpu.memory_space<hbm>>) target(%arg10 : memref<128xi32, #tpu.memory_space<vmem>>) target_semaphore(%arg25 : memref<!tpu.dma_semaphore, #tpu.memory_space<semaphore_mem>>)
      %dma_start3A_980 = arith.constant 0 : i32
      %dma_start3A_981 = arith.constant 0 : i32
      %dma_start3A_982 = tpu.memref_slice %arg2[%dma_start3A_980, %dma_start3A_981] : memref<80000x128xf32, #tpu.memory_space<hbm>> -> memref<80000x128xf32, #tpu.memory_space<hbm>>
      tpu.enqueue_indirect_dma source(%dma_start3A_982 : memref<80000x128xf32, #tpu.memory_space<hbm>>) target(%arg18 : memref<128x128xf32, #tpu.memory_space<vmem>>) offsets(%arg14 : memref<128xi32, #tpu.memory_space<vmem>>) semaphore(%arg29 : memref<!tpu.dma_semaphore, #tpu.memory_space<semaphore_mem>>)
      %mul3A_983 = arith.constant 8 : i32
      %mul3A_984 = arith.muli %mul3A_983, %while3A_157 : i32
      %add3A_985 = arith.constant 5 : i32
      %add3A_986 = arith.addi %mul3A_984, %add3A_985 : i32
      %dma_wait3A_987 = arith.constant 0 : i32
      %dma_wait3A_988 = tpu.memref_slice %arg3[%select_n3A, %dma_wait3A_987] : memref<2560x128xi32, #tpu.memory_space<hbm>> -> memref<1x128xi32, #tpu.memory_space<hbm>>
      %dma_wait3A_989 = tpu.memref_squeeze %dma_wait3A_988 : memref<1x128xi32, #tpu.memory_space<hbm>> -> memref<128xi32, #tpu.memory_space<hbm>>
      %dma_wait3A_990 = arith.constant 0 : i32
      %dma_wait3A_991 = tpu.memref_slice %arg3[%select_n3A, %dma_wait3A_990] : memref<2560x128xi32, #tpu.memory_space<hbm>> -> memref<1x128xi32, #tpu.memory_space<hbm>>
      %dma_wait3A_992 = tpu.memref_squeeze %dma_wait3A_991 : memref<1x128xi32, #tpu.memory_space<hbm>> -> memref<128xi32, #tpu.memory_space<hbm>>
      tpu.wait_dma2 semaphore(%arg26 : memref<!tpu.dma_semaphore, #tpu.memory_space<semaphore_mem>>) src(%dma_wait3A_992 : memref<128xi32, #tpu.memory_space<hbm>>) dst(%arg11 : memref<128xi32, #tpu.memory_space<vmem>>)
      %ge3A_993 = arith.constant 2 : i32
      %ge3A_994 = arith.cmpi sge, %add3A_986, %ge3A_993 : i32
      %convert_element_type3A_995 = arith.extui %ge3A_994 : i1 to i32
      %cond3A_996 = arith.constant 0 : i32
      %cond3A_997 = arith.cmpi ne, %convert_element_type3A_995, %cond3A_996 : i32
      scf.if %cond3A_997 {
        %dma_wait3A_1481 = arith.constant 0 : i32
        %dma_wait3A_1482 = arith.constant 0 : i32
        %dma_wait3A_1483 = tpu.memref_slice %arg2[%dma_wait3A_1481, %dma_wait3A_1482] : memref<80000x128xf32, #tpu.memory_space<hbm>> -> memref<80000x128xf32, #tpu.memory_space<hbm>>
        tpu.wait_indirect_dma semaphore(%arg30 : memref<!tpu.dma_semaphore, #tpu.memory_space<semaphore_mem>>) src(%dma_wait3A_1483 : memref<80000x128xf32, #tpu.memory_space<hbm>>) dst(%arg19 : memref<128x128xf32, #tpu.memory_space<vmem>>)
        "tpu.region"() ({
          %run_scoped3A = tpu.sem_alloc : memref<!tpu.dma_semaphore, #tpu.memory_space<semaphore_mem>>
          %dma_start3A_1484 = arith.constant 0 : i32
          %dma_start3A_1485 = arith.constant 0 : i32
          %dma_start3A_1486 = tpu.memref_slice %arg20[%dma_start3A_1484, %dma_start3A_1485] : memref<10240x128xf32, #tpu.memory_space<vmem_shared>> -> memref<10240x128xf32, #tpu.memory_space<vmem_shared>>
          tpu.enqueue_indirect_dma source(%arg19 : memref<128x128xf32, #tpu.memory_space<vmem>>) target(%dma_start3A_1486 : memref<10240x128xf32, #tpu.memory_space<vmem_shared>>) offsets(%arg17 : memref<128xi32, #tpu.memory_space<vmem>>) semaphore(%run_scoped3A : memref<!tpu.dma_semaphore, #tpu.memory_space<semaphore_mem>>) {add = true}
          %dma_wait3A_1487 = arith.constant 0 : i32
          %dma_wait3A_1488 = arith.constant 0 : i32
          %dma_wait3A_1489 = tpu.memref_slice %arg20[%dma_wait3A_1487, %dma_wait3A_1488] : memref<10240x128xf32, #tpu.memory_space<vmem_shared>> -> memref<10240x128xf32, #tpu.memory_space<vmem_shared>>
          tpu.wait_indirect_dma semaphore(%run_scoped3A : memref<!tpu.dma_semaphore, #tpu.memory_space<semaphore_mem>>) src(%arg19 : memref<128x128xf32, #tpu.memory_space<vmem>>) dst(%dma_wait3A_1489 : memref<10240x128xf32, #tpu.memory_space<vmem_shared>>)
          tpu.yield
        }) : () -> ()
      } else {
      }
      %get3A_998 = arith.constant 0 : index
      %get3A_999 = tpu.vector_load %arg11[%get3A_998] {strides = array<i32>} : memref<128xi32, #tpu.memory_space<vmem>>, vector<16xi32>,
      %get3A_1000 = vector.shape_cast %get3A_999 : vector<16xi32> to vector<16xi32>
      %shift_right_logical3A_1001 = arith.constant 14 : i32
      %shift_right_logical3A_1002 = vector.broadcast %shift_right_logical3A_1001 : i32 to vector<16xi32>
      %shift_right_logical3A_1003 = arith.shrui %get3A_1000, %shift_right_logical3A_1002 : vector<16xi32>
      %swap3A_1004 = arith.constant 0 : index
      %swap3A_1005 = tpu.vector_load %arg16[%swap3A_1004] {strides = array<i32>} : memref<128xi32, #tpu.memory_space<vmem>>, vector<16xi32>,
      %swap3A_1006 = vector.shape_cast %swap3A_1005 : vector<16xi32> to vector<16xi32>
      %swap3A_1007 = vector.shape_cast %shift_right_logical3A_1003 : vector<16xi32> to vector<16xi32>
      tpu.vector_store %arg16[%swap3A_1004], %swap3A_1007 {strides = array<i32>} : memref<128xi32, #tpu.memory_space<vmem>>, vector<16xi32>,
      %and3A_1008 = arith.constant 16383 : i32
      %and3A_1009 = vector.broadcast %and3A_1008 : i32 to vector<16xi32>
      %and3A_1010 = arith.andi %get3A_1000, %and3A_1009 : vector<16xi32>
      %swap3A_1011 = arith.constant 0 : index
      %swap3A_1012 = tpu.vector_load %arg17[%swap3A_1011] {strides = array<i32>} : memref<128xi32, #tpu.memory_space<vmem>>, vector<16xi32>,
      %swap3A_1013 = vector.shape_cast %swap3A_1012 : vector<16xi32> to vector<16xi32>
      %swap3A_1014 = vector.shape_cast %and3A_1010 : vector<16xi32> to vector<16xi32>
      tpu.vector_store %arg17[%swap3A_1011], %swap3A_1014 {strides = array<i32>} : memref<128xi32, #tpu.memory_space<vmem>>, vector<16xi32>,
      %get3A_1015 = arith.constant 16 : index
      %get3A_1016 = tpu.vector_load %arg11[%get3A_1015] {strides = array<i32>} : memref<128xi32, #tpu.memory_space<vmem>>, vector<16xi32>,
      %get3A_1017 = vector.shape_cast %get3A_1016 : vector<16xi32> to vector<16xi32>
      %shift_right_logical3A_1018 = arith.constant 14 : i32
      %shift_right_logical3A_1019 = vector.broadcast %shift_right_logical3A_1018 : i32 to vector<16xi32>
      %shift_right_logical3A_1020 = arith.shrui %get3A_1017, %shift_right_logical3A_1019 : vector<16xi32>
      %swap3A_1021 = arith.constant 16 : index
      %swap3A_1022 = tpu.vector_load %arg16[%swap3A_1021] {strides = array<i32>} : memref<128xi32, #tpu.memory_space<vmem>>, vector<16xi32>,
      %swap3A_1023 = vector.shape_cast %swap3A_1022 : vector<16xi32> to vector<16xi32>
      %swap3A_1024 = vector.shape_cast %shift_right_logical3A_1020 : vector<16xi32> to vector<16xi32>
      tpu.vector_store %arg16[%swap3A_1021], %swap3A_1024 {strides = array<i32>} : memref<128xi32, #tpu.memory_space<vmem>>, vector<16xi32>,
      %and3A_1025 = arith.constant 16383 : i32
      %and3A_1026 = vector.broadcast %and3A_1025 : i32 to vector<16xi32>
      %and3A_1027 = arith.andi %get3A_1017, %and3A_1026 : vector<16xi32>
      %swap3A_1028 = arith.constant 16 : index
      %swap3A_1029 = tpu.vector_load %arg17[%swap3A_1028] {strides = array<i32>} : memref<128xi32, #tpu.memory_space<vmem>>, vector<16xi32>,
      %swap3A_1030 = vector.shape_cast %swap3A_1029 : vector<16xi32> to vector<16xi32>
      %swap3A_1031 = vector.shape_cast %and3A_1027 : vector<16xi32> to vector<16xi32>
      tpu.vector_store %arg17[%swap3A_1028], %swap3A_1031 {strides = array<i32>} : memref<128xi32, #tpu.memory_space<vmem>>, vector<16xi32>,
      %get3A_1032 = arith.constant 32 : index
      %get3A_1033 = tpu.vector_load %arg11[%get3A_1032] {strides = array<i32>} : memref<128xi32, #tpu.memory_space<vmem>>, vector<16xi32>,
      %get3A_1034 = vector.shape_cast %get3A_1033 : vector<16xi32> to vector<16xi32>
      %shift_right_logical3A_1035 = arith.constant 14 : i32
      %shift_right_logical3A_1036 = vector.broadcast %shift_right_logical3A_1035 : i32 to vector<16xi32>
      %shift_right_logical3A_1037 = arith.shrui %get3A_1034, %shift_right_logical3A_1036 : vector<16xi32>
      %swap3A_1038 = arith.constant 32 : index
      %swap3A_1039 = tpu.vector_load %arg16[%swap3A_1038] {strides = array<i32>} : memref<128xi32, #tpu.memory_space<vmem>>, vector<16xi32>,
      %swap3A_1040 = vector.shape_cast %swap3A_1039 : vector<16xi32> to vector<16xi32>
      %swap3A_1041 = vector.shape_cast %shift_right_logical3A_1037 : vector<16xi32> to vector<16xi32>
      tpu.vector_store %arg16[%swap3A_1038], %swap3A_1041 {strides = array<i32>} : memref<128xi32, #tpu.memory_space<vmem>>, vector<16xi32>,
      %and3A_1042 = arith.constant 16383 : i32
      %and3A_1043 = vector.broadcast %and3A_1042 : i32 to vector<16xi32>
      %and3A_1044 = arith.andi %get3A_1034, %and3A_1043 : vector<16xi32>
      %swap3A_1045 = arith.constant 32 : index
      %swap3A_1046 = tpu.vector_load %arg17[%swap3A_1045] {strides = array<i32>} : memref<128xi32, #tpu.memory_space<vmem>>, vector<16xi32>,
      %swap3A_1047 = vector.shape_cast %swap3A_1046 : vector<16xi32> to vector<16xi32>
      %swap3A_1048 = vector.shape_cast %and3A_1044 : vector<16xi32> to vector<16xi32>
      tpu.vector_store %arg17[%swap3A_1045], %swap3A_1048 {strides = array<i32>} : memref<128xi32, #tpu.memory_space<vmem>>, vector<16xi32>,
      %get3A_1049 = arith.constant 48 : index
      %get3A_1050 = tpu.vector_load %arg11[%get3A_1049] {strides = array<i32>} : memref<128xi32, #tpu.memory_space<vmem>>, vector<16xi32>,
      %get3A_1051 = vector.shape_cast %get3A_1050 : vector<16xi32> to vector<16xi32>
      %shift_right_logical3A_1052 = arith.constant 14 : i32
      %shift_right_logical3A_1053 = vector.broadcast %shift_right_logical3A_1052 : i32 to vector<16xi32>
      %shift_right_logical3A_1054 = arith.shrui %get3A_1051, %shift_right_logical3A_1053 : vector<16xi32>
      %swap3A_1055 = arith.constant 48 : index
      %swap3A_1056 = tpu.vector_load %arg16[%swap3A_1055] {strides = array<i32>} : memref<128xi32, #tpu.memory_space<vmem>>, vector<16xi32>,
      %swap3A_1057 = vector.shape_cast %swap3A_1056 : vector<16xi32> to vector<16xi32>
      %swap3A_1058 = vector.shape_cast %shift_right_logical3A_1054 : vector<16xi32> to vector<16xi32>
      tpu.vector_store %arg16[%swap3A_1055], %swap3A_1058 {strides = array<i32>} : memref<128xi32, #tpu.memory_space<vmem>>, vector<16xi32>,
      %and3A_1059 = arith.constant 16383 : i32
      %and3A_1060 = vector.broadcast %and3A_1059 : i32 to vector<16xi32>
      %and3A_1061 = arith.andi %get3A_1051, %and3A_1060 : vector<16xi32>
      %swap3A_1062 = arith.constant 48 : index
      %swap3A_1063 = tpu.vector_load %arg17[%swap3A_1062] {strides = array<i32>} : memref<128xi32, #tpu.memory_space<vmem>>, vector<16xi32>,
      %swap3A_1064 = vector.shape_cast %swap3A_1063 : vector<16xi32> to vector<16xi32>
      %swap3A_1065 = vector.shape_cast %and3A_1061 : vector<16xi32> to vector<16xi32>
      tpu.vector_store %arg17[%swap3A_1062], %swap3A_1065 {strides = array<i32>} : memref<128xi32, #tpu.memory_space<vmem>>, vector<16xi32>,
      %get3A_1066 = arith.constant 64 : index
      %get3A_1067 = tpu.vector_load %arg11[%get3A_1066] {strides = array<i32>} : memref<128xi32, #tpu.memory_space<vmem>>, vector<16xi32>,
      %get3A_1068 = vector.shape_cast %get3A_1067 : vector<16xi32> to vector<16xi32>
      %shift_right_logical3A_1069 = arith.constant 14 : i32
      %shift_right_logical3A_1070 = vector.broadcast %shift_right_logical3A_1069 : i32 to vector<16xi32>
      %shift_right_logical3A_1071 = arith.shrui %get3A_1068, %shift_right_logical3A_1070 : vector<16xi32>
      %swap3A_1072 = arith.constant 64 : index
      %swap3A_1073 = tpu.vector_load %arg16[%swap3A_1072] {strides = array<i32>} : memref<128xi32, #tpu.memory_space<vmem>>, vector<16xi32>,
      %swap3A_1074 = vector.shape_cast %swap3A_1073 : vector<16xi32> to vector<16xi32>
      %swap3A_1075 = vector.shape_cast %shift_right_logical3A_1071 : vector<16xi32> to vector<16xi32>
      tpu.vector_store %arg16[%swap3A_1072], %swap3A_1075 {strides = array<i32>} : memref<128xi32, #tpu.memory_space<vmem>>, vector<16xi32>,
      %and3A_1076 = arith.constant 16383 : i32
      %and3A_1077 = vector.broadcast %and3A_1076 : i32 to vector<16xi32>
      %and3A_1078 = arith.andi %get3A_1068, %and3A_1077 : vector<16xi32>
      %swap3A_1079 = arith.constant 64 : index
      %swap3A_1080 = tpu.vector_load %arg17[%swap3A_1079] {strides = array<i32>} : memref<128xi32, #tpu.memory_space<vmem>>, vector<16xi32>,
      %swap3A_1081 = vector.shape_cast %swap3A_1080 : vector<16xi32> to vector<16xi32>
      %swap3A_1082 = vector.shape_cast %and3A_1078 : vector<16xi32> to vector<16xi32>
      tpu.vector_store %arg17[%swap3A_1079], %swap3A_1082 {strides = array<i32>} : memref<128xi32, #tpu.memory_space<vmem>>, vector<16xi32>,
      %get3A_1083 = arith.constant 80 : index
      %get3A_1084 = tpu.vector_load %arg11[%get3A_1083] {strides = array<i32>} : memref<128xi32, #tpu.memory_space<vmem>>, vector<16xi32>,
      %get3A_1085 = vector.shape_cast %get3A_1084 : vector<16xi32> to vector<16xi32>
      %shift_right_logical3A_1086 = arith.constant 14 : i32
      %shift_right_logical3A_1087 = vector.broadcast %shift_right_logical3A_1086 : i32 to vector<16xi32>
      %shift_right_logical3A_1088 = arith.shrui %get3A_1085, %shift_right_logical3A_1087 : vector<16xi32>
      %swap3A_1089 = arith.constant 80 : index
      %swap3A_1090 = tpu.vector_load %arg16[%swap3A_1089] {strides = array<i32>} : memref<128xi32, #tpu.memory_space<vmem>>, vector<16xi32>,
      %swap3A_1091 = vector.shape_cast %swap3A_1090 : vector<16xi32> to vector<16xi32>
      %swap3A_1092 = vector.shape_cast %shift_right_logical3A_1088 : vector<16xi32> to vector<16xi32>
      tpu.vector_store %arg16[%swap3A_1089], %swap3A_1092 {strides = array<i32>} : memref<128xi32, #tpu.memory_space<vmem>>, vector<16xi32>,
      %and3A_1093 = arith.constant 16383 : i32
      %and3A_1094 = vector.broadcast %and3A_1093 : i32 to vector<16xi32>
      %and3A_1095 = arith.andi %get3A_1085, %and3A_1094 : vector<16xi32>
      %swap3A_1096 = arith.constant 80 : index
      %swap3A_1097 = tpu.vector_load %arg17[%swap3A_1096] {strides = array<i32>} : memref<128xi32, #tpu.memory_space<vmem>>, vector<16xi32>,
      %swap3A_1098 = vector.shape_cast %swap3A_1097 : vector<16xi32> to vector<16xi32>
      %swap3A_1099 = vector.shape_cast %and3A_1095 : vector<16xi32> to vector<16xi32>
      tpu.vector_store %arg17[%swap3A_1096], %swap3A_1099 {strides = array<i32>} : memref<128xi32, #tpu.memory_space<vmem>>, vector<16xi32>,
      %get3A_1100 = arith.constant 96 : index
      %get3A_1101 = tpu.vector_load %arg11[%get3A_1100] {strides = array<i32>} : memref<128xi32, #tpu.memory_space<vmem>>, vector<16xi32>,
      %get3A_1102 = vector.shape_cast %get3A_1101 : vector<16xi32> to vector<16xi32>
      %shift_right_logical3A_1103 = arith.constant 14 : i32
      %shift_right_logical3A_1104 = vector.broadcast %shift_right_logical3A_1103 : i32 to vector<16xi32>
      %shift_right_logical3A_1105 = arith.shrui %get3A_1102, %shift_right_logical3A_1104 : vector<16xi32>
      %swap3A_1106 = arith.constant 96 : index
      %swap3A_1107 = tpu.vector_load %arg16[%swap3A_1106] {strides = array<i32>} : memref<128xi32, #tpu.memory_space<vmem>>, vector<16xi32>,
      %swap3A_1108 = vector.shape_cast %swap3A_1107 : vector<16xi32> to vector<16xi32>
      %swap3A_1109 = vector.shape_cast %shift_right_logical3A_1105 : vector<16xi32> to vector<16xi32>
      tpu.vector_store %arg16[%swap3A_1106], %swap3A_1109 {strides = array<i32>} : memref<128xi32, #tpu.memory_space<vmem>>, vector<16xi32>,
      %and3A_1110 = arith.constant 16383 : i32
      %and3A_1111 = vector.broadcast %and3A_1110 : i32 to vector<16xi32>
      %and3A_1112 = arith.andi %get3A_1102, %and3A_1111 : vector<16xi32>
      %swap3A_1113 = arith.constant 96 : index
      %swap3A_1114 = tpu.vector_load %arg17[%swap3A_1113] {strides = array<i32>} : memref<128xi32, #tpu.memory_space<vmem>>, vector<16xi32>,
      %swap3A_1115 = vector.shape_cast %swap3A_1114 : vector<16xi32> to vector<16xi32>
      %swap3A_1116 = vector.shape_cast %and3A_1112 : vector<16xi32> to vector<16xi32>
      tpu.vector_store %arg17[%swap3A_1113], %swap3A_1116 {strides = array<i32>} : memref<128xi32, #tpu.memory_space<vmem>>, vector<16xi32>,
      %get3A_1117 = arith.constant 112 : index
      %get3A_1118 = tpu.vector_load %arg11[%get3A_1117] {strides = array<i32>} : memref<128xi32, #tpu.memory_space<vmem>>, vector<16xi32>,
      %get3A_1119 = vector.shape_cast %get3A_1118 : vector<16xi32> to vector<16xi32>
      %shift_right_logical3A_1120 = arith.constant 14 : i32
      %shift_right_logical3A_1121 = vector.broadcast %shift_right_logical3A_1120 : i32 to vector<16xi32>
      %shift_right_logical3A_1122 = arith.shrui %get3A_1119, %shift_right_logical3A_1121 : vector<16xi32>
      %swap3A_1123 = arith.constant 112 : index
      %swap3A_1124 = tpu.vector_load %arg16[%swap3A_1123] {strides = array<i32>} : memref<128xi32, #tpu.memory_space<vmem>>, vector<16xi32>,
      %swap3A_1125 = vector.shape_cast %swap3A_1124 : vector<16xi32> to vector<16xi32>
      %swap3A_1126 = vector.shape_cast %shift_right_logical3A_1122 : vector<16xi32> to vector<16xi32>
      tpu.vector_store %arg16[%swap3A_1123], %swap3A_1126 {strides = array<i32>} : memref<128xi32, #tpu.memory_space<vmem>>, vector<16xi32>,
      %and3A_1127 = arith.constant 16383 : i32
      %and3A_1128 = vector.broadcast %and3A_1127 : i32 to vector<16xi32>
      %and3A_1129 = arith.andi %get3A_1119, %and3A_1128 : vector<16xi32>
      %swap3A_1130 = arith.constant 112 : index
      %swap3A_1131 = tpu.vector_load %arg17[%swap3A_1130] {strides = array<i32>} : memref<128xi32, #tpu.memory_space<vmem>>, vector<16xi32>,
      %swap3A_1132 = vector.shape_cast %swap3A_1131 : vector<16xi32> to vector<16xi32>
      %swap3A_1133 = vector.shape_cast %and3A_1129 : vector<16xi32> to vector<16xi32>
      tpu.vector_store %arg17[%swap3A_1130], %swap3A_1133 {strides = array<i32>} : memref<128xi32, #tpu.memory_space<vmem>>, vector<16xi32>,
      %add3A_1134 = arith.constant 8 : i32
      %add3A_1135 = arith.addi %add3A_986, %add3A_1134 : i32
      %sub3A_1136 = arith.constant 1 : i32
      %sub3A_1137 = arith.subi %select_n3A_12, %sub3A_1136 : i32
      %min3A_1138 = arith.minsi %add3A_1135, %sub3A_1137 : i32
      %add3A_1139 = arith.addi %select_n3A, %min3A_1138 : i32
      %dma_start3A_1140 = arith.constant 0 : i32
      %dma_start3A_1141 = tpu.memref_slice %arg3[%add3A_1139, %dma_start3A_1140] : memref<2560x128xi32, #tpu.memory_space<hbm>> -> memref<1x128xi32, #tpu.memory_space<hbm>>
      %dma_start3A_1142 = tpu.memref_squeeze %dma_start3A_1141 : memref<1x128xi32, #tpu.memory_space<hbm>> -> memref<128xi32, #tpu.memory_space<hbm>>
      %dma_start3A_1143 = arith.constant 0 : i32
      %dma_start3A_1144 = tpu.memref_slice %arg3[%add3A_1139, %dma_start3A_1143] : memref<2560x128xi32, #tpu.memory_space<hbm>> -> memref<1x128xi32, #tpu.memory_space<hbm>>
      %dma_start3A_1145 = tpu.memref_squeeze %dma_start3A_1144 : memref<1x128xi32, #tpu.memory_space<hbm>> -> memref<128xi32, #tpu.memory_space<hbm>>
      tpu.enqueue_dma source(%dma_start3A_1145 : memref<128xi32, #tpu.memory_space<hbm>>) target(%arg11 : memref<128xi32, #tpu.memory_space<vmem>>) target_semaphore(%arg26 : memref<!tpu.dma_semaphore, #tpu.memory_space<semaphore_mem>>)
      %dma_start3A_1146 = arith.constant 0 : i32
      %dma_start3A_1147 = arith.constant 0 : i32
      %dma_start3A_1148 = tpu.memref_slice %arg2[%dma_start3A_1146, %dma_start3A_1147] : memref<80000x128xf32, #tpu.memory_space<hbm>> -> memref<80000x128xf32, #tpu.memory_space<hbm>>
      tpu.enqueue_indirect_dma source(%dma_start3A_1148 : memref<80000x128xf32, #tpu.memory_space<hbm>>) target(%arg19 : memref<128x128xf32, #tpu.memory_space<vmem>>) offsets(%arg16 : memref<128xi32, #tpu.memory_space<vmem>>) semaphore(%arg30 : memref<!tpu.dma_semaphore, #tpu.memory_space<semaphore_mem>>)
      %mul3A_1149 = arith.constant 8 : i32
      %mul3A_1150 = arith.muli %mul3A_1149, %while3A_157 : i32
      %add3A_1151 = arith.constant 6 : i32
      %add3A_1152 = arith.addi %mul3A_1150, %add3A_1151 : i32
      %dma_wait3A_1153 = arith.constant 0 : i32
      %dma_wait3A_1154 = tpu.memref_slice %arg3[%select_n3A, %dma_wait3A_1153] : memref<2560x128xi32, #tpu.memory_space<hbm>> -> memref<1x128xi32, #tpu.memory_space<hbm>>
      %dma_wait3A_1155 = tpu.memref_squeeze %dma_wait3A_1154 : memref<1x128xi32, #tpu.memory_space<hbm>> -> memref<128xi32, #tpu.memory_space<hbm>>
      %dma_wait3A_1156 = arith.constant 0 : i32
      %dma_wait3A_1157 = tpu.memref_slice %arg3[%select_n3A, %dma_wait3A_1156] : memref<2560x128xi32, #tpu.memory_space<hbm>> -> memref<1x128xi32, #tpu.memory_space<hbm>>
      %dma_wait3A_1158 = tpu.memref_squeeze %dma_wait3A_1157 : memref<1x128xi32, #tpu.memory_space<hbm>> -> memref<128xi32, #tpu.memory_space<hbm>>
      tpu.wait_dma2 semaphore(%arg27 : memref<!tpu.dma_semaphore, #tpu.memory_space<semaphore_mem>>) src(%dma_wait3A_1158 : memref<128xi32, #tpu.memory_space<hbm>>) dst(%arg12 : memref<128xi32, #tpu.memory_space<vmem>>)
      %ge3A_1159 = arith.constant 2 : i32
      %ge3A_1160 = arith.cmpi sge, %add3A_1152, %ge3A_1159 : i32
      %convert_element_type3A_1161 = arith.extui %ge3A_1160 : i1 to i32
      %cond3A_1162 = arith.constant 0 : i32
      %cond3A_1163 = arith.cmpi ne, %convert_element_type3A_1161, %cond3A_1162 : i32
      scf.if %cond3A_1163 {
        %dma_wait3A_1481 = arith.constant 0 : i32
        %dma_wait3A_1482 = arith.constant 0 : i32
        %dma_wait3A_1483 = tpu.memref_slice %arg2[%dma_wait3A_1481, %dma_wait3A_1482] : memref<80000x128xf32, #tpu.memory_space<hbm>> -> memref<80000x128xf32, #tpu.memory_space<hbm>>
        tpu.wait_indirect_dma semaphore(%arg29 : memref<!tpu.dma_semaphore, #tpu.memory_space<semaphore_mem>>) src(%dma_wait3A_1483 : memref<80000x128xf32, #tpu.memory_space<hbm>>) dst(%arg18 : memref<128x128xf32, #tpu.memory_space<vmem>>)
        "tpu.region"() ({
          %run_scoped3A = tpu.sem_alloc : memref<!tpu.dma_semaphore, #tpu.memory_space<semaphore_mem>>
          %dma_start3A_1484 = arith.constant 0 : i32
          %dma_start3A_1485 = arith.constant 0 : i32
          %dma_start3A_1486 = tpu.memref_slice %arg20[%dma_start3A_1484, %dma_start3A_1485] : memref<10240x128xf32, #tpu.memory_space<vmem_shared>> -> memref<10240x128xf32, #tpu.memory_space<vmem_shared>>
          tpu.enqueue_indirect_dma source(%arg18 : memref<128x128xf32, #tpu.memory_space<vmem>>) target(%dma_start3A_1486 : memref<10240x128xf32, #tpu.memory_space<vmem_shared>>) offsets(%arg15 : memref<128xi32, #tpu.memory_space<vmem>>) semaphore(%run_scoped3A : memref<!tpu.dma_semaphore, #tpu.memory_space<semaphore_mem>>) {add = true}
          %dma_wait3A_1487 = arith.constant 0 : i32
          %dma_wait3A_1488 = arith.constant 0 : i32
          %dma_wait3A_1489 = tpu.memref_slice %arg20[%dma_wait3A_1487, %dma_wait3A_1488] : memref<10240x128xf32, #tpu.memory_space<vmem_shared>> -> memref<10240x128xf32, #tpu.memory_space<vmem_shared>>
          tpu.wait_indirect_dma semaphore(%run_scoped3A : memref<!tpu.dma_semaphore, #tpu.memory_space<semaphore_mem>>) src(%arg18 : memref<128x128xf32, #tpu.memory_space<vmem>>) dst(%dma_wait3A_1489 : memref<10240x128xf32, #tpu.memory_space<vmem_shared>>)
          tpu.yield
        }) : () -> ()
      } else {
      }
      %get3A_1164 = arith.constant 0 : index
      %get3A_1165 = tpu.vector_load %arg12[%get3A_1164] {strides = array<i32>} : memref<128xi32, #tpu.memory_space<vmem>>, vector<16xi32>,
      %get3A_1166 = vector.shape_cast %get3A_1165 : vector<16xi32> to vector<16xi32>
      %shift_right_logical3A_1167 = arith.constant 14 : i32
      %shift_right_logical3A_1168 = vector.broadcast %shift_right_logical3A_1167 : i32 to vector<16xi32>
      %shift_right_logical3A_1169 = arith.shrui %get3A_1166, %shift_right_logical3A_1168 : vector<16xi32>
      %swap3A_1170 = arith.constant 0 : index
      %swap3A_1171 = tpu.vector_load %arg14[%swap3A_1170] {strides = array<i32>} : memref<128xi32, #tpu.memory_space<vmem>>, vector<16xi32>,
      %swap3A_1172 = vector.shape_cast %swap3A_1171 : vector<16xi32> to vector<16xi32>
      %swap3A_1173 = vector.shape_cast %shift_right_logical3A_1169 : vector<16xi32> to vector<16xi32>
      tpu.vector_store %arg14[%swap3A_1170], %swap3A_1173 {strides = array<i32>} : memref<128xi32, #tpu.memory_space<vmem>>, vector<16xi32>,
      %and3A_1174 = arith.constant 16383 : i32
      %and3A_1175 = vector.broadcast %and3A_1174 : i32 to vector<16xi32>
      %and3A_1176 = arith.andi %get3A_1166, %and3A_1175 : vector<16xi32>
      %swap3A_1177 = arith.constant 0 : index
      %swap3A_1178 = tpu.vector_load %arg15[%swap3A_1177] {strides = array<i32>} : memref<128xi32, #tpu.memory_space<vmem>>, vector<16xi32>,
      %swap3A_1179 = vector.shape_cast %swap3A_1178 : vector<16xi32> to vector<16xi32>
      %swap3A_1180 = vector.shape_cast %and3A_1176 : vector<16xi32> to vector<16xi32>
      tpu.vector_store %arg15[%swap3A_1177], %swap3A_1180 {strides = array<i32>} : memref<128xi32, #tpu.memory_space<vmem>>, vector<16xi32>,
      %get3A_1181 = arith.constant 16 : index
      %get3A_1182 = tpu.vector_load %arg12[%get3A_1181] {strides = array<i32>} : memref<128xi32, #tpu.memory_space<vmem>>, vector<16xi32>,
      %get3A_1183 = vector.shape_cast %get3A_1182 : vector<16xi32> to vector<16xi32>
      %shift_right_logical3A_1184 = arith.constant 14 : i32
      %shift_right_logical3A_1185 = vector.broadcast %shift_right_logical3A_1184 : i32 to vector<16xi32>
      %shift_right_logical3A_1186 = arith.shrui %get3A_1183, %shift_right_logical3A_1185 : vector<16xi32>
      %swap3A_1187 = arith.constant 16 : index
      %swap3A_1188 = tpu.vector_load %arg14[%swap3A_1187] {strides = array<i32>} : memref<128xi32, #tpu.memory_space<vmem>>, vector<16xi32>,
      %swap3A_1189 = vector.shape_cast %swap3A_1188 : vector<16xi32> to vector<16xi32>
      %swap3A_1190 = vector.shape_cast %shift_right_logical3A_1186 : vector<16xi32> to vector<16xi32>
      tpu.vector_store %arg14[%swap3A_1187], %swap3A_1190 {strides = array<i32>} : memref<128xi32, #tpu.memory_space<vmem>>, vector<16xi32>,
      %and3A_1191 = arith.constant 16383 : i32
      %and3A_1192 = vector.broadcast %and3A_1191 : i32 to vector<16xi32>
      %and3A_1193 = arith.andi %get3A_1183, %and3A_1192 : vector<16xi32>
      %swap3A_1194 = arith.constant 16 : index
      %swap3A_1195 = tpu.vector_load %arg15[%swap3A_1194] {strides = array<i32>} : memref<128xi32, #tpu.memory_space<vmem>>, vector<16xi32>,
      %swap3A_1196 = vector.shape_cast %swap3A_1195 : vector<16xi32> to vector<16xi32>
      %swap3A_1197 = vector.shape_cast %and3A_1193 : vector<16xi32> to vector<16xi32>
      tpu.vector_store %arg15[%swap3A_1194], %swap3A_1197 {strides = array<i32>} : memref<128xi32, #tpu.memory_space<vmem>>, vector<16xi32>,
      %get3A_1198 = arith.constant 32 : index
      %get3A_1199 = tpu.vector_load %arg12[%get3A_1198] {strides = array<i32>} : memref<128xi32, #tpu.memory_space<vmem>>, vector<16xi32>,
      %get3A_1200 = vector.shape_cast %get3A_1199 : vector<16xi32> to vector<16xi32>
      %shift_right_logical3A_1201 = arith.constant 14 : i32
      %shift_right_logical3A_1202 = vector.broadcast %shift_right_logical3A_1201 : i32 to vector<16xi32>
      %shift_right_logical3A_1203 = arith.shrui %get3A_1200, %shift_right_logical3A_1202 : vector<16xi32>
      %swap3A_1204 = arith.constant 32 : index
      %swap3A_1205 = tpu.vector_load %arg14[%swap3A_1204] {strides = array<i32>} : memref<128xi32, #tpu.memory_space<vmem>>, vector<16xi32>,
      %swap3A_1206 = vector.shape_cast %swap3A_1205 : vector<16xi32> to vector<16xi32>
      %swap3A_1207 = vector.shape_cast %shift_right_logical3A_1203 : vector<16xi32> to vector<16xi32>
      tpu.vector_store %arg14[%swap3A_1204], %swap3A_1207 {strides = array<i32>} : memref<128xi32, #tpu.memory_space<vmem>>, vector<16xi32>,
      %and3A_1208 = arith.constant 16383 : i32
      %and3A_1209 = vector.broadcast %and3A_1208 : i32 to vector<16xi32>
      %and3A_1210 = arith.andi %get3A_1200, %and3A_1209 : vector<16xi32>
      %swap3A_1211 = arith.constant 32 : index
      %swap3A_1212 = tpu.vector_load %arg15[%swap3A_1211] {strides = array<i32>} : memref<128xi32, #tpu.memory_space<vmem>>, vector<16xi32>,
      %swap3A_1213 = vector.shape_cast %swap3A_1212 : vector<16xi32> to vector<16xi32>
      %swap3A_1214 = vector.shape_cast %and3A_1210 : vector<16xi32> to vector<16xi32>
      tpu.vector_store %arg15[%swap3A_1211], %swap3A_1214 {strides = array<i32>} : memref<128xi32, #tpu.memory_space<vmem>>, vector<16xi32>,
      %get3A_1215 = arith.constant 48 : index
      %get3A_1216 = tpu.vector_load %arg12[%get3A_1215] {strides = array<i32>} : memref<128xi32, #tpu.memory_space<vmem>>, vector<16xi32>,
      %get3A_1217 = vector.shape_cast %get3A_1216 : vector<16xi32> to vector<16xi32>
      %shift_right_logical3A_1218 = arith.constant 14 : i32
      %shift_right_logical3A_1219 = vector.broadcast %shift_right_logical3A_1218 : i32 to vector<16xi32>
      %shift_right_logical3A_1220 = arith.shrui %get3A_1217, %shift_right_logical3A_1219 : vector<16xi32>
      %swap3A_1221 = arith.constant 48 : index
      %swap3A_1222 = tpu.vector_load %arg14[%swap3A_1221] {strides = array<i32>} : memref<128xi32, #tpu.memory_space<vmem>>, vector<16xi32>,
      %swap3A_1223 = vector.shape_cast %swap3A_1222 : vector<16xi32> to vector<16xi32>
      %swap3A_1224 = vector.shape_cast %shift_right_logical3A_1220 : vector<16xi32> to vector<16xi32>
      tpu.vector_store %arg14[%swap3A_1221], %swap3A_1224 {strides = array<i32>} : memref<128xi32, #tpu.memory_space<vmem>>, vector<16xi32>,
      %and3A_1225 = arith.constant 16383 : i32
      %and3A_1226 = vector.broadcast %and3A_1225 : i32 to vector<16xi32>
      %and3A_1227 = arith.andi %get3A_1217, %and3A_1226 : vector<16xi32>
      %swap3A_1228 = arith.constant 48 : index
      %swap3A_1229 = tpu.vector_load %arg15[%swap3A_1228] {strides = array<i32>} : memref<128xi32, #tpu.memory_space<vmem>>, vector<16xi32>,
      %swap3A_1230 = vector.shape_cast %swap3A_1229 : vector<16xi32> to vector<16xi32>
      %swap3A_1231 = vector.shape_cast %and3A_1227 : vector<16xi32> to vector<16xi32>
      tpu.vector_store %arg15[%swap3A_1228], %swap3A_1231 {strides = array<i32>} : memref<128xi32, #tpu.memory_space<vmem>>, vector<16xi32>,
      %get3A_1232 = arith.constant 64 : index
      %get3A_1233 = tpu.vector_load %arg12[%get3A_1232] {strides = array<i32>} : memref<128xi32, #tpu.memory_space<vmem>>, vector<16xi32>,
      %get3A_1234 = vector.shape_cast %get3A_1233 : vector<16xi32> to vector<16xi32>
      %shift_right_logical3A_1235 = arith.constant 14 : i32
      %shift_right_logical3A_1236 = vector.broadcast %shift_right_logical3A_1235 : i32 to vector<16xi32>
      %shift_right_logical3A_1237 = arith.shrui %get3A_1234, %shift_right_logical3A_1236 : vector<16xi32>
      %swap3A_1238 = arith.constant 64 : index
      %swap3A_1239 = tpu.vector_load %arg14[%swap3A_1238] {strides = array<i32>} : memref<128xi32, #tpu.memory_space<vmem>>, vector<16xi32>,
      %swap3A_1240 = vector.shape_cast %swap3A_1239 : vector<16xi32> to vector<16xi32>
      %swap3A_1241 = vector.shape_cast %shift_right_logical3A_1237 : vector<16xi32> to vector<16xi32>
      tpu.vector_store %arg14[%swap3A_1238], %swap3A_1241 {strides = array<i32>} : memref<128xi32, #tpu.memory_space<vmem>>, vector<16xi32>,
      %and3A_1242 = arith.constant 16383 : i32
      %and3A_1243 = vector.broadcast %and3A_1242 : i32 to vector<16xi32>
      %and3A_1244 = arith.andi %get3A_1234, %and3A_1243 : vector<16xi32>
      %swap3A_1245 = arith.constant 64 : index
      %swap3A_1246 = tpu.vector_load %arg15[%swap3A_1245] {strides = array<i32>} : memref<128xi32, #tpu.memory_space<vmem>>, vector<16xi32>,
      %swap3A_1247 = vector.shape_cast %swap3A_1246 : vector<16xi32> to vector<16xi32>
      %swap3A_1248 = vector.shape_cast %and3A_1244 : vector<16xi32> to vector<16xi32>
      tpu.vector_store %arg15[%swap3A_1245], %swap3A_1248 {strides = array<i32>} : memref<128xi32, #tpu.memory_space<vmem>>, vector<16xi32>,
      %get3A_1249 = arith.constant 80 : index
      %get3A_1250 = tpu.vector_load %arg12[%get3A_1249] {strides = array<i32>} : memref<128xi32, #tpu.memory_space<vmem>>, vector<16xi32>,
      %get3A_1251 = vector.shape_cast %get3A_1250 : vector<16xi32> to vector<16xi32>
      %shift_right_logical3A_1252 = arith.constant 14 : i32
      %shift_right_logical3A_1253 = vector.broadcast %shift_right_logical3A_1252 : i32 to vector<16xi32>
      %shift_right_logical3A_1254 = arith.shrui %get3A_1251, %shift_right_logical3A_1253 : vector<16xi32>
      %swap3A_1255 = arith.constant 80 : index
      %swap3A_1256 = tpu.vector_load %arg14[%swap3A_1255] {strides = array<i32>} : memref<128xi32, #tpu.memory_space<vmem>>, vector<16xi32>,
      %swap3A_1257 = vector.shape_cast %swap3A_1256 : vector<16xi32> to vector<16xi32>
      %swap3A_1258 = vector.shape_cast %shift_right_logical3A_1254 : vector<16xi32> to vector<16xi32>
      tpu.vector_store %arg14[%swap3A_1255], %swap3A_1258 {strides = array<i32>} : memref<128xi32, #tpu.memory_space<vmem>>, vector<16xi32>,
      %and3A_1259 = arith.constant 16383 : i32
      %and3A_1260 = vector.broadcast %and3A_1259 : i32 to vector<16xi32>
      %and3A_1261 = arith.andi %get3A_1251, %and3A_1260 : vector<16xi32>
      %swap3A_1262 = arith.constant 80 : index
      %swap3A_1263 = tpu.vector_load %arg15[%swap3A_1262] {strides = array<i32>} : memref<128xi32, #tpu.memory_space<vmem>>, vector<16xi32>,
      %swap3A_1264 = vector.shape_cast %swap3A_1263 : vector<16xi32> to vector<16xi32>
      %swap3A_1265 = vector.shape_cast %and3A_1261 : vector<16xi32> to vector<16xi32>
      tpu.vector_store %arg15[%swap3A_1262], %swap3A_1265 {strides = array<i32>} : memref<128xi32, #tpu.memory_space<vmem>>, vector<16xi32>,
      %get3A_1266 = arith.constant 96 : index
      %get3A_1267 = tpu.vector_load %arg12[%get3A_1266] {strides = array<i32>} : memref<128xi32, #tpu.memory_space<vmem>>, vector<16xi32>,
      %get3A_1268 = vector.shape_cast %get3A_1267 : vector<16xi32> to vector<16xi32>
      %shift_right_logical3A_1269 = arith.constant 14 : i32
      %shift_right_logical3A_1270 = vector.broadcast %shift_right_logical3A_1269 : i32 to vector<16xi32>
      %shift_right_logical3A_1271 = arith.shrui %get3A_1268, %shift_right_logical3A_1270 : vector<16xi32>
      %swap3A_1272 = arith.constant 96 : index
      %swap3A_1273 = tpu.vector_load %arg14[%swap3A_1272] {strides = array<i32>} : memref<128xi32, #tpu.memory_space<vmem>>, vector<16xi32>,
      %swap3A_1274 = vector.shape_cast %swap3A_1273 : vector<16xi32> to vector<16xi32>
      %swap3A_1275 = vector.shape_cast %shift_right_logical3A_1271 : vector<16xi32> to vector<16xi32>
      tpu.vector_store %arg14[%swap3A_1272], %swap3A_1275 {strides = array<i32>} : memref<128xi32, #tpu.memory_space<vmem>>, vector<16xi32>,
      %and3A_1276 = arith.constant 16383 : i32
      %and3A_1277 = vector.broadcast %and3A_1276 : i32 to vector<16xi32>
      %and3A_1278 = arith.andi %get3A_1268, %and3A_1277 : vector<16xi32>
      %swap3A_1279 = arith.constant 96 : index
      %swap3A_1280 = tpu.vector_load %arg15[%swap3A_1279] {strides = array<i32>} : memref<128xi32, #tpu.memory_space<vmem>>, vector<16xi32>,
      %swap3A_1281 = vector.shape_cast %swap3A_1280 : vector<16xi32> to vector<16xi32>
      %swap3A_1282 = vector.shape_cast %and3A_1278 : vector<16xi32> to vector<16xi32>
      tpu.vector_store %arg15[%swap3A_1279], %swap3A_1282 {strides = array<i32>} : memref<128xi32, #tpu.memory_space<vmem>>, vector<16xi32>,
      %get3A_1283 = arith.constant 112 : index
      %get3A_1284 = tpu.vector_load %arg12[%get3A_1283] {strides = array<i32>} : memref<128xi32, #tpu.memory_space<vmem>>, vector<16xi32>,
      %get3A_1285 = vector.shape_cast %get3A_1284 : vector<16xi32> to vector<16xi32>
      %shift_right_logical3A_1286 = arith.constant 14 : i32
      %shift_right_logical3A_1287 = vector.broadcast %shift_right_logical3A_1286 : i32 to vector<16xi32>
      %shift_right_logical3A_1288 = arith.shrui %get3A_1285, %shift_right_logical3A_1287 : vector<16xi32>
      %swap3A_1289 = arith.constant 112 : index
      %swap3A_1290 = tpu.vector_load %arg14[%swap3A_1289] {strides = array<i32>} : memref<128xi32, #tpu.memory_space<vmem>>, vector<16xi32>,
      %swap3A_1291 = vector.shape_cast %swap3A_1290 : vector<16xi32> to vector<16xi32>
      %swap3A_1292 = vector.shape_cast %shift_right_logical3A_1288 : vector<16xi32> to vector<16xi32>
      tpu.vector_store %arg14[%swap3A_1289], %swap3A_1292 {strides = array<i32>} : memref<128xi32, #tpu.memory_space<vmem>>, vector<16xi32>,
      %and3A_1293 = arith.constant 16383 : i32
      %and3A_1294 = vector.broadcast %and3A_1293 : i32 to vector<16xi32>
      %and3A_1295 = arith.andi %get3A_1285, %and3A_1294 : vector<16xi32>
      %swap3A_1296 = arith.constant 112 : index
      %swap3A_1297 = tpu.vector_load %arg15[%swap3A_1296] {strides = array<i32>} : memref<128xi32, #tpu.memory_space<vmem>>, vector<16xi32>,
      %swap3A_1298 = vector.shape_cast %swap3A_1297 : vector<16xi32> to vector<16xi32>
      %swap3A_1299 = vector.shape_cast %and3A_1295 : vector<16xi32> to vector<16xi32>
      tpu.vector_store %arg15[%swap3A_1296], %swap3A_1299 {strides = array<i32>} : memref<128xi32, #tpu.memory_space<vmem>>, vector<16xi32>,
      %add3A_1300 = arith.constant 8 : i32
      %add3A_1301 = arith.addi %add3A_1152, %add3A_1300 : i32
      %sub3A_1302 = arith.constant 1 : i32
      %sub3A_1303 = arith.subi %select_n3A_12, %sub3A_1302 : i32
      %min3A_1304 = arith.minsi %add3A_1301, %sub3A_1303 : i32
      %add3A_1305 = arith.addi %select_n3A, %min3A_1304 : i32
      %dma_start3A_1306 = arith.constant 0 : i32
      %dma_start3A_1307 = tpu.memref_slice %arg3[%add3A_1305, %dma_start3A_1306] : memref<2560x128xi32, #tpu.memory_space<hbm>> -> memref<1x128xi32, #tpu.memory_space<hbm>>
      %dma_start3A_1308 = tpu.memref_squeeze %dma_start3A_1307 : memref<1x128xi32, #tpu.memory_space<hbm>> -> memref<128xi32, #tpu.memory_space<hbm>>
      %dma_start3A_1309 = arith.constant 0 : i32
      %dma_start3A_1310 = tpu.memref_slice %arg3[%add3A_1305, %dma_start3A_1309] : memref<2560x128xi32, #tpu.memory_space<hbm>> -> memref<1x128xi32, #tpu.memory_space<hbm>>
      %dma_start3A_1311 = tpu.memref_squeeze %dma_start3A_1310 : memref<1x128xi32, #tpu.memory_space<hbm>> -> memref<128xi32, #tpu.memory_space<hbm>>
      tpu.enqueue_dma source(%dma_start3A_1311 : memref<128xi32, #tpu.memory_space<hbm>>) target(%arg12 : memref<128xi32, #tpu.memory_space<vmem>>) target_semaphore(%arg27 : memref<!tpu.dma_semaphore, #tpu.memory_space<semaphore_mem>>)
      %dma_start3A_1312 = arith.constant 0 : i32
      %dma_start3A_1313 = arith.constant 0 : i32
      %dma_start3A_1314 = tpu.memref_slice %arg2[%dma_start3A_1312, %dma_start3A_1313] : memref<80000x128xf32, #tpu.memory_space<hbm>> -> memref<80000x128xf32, #tpu.memory_space<hbm>>
      tpu.enqueue_indirect_dma source(%dma_start3A_1314 : memref<80000x128xf32, #tpu.memory_space<hbm>>) target(%arg18 : memref<128x128xf32, #tpu.memory_space<vmem>>) offsets(%arg14 : memref<128xi32, #tpu.memory_space<vmem>>) semaphore(%arg29 : memref<!tpu.dma_semaphore, #tpu.memory_space<semaphore_mem>>)
      %mul3A_1315 = arith.constant 8 : i32
      %mul3A_1316 = arith.muli %mul3A_1315, %while3A_157 : i32
      %add3A_1317 = arith.constant 7 : i32
      %add3A_1318 = arith.addi %mul3A_1316, %add3A_1317 : i32
      %dma_wait3A_1319 = arith.constant 0 : i32
      %dma_wait3A_1320 = tpu.memref_slice %arg3[%select_n3A, %dma_wait3A_1319] : memref<2560x128xi32, #tpu.memory_space<hbm>> -> memref<1x128xi32, #tpu.memory_space<hbm>>
      %dma_wait3A_1321 = tpu.memref_squeeze %dma_wait3A_1320 : memref<1x128xi32, #tpu.memory_space<hbm>> -> memref<128xi32, #tpu.memory_space<hbm>>
      %dma_wait3A_1322 = arith.constant 0 : i32
      %dma_wait3A_1323 = tpu.memref_slice %arg3[%select_n3A, %dma_wait3A_1322] : memref<2560x128xi32, #tpu.memory_space<hbm>> -> memref<1x128xi32, #tpu.memory_space<hbm>>
      %dma_wait3A_1324 = tpu.memref_squeeze %dma_wait3A_1323 : memref<1x128xi32, #tpu.memory_space<hbm>> -> memref<128xi32, #tpu.memory_space<hbm>>
      tpu.wait_dma2 semaphore(%arg28 : memref<!tpu.dma_semaphore, #tpu.memory_space<semaphore_mem>>) src(%dma_wait3A_1324 : memref<128xi32, #tpu.memory_space<hbm>>) dst(%arg13 : memref<128xi32, #tpu.memory_space<vmem>>)
      %ge3A_1325 = arith.constant 2 : i32
      %ge3A_1326 = arith.cmpi sge, %add3A_1318, %ge3A_1325 : i32
      %convert_element_type3A_1327 = arith.extui %ge3A_1326 : i1 to i32
      %cond3A_1328 = arith.constant 0 : i32
      %cond3A_1329 = arith.cmpi ne, %convert_element_type3A_1327, %cond3A_1328 : i32
      scf.if %cond3A_1329 {
        %dma_wait3A_1481 = arith.constant 0 : i32
        %dma_wait3A_1482 = arith.constant 0 : i32
        %dma_wait3A_1483 = tpu.memref_slice %arg2[%dma_wait3A_1481, %dma_wait3A_1482] : memref<80000x128xf32, #tpu.memory_space<hbm>> -> memref<80000x128xf32, #tpu.memory_space<hbm>>
        tpu.wait_indirect_dma semaphore(%arg30 : memref<!tpu.dma_semaphore, #tpu.memory_space<semaphore_mem>>) src(%dma_wait3A_1483 : memref<80000x128xf32, #tpu.memory_space<hbm>>) dst(%arg19 : memref<128x128xf32, #tpu.memory_space<vmem>>)
        "tpu.region"() ({
          %run_scoped3A = tpu.sem_alloc : memref<!tpu.dma_semaphore, #tpu.memory_space<semaphore_mem>>
          %dma_start3A_1484 = arith.constant 0 : i32
          %dma_start3A_1485 = arith.constant 0 : i32
          %dma_start3A_1486 = tpu.memref_slice %arg20[%dma_start3A_1484, %dma_start3A_1485] : memref<10240x128xf32, #tpu.memory_space<vmem_shared>> -> memref<10240x128xf32, #tpu.memory_space<vmem_shared>>
          tpu.enqueue_indirect_dma source(%arg19 : memref<128x128xf32, #tpu.memory_space<vmem>>) target(%dma_start3A_1486 : memref<10240x128xf32, #tpu.memory_space<vmem_shared>>) offsets(%arg17 : memref<128xi32, #tpu.memory_space<vmem>>) semaphore(%run_scoped3A : memref<!tpu.dma_semaphore, #tpu.memory_space<semaphore_mem>>) {add = true}
          %dma_wait3A_1487 = arith.constant 0 : i32
          %dma_wait3A_1488 = arith.constant 0 : i32
          %dma_wait3A_1489 = tpu.memref_slice %arg20[%dma_wait3A_1487, %dma_wait3A_1488] : memref<10240x128xf32, #tpu.memory_space<vmem_shared>> -> memref<10240x128xf32, #tpu.memory_space<vmem_shared>>
          tpu.wait_indirect_dma semaphore(%run_scoped3A : memref<!tpu.dma_semaphore, #tpu.memory_space<semaphore_mem>>) src(%arg19 : memref<128x128xf32, #tpu.memory_space<vmem>>) dst(%dma_wait3A_1489 : memref<10240x128xf32, #tpu.memory_space<vmem_shared>>)
          tpu.yield
        }) : () -> ()
      } else {
      }
      %get3A_1330 = arith.constant 0 : index
      %get3A_1331 = tpu.vector_load %arg13[%get3A_1330] {strides = array<i32>} : memref<128xi32, #tpu.memory_space<vmem>>, vector<16xi32>,
      %get3A_1332 = vector.shape_cast %get3A_1331 : vector<16xi32> to vector<16xi32>
      %shift_right_logical3A_1333 = arith.constant 14 : i32
      %shift_right_logical3A_1334 = vector.broadcast %shift_right_logical3A_1333 : i32 to vector<16xi32>
      %shift_right_logical3A_1335 = arith.shrui %get3A_1332, %shift_right_logical3A_1334 : vector<16xi32>
      %swap3A_1336 = arith.constant 0 : index
      %swap3A_1337 = tpu.vector_load %arg16[%swap3A_1336] {strides = array<i32>} : memref<128xi32, #tpu.memory_space<vmem>>, vector<16xi32>,
      %swap3A_1338 = vector.shape_cast %swap3A_1337 : vector<16xi32> to vector<16xi32>
      %swap3A_1339 = vector.shape_cast %shift_right_logical3A_1335 : vector<16xi32> to vector<16xi32>
      tpu.vector_store %arg16[%swap3A_1336], %swap3A_1339 {strides = array<i32>} : memref<128xi32, #tpu.memory_space<vmem>>, vector<16xi32>,
      %and3A_1340 = arith.constant 16383 : i32
      %and3A_1341 = vector.broadcast %and3A_1340 : i32 to vector<16xi32>
      %and3A_1342 = arith.andi %get3A_1332, %and3A_1341 : vector<16xi32>
      %swap3A_1343 = arith.constant 0 : index
      %swap3A_1344 = tpu.vector_load %arg17[%swap3A_1343] {strides = array<i32>} : memref<128xi32, #tpu.memory_space<vmem>>, vector<16xi32>,
      %swap3A_1345 = vector.shape_cast %swap3A_1344 : vector<16xi32> to vector<16xi32>
      %swap3A_1346 = vector.shape_cast %and3A_1342 : vector<16xi32> to vector<16xi32>
      tpu.vector_store %arg17[%swap3A_1343], %swap3A_1346 {strides = array<i32>} : memref<128xi32, #tpu.memory_space<vmem>>, vector<16xi32>,
      %get3A_1347 = arith.constant 16 : index
      %get3A_1348 = tpu.vector_load %arg13[%get3A_1347] {strides = array<i32>} : memref<128xi32, #tpu.memory_space<vmem>>, vector<16xi32>,
      %get3A_1349 = vector.shape_cast %get3A_1348 : vector<16xi32> to vector<16xi32>
      %shift_right_logical3A_1350 = arith.constant 14 : i32
      %shift_right_logical3A_1351 = vector.broadcast %shift_right_logical3A_1350 : i32 to vector<16xi32>
      %shift_right_logical3A_1352 = arith.shrui %get3A_1349, %shift_right_logical3A_1351 : vector<16xi32>
      %swap3A_1353 = arith.constant 16 : index
      %swap3A_1354 = tpu.vector_load %arg16[%swap3A_1353] {strides = array<i32>} : memref<128xi32, #tpu.memory_space<vmem>>, vector<16xi32>,
      %swap3A_1355 = vector.shape_cast %swap3A_1354 : vector<16xi32> to vector<16xi32>
      %swap3A_1356 = vector.shape_cast %shift_right_logical3A_1352 : vector<16xi32> to vector<16xi32>
      tpu.vector_store %arg16[%swap3A_1353], %swap3A_1356 {strides = array<i32>} : memref<128xi32, #tpu.memory_space<vmem>>, vector<16xi32>,
      %and3A_1357 = arith.constant 16383 : i32
      %and3A_1358 = vector.broadcast %and3A_1357 : i32 to vector<16xi32>
      %and3A_1359 = arith.andi %get3A_1349, %and3A_1358 : vector<16xi32>
      %swap3A_1360 = arith.constant 16 : index
      %swap3A_1361 = tpu.vector_load %arg17[%swap3A_1360] {strides = array<i32>} : memref<128xi32, #tpu.memory_space<vmem>>, vector<16xi32>,
      %swap3A_1362 = vector.shape_cast %swap3A_1361 : vector<16xi32> to vector<16xi32>
      %swap3A_1363 = vector.shape_cast %and3A_1359 : vector<16xi32> to vector<16xi32>
      tpu.vector_store %arg17[%swap3A_1360], %swap3A_1363 {strides = array<i32>} : memref<128xi32, #tpu.memory_space<vmem>>, vector<16xi32>,
      %get3A_1364 = arith.constant 32 : index
      %get3A_1365 = tpu.vector_load %arg13[%get3A_1364] {strides = array<i32>} : memref<128xi32, #tpu.memory_space<vmem>>, vector<16xi32>,
      %get3A_1366 = vector.shape_cast %get3A_1365 : vector<16xi32> to vector<16xi32>
      %shift_right_logical3A_1367 = arith.constant 14 : i32
      %shift_right_logical3A_1368 = vector.broadcast %shift_right_logical3A_1367 : i32 to vector<16xi32>
      %shift_right_logical3A_1369 = arith.shrui %get3A_1366, %shift_right_logical3A_1368 : vector<16xi32>
      %swap3A_1370 = arith.constant 32 : index
      %swap3A_1371 = tpu.vector_load %arg16[%swap3A_1370] {strides = array<i32>} : memref<128xi32, #tpu.memory_space<vmem>>, vector<16xi32>,
      %swap3A_1372 = vector.shape_cast %swap3A_1371 : vector<16xi32> to vector<16xi32>
      %swap3A_1373 = vector.shape_cast %shift_right_logical3A_1369 : vector<16xi32> to vector<16xi32>
      tpu.vector_store %arg16[%swap3A_1370], %swap3A_1373 {strides = array<i32>} : memref<128xi32, #tpu.memory_space<vmem>>, vector<16xi32>,
      %and3A_1374 = arith.constant 16383 : i32
      %and3A_1375 = vector.broadcast %and3A_1374 : i32 to vector<16xi32>
      %and3A_1376 = arith.andi %get3A_1366, %and3A_1375 : vector<16xi32>
      %swap3A_1377 = arith.constant 32 : index
      %swap3A_1378 = tpu.vector_load %arg17[%swap3A_1377] {strides = array<i32>} : memref<128xi32, #tpu.memory_space<vmem>>, vector<16xi32>,
      %swap3A_1379 = vector.shape_cast %swap3A_1378 : vector<16xi32> to vector<16xi32>
      %swap3A_1380 = vector.shape_cast %and3A_1376 : vector<16xi32> to vector<16xi32>
      tpu.vector_store %arg17[%swap3A_1377], %swap3A_1380 {strides = array<i32>} : memref<128xi32, #tpu.memory_space<vmem>>, vector<16xi32>,
      %get3A_1381 = arith.constant 48 : index
      %get3A_1382 = tpu.vector_load %arg13[%get3A_1381] {strides = array<i32>} : memref<128xi32, #tpu.memory_space<vmem>>, vector<16xi32>,
      %get3A_1383 = vector.shape_cast %get3A_1382 : vector<16xi32> to vector<16xi32>
      %shift_right_logical3A_1384 = arith.constant 14 : i32
      %shift_right_logical3A_1385 = vector.broadcast %shift_right_logical3A_1384 : i32 to vector<16xi32>
      %shift_right_logical3A_1386 = arith.shrui %get3A_1383, %shift_right_logical3A_1385 : vector<16xi32>
      %swap3A_1387 = arith.constant 48 : index
      %swap3A_1388 = tpu.vector_load %arg16[%swap3A_1387] {strides = array<i32>} : memref<128xi32, #tpu.memory_space<vmem>>, vector<16xi32>,
      %swap3A_1389 = vector.shape_cast %swap3A_1388 : vector<16xi32> to vector<16xi32>
      %swap3A_1390 = vector.shape_cast %shift_right_logical3A_1386 : vector<16xi32> to vector<16xi32>
      tpu.vector_store %arg16[%swap3A_1387], %swap3A_1390 {strides = array<i32>} : memref<128xi32, #tpu.memory_space<vmem>>, vector<16xi32>,
      %and3A_1391 = arith.constant 16383 : i32
      %and3A_1392 = vector.broadcast %and3A_1391 : i32 to vector<16xi32>
      %and3A_1393 = arith.andi %get3A_1383, %and3A_1392 : vector<16xi32>
      %swap3A_1394 = arith.constant 48 : index
      %swap3A_1395 = tpu.vector_load %arg17[%swap3A_1394] {strides = array<i32>} : memref<128xi32, #tpu.memory_space<vmem>>, vector<16xi32>,
      %swap3A_1396 = vector.shape_cast %swap3A_1395 : vector<16xi32> to vector<16xi32>
      %swap3A_1397 = vector.shape_cast %and3A_1393 : vector<16xi32> to vector<16xi32>
      tpu.vector_store %arg17[%swap3A_1394], %swap3A_1397 {strides = array<i32>} : memref<128xi32, #tpu.memory_space<vmem>>, vector<16xi32>,
      %get3A_1398 = arith.constant 64 : index
      %get3A_1399 = tpu.vector_load %arg13[%get3A_1398] {strides = array<i32>} : memref<128xi32, #tpu.memory_space<vmem>>, vector<16xi32>,
      %get3A_1400 = vector.shape_cast %get3A_1399 : vector<16xi32> to vector<16xi32>
      %shift_right_logical3A_1401 = arith.constant 14 : i32
      %shift_right_logical3A_1402 = vector.broadcast %shift_right_logical3A_1401 : i32 to vector<16xi32>
      %shift_right_logical3A_1403 = arith.shrui %get3A_1400, %shift_right_logical3A_1402 : vector<16xi32>
      %swap3A_1404 = arith.constant 64 : index
      %swap3A_1405 = tpu.vector_load %arg16[%swap3A_1404] {strides = array<i32>} : memref<128xi32, #tpu.memory_space<vmem>>, vector<16xi32>,
      %swap3A_1406 = vector.shape_cast %swap3A_1405 : vector<16xi32> to vector<16xi32>
      %swap3A_1407 = vector.shape_cast %shift_right_logical3A_1403 : vector<16xi32> to vector<16xi32>
      tpu.vector_store %arg16[%swap3A_1404], %swap3A_1407 {strides = array<i32>} : memref<128xi32, #tpu.memory_space<vmem>>, vector<16xi32>,
      %and3A_1408 = arith.constant 16383 : i32
      %and3A_1409 = vector.broadcast %and3A_1408 : i32 to vector<16xi32>
      %and3A_1410 = arith.andi %get3A_1400, %and3A_1409 : vector<16xi32>
      %swap3A_1411 = arith.constant 64 : index
      %swap3A_1412 = tpu.vector_load %arg17[%swap3A_1411] {strides = array<i32>} : memref<128xi32, #tpu.memory_space<vmem>>, vector<16xi32>,
      %swap3A_1413 = vector.shape_cast %swap3A_1412 : vector<16xi32> to vector<16xi32>
      %swap3A_1414 = vector.shape_cast %and3A_1410 : vector<16xi32> to vector<16xi32>
      tpu.vector_store %arg17[%swap3A_1411], %swap3A_1414 {strides = array<i32>} : memref<128xi32, #tpu.memory_space<vmem>>, vector<16xi32>,
      %get3A_1415 = arith.constant 80 : index
      %get3A_1416 = tpu.vector_load %arg13[%get3A_1415] {strides = array<i32>} : memref<128xi32, #tpu.memory_space<vmem>>, vector<16xi32>,
      %get3A_1417 = vector.shape_cast %get3A_1416 : vector<16xi32> to vector<16xi32>
      %shift_right_logical3A_1418 = arith.constant 14 : i32
      %shift_right_logical3A_1419 = vector.broadcast %shift_right_logical3A_1418 : i32 to vector<16xi32>
      %shift_right_logical3A_1420 = arith.shrui %get3A_1417, %shift_right_logical3A_1419 : vector<16xi32>
      %swap3A_1421 = arith.constant 80 : index
      %swap3A_1422 = tpu.vector_load %arg16[%swap3A_1421] {strides = array<i32>} : memref<128xi32, #tpu.memory_space<vmem>>, vector<16xi32>,
      %swap3A_1423 = vector.shape_cast %swap3A_1422 : vector<16xi32> to vector<16xi32>
      %swap3A_1424 = vector.shape_cast %shift_right_logical3A_1420 : vector<16xi32> to vector<16xi32>
      tpu.vector_store %arg16[%swap3A_1421], %swap3A_1424 {strides = array<i32>} : memref<128xi32, #tpu.memory_space<vmem>>, vector<16xi32>,
      %and3A_1425 = arith.constant 16383 : i32
      %and3A_1426 = vector.broadcast %and3A_1425 : i32 to vector<16xi32>
      %and3A_1427 = arith.andi %get3A_1417, %and3A_1426 : vector<16xi32>
      %swap3A_1428 = arith.constant 80 : index
      %swap3A_1429 = tpu.vector_load %arg17[%swap3A_1428] {strides = array<i32>} : memref<128xi32, #tpu.memory_space<vmem>>, vector<16xi32>,
      %swap3A_1430 = vector.shape_cast %swap3A_1429 : vector<16xi32> to vector<16xi32>
      %swap3A_1431 = vector.shape_cast %and3A_1427 : vector<16xi32> to vector<16xi32>
      tpu.vector_store %arg17[%swap3A_1428], %swap3A_1431 {strides = array<i32>} : memref<128xi32, #tpu.memory_space<vmem>>, vector<16xi32>,
      %get3A_1432 = arith.constant 96 : index
      %get3A_1433 = tpu.vector_load %arg13[%get3A_1432] {strides = array<i32>} : memref<128xi32, #tpu.memory_space<vmem>>, vector<16xi32>,
      %get3A_1434 = vector.shape_cast %get3A_1433 : vector<16xi32> to vector<16xi32>
      %shift_right_logical3A_1435 = arith.constant 14 : i32
      %shift_right_logical3A_1436 = vector.broadcast %shift_right_logical3A_1435 : i32 to vector<16xi32>
      %shift_right_logical3A_1437 = arith.shrui %get3A_1434, %shift_right_logical3A_1436 : vector<16xi32>
      %swap3A_1438 = arith.constant 96 : index
      %swap3A_1439 = tpu.vector_load %arg16[%swap3A_1438] {strides = array<i32>} : memref<128xi32, #tpu.memory_space<vmem>>, vector<16xi32>,
      %swap3A_1440 = vector.shape_cast %swap3A_1439 : vector<16xi32> to vector<16xi32>
      %swap3A_1441 = vector.shape_cast %shift_right_logical3A_1437 : vector<16xi32> to vector<16xi32>
      tpu.vector_store %arg16[%swap3A_1438], %swap3A_1441 {strides = array<i32>} : memref<128xi32, #tpu.memory_space<vmem>>, vector<16xi32>,
      %and3A_1442 = arith.constant 16383 : i32
      %and3A_1443 = vector.broadcast %and3A_1442 : i32 to vector<16xi32>
      %and3A_1444 = arith.andi %get3A_1434, %and3A_1443 : vector<16xi32>
      %swap3A_1445 = arith.constant 96 : index
      %swap3A_1446 = tpu.vector_load %arg17[%swap3A_1445] {strides = array<i32>} : memref<128xi32, #tpu.memory_space<vmem>>, vector<16xi32>,
      %swap3A_1447 = vector.shape_cast %swap3A_1446 : vector<16xi32> to vector<16xi32>
      %swap3A_1448 = vector.shape_cast %and3A_1444 : vector<16xi32> to vector<16xi32>
      tpu.vector_store %arg17[%swap3A_1445], %swap3A_1448 {strides = array<i32>} : memref<128xi32, #tpu.memory_space<vmem>>, vector<16xi32>,
      %get3A_1449 = arith.constant 112 : index
      %get3A_1450 = tpu.vector_load %arg13[%get3A_1449] {strides = array<i32>} : memref<128xi32, #tpu.memory_space<vmem>>, vector<16xi32>,
      %get3A_1451 = vector.shape_cast %get3A_1450 : vector<16xi32> to vector<16xi32>
      %shift_right_logical3A_1452 = arith.constant 14 : i32
      %shift_right_logical3A_1453 = vector.broadcast %shift_right_logical3A_1452 : i32 to vector<16xi32>
      %shift_right_logical3A_1454 = arith.shrui %get3A_1451, %shift_right_logical3A_1453 : vector<16xi32>
      %swap3A_1455 = arith.constant 112 : index
      %swap3A_1456 = tpu.vector_load %arg16[%swap3A_1455] {strides = array<i32>} : memref<128xi32, #tpu.memory_space<vmem>>, vector<16xi32>,
      %swap3A_1457 = vector.shape_cast %swap3A_1456 : vector<16xi32> to vector<16xi32>
      %swap3A_1458 = vector.shape_cast %shift_right_logical3A_1454 : vector<16xi32> to vector<16xi32>
      tpu.vector_store %arg16[%swap3A_1455], %swap3A_1458 {strides = array<i32>} : memref<128xi32, #tpu.memory_space<vmem>>, vector<16xi32>,
      %and3A_1459 = arith.constant 16383 : i32
      %and3A_1460 = vector.broadcast %and3A_1459 : i32 to vector<16xi32>
      %and3A_1461 = arith.andi %get3A_1451, %and3A_1460 : vector<16xi32>
      %swap3A_1462 = arith.constant 112 : index
      %swap3A_1463 = tpu.vector_load %arg17[%swap3A_1462] {strides = array<i32>} : memref<128xi32, #tpu.memory_space<vmem>>, vector<16xi32>,
      %swap3A_1464 = vector.shape_cast %swap3A_1463 : vector<16xi32> to vector<16xi32>
      %swap3A_1465 = vector.shape_cast %and3A_1461 : vector<16xi32> to vector<16xi32>
      tpu.vector_store %arg17[%swap3A_1462], %swap3A_1465 {strides = array<i32>} : memref<128xi32, #tpu.memory_space<vmem>>, vector<16xi32>,
      %add3A_1466 = arith.constant 8 : i32
      %add3A_1467 = arith.addi %add3A_1318, %add3A_1466 : i32
      %sub3A_1468 = arith.constant 1 : i32
      %sub3A_1469 = arith.subi %select_n3A_12, %sub3A_1468 : i32
      %min3A_1470 = arith.minsi %add3A_1467, %sub3A_1469 : i32
      %add3A_1471 = arith.addi %select_n3A, %min3A_1470 : i32
      %dma_start3A_1472 = arith.constant 0 : i32
      %dma_start3A_1473 = tpu.memref_slice %arg3[%add3A_1471, %dma_start3A_1472] : memref<2560x128xi32, #tpu.memory_space<hbm>> -> memref<1x128xi32, #tpu.memory_space<hbm>>
      %dma_start3A_1474 = tpu.memref_squeeze %dma_start3A_1473 : memref<1x128xi32, #tpu.memory_space<hbm>> -> memref<128xi32, #tpu.memory_space<hbm>>
      %dma_start3A_1475 = arith.constant 0 : i32
      %dma_start3A_1476 = tpu.memref_slice %arg3[%add3A_1471, %dma_start3A_1475] : memref<2560x128xi32, #tpu.memory_space<hbm>> -> memref<1x128xi32, #tpu.memory_space<hbm>>
      %dma_start3A_1477 = tpu.memref_squeeze %dma_start3A_1476 : memref<1x128xi32, #tpu.memory_space<hbm>> -> memref<128xi32, #tpu.memory_space<hbm>>
      tpu.enqueue_dma source(%dma_start3A_1477 : memref<128xi32, #tpu.memory_space<hbm>>) target(%arg13 : memref<128xi32, #tpu.memory_space<vmem>>) target_semaphore(%arg28 : memref<!tpu.dma_semaphore, #tpu.memory_space<semaphore_mem>>)
      %dma_start3A_1478 = arith.constant 0 : i32
      %dma_start3A_1479 = arith.constant 0 : i32
      %dma_start3A_1480 = tpu.memref_slice %arg2[%dma_start3A_1478, %dma_start3A_1479] : memref<80000x128xf32, #tpu.memory_space<hbm>> -> memref<80000x128xf32, #tpu.memory_space<hbm>>
      tpu.enqueue_indirect_dma source(%dma_start3A_1480 : memref<80000x128xf32, #tpu.memory_space<hbm>>) target(%arg19 : memref<128x128xf32, #tpu.memory_space<vmem>>) offsets(%arg16 : memref<128xi32, #tpu.memory_space<vmem>>) semaphore(%arg30 : memref<!tpu.dma_semaphore, #tpu.memory_space<semaphore_mem>>)
    }
    %while3A_102 = arith.constant 1 : i32
    scf.for %while3A_157 = %while3A_100 to %while3A_96 step %while3A_102  : i32 {
      %mul3A_158 = arith.constant 8 : i32
      %mul3A_159 = arith.muli %mul3A_158, %while3A_157 : i32
      %add3A_160 = arith.constant 0 : i32
      %add3A_161 = arith.addi %mul3A_159, %add3A_160 : i32
      %dma_wait3A_162 = arith.constant 0 : i32
      %dma_wait3A_163 = tpu.memref_slice %arg3[%select_n3A, %dma_wait3A_162] : memref<2560x128xi32, #tpu.memory_space<hbm>> -> memref<1x128xi32, #tpu.memory_space<hbm>>
      %dma_wait3A_164 = tpu.memref_squeeze %dma_wait3A_163 : memref<1x128xi32, #tpu.memory_space<hbm>> -> memref<128xi32, #tpu.memory_space<hbm>>
      %dma_wait3A_165 = arith.constant 0 : i32
      %dma_wait3A_166 = tpu.memref_slice %arg3[%select_n3A, %dma_wait3A_165] : memref<2560x128xi32, #tpu.memory_space<hbm>> -> memref<1x128xi32, #tpu.memory_space<hbm>>
      %dma_wait3A_167 = tpu.memref_squeeze %dma_wait3A_166 : memref<1x128xi32, #tpu.memory_space<hbm>> -> memref<128xi32, #tpu.memory_space<hbm>>
      tpu.wait_dma2 semaphore(%arg21 : memref<!tpu.dma_semaphore, #tpu.memory_space<semaphore_mem>>) src(%dma_wait3A_167 : memref<128xi32, #tpu.memory_space<hbm>>) dst(%arg6 : memref<128xi32, #tpu.memory_space<vmem>>)
      %ge3A = arith.constant 2 : i32
      %ge3A_168 = arith.cmpi sge, %add3A_161, %ge3A : i32
      %convert_element_type3A_169 = arith.extui %ge3A_168 : i1 to i32
      %cond3A_170 = arith.constant 0 : i32
      %cond3A_171 = arith.cmpi ne, %convert_element_type3A_169, %cond3A_170 : i32
      scf.if %cond3A_171 {
        %dma_wait3A_1481 = arith.constant 0 : i32
        %dma_wait3A_1482 = arith.constant 0 : i32
        %dma_wait3A_1483 = tpu.memref_slice %arg2[%dma_wait3A_1481, %dma_wait3A_1482] : memref<80000x128xf32, #tpu.memory_space<hbm>> -> memref<80000x128xf32, #tpu.memory_space<hbm>>
        tpu.wait_indirect_dma semaphore(%arg29 : memref<!tpu.dma_semaphore, #tpu.memory_space<semaphore_mem>>) src(%dma_wait3A_1483 : memref<80000x128xf32, #tpu.memory_space<hbm>>) dst(%arg18 : memref<128x128xf32, #tpu.memory_space<vmem>>)
        "tpu.region"() ({
          %run_scoped3A = tpu.sem_alloc : memref<!tpu.dma_semaphore, #tpu.memory_space<semaphore_mem>>
          %dma_start3A_1484 = arith.constant 0 : i32
          %dma_start3A_1485 = arith.constant 0 : i32
          %dma_start3A_1486 = tpu.memref_slice %arg20[%dma_start3A_1484, %dma_start3A_1485] : memref<10240x128xf32, #tpu.memory_space<vmem_shared>> -> memref<10240x128xf32, #tpu.memory_space<vmem_shared>>
          tpu.enqueue_indirect_dma source(%arg18 : memref<128x128xf32, #tpu.memory_space<vmem>>) target(%dma_start3A_1486 : memref<10240x128xf32, #tpu.memory_space<vmem_shared>>) offsets(%arg15 : memref<128xi32, #tpu.memory_space<vmem>>) semaphore(%run_scoped3A : memref<!tpu.dma_semaphore, #tpu.memory_space<semaphore_mem>>) {add = true}
          %dma_wait3A_1487 = arith.constant 0 : i32
          %dma_wait3A_1488 = arith.constant 0 : i32
          %dma_wait3A_1489 = tpu.memref_slice %arg20[%dma_wait3A_1487, %dma_wait3A_1488] : memref<10240x128xf32, #tpu.memory_space<vmem_shared>> -> memref<10240x128xf32, #tpu.memory_space<vmem_shared>>
          tpu.wait_indirect_dma semaphore(%run_scoped3A : memref<!tpu.dma_semaphore, #tpu.memory_space<semaphore_mem>>) src(%arg18 : memref<128x128xf32, #tpu.memory_space<vmem>>) dst(%dma_wait3A_1489 : memref<10240x128xf32, #tpu.memory_space<vmem_shared>>)
          tpu.yield
        }) : () -> ()
      } else {
      }
      %get3A = arith.constant 0 : index
      %get3A_172 = tpu.vector_load %arg6[%get3A] {strides = array<i32>} : memref<128xi32, #tpu.memory_space<vmem>>, vector<16xi32>,
      %get3A_173 = vector.shape_cast %get3A_172 : vector<16xi32> to vector<16xi32>
      %shift_right_logical3A = arith.constant 14 : i32
      %shift_right_logical3A_174 = vector.broadcast %shift_right_logical3A : i32 to vector<16xi32>
      %shift_right_logical3A_175 = arith.shrui %get3A_173, %shift_right_logical3A_174 : vector<16xi32>
      %swap3A = arith.constant 0 : index
      %swap3A_176 = tpu.vector_load %arg14[%swap3A] {strides = array<i32>} : memref<128xi32, #tpu.memory_space<vmem>>, vector<16xi32>,
      %swap3A_177 = vector.shape_cast %swap3A_176 : vector<16xi32> to vector<16xi32>
      %swap3A_178 = vector.shape_cast %shift_right_logical3A_175 : vector<16xi32> to vector<16xi32>
      tpu.vector_store %arg14[%swap3A], %swap3A_178 {strides = array<i32>} : memref<128xi32, #tpu.memory_space<vmem>>, vector<16xi32>,
      %and3A_179 = arith.constant 16383 : i32
      %and3A_180 = vector.broadcast %and3A_179 : i32 to vector<16xi32>
      %and3A_181 = arith.andi %get3A_173, %and3A_180 : vector<16xi32>
      %swap3A_182 = arith.constant 0 : index
      %swap3A_183 = tpu.vector_load %arg15[%swap3A_182] {strides = array<i32>} : memref<128xi32, #tpu.memory_space<vmem>>, vector<16xi32>,
      %swap3A_184 = vector.shape_cast %swap3A_183 : vector<16xi32> to vector<16xi32>
      %swap3A_185 = vector.shape_cast %and3A_181 : vector<16xi32> to vector<16xi32>
      tpu.vector_store %arg15[%swap3A_182], %swap3A_185 {strides = array<i32>} : memref<128xi32, #tpu.memory_space<vmem>>, vector<16xi32>,
      %get3A_186 = arith.constant 16 : index
      %get3A_187 = tpu.vector_load %arg6[%get3A_186] {strides = array<i32>} : memref<128xi32, #tpu.memory_space<vmem>>, vector<16xi32>,
      %get3A_188 = vector.shape_cast %get3A_187 : vector<16xi32> to vector<16xi32>
      %shift_right_logical3A_189 = arith.constant 14 : i32
      %shift_right_logical3A_190 = vector.broadcast %shift_right_logical3A_189 : i32 to vector<16xi32>
      %shift_right_logical3A_191 = arith.shrui %get3A_188, %shift_right_logical3A_190 : vector<16xi32>
      %swap3A_192 = arith.constant 16 : index
      %swap3A_193 = tpu.vector_load %arg14[%swap3A_192] {strides = array<i32>} : memref<128xi32, #tpu.memory_space<vmem>>, vector<16xi32>,
      %swap3A_194 = vector.shape_cast %swap3A_193 : vector<16xi32> to vector<16xi32>
      %swap3A_195 = vector.shape_cast %shift_right_logical3A_191 : vector<16xi32> to vector<16xi32>
      tpu.vector_store %arg14[%swap3A_192], %swap3A_195 {strides = array<i32>} : memref<128xi32, #tpu.memory_space<vmem>>, vector<16xi32>,
      %and3A_196 = arith.constant 16383 : i32
      %and3A_197 = vector.broadcast %and3A_196 : i32 to vector<16xi32>
      %and3A_198 = arith.andi %get3A_188, %and3A_197 : vector<16xi32>
      %swap3A_199 = arith.constant 16 : index
      %swap3A_200 = tpu.vector_load %arg15[%swap3A_199] {strides = array<i32>} : memref<128xi32, #tpu.memory_space<vmem>>, vector<16xi32>,
      %swap3A_201 = vector.shape_cast %swap3A_200 : vector<16xi32> to vector<16xi32>
      %swap3A_202 = vector.shape_cast %and3A_198 : vector<16xi32> to vector<16xi32>
      tpu.vector_store %arg15[%swap3A_199], %swap3A_202 {strides = array<i32>} : memref<128xi32, #tpu.memory_space<vmem>>, vector<16xi32>,
      %get3A_203 = arith.constant 32 : index
      %get3A_204 = tpu.vector_load %arg6[%get3A_203] {strides = array<i32>} : memref<128xi32, #tpu.memory_space<vmem>>, vector<16xi32>,
      %get3A_205 = vector.shape_cast %get3A_204 : vector<16xi32> to vector<16xi32>
      %shift_right_logical3A_206 = arith.constant 14 : i32
      %shift_right_logical3A_207 = vector.broadcast %shift_right_logical3A_206 : i32 to vector<16xi32>
      %shift_right_logical3A_208 = arith.shrui %get3A_205, %shift_right_logical3A_207 : vector<16xi32>
      %swap3A_209 = arith.constant 32 : index
      %swap3A_210 = tpu.vector_load %arg14[%swap3A_209] {strides = array<i32>} : memref<128xi32, #tpu.memory_space<vmem>>, vector<16xi32>,
      %swap3A_211 = vector.shape_cast %swap3A_210 : vector<16xi32> to vector<16xi32>
      %swap3A_212 = vector.shape_cast %shift_right_logical3A_208 : vector<16xi32> to vector<16xi32>
      tpu.vector_store %arg14[%swap3A_209], %swap3A_212 {strides = array<i32>} : memref<128xi32, #tpu.memory_space<vmem>>, vector<16xi32>,
      %and3A_213 = arith.constant 16383 : i32
      %and3A_214 = vector.broadcast %and3A_213 : i32 to vector<16xi32>
      %and3A_215 = arith.andi %get3A_205, %and3A_214 : vector<16xi32>
      %swap3A_216 = arith.constant 32 : index
      %swap3A_217 = tpu.vector_load %arg15[%swap3A_216] {strides = array<i32>} : memref<128xi32, #tpu.memory_space<vmem>>, vector<16xi32>,
      %swap3A_218 = vector.shape_cast %swap3A_217 : vector<16xi32> to vector<16xi32>
      %swap3A_219 = vector.shape_cast %and3A_215 : vector<16xi32> to vector<16xi32>
      tpu.vector_store %arg15[%swap3A_216], %swap3A_219 {strides = array<i32>} : memref<128xi32, #tpu.memory_space<vmem>>, vector<16xi32>,
      %get3A_220 = arith.constant 48 : index
      %get3A_221 = tpu.vector_load %arg6[%get3A_220] {strides = array<i32>} : memref<128xi32, #tpu.memory_space<vmem>>, vector<16xi32>,
      %get3A_222 = vector.shape_cast %get3A_221 : vector<16xi32> to vector<16xi32>
      %shift_right_logical3A_223 = arith.constant 14 : i32
      %shift_right_logical3A_224 = vector.broadcast %shift_right_logical3A_223 : i32 to vector<16xi32>
      %shift_right_logical3A_225 = arith.shrui %get3A_222, %shift_right_logical3A_224 : vector<16xi32>
      %swap3A_226 = arith.constant 48 : index
      %swap3A_227 = tpu.vector_load %arg14[%swap3A_226] {strides = array<i32>} : memref<128xi32, #tpu.memory_space<vmem>>, vector<16xi32>,
      %swap3A_228 = vector.shape_cast %swap3A_227 : vector<16xi32> to vector<16xi32>
      %swap3A_229 = vector.shape_cast %shift_right_logical3A_225 : vector<16xi32> to vector<16xi32>
      tpu.vector_store %arg14[%swap3A_226], %swap3A_229 {strides = array<i32>} : memref<128xi32, #tpu.memory_space<vmem>>, vector<16xi32>,
      %and3A_230 = arith.constant 16383 : i32
      %and3A_231 = vector.broadcast %and3A_230 : i32 to vector<16xi32>
      %and3A_232 = arith.andi %get3A_222, %and3A_231 : vector<16xi32>
      %swap3A_233 = arith.constant 48 : index
      %swap3A_234 = tpu.vector_load %arg15[%swap3A_233] {strides = array<i32>} : memref<128xi32, #tpu.memory_space<vmem>>, vector<16xi32>,
      %swap3A_235 = vector.shape_cast %swap3A_234 : vector<16xi32> to vector<16xi32>
      %swap3A_236 = vector.shape_cast %and3A_232 : vector<16xi32> to vector<16xi32>
      tpu.vector_store %arg15[%swap3A_233], %swap3A_236 {strides = array<i32>} : memref<128xi32, #tpu.memory_space<vmem>>, vector<16xi32>,
      %get3A_237 = arith.constant 64 : index
      %get3A_238 = tpu.vector_load %arg6[%get3A_237] {strides = array<i32>} : memref<128xi32, #tpu.memory_space<vmem>>, vector<16xi32>,
      %get3A_239 = vector.shape_cast %get3A_238 : vector<16xi32> to vector<16xi32>
      %shift_right_logical3A_240 = arith.constant 14 : i32
      %shift_right_logical3A_241 = vector.broadcast %shift_right_logical3A_240 : i32 to vector<16xi32>
      %shift_right_logical3A_242 = arith.shrui %get3A_239, %shift_right_logical3A_241 : vector<16xi32>
      %swap3A_243 = arith.constant 64 : index
      %swap3A_244 = tpu.vector_load %arg14[%swap3A_243] {strides = array<i32>} : memref<128xi32, #tpu.memory_space<vmem>>, vector<16xi32>,
      %swap3A_245 = vector.shape_cast %swap3A_244 : vector<16xi32> to vector<16xi32>
      %swap3A_246 = vector.shape_cast %shift_right_logical3A_242 : vector<16xi32> to vector<16xi32>
      tpu.vector_store %arg14[%swap3A_243], %swap3A_246 {strides = array<i32>} : memref<128xi32, #tpu.memory_space<vmem>>, vector<16xi32>,
      %and3A_247 = arith.constant 16383 : i32
      %and3A_248 = vector.broadcast %and3A_247 : i32 to vector<16xi32>
      %and3A_249 = arith.andi %get3A_239, %and3A_248 : vector<16xi32>
      %swap3A_250 = arith.constant 64 : index
      %swap3A_251 = tpu.vector_load %arg15[%swap3A_250] {strides = array<i32>} : memref<128xi32, #tpu.memory_space<vmem>>, vector<16xi32>,
      %swap3A_252 = vector.shape_cast %swap3A_251 : vector<16xi32> to vector<16xi32>
      %swap3A_253 = vector.shape_cast %and3A_249 : vector<16xi32> to vector<16xi32>
      tpu.vector_store %arg15[%swap3A_250], %swap3A_253 {strides = array<i32>} : memref<128xi32, #tpu.memory_space<vmem>>, vector<16xi32>,
      %get3A_254 = arith.constant 80 : index
      %get3A_255 = tpu.vector_load %arg6[%get3A_254] {strides = array<i32>} : memref<128xi32, #tpu.memory_space<vmem>>, vector<16xi32>,
      %get3A_256 = vector.shape_cast %get3A_255 : vector<16xi32> to vector<16xi32>
      %shift_right_logical3A_257 = arith.constant 14 : i32
      %shift_right_logical3A_258 = vector.broadcast %shift_right_logical3A_257 : i32 to vector<16xi32>
      %shift_right_logical3A_259 = arith.shrui %get3A_256, %shift_right_logical3A_258 : vector<16xi32>
      %swap3A_260 = arith.constant 80 : index
      %swap3A_261 = tpu.vector_load %arg14[%swap3A_260] {strides = array<i32>} : memref<128xi32, #tpu.memory_space<vmem>>, vector<16xi32>,
      %swap3A_262 = vector.shape_cast %swap3A_261 : vector<16xi32> to vector<16xi32>
      %swap3A_263 = vector.shape_cast %shift_right_logical3A_259 : vector<16xi32> to vector<16xi32>
      tpu.vector_store %arg14[%swap3A_260], %swap3A_263 {strides = array<i32>} : memref<128xi32, #tpu.memory_space<vmem>>, vector<16xi32>,
      %and3A_264 = arith.constant 16383 : i32
      %and3A_265 = vector.broadcast %and3A_264 : i32 to vector<16xi32>
      %and3A_266 = arith.andi %get3A_256, %and3A_265 : vector<16xi32>
      %swap3A_267 = arith.constant 80 : index
      %swap3A_268 = tpu.vector_load %arg15[%swap3A_267] {strides = array<i32>} : memref<128xi32, #tpu.memory_space<vmem>>, vector<16xi32>,
      %swap3A_269 = vector.shape_cast %swap3A_268 : vector<16xi32> to vector<16xi32>
      %swap3A_270 = vector.shape_cast %and3A_266 : vector<16xi32> to vector<16xi32>
      tpu.vector_store %arg15[%swap3A_267], %swap3A_270 {strides = array<i32>} : memref<128xi32, #tpu.memory_space<vmem>>, vector<16xi32>,
      %get3A_271 = arith.constant 96 : index
      %get3A_272 = tpu.vector_load %arg6[%get3A_271] {strides = array<i32>} : memref<128xi32, #tpu.memory_space<vmem>>, vector<16xi32>,
      %get3A_273 = vector.shape_cast %get3A_272 : vector<16xi32> to vector<16xi32>
      %shift_right_logical3A_274 = arith.constant 14 : i32
      %shift_right_logical3A_275 = vector.broadcast %shift_right_logical3A_274 : i32 to vector<16xi32>
      %shift_right_logical3A_276 = arith.shrui %get3A_273, %shift_right_logical3A_275 : vector<16xi32>
      %swap3A_277 = arith.constant 96 : index
      %swap3A_278 = tpu.vector_load %arg14[%swap3A_277] {strides = array<i32>} : memref<128xi32, #tpu.memory_space<vmem>>, vector<16xi32>,
      %swap3A_279 = vector.shape_cast %swap3A_278 : vector<16xi32> to vector<16xi32>
      %swap3A_280 = vector.shape_cast %shift_right_logical3A_276 : vector<16xi32> to vector<16xi32>
      tpu.vector_store %arg14[%swap3A_277], %swap3A_280 {strides = array<i32>} : memref<128xi32, #tpu.memory_space<vmem>>, vector<16xi32>,
      %and3A_281 = arith.constant 16383 : i32
      %and3A_282 = vector.broadcast %and3A_281 : i32 to vector<16xi32>
      %and3A_283 = arith.andi %get3A_273, %and3A_282 : vector<16xi32>
      %swap3A_284 = arith.constant 96 : index
      %swap3A_285 = tpu.vector_load %arg15[%swap3A_284] {strides = array<i32>} : memref<128xi32, #tpu.memory_space<vmem>>, vector<16xi32>,
      %swap3A_286 = vector.shape_cast %swap3A_285 : vector<16xi32> to vector<16xi32>
      %swap3A_287 = vector.shape_cast %and3A_283 : vector<16xi32> to vector<16xi32>
      tpu.vector_store %arg15[%swap3A_284], %swap3A_287 {strides = array<i32>} : memref<128xi32, #tpu.memory_space<vmem>>, vector<16xi32>,
      %get3A_288 = arith.constant 112 : index
      %get3A_289 = tpu.vector_load %arg6[%get3A_288] {strides = array<i32>} : memref<128xi32, #tpu.memory_space<vmem>>, vector<16xi32>,
      %get3A_290 = vector.shape_cast %get3A_289 : vector<16xi32> to vector<16xi32>
      %shift_right_logical3A_291 = arith.constant 14 : i32
      %shift_right_logical3A_292 = vector.broadcast %shift_right_logical3A_291 : i32 to vector<16xi32>
      %shift_right_logical3A_293 = arith.shrui %get3A_290, %shift_right_logical3A_292 : vector<16xi32>
      %swap3A_294 = arith.constant 112 : index
      %swap3A_295 = tpu.vector_load %arg14[%swap3A_294] {strides = array<i32>} : memref<128xi32, #tpu.memory_space<vmem>>, vector<16xi32>,
      %swap3A_296 = vector.shape_cast %swap3A_295 : vector<16xi32> to vector<16xi32>
      %swap3A_297 = vector.shape_cast %shift_right_logical3A_293 : vector<16xi32> to vector<16xi32>
      tpu.vector_store %arg14[%swap3A_294], %swap3A_297 {strides = array<i32>} : memref<128xi32, #tpu.memory_space<vmem>>, vector<16xi32>,
      %and3A_298 = arith.constant 16383 : i32
      %and3A_299 = vector.broadcast %and3A_298 : i32 to vector<16xi32>
      %and3A_300 = arith.andi %get3A_290, %and3A_299 : vector<16xi32>
      %swap3A_301 = arith.constant 112 : index
      %swap3A_302 = tpu.vector_load %arg15[%swap3A_301] {strides = array<i32>} : memref<128xi32, #tpu.memory_space<vmem>>, vector<16xi32>,
      %swap3A_303 = vector.shape_cast %swap3A_302 : vector<16xi32> to vector<16xi32>
      %swap3A_304 = vector.shape_cast %and3A_300 : vector<16xi32> to vector<16xi32>
      tpu.vector_store %arg15[%swap3A_301], %swap3A_304 {strides = array<i32>} : memref<128xi32, #tpu.memory_space<vmem>>, vector<16xi32>,
      %add3A_305 = arith.constant 8 : i32
      %add3A_306 = arith.addi %add3A_161, %add3A_305 : i32
      %sub3A_307 = arith.constant 1 : i32
      %sub3A_308 = arith.subi %select_n3A_12, %sub3A_307 : i32
      %min3A = arith.minsi %add3A_306, %sub3A_308 : i32
      %add3A_309 = arith.addi %select_n3A, %min3A : i32
      %dma_start3A_310 = arith.constant 0 : i32
      %dma_start3A_311 = tpu.memref_slice %arg3[%add3A_309, %dma_start3A_310] : memref<2560x128xi32, #tpu.memory_space<hbm>> -> memref<1x128xi32, #tpu.memory_space<hbm>>
      %dma_start3A_312 = tpu.memref_squeeze %dma_start3A_311 : memref<1x128xi32, #tpu.memory_space<hbm>> -> memref<128xi32, #tpu.memory_space<hbm>>
      %dma_start3A_313 = arith.constant 0 : i32
      %dma_start3A_314 = tpu.memref_slice %arg3[%add3A_309, %dma_start3A_313] : memref<2560x128xi32, #tpu.memory_space<hbm>> -> memref<1x128xi32, #tpu.memory_space<hbm>>
      %dma_start3A_315 = tpu.memref_squeeze %dma_start3A_314 : memref<1x128xi32, #tpu.memory_space<hbm>> -> memref<128xi32, #tpu.memory_space<hbm>>
      tpu.enqueue_dma source(%dma_start3A_315 : memref<128xi32, #tpu.memory_space<hbm>>) target(%arg6 : memref<128xi32, #tpu.memory_space<vmem>>) target_semaphore(%arg21 : memref<!tpu.dma_semaphore, #tpu.memory_space<semaphore_mem>>)
      %dma_start3A_316 = arith.constant 0 : i32
      %dma_start3A_317 = arith.constant 0 : i32
      %dma_start3A_318 = tpu.memref_slice %arg2[%dma_start3A_316, %dma_start3A_317] : memref<80000x128xf32, #tpu.memory_space<hbm>> -> memref<80000x128xf32, #tpu.memory_space<hbm>>
      tpu.enqueue_indirect_dma source(%dma_start3A_318 : memref<80000x128xf32, #tpu.memory_space<hbm>>) target(%arg18 : memref<128x128xf32, #tpu.memory_space<vmem>>) offsets(%arg14 : memref<128xi32, #tpu.memory_space<vmem>>) semaphore(%arg29 : memref<!tpu.dma_semaphore, #tpu.memory_space<semaphore_mem>>)
      %mul3A_319 = arith.constant 8 : i32
      %mul3A_320 = arith.muli %mul3A_319, %while3A_157 : i32
      %add3A_321 = arith.constant 1 : i32
      %add3A_322 = arith.addi %mul3A_320, %add3A_321 : i32
      %dma_wait3A_323 = arith.constant 0 : i32
      %dma_wait3A_324 = tpu.memref_slice %arg3[%select_n3A, %dma_wait3A_323] : memref<2560x128xi32, #tpu.memory_space<hbm>> -> memref<1x128xi32, #tpu.memory_space<hbm>>
      %dma_wait3A_325 = tpu.memref_squeeze %dma_wait3A_324 : memref<1x128xi32, #tpu.memory_space<hbm>> -> memref<128xi32, #tpu.memory_space<hbm>>
      %dma_wait3A_326 = arith.constant 0 : i32
      %dma_wait3A_327 = tpu.memref_slice %arg3[%select_n3A, %dma_wait3A_326] : memref<2560x128xi32, #tpu.memory_space<hbm>> -> memref<1x128xi32, #tpu.memory_space<hbm>>
      %dma_wait3A_328 = tpu.memref_squeeze %dma_wait3A_327 : memref<1x128xi32, #tpu.memory_space<hbm>> -> memref<128xi32, #tpu.memory_space<hbm>>
      tpu.wait_dma2 semaphore(%arg22 : memref<!tpu.dma_semaphore, #tpu.memory_space<semaphore_mem>>) src(%dma_wait3A_328 : memref<128xi32, #tpu.memory_space<hbm>>) dst(%arg7 : memref<128xi32, #tpu.memory_space<vmem>>)
      %ge3A_329 = arith.constant 2 : i32
      %ge3A_330 = arith.cmpi sge, %add3A_322, %ge3A_329 : i32
      %convert_element_type3A_331 = arith.extui %ge3A_330 : i1 to i32
      %cond3A_332 = arith.constant 0 : i32
      %cond3A_333 = arith.cmpi ne, %convert_element_type3A_331, %cond3A_332 : i32
      scf.if %cond3A_333 {
        %dma_wait3A_1481 = arith.constant 0 : i32
        %dma_wait3A_1482 = arith.constant 0 : i32
        %dma_wait3A_1483 = tpu.memref_slice %arg2[%dma_wait3A_1481, %dma_wait3A_1482] : memref<80000x128xf32, #tpu.memory_space<hbm>> -> memref<80000x128xf32, #tpu.memory_space<hbm>>
        tpu.wait_indirect_dma semaphore(%arg30 : memref<!tpu.dma_semaphore, #tpu.memory_space<semaphore_mem>>) src(%dma_wait3A_1483 : memref<80000x128xf32, #tpu.memory_space<hbm>>) dst(%arg19 : memref<128x128xf32, #tpu.memory_space<vmem>>)
        "tpu.region"() ({
          %run_scoped3A = tpu.sem_alloc : memref<!tpu.dma_semaphore, #tpu.memory_space<semaphore_mem>>
          %dma_start3A_1484 = arith.constant 0 : i32
          %dma_start3A_1485 = arith.constant 0 : i32
          %dma_start3A_1486 = tpu.memref_slice %arg20[%dma_start3A_1484, %dma_start3A_1485] : memref<10240x128xf32, #tpu.memory_space<vmem_shared>> -> memref<10240x128xf32, #tpu.memory_space<vmem_shared>>
          tpu.enqueue_indirect_dma source(%arg19 : memref<128x128xf32, #tpu.memory_space<vmem>>) target(%dma_start3A_1486 : memref<10240x128xf32, #tpu.memory_space<vmem_shared>>) offsets(%arg17 : memref<128xi32, #tpu.memory_space<vmem>>) semaphore(%run_scoped3A : memref<!tpu.dma_semaphore, #tpu.memory_space<semaphore_mem>>) {add = true}
          %dma_wait3A_1487 = arith.constant 0 : i32
          %dma_wait3A_1488 = arith.constant 0 : i32
          %dma_wait3A_1489 = tpu.memref_slice %arg20[%dma_wait3A_1487, %dma_wait3A_1488] : memref<10240x128xf32, #tpu.memory_space<vmem_shared>> -> memref<10240x128xf32, #tpu.memory_space<vmem_shared>>
          tpu.wait_indirect_dma semaphore(%run_scoped3A : memref<!tpu.dma_semaphore, #tpu.memory_space<semaphore_mem>>) src(%arg19 : memref<128x128xf32, #tpu.memory_space<vmem>>) dst(%dma_wait3A_1489 : memref<10240x128xf32, #tpu.memory_space<vmem_shared>>)
          tpu.yield
        }) : () -> ()
      } else {
      }
      %get3A_334 = arith.constant 0 : index
      %get3A_335 = tpu.vector_load %arg7[%get3A_334] {strides = array<i32>} : memref<128xi32, #tpu.memory_space<vmem>>, vector<16xi32>,
      %get3A_336 = vector.shape_cast %get3A_335 : vector<16xi32> to vector<16xi32>
      %shift_right_logical3A_337 = arith.constant 14 : i32
      %shift_right_logical3A_338 = vector.broadcast %shift_right_logical3A_337 : i32 to vector<16xi32>
      %shift_right_logical3A_339 = arith.shrui %get3A_336, %shift_right_logical3A_338 : vector<16xi32>
      %swap3A_340 = arith.constant 0 : index
      %swap3A_341 = tpu.vector_load %arg16[%swap3A_340] {strides = array<i32>} : memref<128xi32, #tpu.memory_space<vmem>>, vector<16xi32>,
      %swap3A_342 = vector.shape_cast %swap3A_341 : vector<16xi32> to vector<16xi32>
      %swap3A_343 = vector.shape_cast %shift_right_logical3A_339 : vector<16xi32> to vector<16xi32>
      tpu.vector_store %arg16[%swap3A_340], %swap3A_343 {strides = array<i32>} : memref<128xi32, #tpu.memory_space<vmem>>, vector<16xi32>,
      %and3A_344 = arith.constant 16383 : i32
      %and3A_345 = vector.broadcast %and3A_344 : i32 to vector<16xi32>
      %and3A_346 = arith.andi %get3A_336, %and3A_345 : vector<16xi32>
      %swap3A_347 = arith.constant 0 : index
      %swap3A_348 = tpu.vector_load %arg17[%swap3A_347] {strides = array<i32>} : memref<128xi32, #tpu.memory_space<vmem>>, vector<16xi32>,
      %swap3A_349 = vector.shape_cast %swap3A_348 : vector<16xi32> to vector<16xi32>
      %swap3A_350 = vector.shape_cast %and3A_346 : vector<16xi32> to vector<16xi32>
      tpu.vector_store %arg17[%swap3A_347], %swap3A_350 {strides = array<i32>} : memref<128xi32, #tpu.memory_space<vmem>>, vector<16xi32>,
      %get3A_351 = arith.constant 16 : index
      %get3A_352 = tpu.vector_load %arg7[%get3A_351] {strides = array<i32>} : memref<128xi32, #tpu.memory_space<vmem>>, vector<16xi32>,
      %get3A_353 = vector.shape_cast %get3A_352 : vector<16xi32> to vector<16xi32>
      %shift_right_logical3A_354 = arith.constant 14 : i32
      %shift_right_logical3A_355 = vector.broadcast %shift_right_logical3A_354 : i32 to vector<16xi32>
      %shift_right_logical3A_356 = arith.shrui %get3A_353, %shift_right_logical3A_355 : vector<16xi32>
      %swap3A_357 = arith.constant 16 : index
      %swap3A_358 = tpu.vector_load %arg16[%swap3A_357] {strides = array<i32>} : memref<128xi32, #tpu.memory_space<vmem>>, vector<16xi32>,
      %swap3A_359 = vector.shape_cast %swap3A_358 : vector<16xi32> to vector<16xi32>
      %swap3A_360 = vector.shape_cast %shift_right_logical3A_356 : vector<16xi32> to vector<16xi32>
      tpu.vector_store %arg16[%swap3A_357], %swap3A_360 {strides = array<i32>} : memref<128xi32, #tpu.memory_space<vmem>>, vector<16xi32>,
      %and3A_361 = arith.constant 16383 : i32
      %and3A_362 = vector.broadcast %and3A_361 : i32 to vector<16xi32>
      %and3A_363 = arith.andi %get3A_353, %and3A_362 : vector<16xi32>
      %swap3A_364 = arith.constant 16 : index
      %swap3A_365 = tpu.vector_load %arg17[%swap3A_364] {strides = array<i32>} : memref<128xi32, #tpu.memory_space<vmem>>, vector<16xi32>,
      %swap3A_366 = vector.shape_cast %swap3A_365 : vector<16xi32> to vector<16xi32>
      %swap3A_367 = vector.shape_cast %and3A_363 : vector<16xi32> to vector<16xi32>
      tpu.vector_store %arg17[%swap3A_364], %swap3A_367 {strides = array<i32>} : memref<128xi32, #tpu.memory_space<vmem>>, vector<16xi32>,
      %get3A_368 = arith.constant 32 : index
      %get3A_369 = tpu.vector_load %arg7[%get3A_368] {strides = array<i32>} : memref<128xi32, #tpu.memory_space<vmem>>, vector<16xi32>,
      %get3A_370 = vector.shape_cast %get3A_369 : vector<16xi32> to vector<16xi32>
      %shift_right_logical3A_371 = arith.constant 14 : i32
      %shift_right_logical3A_372 = vector.broadcast %shift_right_logical3A_371 : i32 to vector<16xi32>
      %shift_right_logical3A_373 = arith.shrui %get3A_370, %shift_right_logical3A_372 : vector<16xi32>
      %swap3A_374 = arith.constant 32 : index
      %swap3A_375 = tpu.vector_load %arg16[%swap3A_374] {strides = array<i32>} : memref<128xi32, #tpu.memory_space<vmem>>, vector<16xi32>,
      %swap3A_376 = vector.shape_cast %swap3A_375 : vector<16xi32> to vector<16xi32>
      %swap3A_377 = vector.shape_cast %shift_right_logical3A_373 : vector<16xi32> to vector<16xi32>
      tpu.vector_store %arg16[%swap3A_374], %swap3A_377 {strides = array<i32>} : memref<128xi32, #tpu.memory_space<vmem>>, vector<16xi32>,
      %and3A_378 = arith.constant 16383 : i32
      %and3A_379 = vector.broadcast %and3A_378 : i32 to vector<16xi32>
      %and3A_380 = arith.andi %get3A_370, %and3A_379 : vector<16xi32>
      %swap3A_381 = arith.constant 32 : index
      %swap3A_382 = tpu.vector_load %arg17[%swap3A_381] {strides = array<i32>} : memref<128xi32, #tpu.memory_space<vmem>>, vector<16xi32>,
      %swap3A_383 = vector.shape_cast %swap3A_382 : vector<16xi32> to vector<16xi32>
      %swap3A_384 = vector.shape_cast %and3A_380 : vector<16xi32> to vector<16xi32>
      tpu.vector_store %arg17[%swap3A_381], %swap3A_384 {strides = array<i32>} : memref<128xi32, #tpu.memory_space<vmem>>, vector<16xi32>,
      %get3A_385 = arith.constant 48 : index
      %get3A_386 = tpu.vector_load %arg7[%get3A_385] {strides = array<i32>} : memref<128xi32, #tpu.memory_space<vmem>>, vector<16xi32>,
      %get3A_387 = vector.shape_cast %get3A_386 : vector<16xi32> to vector<16xi32>
      %shift_right_logical3A_388 = arith.constant 14 : i32
      %shift_right_logical3A_389 = vector.broadcast %shift_right_logical3A_388 : i32 to vector<16xi32>
      %shift_right_logical3A_390 = arith.shrui %get3A_387, %shift_right_logical3A_389 : vector<16xi32>
      %swap3A_391 = arith.constant 48 : index
      %swap3A_392 = tpu.vector_load %arg16[%swap3A_391] {strides = array<i32>} : memref<128xi32, #tpu.memory_space<vmem>>, vector<16xi32>,
      %swap3A_393 = vector.shape_cast %swap3A_392 : vector<16xi32> to vector<16xi32>
      %swap3A_394 = vector.shape_cast %shift_right_logical3A_390 : vector<16xi32> to vector<16xi32>
      tpu.vector_store %arg16[%swap3A_391], %swap3A_394 {strides = array<i32>} : memref<128xi32, #tpu.memory_space<vmem>>, vector<16xi32>,
      %and3A_395 = arith.constant 16383 : i32
      %and3A_396 = vector.broadcast %and3A_395 : i32 to vector<16xi32>
      %and3A_397 = arith.andi %get3A_387, %and3A_396 : vector<16xi32>
      %swap3A_398 = arith.constant 48 : index
      %swap3A_399 = tpu.vector_load %arg17[%swap3A_398] {strides = array<i32>} : memref<128xi32, #tpu.memory_space<vmem>>, vector<16xi32>,
      %swap3A_400 = vector.shape_cast %swap3A_399 : vector<16xi32> to vector<16xi32>
      %swap3A_401 = vector.shape_cast %and3A_397 : vector<16xi32> to vector<16xi32>
      tpu.vector_store %arg17[%swap3A_398], %swap3A_401 {strides = array<i32>} : memref<128xi32, #tpu.memory_space<vmem>>, vector<16xi32>,
      %get3A_402 = arith.constant 64 : index
      %get3A_403 = tpu.vector_load %arg7[%get3A_402] {strides = array<i32>} : memref<128xi32, #tpu.memory_space<vmem>>, vector<16xi32>,
      %get3A_404 = vector.shape_cast %get3A_403 : vector<16xi32> to vector<16xi32>
      %shift_right_logical3A_405 = arith.constant 14 : i32
      %shift_right_logical3A_406 = vector.broadcast %shift_right_logical3A_405 : i32 to vector<16xi32>
      %shift_right_logical3A_407 = arith.shrui %get3A_404, %shift_right_logical3A_406 : vector<16xi32>
      %swap3A_408 = arith.constant 64 : index
      %swap3A_409 = tpu.vector_load %arg16[%swap3A_408] {strides = array<i32>} : memref<128xi32, #tpu.memory_space<vmem>>, vector<16xi32>,
      %swap3A_410 = vector.shape_cast %swap3A_409 : vector<16xi32> to vector<16xi32>
      %swap3A_411 = vector.shape_cast %shift_right_logical3A_407 : vector<16xi32> to vector<16xi32>
      tpu.vector_store %arg16[%swap3A_408], %swap3A_411 {strides = array<i32>} : memref<128xi32, #tpu.memory_space<vmem>>, vector<16xi32>,
      %and3A_412 = arith.constant 16383 : i32
      %and3A_413 = vector.broadcast %and3A_412 : i32 to vector<16xi32>
      %and3A_414 = arith.andi %get3A_404, %and3A_413 : vector<16xi32>
      %swap3A_415 = arith.constant 64 : index
      %swap3A_416 = tpu.vector_load %arg17[%swap3A_415] {strides = array<i32>} : memref<128xi32, #tpu.memory_space<vmem>>, vector<16xi32>,
      %swap3A_417 = vector.shape_cast %swap3A_416 : vector<16xi32> to vector<16xi32>
      %swap3A_418 = vector.shape_cast %and3A_414 : vector<16xi32> to vector<16xi32>
      tpu.vector_store %arg17[%swap3A_415], %swap3A_418 {strides = array<i32>} : memref<128xi32, #tpu.memory_space<vmem>>, vector<16xi32>,
      %get3A_419 = arith.constant 80 : index
      %get3A_420 = tpu.vector_load %arg7[%get3A_419] {strides = array<i32>} : memref<128xi32, #tpu.memory_space<vmem>>, vector<16xi32>,
      %get3A_421 = vector.shape_cast %get3A_420 : vector<16xi32> to vector<16xi32>
      %shift_right_logical3A_422 = arith.constant 14 : i32
      %shift_right_logical3A_423 = vector.broadcast %shift_right_logical3A_422 : i32 to vector<16xi32>
      %shift_right_logical3A_424 = arith.shrui %get3A_421, %shift_right_logical3A_423 : vector<16xi32>
      %swap3A_425 = arith.constant 80 : index
      %swap3A_426 = tpu.vector_load %arg16[%swap3A_425] {strides = array<i32>} : memref<128xi32, #tpu.memory_space<vmem>>, vector<16xi32>,
      %swap3A_427 = vector.shape_cast %swap3A_426 : vector<16xi32> to vector<16xi32>
      %swap3A_428 = vector.shape_cast %shift_right_logical3A_424 : vector<16xi32> to vector<16xi32>
      tpu.vector_store %arg16[%swap3A_425], %swap3A_428 {strides = array<i32>} : memref<128xi32, #tpu.memory_space<vmem>>, vector<16xi32>,
      %and3A_429 = arith.constant 16383 : i32
      %and3A_430 = vector.broadcast %and3A_429 : i32 to vector<16xi32>
      %and3A_431 = arith.andi %get3A_421, %and3A_430 : vector<16xi32>
      %swap3A_432 = arith.constant 80 : index
      %swap3A_433 = tpu.vector_load %arg17[%swap3A_432] {strides = array<i32>} : memref<128xi32, #tpu.memory_space<vmem>>, vector<16xi32>,
      %swap3A_434 = vector.shape_cast %swap3A_433 : vector<16xi32> to vector<16xi32>
      %swap3A_435 = vector.shape_cast %and3A_431 : vector<16xi32> to vector<16xi32>
      tpu.vector_store %arg17[%swap3A_432], %swap3A_435 {strides = array<i32>} : memref<128xi32, #tpu.memory_space<vmem>>, vector<16xi32>,
      %get3A_436 = arith.constant 96 : index
      %get3A_437 = tpu.vector_load %arg7[%get3A_436] {strides = array<i32>} : memref<128xi32, #tpu.memory_space<vmem>>, vector<16xi32>,
      %get3A_438 = vector.shape_cast %get3A_437 : vector<16xi32> to vector<16xi32>
      %shift_right_logical3A_439 = arith.constant 14 : i32
      %shift_right_logical3A_440 = vector.broadcast %shift_right_logical3A_439 : i32 to vector<16xi32>
      %shift_right_logical3A_441 = arith.shrui %get3A_438, %shift_right_logical3A_440 : vector<16xi32>
      %swap3A_442 = arith.constant 96 : index
      %swap3A_443 = tpu.vector_load %arg16[%swap3A_442] {strides = array<i32>} : memref<128xi32, #tpu.memory_space<vmem>>, vector<16xi32>,
      %swap3A_444 = vector.shape_cast %swap3A_443 : vector<16xi32> to vector<16xi32>
      %swap3A_445 = vector.shape_cast %shift_right_logical3A_441 : vector<16xi32> to vector<16xi32>
      tpu.vector_store %arg16[%swap3A_442], %swap3A_445 {strides = array<i32>} : memref<128xi32, #tpu.memory_space<vmem>>, vector<16xi32>,
      %and3A_446 = arith.constant 16383 : i32
      %and3A_447 = vector.broadcast %and3A_446 : i32 to vector<16xi32>
      %and3A_448 = arith.andi %get3A_438, %and3A_447 : vector<16xi32>
      %swap3A_449 = arith.constant 96 : index
      %swap3A_450 = tpu.vector_load %arg17[%swap3A_449] {strides = array<i32>} : memref<128xi32, #tpu.memory_space<vmem>>, vector<16xi32>,
      %swap3A_451 = vector.shape_cast %swap3A_450 : vector<16xi32> to vector<16xi32>
      %swap3A_452 = vector.shape_cast %and3A_448 : vector<16xi32> to vector<16xi32>
      tpu.vector_store %arg17[%swap3A_449], %swap3A_452 {strides = array<i32>} : memref<128xi32, #tpu.memory_space<vmem>>, vector<16xi32>,
      %get3A_453 = arith.constant 112 : index
      %get3A_454 = tpu.vector_load %arg7[%get3A_453] {strides = array<i32>} : memref<128xi32, #tpu.memory_space<vmem>>, vector<16xi32>,
      %get3A_455 = vector.shape_cast %get3A_454 : vector<16xi32> to vector<16xi32>
      %shift_right_logical3A_456 = arith.constant 14 : i32
      %shift_right_logical3A_457 = vector.broadcast %shift_right_logical3A_456 : i32 to vector<16xi32>
      %shift_right_logical3A_458 = arith.shrui %get3A_455, %shift_right_logical3A_457 : vector<16xi32>
      %swap3A_459 = arith.constant 112 : index
      %swap3A_460 = tpu.vector_load %arg16[%swap3A_459] {strides = array<i32>} : memref<128xi32, #tpu.memory_space<vmem>>, vector<16xi32>,
      %swap3A_461 = vector.shape_cast %swap3A_460 : vector<16xi32> to vector<16xi32>
      %swap3A_462 = vector.shape_cast %shift_right_logical3A_458 : vector<16xi32> to vector<16xi32>
      tpu.vector_store %arg16[%swap3A_459], %swap3A_462 {strides = array<i32>} : memref<128xi32, #tpu.memory_space<vmem>>, vector<16xi32>,
      %and3A_463 = arith.constant 16383 : i32
      %and3A_464 = vector.broadcast %and3A_463 : i32 to vector<16xi32>
      %and3A_465 = arith.andi %get3A_455, %and3A_464 : vector<16xi32>
      %swap3A_466 = arith.constant 112 : index
      %swap3A_467 = tpu.vector_load %arg17[%swap3A_466] {strides = array<i32>} : memref<128xi32, #tpu.memory_space<vmem>>, vector<16xi32>,
      %swap3A_468 = vector.shape_cast %swap3A_467 : vector<16xi32> to vector<16xi32>
      %swap3A_469 = vector.shape_cast %and3A_465 : vector<16xi32> to vector<16xi32>
      tpu.vector_store %arg17[%swap3A_466], %swap3A_469 {strides = array<i32>} : memref<128xi32, #tpu.memory_space<vmem>>, vector<16xi32>,
      %add3A_470 = arith.constant 8 : i32
      %add3A_471 = arith.addi %add3A_322, %add3A_470 : i32
      %sub3A_472 = arith.constant 1 : i32
      %sub3A_473 = arith.subi %select_n3A_12, %sub3A_472 : i32
      %min3A_474 = arith.minsi %add3A_471, %sub3A_473 : i32
      %add3A_475 = arith.addi %select_n3A, %min3A_474 : i32
      %dma_start3A_476 = arith.constant 0 : i32
      %dma_start3A_477 = tpu.memref_slice %arg3[%add3A_475, %dma_start3A_476] : memref<2560x128xi32, #tpu.memory_space<hbm>> -> memref<1x128xi32, #tpu.memory_space<hbm>>
      %dma_start3A_478 = tpu.memref_squeeze %dma_start3A_477 : memref<1x128xi32, #tpu.memory_space<hbm>> -> memref<128xi32, #tpu.memory_space<hbm>>
      %dma_start3A_479 = arith.constant 0 : i32
      %dma_start3A_480 = tpu.memref_slice %arg3[%add3A_475, %dma_start3A_479] : memref<2560x128xi32, #tpu.memory_space<hbm>> -> memref<1x128xi32, #tpu.memory_space<hbm>>
      %dma_start3A_481 = tpu.memref_squeeze %dma_start3A_480 : memref<1x128xi32, #tpu.memory_space<hbm>> -> memref<128xi32, #tpu.memory_space<hbm>>
      tpu.enqueue_dma source(%dma_start3A_481 : memref<128xi32, #tpu.memory_space<hbm>>) target(%arg7 : memref<128xi32, #tpu.memory_space<vmem>>) target_semaphore(%arg22 : memref<!tpu.dma_semaphore, #tpu.memory_space<semaphore_mem>>)
      %dma_start3A_482 = arith.constant 0 : i32
      %dma_start3A_483 = arith.constant 0 : i32
      %dma_start3A_484 = tpu.memref_slice %arg2[%dma_start3A_482, %dma_start3A_483] : memref<80000x128xf32, #tpu.memory_space<hbm>> -> memref<80000x128xf32, #tpu.memory_space<hbm>>
      tpu.enqueue_indirect_dma source(%dma_start3A_484 : memref<80000x128xf32, #tpu.memory_space<hbm>>) target(%arg19 : memref<128x128xf32, #tpu.memory_space<vmem>>) offsets(%arg16 : memref<128xi32, #tpu.memory_space<vmem>>) semaphore(%arg30 : memref<!tpu.dma_semaphore, #tpu.memory_space<semaphore_mem>>)
      %mul3A_485 = arith.constant 8 : i32
      %mul3A_486 = arith.muli %mul3A_485, %while3A_157 : i32
      %add3A_487 = arith.constant 2 : i32
      %add3A_488 = arith.addi %mul3A_486, %add3A_487 : i32
      %dma_wait3A_489 = arith.constant 0 : i32
      %dma_wait3A_490 = tpu.memref_slice %arg3[%select_n3A, %dma_wait3A_489] : memref<2560x128xi32, #tpu.memory_space<hbm>> -> memref<1x128xi32, #tpu.memory_space<hbm>>
      %dma_wait3A_491 = tpu.memref_squeeze %dma_wait3A_490 : memref<1x128xi32, #tpu.memory_space<hbm>> -> memref<128xi32, #tpu.memory_space<hbm>>
      %dma_wait3A_492 = arith.constant 0 : i32
      %dma_wait3A_493 = tpu.memref_slice %arg3[%select_n3A, %dma_wait3A_492] : memref<2560x128xi32, #tpu.memory_space<hbm>> -> memref<1x128xi32, #tpu.memory_space<hbm>>
      %dma_wait3A_494 = tpu.memref_squeeze %dma_wait3A_493 : memref<1x128xi32, #tpu.memory_space<hbm>> -> memref<128xi32, #tpu.memory_space<hbm>>
      tpu.wait_dma2 semaphore(%arg23 : memref<!tpu.dma_semaphore, #tpu.memory_space<semaphore_mem>>) src(%dma_wait3A_494 : memref<128xi32, #tpu.memory_space<hbm>>) dst(%arg8 : memref<128xi32, #tpu.memory_space<vmem>>)
      %ge3A_495 = arith.constant 2 : i32
      %ge3A_496 = arith.cmpi sge, %add3A_488, %ge3A_495 : i32
      %convert_element_type3A_497 = arith.extui %ge3A_496 : i1 to i32
      %cond3A_498 = arith.constant 0 : i32
      %cond3A_499 = arith.cmpi ne, %convert_element_type3A_497, %cond3A_498 : i32
      scf.if %cond3A_499 {
        %dma_wait3A_1481 = arith.constant 0 : i32
        %dma_wait3A_1482 = arith.constant 0 : i32
        %dma_wait3A_1483 = tpu.memref_slice %arg2[%dma_wait3A_1481, %dma_wait3A_1482] : memref<80000x128xf32, #tpu.memory_space<hbm>> -> memref<80000x128xf32, #tpu.memory_space<hbm>>
        tpu.wait_indirect_dma semaphore(%arg29 : memref<!tpu.dma_semaphore, #tpu.memory_space<semaphore_mem>>) src(%dma_wait3A_1483 : memref<80000x128xf32, #tpu.memory_space<hbm>>) dst(%arg18 : memref<128x128xf32, #tpu.memory_space<vmem>>)
        "tpu.region"() ({
          %run_scoped3A = tpu.sem_alloc : memref<!tpu.dma_semaphore, #tpu.memory_space<semaphore_mem>>
          %dma_start3A_1484 = arith.constant 0 : i32
          %dma_start3A_1485 = arith.constant 0 : i32
          %dma_start3A_1486 = tpu.memref_slice %arg20[%dma_start3A_1484, %dma_start3A_1485] : memref<10240x128xf32, #tpu.memory_space<vmem_shared>> -> memref<10240x128xf32, #tpu.memory_space<vmem_shared>>
          tpu.enqueue_indirect_dma source(%arg18 : memref<128x128xf32, #tpu.memory_space<vmem>>) target(%dma_start3A_1486 : memref<10240x128xf32, #tpu.memory_space<vmem_shared>>) offsets(%arg15 : memref<128xi32, #tpu.memory_space<vmem>>) semaphore(%run_scoped3A : memref<!tpu.dma_semaphore, #tpu.memory_space<semaphore_mem>>) {add = true}
          %dma_wait3A_1487 = arith.constant 0 : i32
          %dma_wait3A_1488 = arith.constant 0 : i32
          %dma_wait3A_1489 = tpu.memref_slice %arg20[%dma_wait3A_1487, %dma_wait3A_1488] : memref<10240x128xf32, #tpu.memory_space<vmem_shared>> -> memref<10240x128xf32, #tpu.memory_space<vmem_shared>>
          tpu.wait_indirect_dma semaphore(%run_scoped3A : memref<!tpu.dma_semaphore, #tpu.memory_space<semaphore_mem>>) src(%arg18 : memref<128x128xf32, #tpu.memory_space<vmem>>) dst(%dma_wait3A_1489 : memref<10240x128xf32, #tpu.memory_space<vmem_shared>>)
          tpu.yield
        }) : () -> ()
      } else {
      }
      %get3A_500 = arith.constant 0 : index
      %get3A_501 = tpu.vector_load %arg8[%get3A_500] {strides = array<i32>} : memref<128xi32, #tpu.memory_space<vmem>>, vector<16xi32>,
      %get3A_502 = vector.shape_cast %get3A_501 : vector<16xi32> to vector<16xi32>
      %shift_right_logical3A_503 = arith.constant 14 : i32
      %shift_right_logical3A_504 = vector.broadcast %shift_right_logical3A_503 : i32 to vector<16xi32>
      %shift_right_logical3A_505 = arith.shrui %get3A_502, %shift_right_logical3A_504 : vector<16xi32>
      %swap3A_506 = arith.constant 0 : index
      %swap3A_507 = tpu.vector_load %arg14[%swap3A_506] {strides = array<i32>} : memref<128xi32, #tpu.memory_space<vmem>>, vector<16xi32>,
      %swap3A_508 = vector.shape_cast %swap3A_507 : vector<16xi32> to vector<16xi32>
      %swap3A_509 = vector.shape_cast %shift_right_logical3A_505 : vector<16xi32> to vector<16xi32>
      tpu.vector_store %arg14[%swap3A_506], %swap3A_509 {strides = array<i32>} : memref<128xi32, #tpu.memory_space<vmem>>, vector<16xi32>,
      %and3A_510 = arith.constant 16383 : i32
      %and3A_511 = vector.broadcast %and3A_510 : i32 to vector<16xi32>
      %and3A_512 = arith.andi %get3A_502, %and3A_511 : vector<16xi32>
      %swap3A_513 = arith.constant 0 : index
      %swap3A_514 = tpu.vector_load %arg15[%swap3A_513] {strides = array<i32>} : memref<128xi32, #tpu.memory_space<vmem>>, vector<16xi32>,
      %swap3A_515 = vector.shape_cast %swap3A_514 : vector<16xi32> to vector<16xi32>
      %swap3A_516 = vector.shape_cast %and3A_512 : vector<16xi32> to vector<16xi32>
      tpu.vector_store %arg15[%swap3A_513], %swap3A_516 {strides = array<i32>} : memref<128xi32, #tpu.memory_space<vmem>>, vector<16xi32>,
      %get3A_517 = arith.constant 16 : index
      %get3A_518 = tpu.vector_load %arg8[%get3A_517] {strides = array<i32>} : memref<128xi32, #tpu.memory_space<vmem>>, vector<16xi32>,
      %get3A_519 = vector.shape_cast %get3A_518 : vector<16xi32> to vector<16xi32>
      %shift_right_logical3A_520 = arith.constant 14 : i32
      %shift_right_logical3A_521 = vector.broadcast %shift_right_logical3A_520 : i32 to vector<16xi32>
      %shift_right_logical3A_522 = arith.shrui %get3A_519, %shift_right_logical3A_521 : vector<16xi32>
      %swap3A_523 = arith.constant 16 : index
      %swap3A_524 = tpu.vector_load %arg14[%swap3A_523] {strides = array<i32>} : memref<128xi32, #tpu.memory_space<vmem>>, vector<16xi32>,
      %swap3A_525 = vector.shape_cast %swap3A_524 : vector<16xi32> to vector<16xi32>
      %swap3A_526 = vector.shape_cast %shift_right_logical3A_522 : vector<16xi32> to vector<16xi32>
      tpu.vector_store %arg14[%swap3A_523], %swap3A_526 {strides = array<i32>} : memref<128xi32, #tpu.memory_space<vmem>>, vector<16xi32>,
      %and3A_527 = arith.constant 16383 : i32
      %and3A_528 = vector.broadcast %and3A_527 : i32 to vector<16xi32>
      %and3A_529 = arith.andi %get3A_519, %and3A_528 : vector<16xi32>
      %swap3A_530 = arith.constant 16 : index
      %swap3A_531 = tpu.vector_load %arg15[%swap3A_530] {strides = array<i32>} : memref<128xi32, #tpu.memory_space<vmem>>, vector<16xi32>,
      %swap3A_532 = vector.shape_cast %swap3A_531 : vector<16xi32> to vector<16xi32>
      %swap3A_533 = vector.shape_cast %and3A_529 : vector<16xi32> to vector<16xi32>
      tpu.vector_store %arg15[%swap3A_530], %swap3A_533 {strides = array<i32>} : memref<128xi32, #tpu.memory_space<vmem>>, vector<16xi32>,
      %get3A_534 = arith.constant 32 : index
      %get3A_535 = tpu.vector_load %arg8[%get3A_534] {strides = array<i32>} : memref<128xi32, #tpu.memory_space<vmem>>, vector<16xi32>,
      %get3A_536 = vector.shape_cast %get3A_535 : vector<16xi32> to vector<16xi32>
      %shift_right_logical3A_537 = arith.constant 14 : i32
      %shift_right_logical3A_538 = vector.broadcast %shift_right_logical3A_537 : i32 to vector<16xi32>
      %shift_right_logical3A_539 = arith.shrui %get3A_536, %shift_right_logical3A_538 : vector<16xi32>
      %swap3A_540 = arith.constant 32 : index
      %swap3A_541 = tpu.vector_load %arg14[%swap3A_540] {strides = array<i32>} : memref<128xi32, #tpu.memory_space<vmem>>, vector<16xi32>,
      %swap3A_542 = vector.shape_cast %swap3A_541 : vector<16xi32> to vector<16xi32>
      %swap3A_543 = vector.shape_cast %shift_right_logical3A_539 : vector<16xi32> to vector<16xi32>
      tpu.vector_store %arg14[%swap3A_540], %swap3A_543 {strides = array<i32>} : memref<128xi32, #tpu.memory_space<vmem>>, vector<16xi32>,
      %and3A_544 = arith.constant 16383 : i32
      %and3A_545 = vector.broadcast %and3A_544 : i32 to vector<16xi32>
      %and3A_546 = arith.andi %get3A_536, %and3A_545 : vector<16xi32>
      %swap3A_547 = arith.constant 32 : index
      %swap3A_548 = tpu.vector_load %arg15[%swap3A_547] {strides = array<i32>} : memref<128xi32, #tpu.memory_space<vmem>>, vector<16xi32>,
      %swap3A_549 = vector.shape_cast %swap3A_548 : vector<16xi32> to vector<16xi32>
      %swap3A_550 = vector.shape_cast %and3A_546 : vector<16xi32> to vector<16xi32>
      tpu.vector_store %arg15[%swap3A_547], %swap3A_550 {strides = array<i32>} : memref<128xi32, #tpu.memory_space<vmem>>, vector<16xi32>,
      %get3A_551 = arith.constant 48 : index
      %get3A_552 = tpu.vector_load %arg8[%get3A_551] {strides = array<i32>} : memref<128xi32, #tpu.memory_space<vmem>>, vector<16xi32>,
      %get3A_553 = vector.shape_cast %get3A_552 : vector<16xi32> to vector<16xi32>
      %shift_right_logical3A_554 = arith.constant 14 : i32
      %shift_right_logical3A_555 = vector.broadcast %shift_right_logical3A_554 : i32 to vector<16xi32>
      %shift_right_logical3A_556 = arith.shrui %get3A_553, %shift_right_logical3A_555 : vector<16xi32>
      %swap3A_557 = arith.constant 48 : index
      %swap3A_558 = tpu.vector_load %arg14[%swap3A_557] {strides = array<i32>} : memref<128xi32, #tpu.memory_space<vmem>>, vector<16xi32>,
      %swap3A_559 = vector.shape_cast %swap3A_558 : vector<16xi32> to vector<16xi32>
      %swap3A_560 = vector.shape_cast %shift_right_logical3A_556 : vector<16xi32> to vector<16xi32>
      tpu.vector_store %arg14[%swap3A_557], %swap3A_560 {strides = array<i32>} : memref<128xi32, #tpu.memory_space<vmem>>, vector<16xi32>,
      %and3A_561 = arith.constant 16383 : i32
      %and3A_562 = vector.broadcast %and3A_561 : i32 to vector<16xi32>
      %and3A_563 = arith.andi %get3A_553, %and3A_562 : vector<16xi32>
      %swap3A_564 = arith.constant 48 : index
      %swap3A_565 = tpu.vector_load %arg15[%swap3A_564] {strides = array<i32>} : memref<128xi32, #tpu.memory_space<vmem>>, vector<16xi32>,
      %swap3A_566 = vector.shape_cast %swap3A_565 : vector<16xi32> to vector<16xi32>
      %swap3A_567 = vector.shape_cast %and3A_563 : vector<16xi32> to vector<16xi32>
      tpu.vector_store %arg15[%swap3A_564], %swap3A_567 {strides = array<i32>} : memref<128xi32, #tpu.memory_space<vmem>>, vector<16xi32>,
      %get3A_568 = arith.constant 64 : index
      %get3A_569 = tpu.vector_load %arg8[%get3A_568] {strides = array<i32>} : memref<128xi32, #tpu.memory_space<vmem>>, vector<16xi32>,
      %get3A_570 = vector.shape_cast %get3A_569 : vector<16xi32> to vector<16xi32>
      %shift_right_logical3A_571 = arith.constant 14 : i32
      %shift_right_logical3A_572 = vector.broadcast %shift_right_logical3A_571 : i32 to vector<16xi32>
      %shift_right_logical3A_573 = arith.shrui %get3A_570, %shift_right_logical3A_572 : vector<16xi32>
      %swap3A_574 = arith.constant 64 : index
      %swap3A_575 = tpu.vector_load %arg14[%swap3A_574] {strides = array<i32>} : memref<128xi32, #tpu.memory_space<vmem>>, vector<16xi32>,
      %swap3A_576 = vector.shape_cast %swap3A_575 : vector<16xi32> to vector<16xi32>
      %swap3A_577 = vector.shape_cast %shift_right_logical3A_573 : vector<16xi32> to vector<16xi32>
      tpu.vector_store %arg14[%swap3A_574], %swap3A_577 {strides = array<i32>} : memref<128xi32, #tpu.memory_space<vmem>>, vector<16xi32>,
      %and3A_578 = arith.constant 16383 : i32
      %and3A_579 = vector.broadcast %and3A_578 : i32 to vector<16xi32>
      %and3A_580 = arith.andi %get3A_570, %and3A_579 : vector<16xi32>
      %swap3A_581 = arith.constant 64 : index
      %swap3A_582 = tpu.vector_load %arg15[%swap3A_581] {strides = array<i32>} : memref<128xi32, #tpu.memory_space<vmem>>, vector<16xi32>,
      %swap3A_583 = vector.shape_cast %swap3A_582 : vector<16xi32> to vector<16xi32>
      %swap3A_584 = vector.shape_cast %and3A_580 : vector<16xi32> to vector<16xi32>
      tpu.vector_store %arg15[%swap3A_581], %swap3A_584 {strides = array<i32>} : memref<128xi32, #tpu.memory_space<vmem>>, vector<16xi32>,
      %get3A_585 = arith.constant 80 : index
      %get3A_586 = tpu.vector_load %arg8[%get3A_585] {strides = array<i32>} : memref<128xi32, #tpu.memory_space<vmem>>, vector<16xi32>,
      %get3A_587 = vector.shape_cast %get3A_586 : vector<16xi32> to vector<16xi32>
      %shift_right_logical3A_588 = arith.constant 14 : i32
      %shift_right_logical3A_589 = vector.broadcast %shift_right_logical3A_588 : i32 to vector<16xi32>
      %shift_right_logical3A_590 = arith.shrui %get3A_587, %shift_right_logical3A_589 : vector<16xi32>
      %swap3A_591 = arith.constant 80 : index
      %swap3A_592 = tpu.vector_load %arg14[%swap3A_591] {strides = array<i32>} : memref<128xi32, #tpu.memory_space<vmem>>, vector<16xi32>,
      %swap3A_593 = vector.shape_cast %swap3A_592 : vector<16xi32> to vector<16xi32>
      %swap3A_594 = vector.shape_cast %shift_right_logical3A_590 : vector<16xi32> to vector<16xi32>
      tpu.vector_store %arg14[%swap3A_591], %swap3A_594 {strides = array<i32>} : memref<128xi32, #tpu.memory_space<vmem>>, vector<16xi32>,
      %and3A_595 = arith.constant 16383 : i32
      %and3A_596 = vector.broadcast %and3A_595 : i32 to vector<16xi32>
      %and3A_597 = arith.andi %get3A_587, %and3A_596 : vector<16xi32>
      %swap3A_598 = arith.constant 80 : index
      %swap3A_599 = tpu.vector_load %arg15[%swap3A_598] {strides = array<i32>} : memref<128xi32, #tpu.memory_space<vmem>>, vector<16xi32>,
      %swap3A_600 = vector.shape_cast %swap3A_599 : vector<16xi32> to vector<16xi32>
      %swap3A_601 = vector.shape_cast %and3A_597 : vector<16xi32> to vector<16xi32>
      tpu.vector_store %arg15[%swap3A_598], %swap3A_601 {strides = array<i32>} : memref<128xi32, #tpu.memory_space<vmem>>, vector<16xi32>,
      %get3A_602 = arith.constant 96 : index
      %get3A_603 = tpu.vector_load %arg8[%get3A_602] {strides = array<i32>} : memref<128xi32, #tpu.memory_space<vmem>>, vector<16xi32>,
      %get3A_604 = vector.shape_cast %get3A_603 : vector<16xi32> to vector<16xi32>
      %shift_right_logical3A_605 = arith.constant 14 : i32
      %shift_right_logical3A_606 = vector.broadcast %shift_right_logical3A_605 : i32 to vector<16xi32>
      %shift_right_logical3A_607 = arith.shrui %get3A_604, %shift_right_logical3A_606 : vector<16xi32>
      %swap3A_608 = arith.constant 96 : index
      %swap3A_609 = tpu.vector_load %arg14[%swap3A_608] {strides = array<i32>} : memref<128xi32, #tpu.memory_space<vmem>>, vector<16xi32>,
      %swap3A_610 = vector.shape_cast %swap3A_609 : vector<16xi32> to vector<16xi32>
      %swap3A_611 = vector.shape_cast %shift_right_logical3A_607 : vector<16xi32> to vector<16xi32>
      tpu.vector_store %arg14[%swap3A_608], %swap3A_611 {strides = array<i32>} : memref<128xi32, #tpu.memory_space<vmem>>, vector<16xi32>,
      %and3A_612 = arith.constant 16383 : i32
      %and3A_613 = vector.broadcast %and3A_612 : i32 to vector<16xi32>
      %and3A_614 = arith.andi %get3A_604, %and3A_613 : vector<16xi32>
      %swap3A_615 = arith.constant 96 : index
      %swap3A_616 = tpu.vector_load %arg15[%swap3A_615] {strides = array<i32>} : memref<128xi32, #tpu.memory_space<vmem>>, vector<16xi32>,
      %swap3A_617 = vector.shape_cast %swap3A_616 : vector<16xi32> to vector<16xi32>
      %swap3A_618 = vector.shape_cast %and3A_614 : vector<16xi32> to vector<16xi32>
      tpu.vector_store %arg15[%swap3A_615], %swap3A_618 {strides = array<i32>} : memref<128xi32, #tpu.memory_space<vmem>>, vector<16xi32>,
      %get3A_619 = arith.constant 112 : index
      %get3A_620 = tpu.vector_load %arg8[%get3A_619] {strides = array<i32>} : memref<128xi32, #tpu.memory_space<vmem>>, vector<16xi32>,
      %get3A_621 = vector.shape_cast %get3A_620 : vector<16xi32> to vector<16xi32>
      %shift_right_logical3A_622 = arith.constant 14 : i32
      %shift_right_logical3A_623 = vector.broadcast %shift_right_logical3A_622 : i32 to vector<16xi32>
      %shift_right_logical3A_624 = arith.shrui %get3A_621, %shift_right_logical3A_623 : vector<16xi32>
      %swap3A_625 = arith.constant 112 : index
      %swap3A_626 = tpu.vector_load %arg14[%swap3A_625] {strides = array<i32>} : memref<128xi32, #tpu.memory_space<vmem>>, vector<16xi32>,
      %swap3A_627 = vector.shape_cast %swap3A_626 : vector<16xi32> to vector<16xi32>
      %swap3A_628 = vector.shape_cast %shift_right_logical3A_624 : vector<16xi32> to vector<16xi32>
      tpu.vector_store %arg14[%swap3A_625], %swap3A_628 {strides = array<i32>} : memref<128xi32, #tpu.memory_space<vmem>>, vector<16xi32>,
      %and3A_629 = arith.constant 16383 : i32
      %and3A_630 = vector.broadcast %and3A_629 : i32 to vector<16xi32>
      %and3A_631 = arith.andi %get3A_621, %and3A_630 : vector<16xi32>
      %swap3A_632 = arith.constant 112 : index
      %swap3A_633 = tpu.vector_load %arg15[%swap3A_632] {strides = array<i32>} : memref<128xi32, #tpu.memory_space<vmem>>, vector<16xi32>,
      %swap3A_634 = vector.shape_cast %swap3A_633 : vector<16xi32> to vector<16xi32>
      %swap3A_635 = vector.shape_cast %and3A_631 : vector<16xi32> to vector<16xi32>
      tpu.vector_store %arg15[%swap3A_632], %swap3A_635 {strides = array<i32>} : memref<128xi32, #tpu.memory_space<vmem>>, vector<16xi32>,
      %add3A_636 = arith.constant 8 : i32
      %add3A_637 = arith.addi %add3A_488, %add3A_636 : i32
      %sub3A_638 = arith.constant 1 : i32
      %sub3A_639 = arith.subi %select_n3A_12, %sub3A_638 : i32
      %min3A_640 = arith.minsi %add3A_637, %sub3A_639 : i32
      %add3A_641 = arith.addi %select_n3A, %min3A_640 : i32
      %dma_start3A_642 = arith.constant 0 : i32
      %dma_start3A_643 = tpu.memref_slice %arg3[%add3A_641, %dma_start3A_642] : memref<2560x128xi32, #tpu.memory_space<hbm>> -> memref<1x128xi32, #tpu.memory_space<hbm>>
      %dma_start3A_644 = tpu.memref_squeeze %dma_start3A_643 : memref<1x128xi32, #tpu.memory_space<hbm>> -> memref<128xi32, #tpu.memory_space<hbm>>
      %dma_start3A_645 = arith.constant 0 : i32
      %dma_start3A_646 = tpu.memref_slice %arg3[%add3A_641, %dma_start3A_645] : memref<2560x128xi32, #tpu.memory_space<hbm>> -> memref<1x128xi32, #tpu.memory_space<hbm>>
      %dma_start3A_647 = tpu.memref_squeeze %dma_start3A_646 : memref<1x128xi32, #tpu.memory_space<hbm>> -> memref<128xi32, #tpu.memory_space<hbm>>
      tpu.enqueue_dma source(%dma_start3A_647 : memref<128xi32, #tpu.memory_space<hbm>>) target(%arg8 : memref<128xi32, #tpu.memory_space<vmem>>) target_semaphore(%arg23 : memref<!tpu.dma_semaphore, #tpu.memory_space<semaphore_mem>>)
      %dma_start3A_648 = arith.constant 0 : i32
      %dma_start3A_649 = arith.constant 0 : i32
      %dma_start3A_650 = tpu.memref_slice %arg2[%dma_start3A_648, %dma_start3A_649] : memref<80000x128xf32, #tpu.memory_space<hbm>> -> memref<80000x128xf32, #tpu.memory_space<hbm>>
      tpu.enqueue_indirect_dma source(%dma_start3A_650 : memref<80000x128xf32, #tpu.memory_space<hbm>>) target(%arg18 : memref<128x128xf32, #tpu.memory_space<vmem>>) offsets(%arg14 : memref<128xi32, #tpu.memory_space<vmem>>) semaphore(%arg29 : memref<!tpu.dma_semaphore, #tpu.memory_space<semaphore_mem>>)
      %mul3A_651 = arith.constant 8 : i32
      %mul3A_652 = arith.muli %mul3A_651, %while3A_157 : i32
      %add3A_653 = arith.constant 3 : i32
      %add3A_654 = arith.addi %mul3A_652, %add3A_653 : i32
      %dma_wait3A_655 = arith.constant 0 : i32
      %dma_wait3A_656 = tpu.memref_slice %arg3[%select_n3A, %dma_wait3A_655] : memref<2560x128xi32, #tpu.memory_space<hbm>> -> memref<1x128xi32, #tpu.memory_space<hbm>>
      %dma_wait3A_657 = tpu.memref_squeeze %dma_wait3A_656 : memref<1x128xi32, #tpu.memory_space<hbm>> -> memref<128xi32, #tpu.memory_space<hbm>>
      %dma_wait3A_658 = arith.constant 0 : i32
      %dma_wait3A_659 = tpu.memref_slice %arg3[%select_n3A, %dma_wait3A_658] : memref<2560x128xi32, #tpu.memory_space<hbm>> -> memref<1x128xi32, #tpu.memory_space<hbm>>
      %dma_wait3A_660 = tpu.memref_squeeze %dma_wait3A_659 : memref<1x128xi32, #tpu.memory_space<hbm>> -> memref<128xi32, #tpu.memory_space<hbm>>
      tpu.wait_dma2 semaphore(%arg24 : memref<!tpu.dma_semaphore, #tpu.memory_space<semaphore_mem>>) src(%dma_wait3A_660 : memref<128xi32, #tpu.memory_space<hbm>>) dst(%arg9 : memref<128xi32, #tpu.memory_space<vmem>>)
      %ge3A_661 = arith.constant 2 : i32
      %ge3A_662 = arith.cmpi sge, %add3A_654, %ge3A_661 : i32
      %convert_element_type3A_663 = arith.extui %ge3A_662 : i1 to i32
      %cond3A_664 = arith.constant 0 : i32
      %cond3A_665 = arith.cmpi ne, %convert_element_type3A_663, %cond3A_664 : i32
      scf.if %cond3A_665 {
        %dma_wait3A_1481 = arith.constant 0 : i32
        %dma_wait3A_1482 = arith.constant 0 : i32
        %dma_wait3A_1483 = tpu.memref_slice %arg2[%dma_wait3A_1481, %dma_wait3A_1482] : memref<80000x128xf32, #tpu.memory_space<hbm>> -> memref<80000x128xf32, #tpu.memory_space<hbm>>
        tpu.wait_indirect_dma semaphore(%arg30 : memref<!tpu.dma_semaphore, #tpu.memory_space<semaphore_mem>>) src(%dma_wait3A_1483 : memref<80000x128xf32, #tpu.memory_space<hbm>>) dst(%arg19 : memref<128x128xf32, #tpu.memory_space<vmem>>)
        "tpu.region"() ({
          %run_scoped3A = tpu.sem_alloc : memref<!tpu.dma_semaphore, #tpu.memory_space<semaphore_mem>>
          %dma_start3A_1484 = arith.constant 0 : i32
          %dma_start3A_1485 = arith.constant 0 : i32
          %dma_start3A_1486 = tpu.memref_slice %arg20[%dma_start3A_1484, %dma_start3A_1485] : memref<10240x128xf32, #tpu.memory_space<vmem_shared>> -> memref<10240x128xf32, #tpu.memory_space<vmem_shared>>
          tpu.enqueue_indirect_dma source(%arg19 : memref<128x128xf32, #tpu.memory_space<vmem>>) target(%dma_start3A_1486 : memref<10240x128xf32, #tpu.memory_space<vmem_shared>>) offsets(%arg17 : memref<128xi32, #tpu.memory_space<vmem>>) semaphore(%run_scoped3A : memref<!tpu.dma_semaphore, #tpu.memory_space<semaphore_mem>>) {add = true}
          %dma_wait3A_1487 = arith.constant 0 : i32
          %dma_wait3A_1488 = arith.constant 0 : i32
          %dma_wait3A_1489 = tpu.memref_slice %arg20[%dma_wait3A_1487, %dma_wait3A_1488] : memref<10240x128xf32, #tpu.memory_space<vmem_shared>> -> memref<10240x128xf32, #tpu.memory_space<vmem_shared>>
          tpu.wait_indirect_dma semaphore(%run_scoped3A : memref<!tpu.dma_semaphore, #tpu.memory_space<semaphore_mem>>) src(%arg19 : memref<128x128xf32, #tpu.memory_space<vmem>>) dst(%dma_wait3A_1489 : memref<10240x128xf32, #tpu.memory_space<vmem_shared>>)
          tpu.yield
        }) : () -> ()
      } else {
      }
      %get3A_666 = arith.constant 0 : index
      %get3A_667 = tpu.vector_load %arg9[%get3A_666] {strides = array<i32>} : memref<128xi32, #tpu.memory_space<vmem>>, vector<16xi32>,
      %get3A_668 = vector.shape_cast %get3A_667 : vector<16xi32> to vector<16xi32>
      %shift_right_logical3A_669 = arith.constant 14 : i32
      %shift_right_logical3A_670 = vector.broadcast %shift_right_logical3A_669 : i32 to vector<16xi32>
      %shift_right_logical3A_671 = arith.shrui %get3A_668, %shift_right_logical3A_670 : vector<16xi32>
      %swap3A_672 = arith.constant 0 : index
      %swap3A_673 = tpu.vector_load %arg16[%swap3A_672] {strides = array<i32>} : memref<128xi32, #tpu.memory_space<vmem>>, vector<16xi32>,
      %swap3A_674 = vector.shape_cast %swap3A_673 : vector<16xi32> to vector<16xi32>
      %swap3A_675 = vector.shape_cast %shift_right_logical3A_671 : vector<16xi32> to vector<16xi32>
      tpu.vector_store %arg16[%swap3A_672], %swap3A_675 {strides = array<i32>} : memref<128xi32, #tpu.memory_space<vmem>>, vector<16xi32>,
      %and3A_676 = arith.constant 16383 : i32
      %and3A_677 = vector.broadcast %and3A_676 : i32 to vector<16xi32>
      %and3A_678 = arith.andi %get3A_668, %and3A_677 : vector<16xi32>
      %swap3A_679 = arith.constant 0 : index
      %swap3A_680 = tpu.vector_load %arg17[%swap3A_679] {strides = array<i32>} : memref<128xi32, #tpu.memory_space<vmem>>, vector<16xi32>,
      %swap3A_681 = vector.shape_cast %swap3A_680 : vector<16xi32> to vector<16xi32>
      %swap3A_682 = vector.shape_cast %and3A_678 : vector<16xi32> to vector<16xi32>
      tpu.vector_store %arg17[%swap3A_679], %swap3A_682 {strides = array<i32>} : memref<128xi32, #tpu.memory_space<vmem>>, vector<16xi32>,
      %get3A_683 = arith.constant 16 : index
      %get3A_684 = tpu.vector_load %arg9[%get3A_683] {strides = array<i32>} : memref<128xi32, #tpu.memory_space<vmem>>, vector<16xi32>,
      %get3A_685 = vector.shape_cast %get3A_684 : vector<16xi32> to vector<16xi32>
      %shift_right_logical3A_686 = arith.constant 14 : i32
      %shift_right_logical3A_687 = vector.broadcast %shift_right_logical3A_686 : i32 to vector<16xi32>
      %shift_right_logical3A_688 = arith.shrui %get3A_685, %shift_right_logical3A_687 : vector<16xi32>
      %swap3A_689 = arith.constant 16 : index
      %swap3A_690 = tpu.vector_load %arg16[%swap3A_689] {strides = array<i32>} : memref<128xi32, #tpu.memory_space<vmem>>, vector<16xi32>,
      %swap3A_691 = vector.shape_cast %swap3A_690 : vector<16xi32> to vector<16xi32>
      %swap3A_692 = vector.shape_cast %shift_right_logical3A_688 : vector<16xi32> to vector<16xi32>
      tpu.vector_store %arg16[%swap3A_689], %swap3A_692 {strides = array<i32>} : memref<128xi32, #tpu.memory_space<vmem>>, vector<16xi32>,
      %and3A_693 = arith.constant 16383 : i32
      %and3A_694 = vector.broadcast %and3A_693 : i32 to vector<16xi32>
      %and3A_695 = arith.andi %get3A_685, %and3A_694 : vector<16xi32>
      %swap3A_696 = arith.constant 16 : index
      %swap3A_697 = tpu.vector_load %arg17[%swap3A_696] {strides = array<i32>} : memref<128xi32, #tpu.memory_space<vmem>>, vector<16xi32>,
      %swap3A_698 = vector.shape_cast %swap3A_697 : vector<16xi32> to vector<16xi32>
      %swap3A_699 = vector.shape_cast %and3A_695 : vector<16xi32> to vector<16xi32>
      tpu.vector_store %arg17[%swap3A_696], %swap3A_699 {strides = array<i32>} : memref<128xi32, #tpu.memory_space<vmem>>, vector<16xi32>,
      %get3A_700 = arith.constant 32 : index
      %get3A_701 = tpu.vector_load %arg9[%get3A_700] {strides = array<i32>} : memref<128xi32, #tpu.memory_space<vmem>>, vector<16xi32>,
      %get3A_702 = vector.shape_cast %get3A_701 : vector<16xi32> to vector<16xi32>
      %shift_right_logical3A_703 = arith.constant 14 : i32
      %shift_right_logical3A_704 = vector.broadcast %shift_right_logical3A_703 : i32 to vector<16xi32>
      %shift_right_logical3A_705 = arith.shrui %get3A_702, %shift_right_logical3A_704 : vector<16xi32>
      %swap3A_706 = arith.constant 32 : index
      %swap3A_707 = tpu.vector_load %arg16[%swap3A_706] {strides = array<i32>} : memref<128xi32, #tpu.memory_space<vmem>>, vector<16xi32>,
      %swap3A_708 = vector.shape_cast %swap3A_707 : vector<16xi32> to vector<16xi32>
      %swap3A_709 = vector.shape_cast %shift_right_logical3A_705 : vector<16xi32> to vector<16xi32>
      tpu.vector_store %arg16[%swap3A_706], %swap3A_709 {strides = array<i32>} : memref<128xi32, #tpu.memory_space<vmem>>, vector<16xi32>,
      %and3A_710 = arith.constant 16383 : i32
      %and3A_711 = vector.broadcast %and3A_710 : i32 to vector<16xi32>
      %and3A_712 = arith.andi %get3A_702, %and3A_711 : vector<16xi32>
      %swap3A_713 = arith.constant 32 : index
      %swap3A_714 = tpu.vector_load %arg17[%swap3A_713] {strides = array<i32>} : memref<128xi32, #tpu.memory_space<vmem>>, vector<16xi32>,
      %swap3A_715 = vector.shape_cast %swap3A_714 : vector<16xi32> to vector<16xi32>
      %swap3A_716 = vector.shape_cast %and3A_712 : vector<16xi32> to vector<16xi32>
      tpu.vector_store %arg17[%swap3A_713], %swap3A_716 {strides = array<i32>} : memref<128xi32, #tpu.memory_space<vmem>>, vector<16xi32>,
      %get3A_717 = arith.constant 48 : index
      %get3A_718 = tpu.vector_load %arg9[%get3A_717] {strides = array<i32>} : memref<128xi32, #tpu.memory_space<vmem>>, vector<16xi32>,
      %get3A_719 = vector.shape_cast %get3A_718 : vector<16xi32> to vector<16xi32>
      %shift_right_logical3A_720 = arith.constant 14 : i32
      %shift_right_logical3A_721 = vector.broadcast %shift_right_logical3A_720 : i32 to vector<16xi32>
      %shift_right_logical3A_722 = arith.shrui %get3A_719, %shift_right_logical3A_721 : vector<16xi32>
      %swap3A_723 = arith.constant 48 : index
      %swap3A_724 = tpu.vector_load %arg16[%swap3A_723] {strides = array<i32>} : memref<128xi32, #tpu.memory_space<vmem>>, vector<16xi32>,
      %swap3A_725 = vector.shape_cast %swap3A_724 : vector<16xi32> to vector<16xi32>
      %swap3A_726 = vector.shape_cast %shift_right_logical3A_722 : vector<16xi32> to vector<16xi32>
      tpu.vector_store %arg16[%swap3A_723], %swap3A_726 {strides = array<i32>} : memref<128xi32, #tpu.memory_space<vmem>>, vector<16xi32>,
      %and3A_727 = arith.constant 16383 : i32
      %and3A_728 = vector.broadcast %and3A_727 : i32 to vector<16xi32>
      %and3A_729 = arith.andi %get3A_719, %and3A_728 : vector<16xi32>
      %swap3A_730 = arith.constant 48 : index
      %swap3A_731 = tpu.vector_load %arg17[%swap3A_730] {strides = array<i32>} : memref<128xi32, #tpu.memory_space<vmem>>, vector<16xi32>,
      %swap3A_732 = vector.shape_cast %swap3A_731 : vector<16xi32> to vector<16xi32>
      %swap3A_733 = vector.shape_cast %and3A_729 : vector<16xi32> to vector<16xi32>
      tpu.vector_store %arg17[%swap3A_730], %swap3A_733 {strides = array<i32>} : memref<128xi32, #tpu.memory_space<vmem>>, vector<16xi32>,
      %get3A_734 = arith.constant 64 : index
      %get3A_735 = tpu.vector_load %arg9[%get3A_734] {strides = array<i32>} : memref<128xi32, #tpu.memory_space<vmem>>, vector<16xi32>,
      %get3A_736 = vector.shape_cast %get3A_735 : vector<16xi32> to vector<16xi32>
      %shift_right_logical3A_737 = arith.constant 14 : i32
      %shift_right_logical3A_738 = vector.broadcast %shift_right_logical3A_737 : i32 to vector<16xi32>
      %shift_right_logical3A_739 = arith.shrui %get3A_736, %shift_right_logical3A_738 : vector<16xi32>
      %swap3A_740 = arith.constant 64 : index
      %swap3A_741 = tpu.vector_load %arg16[%swap3A_740] {strides = array<i32>} : memref<128xi32, #tpu.memory_space<vmem>>, vector<16xi32>,
      %swap3A_742 = vector.shape_cast %swap3A_741 : vector<16xi32> to vector<16xi32>
      %swap3A_743 = vector.shape_cast %shift_right_logical3A_739 : vector<16xi32> to vector<16xi32>
      tpu.vector_store %arg16[%swap3A_740], %swap3A_743 {strides = array<i32>} : memref<128xi32, #tpu.memory_space<vmem>>, vector<16xi32>,
      %and3A_744 = arith.constant 16383 : i32
      %and3A_745 = vector.broadcast %and3A_744 : i32 to vector<16xi32>
      %and3A_746 = arith.andi %get3A_736, %and3A_745 : vector<16xi32>
      %swap3A_747 = arith.constant 64 : index
      %swap3A_748 = tpu.vector_load %arg17[%swap3A_747] {strides = array<i32>} : memref<128xi32, #tpu.memory_space<vmem>>, vector<16xi32>,
      %swap3A_749 = vector.shape_cast %swap3A_748 : vector<16xi32> to vector<16xi32>
      %swap3A_750 = vector.shape_cast %and3A_746 : vector<16xi32> to vector<16xi32>
      tpu.vector_store %arg17[%swap3A_747], %swap3A_750 {strides = array<i32>} : memref<128xi32, #tpu.memory_space<vmem>>, vector<16xi32>,
      %get3A_751 = arith.constant 80 : index
      %get3A_752 = tpu.vector_load %arg9[%get3A_751] {strides = array<i32>} : memref<128xi32, #tpu.memory_space<vmem>>, vector<16xi32>,
      %get3A_753 = vector.shape_cast %get3A_752 : vector<16xi32> to vector<16xi32>
      %shift_right_logical3A_754 = arith.constant 14 : i32
      %shift_right_logical3A_755 = vector.broadcast %shift_right_logical3A_754 : i32 to vector<16xi32>
      %shift_right_logical3A_756 = arith.shrui %get3A_753, %shift_right_logical3A_755 : vector<16xi32>
      %swap3A_757 = arith.constant 80 : index
      %swap3A_758 = tpu.vector_load %arg16[%swap3A_757] {strides = array<i32>} : memref<128xi32, #tpu.memory_space<vmem>>, vector<16xi32>,
      %swap3A_759 = vector.shape_cast %swap3A_758 : vector<16xi32> to vector<16xi32>
      %swap3A_760 = vector.shape_cast %shift_right_logical3A_756 : vector<16xi32> to vector<16xi32>
      tpu.vector_store %arg16[%swap3A_757], %swap3A_760 {strides = array<i32>} : memref<128xi32, #tpu.memory_space<vmem>>, vector<16xi32>,
      %and3A_761 = arith.constant 16383 : i32
      %and3A_762 = vector.broadcast %and3A_761 : i32 to vector<16xi32>
      %and3A_763 = arith.andi %get3A_753, %and3A_762 : vector<16xi32>
      %swap3A_764 = arith.constant 80 : index
      %swap3A_765 = tpu.vector_load %arg17[%swap3A_764] {strides = array<i32>} : memref<128xi32, #tpu.memory_space<vmem>>, vector<16xi32>,
      %swap3A_766 = vector.shape_cast %swap3A_765 : vector<16xi32> to vector<16xi32>
      %swap3A_767 = vector.shape_cast %and3A_763 : vector<16xi32> to vector<16xi32>
      tpu.vector_store %arg17[%swap3A_764], %swap3A_767 {strides = array<i32>} : memref<128xi32, #tpu.memory_space<vmem>>, vector<16xi32>,
      %get3A_768 = arith.constant 96 : index
      %get3A_769 = tpu.vector_load %arg9[%get3A_768] {strides = array<i32>} : memref<128xi32, #tpu.memory_space<vmem>>, vector<16xi32>,
      %get3A_770 = vector.shape_cast %get3A_769 : vector<16xi32> to vector<16xi32>
      %shift_right_logical3A_771 = arith.constant 14 : i32
      %shift_right_logical3A_772 = vector.broadcast %shift_right_logical3A_771 : i32 to vector<16xi32>
      %shift_right_logical3A_773 = arith.shrui %get3A_770, %shift_right_logical3A_772 : vector<16xi32>
      %swap3A_774 = arith.constant 96 : index
      %swap3A_775 = tpu.vector_load %arg16[%swap3A_774] {strides = array<i32>} : memref<128xi32, #tpu.memory_space<vmem>>, vector<16xi32>,
      %swap3A_776 = vector.shape_cast %swap3A_775 : vector<16xi32> to vector<16xi32>
      %swap3A_777 = vector.shape_cast %shift_right_logical3A_773 : vector<16xi32> to vector<16xi32>
      tpu.vector_store %arg16[%swap3A_774], %swap3A_777 {strides = array<i32>} : memref<128xi32, #tpu.memory_space<vmem>>, vector<16xi32>,
      %and3A_778 = arith.constant 16383 : i32
      %and3A_779 = vector.broadcast %and3A_778 : i32 to vector<16xi32>
      %and3A_780 = arith.andi %get3A_770, %and3A_779 : vector<16xi32>
      %swap3A_781 = arith.constant 96 : index
      %swap3A_782 = tpu.vector_load %arg17[%swap3A_781] {strides = array<i32>} : memref<128xi32, #tpu.memory_space<vmem>>, vector<16xi32>,
      %swap3A_783 = vector.shape_cast %swap3A_782 : vector<16xi32> to vector<16xi32>
      %swap3A_784 = vector.shape_cast %and3A_780 : vector<16xi32> to vector<16xi32>
      tpu.vector_store %arg17[%swap3A_781], %swap3A_784 {strides = array<i32>} : memref<128xi32, #tpu.memory_space<vmem>>, vector<16xi32>,
      %get3A_785 = arith.constant 112 : index
      %get3A_786 = tpu.vector_load %arg9[%get3A_785] {strides = array<i32>} : memref<128xi32, #tpu.memory_space<vmem>>, vector<16xi32>,
      %get3A_787 = vector.shape_cast %get3A_786 : vector<16xi32> to vector<16xi32>
      %shift_right_logical3A_788 = arith.constant 14 : i32
      %shift_right_logical3A_789 = vector.broadcast %shift_right_logical3A_788 : i32 to vector<16xi32>
      %shift_right_logical3A_790 = arith.shrui %get3A_787, %shift_right_logical3A_789 : vector<16xi32>
      %swap3A_791 = arith.constant 112 : index
      %swap3A_792 = tpu.vector_load %arg16[%swap3A_791] {strides = array<i32>} : memref<128xi32, #tpu.memory_space<vmem>>, vector<16xi32>,
      %swap3A_793 = vector.shape_cast %swap3A_792 : vector<16xi32> to vector<16xi32>
      %swap3A_794 = vector.shape_cast %shift_right_logical3A_790 : vector<16xi32> to vector<16xi32>
      tpu.vector_store %arg16[%swap3A_791], %swap3A_794 {strides = array<i32>} : memref<128xi32, #tpu.memory_space<vmem>>, vector<16xi32>,
      %and3A_795 = arith.constant 16383 : i32
      %and3A_796 = vector.broadcast %and3A_795 : i32 to vector<16xi32>
      %and3A_797 = arith.andi %get3A_787, %and3A_796 : vector<16xi32>
      %swap3A_798 = arith.constant 112 : index
      %swap3A_799 = tpu.vector_load %arg17[%swap3A_798] {strides = array<i32>} : memref<128xi32, #tpu.memory_space<vmem>>, vector<16xi32>,
      %swap3A_800 = vector.shape_cast %swap3A_799 : vector<16xi32> to vector<16xi32>
      %swap3A_801 = vector.shape_cast %and3A_797 : vector<16xi32> to vector<16xi32>
      tpu.vector_store %arg17[%swap3A_798], %swap3A_801 {strides = array<i32>} : memref<128xi32, #tpu.memory_space<vmem>>, vector<16xi32>,
      %add3A_802 = arith.constant 8 : i32
      %add3A_803 = arith.addi %add3A_654, %add3A_802 : i32
      %sub3A_804 = arith.constant 1 : i32
      %sub3A_805 = arith.subi %select_n3A_12, %sub3A_804 : i32
      %min3A_806 = arith.minsi %add3A_803, %sub3A_805 : i32
      %add3A_807 = arith.addi %select_n3A, %min3A_806 : i32
      %dma_start3A_808 = arith.constant 0 : i32
      %dma_start3A_809 = tpu.memref_slice %arg3[%add3A_807, %dma_start3A_808] : memref<2560x128xi32, #tpu.memory_space<hbm>> -> memref<1x128xi32, #tpu.memory_space<hbm>>
      %dma_start3A_810 = tpu.memref_squeeze %dma_start3A_809 : memref<1x128xi32, #tpu.memory_space<hbm>> -> memref<128xi32, #tpu.memory_space<hbm>>
      %dma_start3A_811 = arith.constant 0 : i32
      %dma_start3A_812 = tpu.memref_slice %arg3[%add3A_807, %dma_start3A_811] : memref<2560x128xi32, #tpu.memory_space<hbm>> -> memref<1x128xi32, #tpu.memory_space<hbm>>
      %dma_start3A_813 = tpu.memref_squeeze %dma_start3A_812 : memref<1x128xi32, #tpu.memory_space<hbm>> -> memref<128xi32, #tpu.memory_space<hbm>>
      tpu.enqueue_dma source(%dma_start3A_813 : memref<128xi32, #tpu.memory_space<hbm>>) target(%arg9 : memref<128xi32, #tpu.memory_space<vmem>>) target_semaphore(%arg24 : memref<!tpu.dma_semaphore, #tpu.memory_space<semaphore_mem>>)
      %dma_start3A_814 = arith.constant 0 : i32
      %dma_start3A_815 = arith.constant 0 : i32
      %dma_start3A_816 = tpu.memref_slice %arg2[%dma_start3A_814, %dma_start3A_815] : memref<80000x128xf32, #tpu.memory_space<hbm>> -> memref<80000x128xf32, #tpu.memory_space<hbm>>
      tpu.enqueue_indirect_dma source(%dma_start3A_816 : memref<80000x128xf32, #tpu.memory_space<hbm>>) target(%arg19 : memref<128x128xf32, #tpu.memory_space<vmem>>) offsets(%arg16 : memref<128xi32, #tpu.memory_space<vmem>>) semaphore(%arg30 : memref<!tpu.dma_semaphore, #tpu.memory_space<semaphore_mem>>)
      %mul3A_817 = arith.constant 8 : i32
      %mul3A_818 = arith.muli %mul3A_817, %while3A_157 : i32
      %add3A_819 = arith.constant 4 : i32
      %add3A_820 = arith.addi %mul3A_818, %add3A_819 : i32
      %dma_wait3A_821 = arith.constant 0 : i32
      %dma_wait3A_822 = tpu.memref_slice %arg3[%select_n3A, %dma_wait3A_821] : memref<2560x128xi32, #tpu.memory_space<hbm>> -> memref<1x128xi32, #tpu.memory_space<hbm>>
      %dma_wait3A_823 = tpu.memref_squeeze %dma_wait3A_822 : memref<1x128xi32, #tpu.memory_space<hbm>> -> memref<128xi32, #tpu.memory_space<hbm>>
      %dma_wait3A_824 = arith.constant 0 : i32
      %dma_wait3A_825 = tpu.memref_slice %arg3[%select_n3A, %dma_wait3A_824] : memref<2560x128xi32, #tpu.memory_space<hbm>> -> memref<1x128xi32, #tpu.memory_space<hbm>>
      %dma_wait3A_826 = tpu.memref_squeeze %dma_wait3A_825 : memref<1x128xi32, #tpu.memory_space<hbm>> -> memref<128xi32, #tpu.memory_space<hbm>>
      tpu.wait_dma2 semaphore(%arg25 : memref<!tpu.dma_semaphore, #tpu.memory_space<semaphore_mem>>) src(%dma_wait3A_826 : memref<128xi32, #tpu.memory_space<hbm>>) dst(%arg10 : memref<128xi32, #tpu.memory_space<vmem>>)
      %ge3A_827 = arith.constant 2 : i32
      %ge3A_828 = arith.cmpi sge, %add3A_820, %ge3A_827 : i32
      %convert_element_type3A_829 = arith.extui %ge3A_828 : i1 to i32
      %cond3A_830 = arith.constant 0 : i32
      %cond3A_831 = arith.cmpi ne, %convert_element_type3A_829, %cond3A_830 : i32
      scf.if %cond3A_831 {
        %dma_wait3A_1481 = arith.constant 0 : i32
        %dma_wait3A_1482 = arith.constant 0 : i32
        %dma_wait3A_1483 = tpu.memref_slice %arg2[%dma_wait3A_1481, %dma_wait3A_1482] : memref<80000x128xf32, #tpu.memory_space<hbm>> -> memref<80000x128xf32, #tpu.memory_space<hbm>>
        tpu.wait_indirect_dma semaphore(%arg29 : memref<!tpu.dma_semaphore, #tpu.memory_space<semaphore_mem>>) src(%dma_wait3A_1483 : memref<80000x128xf32, #tpu.memory_space<hbm>>) dst(%arg18 : memref<128x128xf32, #tpu.memory_space<vmem>>)
        "tpu.region"() ({
          %run_scoped3A = tpu.sem_alloc : memref<!tpu.dma_semaphore, #tpu.memory_space<semaphore_mem>>
          %dma_start3A_1484 = arith.constant 0 : i32
          %dma_start3A_1485 = arith.constant 0 : i32
          %dma_start3A_1486 = tpu.memref_slice %arg20[%dma_start3A_1484, %dma_start3A_1485] : memref<10240x128xf32, #tpu.memory_space<vmem_shared>> -> memref<10240x128xf32, #tpu.memory_space<vmem_shared>>
          tpu.enqueue_indirect_dma source(%arg18 : memref<128x128xf32, #tpu.memory_space<vmem>>) target(%dma_start3A_1486 : memref<10240x128xf32, #tpu.memory_space<vmem_shared>>) offsets(%arg15 : memref<128xi32, #tpu.memory_space<vmem>>) semaphore(%run_scoped3A : memref<!tpu.dma_semaphore, #tpu.memory_space<semaphore_mem>>) {add = true}
          %dma_wait3A_1487 = arith.constant 0 : i32
          %dma_wait3A_1488 = arith.constant 0 : i32
          %dma_wait3A_1489 = tpu.memref_slice %arg20[%dma_wait3A_1487, %dma_wait3A_1488] : memref<10240x128xf32, #tpu.memory_space<vmem_shared>> -> memref<10240x128xf32, #tpu.memory_space<vmem_shared>>
          tpu.wait_indirect_dma semaphore(%run_scoped3A : memref<!tpu.dma_semaphore, #tpu.memory_space<semaphore_mem>>) src(%arg18 : memref<128x128xf32, #tpu.memory_space<vmem>>) dst(%dma_wait3A_1489 : memref<10240x128xf32, #tpu.memory_space<vmem_shared>>)
          tpu.yield
        }) : () -> ()
      } else {
      }
      %get3A_832 = arith.constant 0 : index
      %get3A_833 = tpu.vector_load %arg10[%get3A_832] {strides = array<i32>} : memref<128xi32, #tpu.memory_space<vmem>>, vector<16xi32>,
      %get3A_834 = vector.shape_cast %get3A_833 : vector<16xi32> to vector<16xi32>
      %shift_right_logical3A_835 = arith.constant 14 : i32
      %shift_right_logical3A_836 = vector.broadcast %shift_right_logical3A_835 : i32 to vector<16xi32>
      %shift_right_logical3A_837 = arith.shrui %get3A_834, %shift_right_logical3A_836 : vector<16xi32>
      %swap3A_838 = arith.constant 0 : index
      %swap3A_839 = tpu.vector_load %arg14[%swap3A_838] {strides = array<i32>} : memref<128xi32, #tpu.memory_space<vmem>>, vector<16xi32>,
      %swap3A_840 = vector.shape_cast %swap3A_839 : vector<16xi32> to vector<16xi32>
      %swap3A_841 = vector.shape_cast %shift_right_logical3A_837 : vector<16xi32> to vector<16xi32>
      tpu.vector_store %arg14[%swap3A_838], %swap3A_841 {strides = array<i32>} : memref<128xi32, #tpu.memory_space<vmem>>, vector<16xi32>,
      %and3A_842 = arith.constant 16383 : i32
      %and3A_843 = vector.broadcast %and3A_842 : i32 to vector<16xi32>
      %and3A_844 = arith.andi %get3A_834, %and3A_843 : vector<16xi32>
      %swap3A_845 = arith.constant 0 : index
      %swap3A_846 = tpu.vector_load %arg15[%swap3A_845] {strides = array<i32>} : memref<128xi32, #tpu.memory_space<vmem>>, vector<16xi32>,
      %swap3A_847 = vector.shape_cast %swap3A_846 : vector<16xi32> to vector<16xi32>
      %swap3A_848 = vector.shape_cast %and3A_844 : vector<16xi32> to vector<16xi32>
      tpu.vector_store %arg15[%swap3A_845], %swap3A_848 {strides = array<i32>} : memref<128xi32, #tpu.memory_space<vmem>>, vector<16xi32>,
      %get3A_849 = arith.constant 16 : index
      %get3A_850 = tpu.vector_load %arg10[%get3A_849] {strides = array<i32>} : memref<128xi32, #tpu.memory_space<vmem>>, vector<16xi32>,
      %get3A_851 = vector.shape_cast %get3A_850 : vector<16xi32> to vector<16xi32>
      %shift_right_logical3A_852 = arith.constant 14 : i32
      %shift_right_logical3A_853 = vector.broadcast %shift_right_logical3A_852 : i32 to vector<16xi32>
      %shift_right_logical3A_854 = arith.shrui %get3A_851, %shift_right_logical3A_853 : vector<16xi32>
      %swap3A_855 = arith.constant 16 : index
      %swap3A_856 = tpu.vector_load %arg14[%swap3A_855] {strides = array<i32>} : memref<128xi32, #tpu.memory_space<vmem>>, vector<16xi32>,
      %swap3A_857 = vector.shape_cast %swap3A_856 : vector<16xi32> to vector<16xi32>
      %swap3A_858 = vector.shape_cast %shift_right_logical3A_854 : vector<16xi32> to vector<16xi32>
      tpu.vector_store %arg14[%swap3A_855], %swap3A_858 {strides = array<i32>} : memref<128xi32, #tpu.memory_space<vmem>>, vector<16xi32>,
      %and3A_859 = arith.constant 16383 : i32
      %and3A_860 = vector.broadcast %and3A_859 : i32 to vector<16xi32>
      %and3A_861 = arith.andi %get3A_851, %and3A_860 : vector<16xi32>
      %swap3A_862 = arith.constant 16 : index
      %swap3A_863 = tpu.vector_load %arg15[%swap3A_862] {strides = array<i32>} : memref<128xi32, #tpu.memory_space<vmem>>, vector<16xi32>,
      %swap3A_864 = vector.shape_cast %swap3A_863 : vector<16xi32> to vector<16xi32>
      %swap3A_865 = vector.shape_cast %and3A_861 : vector<16xi32> to vector<16xi32>
      tpu.vector_store %arg15[%swap3A_862], %swap3A_865 {strides = array<i32>} : memref<128xi32, #tpu.memory_space<vmem>>, vector<16xi32>,
      %get3A_866 = arith.constant 32 : index
      %get3A_867 = tpu.vector_load %arg10[%get3A_866] {strides = array<i32>} : memref<128xi32, #tpu.memory_space<vmem>>, vector<16xi32>,
      %get3A_868 = vector.shape_cast %get3A_867 : vector<16xi32> to vector<16xi32>
      %shift_right_logical3A_869 = arith.constant 14 : i32
      %shift_right_logical3A_870 = vector.broadcast %shift_right_logical3A_869 : i32 to vector<16xi32>
      %shift_right_logical3A_871 = arith.shrui %get3A_868, %shift_right_logical3A_870 : vector<16xi32>
      %swap3A_872 = arith.constant 32 : index
      %swap3A_873 = tpu.vector_load %arg14[%swap3A_872] {strides = array<i32>} : memref<128xi32, #tpu.memory_space<vmem>>, vector<16xi32>,
      %swap3A_874 = vector.shape_cast %swap3A_873 : vector<16xi32> to vector<16xi32>
      %swap3A_875 = vector.shape_cast %shift_right_logical3A_871 : vector<16xi32> to vector<16xi32>
      tpu.vector_store %arg14[%swap3A_872], %swap3A_875 {strides = array<i32>} : memref<128xi32, #tpu.memory_space<vmem>>, vector<16xi32>,
      %and3A_876 = arith.constant 16383 : i32
      %and3A_877 = vector.broadcast %and3A_876 : i32 to vector<16xi32>
      %and3A_878 = arith.andi %get3A_868, %and3A_877 : vector<16xi32>
      %swap3A_879 = arith.constant 32 : index
      %swap3A_880 = tpu.vector_load %arg15[%swap3A_879] {strides = array<i32>} : memref<128xi32, #tpu.memory_space<vmem>>, vector<16xi32>,
      %swap3A_881 = vector.shape_cast %swap3A_880 : vector<16xi32> to vector<16xi32>
      %swap3A_882 = vector.shape_cast %and3A_878 : vector<16xi32> to vector<16xi32>
      tpu.vector_store %arg15[%swap3A_879], %swap3A_882 {strides = array<i32>} : memref<128xi32, #tpu.memory_space<vmem>>, vector<16xi32>,
      %get3A_883 = arith.constant 48 : index
      %get3A_884 = tpu.vector_load %arg10[%get3A_883] {strides = array<i32>} : memref<128xi32, #tpu.memory_space<vmem>>, vector<16xi32>,
      %get3A_885 = vector.shape_cast %get3A_884 : vector<16xi32> to vector<16xi32>
      %shift_right_logical3A_886 = arith.constant 14 : i32
      %shift_right_logical3A_887 = vector.broadcast %shift_right_logical3A_886 : i32 to vector<16xi32>
      %shift_right_logical3A_888 = arith.shrui %get3A_885, %shift_right_logical3A_887 : vector<16xi32>
      %swap3A_889 = arith.constant 48 : index
      %swap3A_890 = tpu.vector_load %arg14[%swap3A_889] {strides = array<i32>} : memref<128xi32, #tpu.memory_space<vmem>>, vector<16xi32>,
      %swap3A_891 = vector.shape_cast %swap3A_890 : vector<16xi32> to vector<16xi32>
      %swap3A_892 = vector.shape_cast %shift_right_logical3A_888 : vector<16xi32> to vector<16xi32>
      tpu.vector_store %arg14[%swap3A_889], %swap3A_892 {strides = array<i32>} : memref<128xi32, #tpu.memory_space<vmem>>, vector<16xi32>,
      %and3A_893 = arith.constant 16383 : i32
      %and3A_894 = vector.broadcast %and3A_893 : i32 to vector<16xi32>
      %and3A_895 = arith.andi %get3A_885, %and3A_894 : vector<16xi32>
      %swap3A_896 = arith.constant 48 : index
      %swap3A_897 = tpu.vector_load %arg15[%swap3A_896] {strides = array<i32>} : memref<128xi32, #tpu.memory_space<vmem>>, vector<16xi32>,
      %swap3A_898 = vector.shape_cast %swap3A_897 : vector<16xi32> to vector<16xi32>
      %swap3A_899 = vector.shape_cast %and3A_895 : vector<16xi32> to vector<16xi32>
      tpu.vector_store %arg15[%swap3A_896], %swap3A_899 {strides = array<i32>} : memref<128xi32, #tpu.memory_space<vmem>>, vector<16xi32>,
      %get3A_900 = arith.constant 64 : index
      %get3A_901 = tpu.vector_load %arg10[%get3A_900] {strides = array<i32>} : memref<128xi32, #tpu.memory_space<vmem>>, vector<16xi32>,
      %get3A_902 = vector.shape_cast %get3A_901 : vector<16xi32> to vector<16xi32>
      %shift_right_logical3A_903 = arith.constant 14 : i32
      %shift_right_logical3A_904 = vector.broadcast %shift_right_logical3A_903 : i32 to vector<16xi32>
      %shift_right_logical3A_905 = arith.shrui %get3A_902, %shift_right_logical3A_904 : vector<16xi32>
      %swap3A_906 = arith.constant 64 : index
      %swap3A_907 = tpu.vector_load %arg14[%swap3A_906] {strides = array<i32>} : memref<128xi32, #tpu.memory_space<vmem>>, vector<16xi32>,
      %swap3A_908 = vector.shape_cast %swap3A_907 : vector<16xi32> to vector<16xi32>
      %swap3A_909 = vector.shape_cast %shift_right_logical3A_905 : vector<16xi32> to vector<16xi32>
      tpu.vector_store %arg14[%swap3A_906], %swap3A_909 {strides = array<i32>} : memref<128xi32, #tpu.memory_space<vmem>>, vector<16xi32>,
      %and3A_910 = arith.constant 16383 : i32
      %and3A_911 = vector.broadcast %and3A_910 : i32 to vector<16xi32>
      %and3A_912 = arith.andi %get3A_902, %and3A_911 : vector<16xi32>
      %swap3A_913 = arith.constant 64 : index
      %swap3A_914 = tpu.vector_load %arg15[%swap3A_913] {strides = array<i32>} : memref<128xi32, #tpu.memory_space<vmem>>, vector<16xi32>,
      %swap3A_915 = vector.shape_cast %swap3A_914 : vector<16xi32> to vector<16xi32>
      %swap3A_916 = vector.shape_cast %and3A_912 : vector<16xi32> to vector<16xi32>
      tpu.vector_store %arg15[%swap3A_913], %swap3A_916 {strides = array<i32>} : memref<128xi32, #tpu.memory_space<vmem>>, vector<16xi32>,
      %get3A_917 = arith.constant 80 : index
      %get3A_918 = tpu.vector_load %arg10[%get3A_917] {strides = array<i32>} : memref<128xi32, #tpu.memory_space<vmem>>, vector<16xi32>,
      %get3A_919 = vector.shape_cast %get3A_918 : vector<16xi32> to vector<16xi32>
      %shift_right_logical3A_920 = arith.constant 14 : i32
      %shift_right_logical3A_921 = vector.broadcast %shift_right_logical3A_920 : i32 to vector<16xi32>
      %shift_right_logical3A_922 = arith.shrui %get3A_919, %shift_right_logical3A_921 : vector<16xi32>
      %swap3A_923 = arith.constant 80 : index
      %swap3A_924 = tpu.vector_load %arg14[%swap3A_923] {strides = array<i32>} : memref<128xi32, #tpu.memory_space<vmem>>, vector<16xi32>,
      %swap3A_925 = vector.shape_cast %swap3A_924 : vector<16xi32> to vector<16xi32>
      %swap3A_926 = vector.shape_cast %shift_right_logical3A_922 : vector<16xi32> to vector<16xi32>
      tpu.vector_store %arg14[%swap3A_923], %swap3A_926 {strides = array<i32>} : memref<128xi32, #tpu.memory_space<vmem>>, vector<16xi32>,
      %and3A_927 = arith.constant 16383 : i32
      %and3A_928 = vector.broadcast %and3A_927 : i32 to vector<16xi32>
      %and3A_929 = arith.andi %get3A_919, %and3A_928 : vector<16xi32>
      %swap3A_930 = arith.constant 80 : index
      %swap3A_931 = tpu.vector_load %arg15[%swap3A_930] {strides = array<i32>} : memref<128xi32, #tpu.memory_space<vmem>>, vector<16xi32>,
      %swap3A_932 = vector.shape_cast %swap3A_931 : vector<16xi32> to vector<16xi32>
      %swap3A_933 = vector.shape_cast %and3A_929 : vector<16xi32> to vector<16xi32>
      tpu.vector_store %arg15[%swap3A_930], %swap3A_933 {strides = array<i32>} : memref<128xi32, #tpu.memory_space<vmem>>, vector<16xi32>,
      %get3A_934 = arith.constant 96 : index
      %get3A_935 = tpu.vector_load %arg10[%get3A_934] {strides = array<i32>} : memref<128xi32, #tpu.memory_space<vmem>>, vector<16xi32>,
      %get3A_936 = vector.shape_cast %get3A_935 : vector<16xi32> to vector<16xi32>
      %shift_right_logical3A_937 = arith.constant 14 : i32
      %shift_right_logical3A_938 = vector.broadcast %shift_right_logical3A_937 : i32 to vector<16xi32>
      %shift_right_logical3A_939 = arith.shrui %get3A_936, %shift_right_logical3A_938 : vector<16xi32>
      %swap3A_940 = arith.constant 96 : index
      %swap3A_941 = tpu.vector_load %arg14[%swap3A_940] {strides = array<i32>} : memref<128xi32, #tpu.memory_space<vmem>>, vector<16xi32>,
      %swap3A_942 = vector.shape_cast %swap3A_941 : vector<16xi32> to vector<16xi32>
      %swap3A_943 = vector.shape_cast %shift_right_logical3A_939 : vector<16xi32> to vector<16xi32>
      tpu.vector_store %arg14[%swap3A_940], %swap3A_943 {strides = array<i32>} : memref<128xi32, #tpu.memory_space<vmem>>, vector<16xi32>,
      %and3A_944 = arith.constant 16383 : i32
      %and3A_945 = vector.broadcast %and3A_944 : i32 to vector<16xi32>
      %and3A_946 = arith.andi %get3A_936, %and3A_945 : vector<16xi32>
      %swap3A_947 = arith.constant 96 : index
      %swap3A_948 = tpu.vector_load %arg15[%swap3A_947] {strides = array<i32>} : memref<128xi32, #tpu.memory_space<vmem>>, vector<16xi32>,
      %swap3A_949 = vector.shape_cast %swap3A_948 : vector<16xi32> to vector<16xi32>
      %swap3A_950 = vector.shape_cast %and3A_946 : vector<16xi32> to vector<16xi32>
      tpu.vector_store %arg15[%swap3A_947], %swap3A_950 {strides = array<i32>} : memref<128xi32, #tpu.memory_space<vmem>>, vector<16xi32>,
      %get3A_951 = arith.constant 112 : index
      %get3A_952 = tpu.vector_load %arg10[%get3A_951] {strides = array<i32>} : memref<128xi32, #tpu.memory_space<vmem>>, vector<16xi32>,
      %get3A_953 = vector.shape_cast %get3A_952 : vector<16xi32> to vector<16xi32>
      %shift_right_logical3A_954 = arith.constant 14 : i32
      %shift_right_logical3A_955 = vector.broadcast %shift_right_logical3A_954 : i32 to vector<16xi32>
      %shift_right_logical3A_956 = arith.shrui %get3A_953, %shift_right_logical3A_955 : vector<16xi32>
      %swap3A_957 = arith.constant 112 : index
      %swap3A_958 = tpu.vector_load %arg14[%swap3A_957] {strides = array<i32>} : memref<128xi32, #tpu.memory_space<vmem>>, vector<16xi32>,
      %swap3A_959 = vector.shape_cast %swap3A_958 : vector<16xi32> to vector<16xi32>
      %swap3A_960 = vector.shape_cast %shift_right_logical3A_956 : vector<16xi32> to vector<16xi32>
      tpu.vector_store %arg14[%swap3A_957], %swap3A_960 {strides = array<i32>} : memref<128xi32, #tpu.memory_space<vmem>>, vector<16xi32>,
      %and3A_961 = arith.constant 16383 : i32
      %and3A_962 = vector.broadcast %and3A_961 : i32 to vector<16xi32>
      %and3A_963 = arith.andi %get3A_953, %and3A_962 : vector<16xi32>
      %swap3A_964 = arith.constant 112 : index
      %swap3A_965 = tpu.vector_load %arg15[%swap3A_964] {strides = array<i32>} : memref<128xi32, #tpu.memory_space<vmem>>, vector<16xi32>,
      %swap3A_966 = vector.shape_cast %swap3A_965 : vector<16xi32> to vector<16xi32>
      %swap3A_967 = vector.shape_cast %and3A_963 : vector<16xi32> to vector<16xi32>
      tpu.vector_store %arg15[%swap3A_964], %swap3A_967 {strides = array<i32>} : memref<128xi32, #tpu.memory_space<vmem>>, vector<16xi32>,
      %add3A_968 = arith.constant 8 : i32
      %add3A_969 = arith.addi %add3A_820, %add3A_968 : i32
      %sub3A_970 = arith.constant 1 : i32
      %sub3A_971 = arith.subi %select_n3A_12, %sub3A_970 : i32
      %min3A_972 = arith.minsi %add3A_969, %sub3A_971 : i32
      %add3A_973 = arith.addi %select_n3A, %min3A_972 : i32
      %dma_start3A_974 = arith.constant 0 : i32
      %dma_start3A_975 = tpu.memref_slice %arg3[%add3A_973, %dma_start3A_974] : memref<2560x128xi32, #tpu.memory_space<hbm>> -> memref<1x128xi32, #tpu.memory_space<hbm>>
      %dma_start3A_976 = tpu.memref_squeeze %dma_start3A_975 : memref<1x128xi32, #tpu.memory_space<hbm>> -> memref<128xi32, #tpu.memory_space<hbm>>
      %dma_start3A_977 = arith.constant 0 : i32
      %dma_start3A_978 = tpu.memref_slice %arg3[%add3A_973, %dma_start3A_977] : memref<2560x128xi32, #tpu.memory_space<hbm>> -> memref<1x128xi32, #tpu.memory_space<hbm>>
      %dma_start3A_979 = tpu.memref_squeeze %dma_start3A_978 : memref<1x128xi32, #tpu.memory_space<hbm>> -> memref<128xi32, #tpu.memory_space<hbm>>
      tpu.enqueue_dma source(%dma_start3A_979 : memref<128xi32, #tpu.memory_space<hbm>>) target(%arg10 : memref<128xi32, #tpu.memory_space<vmem>>) target_semaphore(%arg25 : memref<!tpu.dma_semaphore, #tpu.memory_space<semaphore_mem>>)
      %dma_start3A_980 = arith.constant 0 : i32
      %dma_start3A_981 = arith.constant 0 : i32
      %dma_start3A_982 = tpu.memref_slice %arg2[%dma_start3A_980, %dma_start3A_981] : memref<80000x128xf32, #tpu.memory_space<hbm>> -> memref<80000x128xf32, #tpu.memory_space<hbm>>
      tpu.enqueue_indirect_dma source(%dma_start3A_982 : memref<80000x128xf32, #tpu.memory_space<hbm>>) target(%arg18 : memref<128x128xf32, #tpu.memory_space<vmem>>) offsets(%arg14 : memref<128xi32, #tpu.memory_space<vmem>>) semaphore(%arg29 : memref<!tpu.dma_semaphore, #tpu.memory_space<semaphore_mem>>)
      %mul3A_983 = arith.constant 8 : i32
      %mul3A_984 = arith.muli %mul3A_983, %while3A_157 : i32
      %add3A_985 = arith.constant 5 : i32
      %add3A_986 = arith.addi %mul3A_984, %add3A_985 : i32
      %dma_wait3A_987 = arith.constant 0 : i32
      %dma_wait3A_988 = tpu.memref_slice %arg3[%select_n3A, %dma_wait3A_987] : memref<2560x128xi32, #tpu.memory_space<hbm>> -> memref<1x128xi32, #tpu.memory_space<hbm>>
      %dma_wait3A_989 = tpu.memref_squeeze %dma_wait3A_988 : memref<1x128xi32, #tpu.memory_space<hbm>> -> memref<128xi32, #tpu.memory_space<hbm>>
      %dma_wait3A_990 = arith.constant 0 : i32
      %dma_wait3A_991 = tpu.memref_slice %arg3[%select_n3A, %dma_wait3A_990] : memref<2560x128xi32, #tpu.memory_space<hbm>> -> memref<1x128xi32, #tpu.memory_space<hbm>>
      %dma_wait3A_992 = tpu.memref_squeeze %dma_wait3A_991 : memref<1x128xi32, #tpu.memory_space<hbm>> -> memref<128xi32, #tpu.memory_space<hbm>>
      tpu.wait_dma2 semaphore(%arg26 : memref<!tpu.dma_semaphore, #tpu.memory_space<semaphore_mem>>) src(%dma_wait3A_992 : memref<128xi32, #tpu.memory_space<hbm>>) dst(%arg11 : memref<128xi32, #tpu.memory_space<vmem>>)
      %ge3A_993 = arith.constant 2 : i32
      %ge3A_994 = arith.cmpi sge, %add3A_986, %ge3A_993 : i32
      %convert_element_type3A_995 = arith.extui %ge3A_994 : i1 to i32
      %cond3A_996 = arith.constant 0 : i32
      %cond3A_997 = arith.cmpi ne, %convert_element_type3A_995, %cond3A_996 : i32
      scf.if %cond3A_997 {
        %dma_wait3A_1481 = arith.constant 0 : i32
        %dma_wait3A_1482 = arith.constant 0 : i32
        %dma_wait3A_1483 = tpu.memref_slice %arg2[%dma_wait3A_1481, %dma_wait3A_1482] : memref<80000x128xf32, #tpu.memory_space<hbm>> -> memref<80000x128xf32, #tpu.memory_space<hbm>>
        tpu.wait_indirect_dma semaphore(%arg30 : memref<!tpu.dma_semaphore, #tpu.memory_space<semaphore_mem>>) src(%dma_wait3A_1483 : memref<80000x128xf32, #tpu.memory_space<hbm>>) dst(%arg19 : memref<128x128xf32, #tpu.memory_space<vmem>>)
        "tpu.region"() ({
          %run_scoped3A = tpu.sem_alloc : memref<!tpu.dma_semaphore, #tpu.memory_space<semaphore_mem>>
          %dma_start3A_1484 = arith.constant 0 : i32
          %dma_start3A_1485 = arith.constant 0 : i32
          %dma_start3A_1486 = tpu.memref_slice %arg20[%dma_start3A_1484, %dma_start3A_1485] : memref<10240x128xf32, #tpu.memory_space<vmem_shared>> -> memref<10240x128xf32, #tpu.memory_space<vmem_shared>>
          tpu.enqueue_indirect_dma source(%arg19 : memref<128x128xf32, #tpu.memory_space<vmem>>) target(%dma_start3A_1486 : memref<10240x128xf32, #tpu.memory_space<vmem_shared>>) offsets(%arg17 : memref<128xi32, #tpu.memory_space<vmem>>) semaphore(%run_scoped3A : memref<!tpu.dma_semaphore, #tpu.memory_space<semaphore_mem>>) {add = true}
          %dma_wait3A_1487 = arith.constant 0 : i32
          %dma_wait3A_1488 = arith.constant 0 : i32
          %dma_wait3A_1489 = tpu.memref_slice %arg20[%dma_wait3A_1487, %dma_wait3A_1488] : memref<10240x128xf32, #tpu.memory_space<vmem_shared>> -> memref<10240x128xf32, #tpu.memory_space<vmem_shared>>
          tpu.wait_indirect_dma semaphore(%run_scoped3A : memref<!tpu.dma_semaphore, #tpu.memory_space<semaphore_mem>>) src(%arg19 : memref<128x128xf32, #tpu.memory_space<vmem>>) dst(%dma_wait3A_1489 : memref<10240x128xf32, #tpu.memory_space<vmem_shared>>)
          tpu.yield
        }) : () -> ()
      } else {
      }
      %get3A_998 = arith.constant 0 : index
      %get3A_999 = tpu.vector_load %arg11[%get3A_998] {strides = array<i32>} : memref<128xi32, #tpu.memory_space<vmem>>, vector<16xi32>,
      %get3A_1000 = vector.shape_cast %get3A_999 : vector<16xi32> to vector<16xi32>
      %shift_right_logical3A_1001 = arith.constant 14 : i32
      %shift_right_logical3A_1002 = vector.broadcast %shift_right_logical3A_1001 : i32 to vector<16xi32>
      %shift_right_logical3A_1003 = arith.shrui %get3A_1000, %shift_right_logical3A_1002 : vector<16xi32>
      %swap3A_1004 = arith.constant 0 : index
      %swap3A_1005 = tpu.vector_load %arg16[%swap3A_1004] {strides = array<i32>} : memref<128xi32, #tpu.memory_space<vmem>>, vector<16xi32>,
      %swap3A_1006 = vector.shape_cast %swap3A_1005 : vector<16xi32> to vector<16xi32>
      %swap3A_1007 = vector.shape_cast %shift_right_logical3A_1003 : vector<16xi32> to vector<16xi32>
      tpu.vector_store %arg16[%swap3A_1004], %swap3A_1007 {strides = array<i32>} : memref<128xi32, #tpu.memory_space<vmem>>, vector<16xi32>,
      %and3A_1008 = arith.constant 16383 : i32
      %and3A_1009 = vector.broadcast %and3A_1008 : i32 to vector<16xi32>
      %and3A_1010 = arith.andi %get3A_1000, %and3A_1009 : vector<16xi32>
      %swap3A_1011 = arith.constant 0 : index
      %swap3A_1012 = tpu.vector_load %arg17[%swap3A_1011] {strides = array<i32>} : memref<128xi32, #tpu.memory_space<vmem>>, vector<16xi32>,
      %swap3A_1013 = vector.shape_cast %swap3A_1012 : vector<16xi32> to vector<16xi32>
      %swap3A_1014 = vector.shape_cast %and3A_1010 : vector<16xi32> to vector<16xi32>
      tpu.vector_store %arg17[%swap3A_1011], %swap3A_1014 {strides = array<i32>} : memref<128xi32, #tpu.memory_space<vmem>>, vector<16xi32>,
      %get3A_1015 = arith.constant 16 : index
      %get3A_1016 = tpu.vector_load %arg11[%get3A_1015] {strides = array<i32>} : memref<128xi32, #tpu.memory_space<vmem>>, vector<16xi32>,
      %get3A_1017 = vector.shape_cast %get3A_1016 : vector<16xi32> to vector<16xi32>
      %shift_right_logical3A_1018 = arith.constant 14 : i32
      %shift_right_logical3A_1019 = vector.broadcast %shift_right_logical3A_1018 : i32 to vector<16xi32>
      %shift_right_logical3A_1020 = arith.shrui %get3A_1017, %shift_right_logical3A_1019 : vector<16xi32>
      %swap3A_1021 = arith.constant 16 : index
      %swap3A_1022 = tpu.vector_load %arg16[%swap3A_1021] {strides = array<i32>} : memref<128xi32, #tpu.memory_space<vmem>>, vector<16xi32>,
      %swap3A_1023 = vector.shape_cast %swap3A_1022 : vector<16xi32> to vector<16xi32>
      %swap3A_1024 = vector.shape_cast %shift_right_logical3A_1020 : vector<16xi32> to vector<16xi32>
      tpu.vector_store %arg16[%swap3A_1021], %swap3A_1024 {strides = array<i32>} : memref<128xi32, #tpu.memory_space<vmem>>, vector<16xi32>,
      %and3A_1025 = arith.constant 16383 : i32
      %and3A_1026 = vector.broadcast %and3A_1025 : i32 to vector<16xi32>
      %and3A_1027 = arith.andi %get3A_1017, %and3A_1026 : vector<16xi32>
      %swap3A_1028 = arith.constant 16 : index
      %swap3A_1029 = tpu.vector_load %arg17[%swap3A_1028] {strides = array<i32>} : memref<128xi32, #tpu.memory_space<vmem>>, vector<16xi32>,
      %swap3A_1030 = vector.shape_cast %swap3A_1029 : vector<16xi32> to vector<16xi32>
      %swap3A_1031 = vector.shape_cast %and3A_1027 : vector<16xi32> to vector<16xi32>
      tpu.vector_store %arg17[%swap3A_1028], %swap3A_1031 {strides = array<i32>} : memref<128xi32, #tpu.memory_space<vmem>>, vector<16xi32>,
      %get3A_1032 = arith.constant 32 : index
      %get3A_1033 = tpu.vector_load %arg11[%get3A_1032] {strides = array<i32>} : memref<128xi32, #tpu.memory_space<vmem>>, vector<16xi32>,
      %get3A_1034 = vector.shape_cast %get3A_1033 : vector<16xi32> to vector<16xi32>
      %shift_right_logical3A_1035 = arith.constant 14 : i32
      %shift_right_logical3A_1036 = vector.broadcast %shift_right_logical3A_1035 : i32 to vector<16xi32>
      %shift_right_logical3A_1037 = arith.shrui %get3A_1034, %shift_right_logical3A_1036 : vector<16xi32>
      %swap3A_1038 = arith.constant 32 : index
      %swap3A_1039 = tpu.vector_load %arg16[%swap3A_1038] {strides = array<i32>} : memref<128xi32, #tpu.memory_space<vmem>>, vector<16xi32>,
      %swap3A_1040 = vector.shape_cast %swap3A_1039 : vector<16xi32> to vector<16xi32>
      %swap3A_1041 = vector.shape_cast %shift_right_logical3A_1037 : vector<16xi32> to vector<16xi32>
      tpu.vector_store %arg16[%swap3A_1038], %swap3A_1041 {strides = array<i32>} : memref<128xi32, #tpu.memory_space<vmem>>, vector<16xi32>,
      %and3A_1042 = arith.constant 16383 : i32
      %and3A_1043 = vector.broadcast %and3A_1042 : i32 to vector<16xi32>
      %and3A_1044 = arith.andi %get3A_1034, %and3A_1043 : vector<16xi32>
      %swap3A_1045 = arith.constant 32 : index
      %swap3A_1046 = tpu.vector_load %arg17[%swap3A_1045] {strides = array<i32>} : memref<128xi32, #tpu.memory_space<vmem>>, vector<16xi32>,
      %swap3A_1047 = vector.shape_cast %swap3A_1046 : vector<16xi32> to vector<16xi32>
      %swap3A_1048 = vector.shape_cast %and3A_1044 : vector<16xi32> to vector<16xi32>
      tpu.vector_store %arg17[%swap3A_1045], %swap3A_1048 {strides = array<i32>} : memref<128xi32, #tpu.memory_space<vmem>>, vector<16xi32>,
      %get3A_1049 = arith.constant 48 : index
      %get3A_1050 = tpu.vector_load %arg11[%get3A_1049] {strides = array<i32>} : memref<128xi32, #tpu.memory_space<vmem>>, vector<16xi32>,
      %get3A_1051 = vector.shape_cast %get3A_1050 : vector<16xi32> to vector<16xi32>
      %shift_right_logical3A_1052 = arith.constant 14 : i32
      %shift_right_logical3A_1053 = vector.broadcast %shift_right_logical3A_1052 : i32 to vector<16xi32>
      %shift_right_logical3A_1054 = arith.shrui %get3A_1051, %shift_right_logical3A_1053 : vector<16xi32>
      %swap3A_1055 = arith.constant 48 : index
      %swap3A_1056 = tpu.vector_load %arg16[%swap3A_1055] {strides = array<i32>} : memref<128xi32, #tpu.memory_space<vmem>>, vector<16xi32>,
      %swap3A_1057 = vector.shape_cast %swap3A_1056 : vector<16xi32> to vector<16xi32>
      %swap3A_1058 = vector.shape_cast %shift_right_logical3A_1054 : vector<16xi32> to vector<16xi32>
      tpu.vector_store %arg16[%swap3A_1055], %swap3A_1058 {strides = array<i32>} : memref<128xi32, #tpu.memory_space<vmem>>, vector<16xi32>,
      %and3A_1059 = arith.constant 16383 : i32
      %and3A_1060 = vector.broadcast %and3A_1059 : i32 to vector<16xi32>
      %and3A_1061 = arith.andi %get3A_1051, %and3A_1060 : vector<16xi32>
      %swap3A_1062 = arith.constant 48 : index
      %swap3A_1063 = tpu.vector_load %arg17[%swap3A_1062] {strides = array<i32>} : memref<128xi32, #tpu.memory_space<vmem>>, vector<16xi32>,
      %swap3A_1064 = vector.shape_cast %swap3A_1063 : vector<16xi32> to vector<16xi32>
      %swap3A_1065 = vector.shape_cast %and3A_1061 : vector<16xi32> to vector<16xi32>
      tpu.vector_store %arg17[%swap3A_1062], %swap3A_1065 {strides = array<i32>} : memref<128xi32, #tpu.memory_space<vmem>>, vector<16xi32>,
      %get3A_1066 = arith.constant 64 : index
      %get3A_1067 = tpu.vector_load %arg11[%get3A_1066] {strides = array<i32>} : memref<128xi32, #tpu.memory_space<vmem>>, vector<16xi32>,
      %get3A_1068 = vector.shape_cast %get3A_1067 : vector<16xi32> to vector<16xi32>
      %shift_right_logical3A_1069 = arith.constant 14 : i32
      %shift_right_logical3A_1070 = vector.broadcast %shift_right_logical3A_1069 : i32 to vector<16xi32>
      %shift_right_logical3A_1071 = arith.shrui %get3A_1068, %shift_right_logical3A_1070 : vector<16xi32>
      %swap3A_1072 = arith.constant 64 : index
      %swap3A_1073 = tpu.vector_load %arg16[%swap3A_1072] {strides = array<i32>} : memref<128xi32, #tpu.memory_space<vmem>>, vector<16xi32>,
      %swap3A_1074 = vector.shape_cast %swap3A_1073 : vector<16xi32> to vector<16xi32>
      %swap3A_1075 = vector.shape_cast %shift_right_logical3A_1071 : vector<16xi32> to vector<16xi32>
      tpu.vector_store %arg16[%swap3A_1072], %swap3A_1075 {strides = array<i32>} : memref<128xi32, #tpu.memory_space<vmem>>, vector<16xi32>,
      %and3A_1076 = arith.constant 16383 : i32
      %and3A_1077 = vector.broadcast %and3A_1076 : i32 to vector<16xi32>
      %and3A_1078 = arith.andi %get3A_1068, %and3A_1077 : vector<16xi32>
      %swap3A_1079 = arith.constant 64 : index
      %swap3A_1080 = tpu.vector_load %arg17[%swap3A_1079] {strides = array<i32>} : memref<128xi32, #tpu.memory_space<vmem>>, vector<16xi32>,
      %swap3A_1081 = vector.shape_cast %swap3A_1080 : vector<16xi32> to vector<16xi32>
      %swap3A_1082 = vector.shape_cast %and3A_1078 : vector<16xi32> to vector<16xi32>
      tpu.vector_store %arg17[%swap3A_1079], %swap3A_1082 {strides = array<i32>} : memref<128xi32, #tpu.memory_space<vmem>>, vector<16xi32>,
      %get3A_1083 = arith.constant 80 : index
      %get3A_1084 = tpu.vector_load %arg11[%get3A_1083] {strides = array<i32>} : memref<128xi32, #tpu.memory_space<vmem>>, vector<16xi32>,
      %get3A_1085 = vector.shape_cast %get3A_1084 : vector<16xi32> to vector<16xi32>
      %shift_right_logical3A_1086 = arith.constant 14 : i32
      %shift_right_logical3A_1087 = vector.broadcast %shift_right_logical3A_1086 : i32 to vector<16xi32>
      %shift_right_logical3A_1088 = arith.shrui %get3A_1085, %shift_right_logical3A_1087 : vector<16xi32>
      %swap3A_1089 = arith.constant 80 : index
      %swap3A_1090 = tpu.vector_load %arg16[%swap3A_1089] {strides = array<i32>} : memref<128xi32, #tpu.memory_space<vmem>>, vector<16xi32>,
      %swap3A_1091 = vector.shape_cast %swap3A_1090 : vector<16xi32> to vector<16xi32>
      %swap3A_1092 = vector.shape_cast %shift_right_logical3A_1088 : vector<16xi32> to vector<16xi32>
      tpu.vector_store %arg16[%swap3A_1089], %swap3A_1092 {strides = array<i32>} : memref<128xi32, #tpu.memory_space<vmem>>, vector<16xi32>,
      %and3A_1093 = arith.constant 16383 : i32
      %and3A_1094 = vector.broadcast %and3A_1093 : i32 to vector<16xi32>
      %and3A_1095 = arith.andi %get3A_1085, %and3A_1094 : vector<16xi32>
      %swap3A_1096 = arith.constant 80 : index
      %swap3A_1097 = tpu.vector_load %arg17[%swap3A_1096] {strides = array<i32>} : memref<128xi32, #tpu.memory_space<vmem>>, vector<16xi32>,
      %swap3A_1098 = vector.shape_cast %swap3A_1097 : vector<16xi32> to vector<16xi32>
      %swap3A_1099 = vector.shape_cast %and3A_1095 : vector<16xi32> to vector<16xi32>
      tpu.vector_store %arg17[%swap3A_1096], %swap3A_1099 {strides = array<i32>} : memref<128xi32, #tpu.memory_space<vmem>>, vector<16xi32>,
      %get3A_1100 = arith.constant 96 : index
      %get3A_1101 = tpu.vector_load %arg11[%get3A_1100] {strides = array<i32>} : memref<128xi32, #tpu.memory_space<vmem>>, vector<16xi32>,
      %get3A_1102 = vector.shape_cast %get3A_1101 : vector<16xi32> to vector<16xi32>
      %shift_right_logical3A_1103 = arith.constant 14 : i32
      %shift_right_logical3A_1104 = vector.broadcast %shift_right_logical3A_1103 : i32 to vector<16xi32>
      %shift_right_logical3A_1105 = arith.shrui %get3A_1102, %shift_right_logical3A_1104 : vector<16xi32>
      %swap3A_1106 = arith.constant 96 : index
      %swap3A_1107 = tpu.vector_load %arg16[%swap3A_1106] {strides = array<i32>} : memref<128xi32, #tpu.memory_space<vmem>>, vector<16xi32>,
      %swap3A_1108 = vector.shape_cast %swap3A_1107 : vector<16xi32> to vector<16xi32>
      %swap3A_1109 = vector.shape_cast %shift_right_logical3A_1105 : vector<16xi32> to vector<16xi32>
      tpu.vector_store %arg16[%swap3A_1106], %swap3A_1109 {strides = array<i32>} : memref<128xi32, #tpu.memory_space<vmem>>, vector<16xi32>,
      %and3A_1110 = arith.constant 16383 : i32
      %and3A_1111 = vector.broadcast %and3A_1110 : i32 to vector<16xi32>
      %and3A_1112 = arith.andi %get3A_1102, %and3A_1111 : vector<16xi32>
      %swap3A_1113 = arith.constant 96 : index
      %swap3A_1114 = tpu.vector_load %arg17[%swap3A_1113] {strides = array<i32>} : memref<128xi32, #tpu.memory_space<vmem>>, vector<16xi32>,
      %swap3A_1115 = vector.shape_cast %swap3A_1114 : vector<16xi32> to vector<16xi32>
      %swap3A_1116 = vector.shape_cast %and3A_1112 : vector<16xi32> to vector<16xi32>
      tpu.vector_store %arg17[%swap3A_1113], %swap3A_1116 {strides = array<i32>} : memref<128xi32, #tpu.memory_space<vmem>>, vector<16xi32>,
      %get3A_1117 = arith.constant 112 : index
      %get3A_1118 = tpu.vector_load %arg11[%get3A_1117] {strides = array<i32>} : memref<128xi32, #tpu.memory_space<vmem>>, vector<16xi32>,
      %get3A_1119 = vector.shape_cast %get3A_1118 : vector<16xi32> to vector<16xi32>
      %shift_right_logical3A_1120 = arith.constant 14 : i32
      %shift_right_logical3A_1121 = vector.broadcast %shift_right_logical3A_1120 : i32 to vector<16xi32>
      %shift_right_logical3A_1122 = arith.shrui %get3A_1119, %shift_right_logical3A_1121 : vector<16xi32>
      %swap3A_1123 = arith.constant 112 : index
      %swap3A_1124 = tpu.vector_load %arg16[%swap3A_1123] {strides = array<i32>} : memref<128xi32, #tpu.memory_space<vmem>>, vector<16xi32>,
      %swap3A_1125 = vector.shape_cast %swap3A_1124 : vector<16xi32> to vector<16xi32>
      %swap3A_1126 = vector.shape_cast %shift_right_logical3A_1122 : vector<16xi32> to vector<16xi32>
      tpu.vector_store %arg16[%swap3A_1123], %swap3A_1126 {strides = array<i32>} : memref<128xi32, #tpu.memory_space<vmem>>, vector<16xi32>,
      %and3A_1127 = arith.constant 16383 : i32
      %and3A_1128 = vector.broadcast %and3A_1127 : i32 to vector<16xi32>
      %and3A_1129 = arith.andi %get3A_1119, %and3A_1128 : vector<16xi32>
      %swap3A_1130 = arith.constant 112 : index
      %swap3A_1131 = tpu.vector_load %arg17[%swap3A_1130] {strides = array<i32>} : memref<128xi32, #tpu.memory_space<vmem>>, vector<16xi32>,
      %swap3A_1132 = vector.shape_cast %swap3A_1131 : vector<16xi32> to vector<16xi32>
      %swap3A_1133 = vector.shape_cast %and3A_1129 : vector<16xi32> to vector<16xi32>
      tpu.vector_store %arg17[%swap3A_1130], %swap3A_1133 {strides = array<i32>} : memref<128xi32, #tpu.memory_space<vmem>>, vector<16xi32>,
      %add3A_1134 = arith.constant 8 : i32
      %add3A_1135 = arith.addi %add3A_986, %add3A_1134 : i32
      %sub3A_1136 = arith.constant 1 : i32
      %sub3A_1137 = arith.subi %select_n3A_12, %sub3A_1136 : i32
      %min3A_1138 = arith.minsi %add3A_1135, %sub3A_1137 : i32
      %add3A_1139 = arith.addi %select_n3A, %min3A_1138 : i32
      %dma_start3A_1140 = arith.constant 0 : i32
      %dma_start3A_1141 = tpu.memref_slice %arg3[%add3A_1139, %dma_start3A_1140] : memref<2560x128xi32, #tpu.memory_space<hbm>> -> memref<1x128xi32, #tpu.memory_space<hbm>>
      %dma_start3A_1142 = tpu.memref_squeeze %dma_start3A_1141 : memref<1x128xi32, #tpu.memory_space<hbm>> -> memref<128xi32, #tpu.memory_space<hbm>>
      %dma_start3A_1143 = arith.constant 0 : i32
      %dma_start3A_1144 = tpu.memref_slice %arg3[%add3A_1139, %dma_start3A_1143] : memref<2560x128xi32, #tpu.memory_space<hbm>> -> memref<1x128xi32, #tpu.memory_space<hbm>>
      %dma_start3A_1145 = tpu.memref_squeeze %dma_start3A_1144 : memref<1x128xi32, #tpu.memory_space<hbm>> -> memref<128xi32, #tpu.memory_space<hbm>>
      tpu.enqueue_dma source(%dma_start3A_1145 : memref<128xi32, #tpu.memory_space<hbm>>) target(%arg11 : memref<128xi32, #tpu.memory_space<vmem>>) target_semaphore(%arg26 : memref<!tpu.dma_semaphore, #tpu.memory_space<semaphore_mem>>)
      %dma_start3A_1146 = arith.constant 0 : i32
      %dma_start3A_1147 = arith.constant 0 : i32
      %dma_start3A_1148 = tpu.memref_slice %arg2[%dma_start3A_1146, %dma_start3A_1147] : memref<80000x128xf32, #tpu.memory_space<hbm>> -> memref<80000x128xf32, #tpu.memory_space<hbm>>
      tpu.enqueue_indirect_dma source(%dma_start3A_1148 : memref<80000x128xf32, #tpu.memory_space<hbm>>) target(%arg19 : memref<128x128xf32, #tpu.memory_space<vmem>>) offsets(%arg16 : memref<128xi32, #tpu.memory_space<vmem>>) semaphore(%arg30 : memref<!tpu.dma_semaphore, #tpu.memory_space<semaphore_mem>>)
      %mul3A_1149 = arith.constant 8 : i32
      %mul3A_1150 = arith.muli %mul3A_1149, %while3A_157 : i32
      %add3A_1151 = arith.constant 6 : i32
      %add3A_1152 = arith.addi %mul3A_1150, %add3A_1151 : i32
      %dma_wait3A_1153 = arith.constant 0 : i32
      %dma_wait3A_1154 = tpu.memref_slice %arg3[%select_n3A, %dma_wait3A_1153] : memref<2560x128xi32, #tpu.memory_space<hbm>> -> memref<1x128xi32, #tpu.memory_space<hbm>>
      %dma_wait3A_1155 = tpu.memref_squeeze %dma_wait3A_1154 : memref<1x128xi32, #tpu.memory_space<hbm>> -> memref<128xi32, #tpu.memory_space<hbm>>
      %dma_wait3A_1156 = arith.constant 0 : i32
      %dma_wait3A_1157 = tpu.memref_slice %arg3[%select_n3A, %dma_wait3A_1156] : memref<2560x128xi32, #tpu.memory_space<hbm>> -> memref<1x128xi32, #tpu.memory_space<hbm>>
      %dma_wait3A_1158 = tpu.memref_squeeze %dma_wait3A_1157 : memref<1x128xi32, #tpu.memory_space<hbm>> -> memref<128xi32, #tpu.memory_space<hbm>>
      tpu.wait_dma2 semaphore(%arg27 : memref<!tpu.dma_semaphore, #tpu.memory_space<semaphore_mem>>) src(%dma_wait3A_1158 : memref<128xi32, #tpu.memory_space<hbm>>) dst(%arg12 : memref<128xi32, #tpu.memory_space<vmem>>)
      %ge3A_1159 = arith.constant 2 : i32
      %ge3A_1160 = arith.cmpi sge, %add3A_1152, %ge3A_1159 : i32
      %convert_element_type3A_1161 = arith.extui %ge3A_1160 : i1 to i32
      %cond3A_1162 = arith.constant 0 : i32
      %cond3A_1163 = arith.cmpi ne, %convert_element_type3A_1161, %cond3A_1162 : i32
      scf.if %cond3A_1163 {
        %dma_wait3A_1481 = arith.constant 0 : i32
        %dma_wait3A_1482 = arith.constant 0 : i32
        %dma_wait3A_1483 = tpu.memref_slice %arg2[%dma_wait3A_1481, %dma_wait3A_1482] : memref<80000x128xf32, #tpu.memory_space<hbm>> -> memref<80000x128xf32, #tpu.memory_space<hbm>>
        tpu.wait_indirect_dma semaphore(%arg29 : memref<!tpu.dma_semaphore, #tpu.memory_space<semaphore_mem>>) src(%dma_wait3A_1483 : memref<80000x128xf32, #tpu.memory_space<hbm>>) dst(%arg18 : memref<128x128xf32, #tpu.memory_space<vmem>>)
        "tpu.region"() ({
          %run_scoped3A = tpu.sem_alloc : memref<!tpu.dma_semaphore, #tpu.memory_space<semaphore_mem>>
          %dma_start3A_1484 = arith.constant 0 : i32
          %dma_start3A_1485 = arith.constant 0 : i32
          %dma_start3A_1486 = tpu.memref_slice %arg20[%dma_start3A_1484, %dma_start3A_1485] : memref<10240x128xf32, #tpu.memory_space<vmem_shared>> -> memref<10240x128xf32, #tpu.memory_space<vmem_shared>>
          tpu.enqueue_indirect_dma source(%arg18 : memref<128x128xf32, #tpu.memory_space<vmem>>) target(%dma_start3A_1486 : memref<10240x128xf32, #tpu.memory_space<vmem_shared>>) offsets(%arg15 : memref<128xi32, #tpu.memory_space<vmem>>) semaphore(%run_scoped3A : memref<!tpu.dma_semaphore, #tpu.memory_space<semaphore_mem>>) {add = true}
          %dma_wait3A_1487 = arith.constant 0 : i32
          %dma_wait3A_1488 = arith.constant 0 : i32
          %dma_wait3A_1489 = tpu.memref_slice %arg20[%dma_wait3A_1487, %dma_wait3A_1488] : memref<10240x128xf32, #tpu.memory_space<vmem_shared>> -> memref<10240x128xf32, #tpu.memory_space<vmem_shared>>
          tpu.wait_indirect_dma semaphore(%run_scoped3A : memref<!tpu.dma_semaphore, #tpu.memory_space<semaphore_mem>>) src(%arg18 : memref<128x128xf32, #tpu.memory_space<vmem>>) dst(%dma_wait3A_1489 : memref<10240x128xf32, #tpu.memory_space<vmem_shared>>)
          tpu.yield
        }) : () -> ()
      } else {
      }
      %get3A_1164 = arith.constant 0 : index
      %get3A_1165 = tpu.vector_load %arg12[%get3A_1164] {strides = array<i32>} : memref<128xi32, #tpu.memory_space<vmem>>, vector<16xi32>,
      %get3A_1166 = vector.shape_cast %get3A_1165 : vector<16xi32> to vector<16xi32>
      %shift_right_logical3A_1167 = arith.constant 14 : i32
      %shift_right_logical3A_1168 = vector.broadcast %shift_right_logical3A_1167 : i32 to vector<16xi32>
      %shift_right_logical3A_1169 = arith.shrui %get3A_1166, %shift_right_logical3A_1168 : vector<16xi32>
      %swap3A_1170 = arith.constant 0 : index
      %swap3A_1171 = tpu.vector_load %arg14[%swap3A_1170] {strides = array<i32>} : memref<128xi32, #tpu.memory_space<vmem>>, vector<16xi32>,
      %swap3A_1172 = vector.shape_cast %swap3A_1171 : vector<16xi32> to vector<16xi32>
      %swap3A_1173 = vector.shape_cast %shift_right_logical3A_1169 : vector<16xi32> to vector<16xi32>
      tpu.vector_store %arg14[%swap3A_1170], %swap3A_1173 {strides = array<i32>} : memref<128xi32, #tpu.memory_space<vmem>>, vector<16xi32>,
      %and3A_1174 = arith.constant 16383 : i32
      %and3A_1175 = vector.broadcast %and3A_1174 : i32 to vector<16xi32>
      %and3A_1176 = arith.andi %get3A_1166, %and3A_1175 : vector<16xi32>
      %swap3A_1177 = arith.constant 0 : index
      %swap3A_1178 = tpu.vector_load %arg15[%swap3A_1177] {strides = array<i32>} : memref<128xi32, #tpu.memory_space<vmem>>, vector<16xi32>,
      %swap3A_1179 = vector.shape_cast %swap3A_1178 : vector<16xi32> to vector<16xi32>
      %swap3A_1180 = vector.shape_cast %and3A_1176 : vector<16xi32> to vector<16xi32>
      tpu.vector_store %arg15[%swap3A_1177], %swap3A_1180 {strides = array<i32>} : memref<128xi32, #tpu.memory_space<vmem>>, vector<16xi32>,
      %get3A_1181 = arith.constant 16 : index
      %get3A_1182 = tpu.vector_load %arg12[%get3A_1181] {strides = array<i32>} : memref<128xi32, #tpu.memory_space<vmem>>, vector<16xi32>,
      %get3A_1183 = vector.shape_cast %get3A_1182 : vector<16xi32> to vector<16xi32>
      %shift_right_logical3A_1184 = arith.constant 14 : i32
      %shift_right_logical3A_1185 = vector.broadcast %shift_right_logical3A_1184 : i32 to vector<16xi32>
      %shift_right_logical3A_1186 = arith.shrui %get3A_1183, %shift_right_logical3A_1185 : vector<16xi32>
      %swap3A_1187 = arith.constant 16 : index
      %swap3A_1188 = tpu.vector_load %arg14[%swap3A_1187] {strides = array<i32>} : memref<128xi32, #tpu.memory_space<vmem>>, vector<16xi32>,
      %swap3A_1189 = vector.shape_cast %swap3A_1188 : vector<16xi32> to vector<16xi32>
      %swap3A_1190 = vector.shape_cast %shift_right_logical3A_1186 : vector<16xi32> to vector<16xi32>
      tpu.vector_store %arg14[%swap3A_1187], %swap3A_1190 {strides = array<i32>} : memref<128xi32, #tpu.memory_space<vmem>>, vector<16xi32>,
      %and3A_1191 = arith.constant 16383 : i32
      %and3A_1192 = vector.broadcast %and3A_1191 : i32 to vector<16xi32>
      %and3A_1193 = arith.andi %get3A_1183, %and3A_1192 : vector<16xi32>
      %swap3A_1194 = arith.constant 16 : index
      %swap3A_1195 = tpu.vector_load %arg15[%swap3A_1194] {strides = array<i32>} : memref<128xi32, #tpu.memory_space<vmem>>, vector<16xi32>,
      %swap3A_1196 = vector.shape_cast %swap3A_1195 : vector<16xi32> to vector<16xi32>
      %swap3A_1197 = vector.shape_cast %and3A_1193 : vector<16xi32> to vector<16xi32>
      tpu.vector_store %arg15[%swap3A_1194], %swap3A_1197 {strides = array<i32>} : memref<128xi32, #tpu.memory_space<vmem>>, vector<16xi32>,
      %get3A_1198 = arith.constant 32 : index
      %get3A_1199 = tpu.vector_load %arg12[%get3A_1198] {strides = array<i32>} : memref<128xi32, #tpu.memory_space<vmem>>, vector<16xi32>,
      %get3A_1200 = vector.shape_cast %get3A_1199 : vector<16xi32> to vector<16xi32>
      %shift_right_logical3A_1201 = arith.constant 14 : i32
      %shift_right_logical3A_1202 = vector.broadcast %shift_right_logical3A_1201 : i32 to vector<16xi32>
      %shift_right_logical3A_1203 = arith.shrui %get3A_1200, %shift_right_logical3A_1202 : vector<16xi32>
      %swap3A_1204 = arith.constant 32 : index
      %swap3A_1205 = tpu.vector_load %arg14[%swap3A_1204] {strides = array<i32>} : memref<128xi32, #tpu.memory_space<vmem>>, vector<16xi32>,
      %swap3A_1206 = vector.shape_cast %swap3A_1205 : vector<16xi32> to vector<16xi32>
      %swap3A_1207 = vector.shape_cast %shift_right_logical3A_1203 : vector<16xi32> to vector<16xi32>
      tpu.vector_store %arg14[%swap3A_1204], %swap3A_1207 {strides = array<i32>} : memref<128xi32, #tpu.memory_space<vmem>>, vector<16xi32>,
      %and3A_1208 = arith.constant 16383 : i32
      %and3A_1209 = vector.broadcast %and3A_1208 : i32 to vector<16xi32>
      %and3A_1210 = arith.andi %get3A_1200, %and3A_1209 : vector<16xi32>
      %swap3A_1211 = arith.constant 32 : index
      %swap3A_1212 = tpu.vector_load %arg15[%swap3A_1211] {strides = array<i32>} : memref<128xi32, #tpu.memory_space<vmem>>, vector<16xi32>,
      %swap3A_1213 = vector.shape_cast %swap3A_1212 : vector<16xi32> to vector<16xi32>
      %swap3A_1214 = vector.shape_cast %and3A_1210 : vector<16xi32> to vector<16xi32>
      tpu.vector_store %arg15[%swap3A_1211], %swap3A_1214 {strides = array<i32>} : memref<128xi32, #tpu.memory_space<vmem>>, vector<16xi32>,
      %get3A_1215 = arith.constant 48 : index
      %get3A_1216 = tpu.vector_load %arg12[%get3A_1215] {strides = array<i32>} : memref<128xi32, #tpu.memory_space<vmem>>, vector<16xi32>,
      %get3A_1217 = vector.shape_cast %get3A_1216 : vector<16xi32> to vector<16xi32>
      %shift_right_logical3A_1218 = arith.constant 14 : i32
      %shift_right_logical3A_1219 = vector.broadcast %shift_right_logical3A_1218 : i32 to vector<16xi32>
      %shift_right_logical3A_1220 = arith.shrui %get3A_1217, %shift_right_logical3A_1219 : vector<16xi32>
      %swap3A_1221 = arith.constant 48 : index
      %swap3A_1222 = tpu.vector_load %arg14[%swap3A_1221] {strides = array<i32>} : memref<128xi32, #tpu.memory_space<vmem>>, vector<16xi32>,
      %swap3A_1223 = vector.shape_cast %swap3A_1222 : vector<16xi32> to vector<16xi32>
      %swap3A_1224 = vector.shape_cast %shift_right_logical3A_1220 : vector<16xi32> to vector<16xi32>
      tpu.vector_store %arg14[%swap3A_1221], %swap3A_1224 {strides = array<i32>} : memref<128xi32, #tpu.memory_space<vmem>>, vector<16xi32>,
      %and3A_1225 = arith.constant 16383 : i32
      %and3A_1226 = vector.broadcast %and3A_1225 : i32 to vector<16xi32>
      %and3A_1227 = arith.andi %get3A_1217, %and3A_1226 : vector<16xi32>
      %swap3A_1228 = arith.constant 48 : index
      %swap3A_1229 = tpu.vector_load %arg15[%swap3A_1228] {strides = array<i32>} : memref<128xi32, #tpu.memory_space<vmem>>, vector<16xi32>,
      %swap3A_1230 = vector.shape_cast %swap3A_1229 : vector<16xi32> to vector<16xi32>
      %swap3A_1231 = vector.shape_cast %and3A_1227 : vector<16xi32> to vector<16xi32>
      tpu.vector_store %arg15[%swap3A_1228], %swap3A_1231 {strides = array<i32>} : memref<128xi32, #tpu.memory_space<vmem>>, vector<16xi32>,
      %get3A_1232 = arith.constant 64 : index
      %get3A_1233 = tpu.vector_load %arg12[%get3A_1232] {strides = array<i32>} : memref<128xi32, #tpu.memory_space<vmem>>, vector<16xi32>,
      %get3A_1234 = vector.shape_cast %get3A_1233 : vector<16xi32> to vector<16xi32>
      %shift_right_logical3A_1235 = arith.constant 14 : i32
      %shift_right_logical3A_1236 = vector.broadcast %shift_right_logical3A_1235 : i32 to vector<16xi32>
      %shift_right_logical3A_1237 = arith.shrui %get3A_1234, %shift_right_logical3A_1236 : vector<16xi32>
      %swap3A_1238 = arith.constant 64 : index
      %swap3A_1239 = tpu.vector_load %arg14[%swap3A_1238] {strides = array<i32>} : memref<128xi32, #tpu.memory_space<vmem>>, vector<16xi32>,
      %swap3A_1240 = vector.shape_cast %swap3A_1239 : vector<16xi32> to vector<16xi32>
      %swap3A_1241 = vector.shape_cast %shift_right_logical3A_1237 : vector<16xi32> to vector<16xi32>
      tpu.vector_store %arg14[%swap3A_1238], %swap3A_1241 {strides = array<i32>} : memref<128xi32, #tpu.memory_space<vmem>>, vector<16xi32>,
      %and3A_1242 = arith.constant 16383 : i32
      %and3A_1243 = vector.broadcast %and3A_1242 : i32 to vector<16xi32>
      %and3A_1244 = arith.andi %get3A_1234, %and3A_1243 : vector<16xi32>
      %swap3A_1245 = arith.constant 64 : index
      %swap3A_1246 = tpu.vector_load %arg15[%swap3A_1245] {strides = array<i32>} : memref<128xi32, #tpu.memory_space<vmem>>, vector<16xi32>,
      %swap3A_1247 = vector.shape_cast %swap3A_1246 : vector<16xi32> to vector<16xi32>
      %swap3A_1248 = vector.shape_cast %and3A_1244 : vector<16xi32> to vector<16xi32>
      tpu.vector_store %arg15[%swap3A_1245], %swap3A_1248 {strides = array<i32>} : memref<128xi32, #tpu.memory_space<vmem>>, vector<16xi32>,
      %get3A_1249 = arith.constant 80 : index
      %get3A_1250 = tpu.vector_load %arg12[%get3A_1249] {strides = array<i32>} : memref<128xi32, #tpu.memory_space<vmem>>, vector<16xi32>,
      %get3A_1251 = vector.shape_cast %get3A_1250 : vector<16xi32> to vector<16xi32>
      %shift_right_logical3A_1252 = arith.constant 14 : i32
      %shift_right_logical3A_1253 = vector.broadcast %shift_right_logical3A_1252 : i32 to vector<16xi32>
      %shift_right_logical3A_1254 = arith.shrui %get3A_1251, %shift_right_logical3A_1253 : vector<16xi32>
      %swap3A_1255 = arith.constant 80 : index
      %swap3A_1256 = tpu.vector_load %arg14[%swap3A_1255] {strides = array<i32>} : memref<128xi32, #tpu.memory_space<vmem>>, vector<16xi32>,
      %swap3A_1257 = vector.shape_cast %swap3A_1256 : vector<16xi32> to vector<16xi32>
      %swap3A_1258 = vector.shape_cast %shift_right_logical3A_1254 : vector<16xi32> to vector<16xi32>
      tpu.vector_store %arg14[%swap3A_1255], %swap3A_1258 {strides = array<i32>} : memref<128xi32, #tpu.memory_space<vmem>>, vector<16xi32>,
      %and3A_1259 = arith.constant 16383 : i32
      %and3A_1260 = vector.broadcast %and3A_1259 : i32 to vector<16xi32>
      %and3A_1261 = arith.andi %get3A_1251, %and3A_1260 : vector<16xi32>
      %swap3A_1262 = arith.constant 80 : index
      %swap3A_1263 = tpu.vector_load %arg15[%swap3A_1262] {strides = array<i32>} : memref<128xi32, #tpu.memory_space<vmem>>, vector<16xi32>,
      %swap3A_1264 = vector.shape_cast %swap3A_1263 : vector<16xi32> to vector<16xi32>
      %swap3A_1265 = vector.shape_cast %and3A_1261 : vector<16xi32> to vector<16xi32>
      tpu.vector_store %arg15[%swap3A_1262], %swap3A_1265 {strides = array<i32>} : memref<128xi32, #tpu.memory_space<vmem>>, vector<16xi32>,
      %get3A_1266 = arith.constant 96 : index
      %get3A_1267 = tpu.vector_load %arg12[%get3A_1266] {strides = array<i32>} : memref<128xi32, #tpu.memory_space<vmem>>, vector<16xi32>,
      %get3A_1268 = vector.shape_cast %get3A_1267 : vector<16xi32> to vector<16xi32>
      %shift_right_logical3A_1269 = arith.constant 14 : i32
      %shift_right_logical3A_1270 = vector.broadcast %shift_right_logical3A_1269 : i32 to vector<16xi32>
      %shift_right_logical3A_1271 = arith.shrui %get3A_1268, %shift_right_logical3A_1270 : vector<16xi32>
      %swap3A_1272 = arith.constant 96 : index
      %swap3A_1273 = tpu.vector_load %arg14[%swap3A_1272] {strides = array<i32>} : memref<128xi32, #tpu.memory_space<vmem>>, vector<16xi32>,
      %swap3A_1274 = vector.shape_cast %swap3A_1273 : vector<16xi32> to vector<16xi32>
      %swap3A_1275 = vector.shape_cast %shift_right_logical3A_1271 : vector<16xi32> to vector<16xi32>
      tpu.vector_store %arg14[%swap3A_1272], %swap3A_1275 {strides = array<i32>} : memref<128xi32, #tpu.memory_space<vmem>>, vector<16xi32>,
      %and3A_1276 = arith.constant 16383 : i32
      %and3A_1277 = vector.broadcast %and3A_1276 : i32 to vector<16xi32>
      %and3A_1278 = arith.andi %get3A_1268, %and3A_1277 : vector<16xi32>
      %swap3A_1279 = arith.constant 96 : index
      %swap3A_1280 = tpu.vector_load %arg15[%swap3A_1279] {strides = array<i32>} : memref<128xi32, #tpu.memory_space<vmem>>, vector<16xi32>,
      %swap3A_1281 = vector.shape_cast %swap3A_1280 : vector<16xi32> to vector<16xi32>
      %swap3A_1282 = vector.shape_cast %and3A_1278 : vector<16xi32> to vector<16xi32>
      tpu.vector_store %arg15[%swap3A_1279], %swap3A_1282 {strides = array<i32>} : memref<128xi32, #tpu.memory_space<vmem>>, vector<16xi32>,
      %get3A_1283 = arith.constant 112 : index
      %get3A_1284 = tpu.vector_load %arg12[%get3A_1283] {strides = array<i32>} : memref<128xi32, #tpu.memory_space<vmem>>, vector<16xi32>,
      %get3A_1285 = vector.shape_cast %get3A_1284 : vector<16xi32> to vector<16xi32>
      %shift_right_logical3A_1286 = arith.constant 14 : i32
      %shift_right_logical3A_1287 = vector.broadcast %shift_right_logical3A_1286 : i32 to vector<16xi32>
      %shift_right_logical3A_1288 = arith.shrui %get3A_1285, %shift_right_logical3A_1287 : vector<16xi32>
      %swap3A_1289 = arith.constant 112 : index
      %swap3A_1290 = tpu.vector_load %arg14[%swap3A_1289] {strides = array<i32>} : memref<128xi32, #tpu.memory_space<vmem>>, vector<16xi32>,
      %swap3A_1291 = vector.shape_cast %swap3A_1290 : vector<16xi32> to vector<16xi32>
      %swap3A_1292 = vector.shape_cast %shift_right_logical3A_1288 : vector<16xi32> to vector<16xi32>
      tpu.vector_store %arg14[%swap3A_1289], %swap3A_1292 {strides = array<i32>} : memref<128xi32, #tpu.memory_space<vmem>>, vector<16xi32>,
      %and3A_1293 = arith.constant 16383 : i32
      %and3A_1294 = vector.broadcast %and3A_1293 : i32 to vector<16xi32>
      %and3A_1295 = arith.andi %get3A_1285, %and3A_1294 : vector<16xi32>
      %swap3A_1296 = arith.constant 112 : index
      %swap3A_1297 = tpu.vector_load %arg15[%swap3A_1296] {strides = array<i32>} : memref<128xi32, #tpu.memory_space<vmem>>, vector<16xi32>,
      %swap3A_1298 = vector.shape_cast %swap3A_1297 : vector<16xi32> to vector<16xi32>
      %swap3A_1299 = vector.shape_cast %and3A_1295 : vector<16xi32> to vector<16xi32>
      tpu.vector_store %arg15[%swap3A_1296], %swap3A_1299 {strides = array<i32>} : memref<128xi32, #tpu.memory_space<vmem>>, vector<16xi32>,
      %add3A_1300 = arith.constant 8 : i32
      %add3A_1301 = arith.addi %add3A_1152, %add3A_1300 : i32
      %sub3A_1302 = arith.constant 1 : i32
      %sub3A_1303 = arith.subi %select_n3A_12, %sub3A_1302 : i32
      %min3A_1304 = arith.minsi %add3A_1301, %sub3A_1303 : i32
      %add3A_1305 = arith.addi %select_n3A, %min3A_1304 : i32
      %dma_start3A_1306 = arith.constant 0 : i32
      %dma_start3A_1307 = tpu.memref_slice %arg3[%add3A_1305, %dma_start3A_1306] : memref<2560x128xi32, #tpu.memory_space<hbm>> -> memref<1x128xi32, #tpu.memory_space<hbm>>
      %dma_start3A_1308 = tpu.memref_squeeze %dma_start3A_1307 : memref<1x128xi32, #tpu.memory_space<hbm>> -> memref<128xi32, #tpu.memory_space<hbm>>
      %dma_start3A_1309 = arith.constant 0 : i32
      %dma_start3A_1310 = tpu.memref_slice %arg3[%add3A_1305, %dma_start3A_1309] : memref<2560x128xi32, #tpu.memory_space<hbm>> -> memref<1x128xi32, #tpu.memory_space<hbm>>
      %dma_start3A_1311 = tpu.memref_squeeze %dma_start3A_1310 : memref<1x128xi32, #tpu.memory_space<hbm>> -> memref<128xi32, #tpu.memory_space<hbm>>
      tpu.enqueue_dma source(%dma_start3A_1311 : memref<128xi32, #tpu.memory_space<hbm>>) target(%arg12 : memref<128xi32, #tpu.memory_space<vmem>>) target_semaphore(%arg27 : memref<!tpu.dma_semaphore, #tpu.memory_space<semaphore_mem>>)
      %dma_start3A_1312 = arith.constant 0 : i32
      %dma_start3A_1313 = arith.constant 0 : i32
      %dma_start3A_1314 = tpu.memref_slice %arg2[%dma_start3A_1312, %dma_start3A_1313] : memref<80000x128xf32, #tpu.memory_space<hbm>> -> memref<80000x128xf32, #tpu.memory_space<hbm>>
      tpu.enqueue_indirect_dma source(%dma_start3A_1314 : memref<80000x128xf32, #tpu.memory_space<hbm>>) target(%arg18 : memref<128x128xf32, #tpu.memory_space<vmem>>) offsets(%arg14 : memref<128xi32, #tpu.memory_space<vmem>>) semaphore(%arg29 : memref<!tpu.dma_semaphore, #tpu.memory_space<semaphore_mem>>)
      %mul3A_1315 = arith.constant 8 : i32
      %mul3A_1316 = arith.muli %mul3A_1315, %while3A_157 : i32
      %add3A_1317 = arith.constant 7 : i32
      %add3A_1318 = arith.addi %mul3A_1316, %add3A_1317 : i32
      %dma_wait3A_1319 = arith.constant 0 : i32
      %dma_wait3A_1320 = tpu.memref_slice %arg3[%select_n3A, %dma_wait3A_1319] : memref<2560x128xi32, #tpu.memory_space<hbm>> -> memref<1x128xi32, #tpu.memory_space<hbm>>
      %dma_wait3A_1321 = tpu.memref_squeeze %dma_wait3A_1320 : memref<1x128xi32, #tpu.memory_space<hbm>> -> memref<128xi32, #tpu.memory_space<hbm>>
      %dma_wait3A_1322 = arith.constant 0 : i32
      %dma_wait3A_1323 = tpu.memref_slice %arg3[%select_n3A, %dma_wait3A_1322] : memref<2560x128xi32, #tpu.memory_space<hbm>> -> memref<1x128xi32, #tpu.memory_space<hbm>>
      %dma_wait3A_1324 = tpu.memref_squeeze %dma_wait3A_1323 : memref<1x128xi32, #tpu.memory_space<hbm>> -> memref<128xi32, #tpu.memory_space<hbm>>
      tpu.wait_dma2 semaphore(%arg28 : memref<!tpu.dma_semaphore, #tpu.memory_space<semaphore_mem>>) src(%dma_wait3A_1324 : memref<128xi32, #tpu.memory_space<hbm>>) dst(%arg13 : memref<128xi32, #tpu.memory_space<vmem>>)
      %ge3A_1325 = arith.constant 2 : i32
      %ge3A_1326 = arith.cmpi sge, %add3A_1318, %ge3A_1325 : i32
      %convert_element_type3A_1327 = arith.extui %ge3A_1326 : i1 to i32
      %cond3A_1328 = arith.constant 0 : i32
      %cond3A_1329 = arith.cmpi ne, %convert_element_type3A_1327, %cond3A_1328 : i32
      scf.if %cond3A_1329 {
        %dma_wait3A_1481 = arith.constant 0 : i32
        %dma_wait3A_1482 = arith.constant 0 : i32
        %dma_wait3A_1483 = tpu.memref_slice %arg2[%dma_wait3A_1481, %dma_wait3A_1482] : memref<80000x128xf32, #tpu.memory_space<hbm>> -> memref<80000x128xf32, #tpu.memory_space<hbm>>
        tpu.wait_indirect_dma semaphore(%arg30 : memref<!tpu.dma_semaphore, #tpu.memory_space<semaphore_mem>>) src(%dma_wait3A_1483 : memref<80000x128xf32, #tpu.memory_space<hbm>>) dst(%arg19 : memref<128x128xf32, #tpu.memory_space<vmem>>)
        "tpu.region"() ({
          %run_scoped3A = tpu.sem_alloc : memref<!tpu.dma_semaphore, #tpu.memory_space<semaphore_mem>>
          %dma_start3A_1484 = arith.constant 0 : i32
          %dma_start3A_1485 = arith.constant 0 : i32
          %dma_start3A_1486 = tpu.memref_slice %arg20[%dma_start3A_1484, %dma_start3A_1485] : memref<10240x128xf32, #tpu.memory_space<vmem_shared>> -> memref<10240x128xf32, #tpu.memory_space<vmem_shared>>
          tpu.enqueue_indirect_dma source(%arg19 : memref<128x128xf32, #tpu.memory_space<vmem>>) target(%dma_start3A_1486 : memref<10240x128xf32, #tpu.memory_space<vmem_shared>>) offsets(%arg17 : memref<128xi32, #tpu.memory_space<vmem>>) semaphore(%run_scoped3A : memref<!tpu.dma_semaphore, #tpu.memory_space<semaphore_mem>>) {add = true}
          %dma_wait3A_1487 = arith.constant 0 : i32
          %dma_wait3A_1488 = arith.constant 0 : i32
          %dma_wait3A_1489 = tpu.memref_slice %arg20[%dma_wait3A_1487, %dma_wait3A_1488] : memref<10240x128xf32, #tpu.memory_space<vmem_shared>> -> memref<10240x128xf32, #tpu.memory_space<vmem_shared>>
          tpu.wait_indirect_dma semaphore(%run_scoped3A : memref<!tpu.dma_semaphore, #tpu.memory_space<semaphore_mem>>) src(%arg19 : memref<128x128xf32, #tpu.memory_space<vmem>>) dst(%dma_wait3A_1489 : memref<10240x128xf32, #tpu.memory_space<vmem_shared>>)
          tpu.yield
        }) : () -> ()
      } else {
      }
      %get3A_1330 = arith.constant 0 : index
      %get3A_1331 = tpu.vector_load %arg13[%get3A_1330] {strides = array<i32>} : memref<128xi32, #tpu.memory_space<vmem>>, vector<16xi32>,
      %get3A_1332 = vector.shape_cast %get3A_1331 : vector<16xi32> to vector<16xi32>
      %shift_right_logical3A_1333 = arith.constant 14 : i32
      %shift_right_logical3A_1334 = vector.broadcast %shift_right_logical3A_1333 : i32 to vector<16xi32>
      %shift_right_logical3A_1335 = arith.shrui %get3A_1332, %shift_right_logical3A_1334 : vector<16xi32>
      %swap3A_1336 = arith.constant 0 : index
      %swap3A_1337 = tpu.vector_load %arg16[%swap3A_1336] {strides = array<i32>} : memref<128xi32, #tpu.memory_space<vmem>>, vector<16xi32>,
      %swap3A_1338 = vector.shape_cast %swap3A_1337 : vector<16xi32> to vector<16xi32>
      %swap3A_1339 = vector.shape_cast %shift_right_logical3A_1335 : vector<16xi32> to vector<16xi32>
      tpu.vector_store %arg16[%swap3A_1336], %swap3A_1339 {strides = array<i32>} : memref<128xi32, #tpu.memory_space<vmem>>, vector<16xi32>,
      %and3A_1340 = arith.constant 16383 : i32
      %and3A_1341 = vector.broadcast %and3A_1340 : i32 to vector<16xi32>
      %and3A_1342 = arith.andi %get3A_1332, %and3A_1341 : vector<16xi32>
      %swap3A_1343 = arith.constant 0 : index
      %swap3A_1344 = tpu.vector_load %arg17[%swap3A_1343] {strides = array<i32>} : memref<128xi32, #tpu.memory_space<vmem>>, vector<16xi32>,
      %swap3A_1345 = vector.shape_cast %swap3A_1344 : vector<16xi32> to vector<16xi32>
      %swap3A_1346 = vector.shape_cast %and3A_1342 : vector<16xi32> to vector<16xi32>
      tpu.vector_store %arg17[%swap3A_1343], %swap3A_1346 {strides = array<i32>} : memref<128xi32, #tpu.memory_space<vmem>>, vector<16xi32>,
      %get3A_1347 = arith.constant 16 : index
      %get3A_1348 = tpu.vector_load %arg13[%get3A_1347] {strides = array<i32>} : memref<128xi32, #tpu.memory_space<vmem>>, vector<16xi32>,
      %get3A_1349 = vector.shape_cast %get3A_1348 : vector<16xi32> to vector<16xi32>
      %shift_right_logical3A_1350 = arith.constant 14 : i32
      %shift_right_logical3A_1351 = vector.broadcast %shift_right_logical3A_1350 : i32 to vector<16xi32>
      %shift_right_logical3A_1352 = arith.shrui %get3A_1349, %shift_right_logical3A_1351 : vector<16xi32>
      %swap3A_1353 = arith.constant 16 : index
      %swap3A_1354 = tpu.vector_load %arg16[%swap3A_1353] {strides = array<i32>} : memref<128xi32, #tpu.memory_space<vmem>>, vector<16xi32>,
      %swap3A_1355 = vector.shape_cast %swap3A_1354 : vector<16xi32> to vector<16xi32>
      %swap3A_1356 = vector.shape_cast %shift_right_logical3A_1352 : vector<16xi32> to vector<16xi32>
      tpu.vector_store %arg16[%swap3A_1353], %swap3A_1356 {strides = array<i32>} : memref<128xi32, #tpu.memory_space<vmem>>, vector<16xi32>,
      %and3A_1357 = arith.constant 16383 : i32
      %and3A_1358 = vector.broadcast %and3A_1357 : i32 to vector<16xi32>
      %and3A_1359 = arith.andi %get3A_1349, %and3A_1358 : vector<16xi32>
      %swap3A_1360 = arith.constant 16 : index
      %swap3A_1361 = tpu.vector_load %arg17[%swap3A_1360] {strides = array<i32>} : memref<128xi32, #tpu.memory_space<vmem>>, vector<16xi32>,
      %swap3A_1362 = vector.shape_cast %swap3A_1361 : vector<16xi32> to vector<16xi32>
      %swap3A_1363 = vector.shape_cast %and3A_1359 : vector<16xi32> to vector<16xi32>
      tpu.vector_store %arg17[%swap3A_1360], %swap3A_1363 {strides = array<i32>} : memref<128xi32, #tpu.memory_space<vmem>>, vector<16xi32>,
      %get3A_1364 = arith.constant 32 : index
      %get3A_1365 = tpu.vector_load %arg13[%get3A_1364] {strides = array<i32>} : memref<128xi32, #tpu.memory_space<vmem>>, vector<16xi32>,
      %get3A_1366 = vector.shape_cast %get3A_1365 : vector<16xi32> to vector<16xi32>
      %shift_right_logical3A_1367 = arith.constant 14 : i32
      %shift_right_logical3A_1368 = vector.broadcast %shift_right_logical3A_1367 : i32 to vector<16xi32>
      %shift_right_logical3A_1369 = arith.shrui %get3A_1366, %shift_right_logical3A_1368 : vector<16xi32>
      %swap3A_1370 = arith.constant 32 : index
      %swap3A_1371 = tpu.vector_load %arg16[%swap3A_1370] {strides = array<i32>} : memref<128xi32, #tpu.memory_space<vmem>>, vector<16xi32>,
      %swap3A_1372 = vector.shape_cast %swap3A_1371 : vector<16xi32> to vector<16xi32>
      %swap3A_1373 = vector.shape_cast %shift_right_logical3A_1369 : vector<16xi32> to vector<16xi32>
      tpu.vector_store %arg16[%swap3A_1370], %swap3A_1373 {strides = array<i32>} : memref<128xi32, #tpu.memory_space<vmem>>, vector<16xi32>,
      %and3A_1374 = arith.constant 16383 : i32
      %and3A_1375 = vector.broadcast %and3A_1374 : i32 to vector<16xi32>
      %and3A_1376 = arith.andi %get3A_1366, %and3A_1375 : vector<16xi32>
      %swap3A_1377 = arith.constant 32 : index
      %swap3A_1378 = tpu.vector_load %arg17[%swap3A_1377] {strides = array<i32>} : memref<128xi32, #tpu.memory_space<vmem>>, vector<16xi32>,
      %swap3A_1379 = vector.shape_cast %swap3A_1378 : vector<16xi32> to vector<16xi32>
      %swap3A_1380 = vector.shape_cast %and3A_1376 : vector<16xi32> to vector<16xi32>
      tpu.vector_store %arg17[%swap3A_1377], %swap3A_1380 {strides = array<i32>} : memref<128xi32, #tpu.memory_space<vmem>>, vector<16xi32>,
      %get3A_1381 = arith.constant 48 : index
      %get3A_1382 = tpu.vector_load %arg13[%get3A_1381] {strides = array<i32>} : memref<128xi32, #tpu.memory_space<vmem>>, vector<16xi32>,
      %get3A_1383 = vector.shape_cast %get3A_1382 : vector<16xi32> to vector<16xi32>
      %shift_right_logical3A_1384 = arith.constant 14 : i32
      %shift_right_logical3A_1385 = vector.broadcast %shift_right_logical3A_1384 : i32 to vector<16xi32>
      %shift_right_logical3A_1386 = arith.shrui %get3A_1383, %shift_right_logical3A_1385 : vector<16xi32>
      %swap3A_1387 = arith.constant 48 : index
      %swap3A_1388 = tpu.vector_load %arg16[%swap3A_1387] {strides = array<i32>} : memref<128xi32, #tpu.memory_space<vmem>>, vector<16xi32>,
      %swap3A_1389 = vector.shape_cast %swap3A_1388 : vector<16xi32> to vector<16xi32>
      %swap3A_1390 = vector.shape_cast %shift_right_logical3A_1386 : vector<16xi32> to vector<16xi32>
      tpu.vector_store %arg16[%swap3A_1387], %swap3A_1390 {strides = array<i32>} : memref<128xi32, #tpu.memory_space<vmem>>, vector<16xi32>,
      %and3A_1391 = arith.constant 16383 : i32
      %and3A_1392 = vector.broadcast %and3A_1391 : i32 to vector<16xi32>
      %and3A_1393 = arith.andi %get3A_1383, %and3A_1392 : vector<16xi32>
      %swap3A_1394 = arith.constant 48 : index
      %swap3A_1395 = tpu.vector_load %arg17[%swap3A_1394] {strides = array<i32>} : memref<128xi32, #tpu.memory_space<vmem>>, vector<16xi32>,
      %swap3A_1396 = vector.shape_cast %swap3A_1395 : vector<16xi32> to vector<16xi32>
      %swap3A_1397 = vector.shape_cast %and3A_1393 : vector<16xi32> to vector<16xi32>
      tpu.vector_store %arg17[%swap3A_1394], %swap3A_1397 {strides = array<i32>} : memref<128xi32, #tpu.memory_space<vmem>>, vector<16xi32>,
      %get3A_1398 = arith.constant 64 : index
      %get3A_1399 = tpu.vector_load %arg13[%get3A_1398] {strides = array<i32>} : memref<128xi32, #tpu.memory_space<vmem>>, vector<16xi32>,
      %get3A_1400 = vector.shape_cast %get3A_1399 : vector<16xi32> to vector<16xi32>
      %shift_right_logical3A_1401 = arith.constant 14 : i32
      %shift_right_logical3A_1402 = vector.broadcast %shift_right_logical3A_1401 : i32 to vector<16xi32>
      %shift_right_logical3A_1403 = arith.shrui %get3A_1400, %shift_right_logical3A_1402 : vector<16xi32>
      %swap3A_1404 = arith.constant 64 : index
      %swap3A_1405 = tpu.vector_load %arg16[%swap3A_1404] {strides = array<i32>} : memref<128xi32, #tpu.memory_space<vmem>>, vector<16xi32>,
      %swap3A_1406 = vector.shape_cast %swap3A_1405 : vector<16xi32> to vector<16xi32>
      %swap3A_1407 = vector.shape_cast %shift_right_logical3A_1403 : vector<16xi32> to vector<16xi32>
      tpu.vector_store %arg16[%swap3A_1404], %swap3A_1407 {strides = array<i32>} : memref<128xi32, #tpu.memory_space<vmem>>, vector<16xi32>,
      %and3A_1408 = arith.constant 16383 : i32
      %and3A_1409 = vector.broadcast %and3A_1408 : i32 to vector<16xi32>
      %and3A_1410 = arith.andi %get3A_1400, %and3A_1409 : vector<16xi32>
      %swap3A_1411 = arith.constant 64 : index
      %swap3A_1412 = tpu.vector_load %arg17[%swap3A_1411] {strides = array<i32>} : memref<128xi32, #tpu.memory_space<vmem>>, vector<16xi32>,
      %swap3A_1413 = vector.shape_cast %swap3A_1412 : vector<16xi32> to vector<16xi32>
      %swap3A_1414 = vector.shape_cast %and3A_1410 : vector<16xi32> to vector<16xi32>
      tpu.vector_store %arg17[%swap3A_1411], %swap3A_1414 {strides = array<i32>} : memref<128xi32, #tpu.memory_space<vmem>>, vector<16xi32>,
      %get3A_1415 = arith.constant 80 : index
      %get3A_1416 = tpu.vector_load %arg13[%get3A_1415] {strides = array<i32>} : memref<128xi32, #tpu.memory_space<vmem>>, vector<16xi32>,
      %get3A_1417 = vector.shape_cast %get3A_1416 : vector<16xi32> to vector<16xi32>
      %shift_right_logical3A_1418 = arith.constant 14 : i32
      %shift_right_logical3A_1419 = vector.broadcast %shift_right_logical3A_1418 : i32 to vector<16xi32>
      %shift_right_logical3A_1420 = arith.shrui %get3A_1417, %shift_right_logical3A_1419 : vector<16xi32>
      %swap3A_1421 = arith.constant 80 : index
      %swap3A_1422 = tpu.vector_load %arg16[%swap3A_1421] {strides = array<i32>} : memref<128xi32, #tpu.memory_space<vmem>>, vector<16xi32>,
      %swap3A_1423 = vector.shape_cast %swap3A_1422 : vector<16xi32> to vector<16xi32>
      %swap3A_1424 = vector.shape_cast %shift_right_logical3A_1420 : vector<16xi32> to vector<16xi32>
      tpu.vector_store %arg16[%swap3A_1421], %swap3A_1424 {strides = array<i32>} : memref<128xi32, #tpu.memory_space<vmem>>, vector<16xi32>,
      %and3A_1425 = arith.constant 16383 : i32
      %and3A_1426 = vector.broadcast %and3A_1425 : i32 to vector<16xi32>
      %and3A_1427 = arith.andi %get3A_1417, %and3A_1426 : vector<16xi32>
      %swap3A_1428 = arith.constant 80 : index
      %swap3A_1429 = tpu.vector_load %arg17[%swap3A_1428] {strides = array<i32>} : memref<128xi32, #tpu.memory_space<vmem>>, vector<16xi32>,
      %swap3A_1430 = vector.shape_cast %swap3A_1429 : vector<16xi32> to vector<16xi32>
      %swap3A_1431 = vector.shape_cast %and3A_1427 : vector<16xi32> to vector<16xi32>
      tpu.vector_store %arg17[%swap3A_1428], %swap3A_1431 {strides = array<i32>} : memref<128xi32, #tpu.memory_space<vmem>>, vector<16xi32>,
      %get3A_1432 = arith.constant 96 : index
      %get3A_1433 = tpu.vector_load %arg13[%get3A_1432] {strides = array<i32>} : memref<128xi32, #tpu.memory_space<vmem>>, vector<16xi32>,
      %get3A_1434 = vector.shape_cast %get3A_1433 : vector<16xi32> to vector<16xi32>
      %shift_right_logical3A_1435 = arith.constant 14 : i32
      %shift_right_logical3A_1436 = vector.broadcast %shift_right_logical3A_1435 : i32 to vector<16xi32>
      %shift_right_logical3A_1437 = arith.shrui %get3A_1434, %shift_right_logical3A_1436 : vector<16xi32>
      %swap3A_1438 = arith.constant 96 : index
      %swap3A_1439 = tpu.vector_load %arg16[%swap3A_1438] {strides = array<i32>} : memref<128xi32, #tpu.memory_space<vmem>>, vector<16xi32>,
      %swap3A_1440 = vector.shape_cast %swap3A_1439 : vector<16xi32> to vector<16xi32>
      %swap3A_1441 = vector.shape_cast %shift_right_logical3A_1437 : vector<16xi32> to vector<16xi32>
      tpu.vector_store %arg16[%swap3A_1438], %swap3A_1441 {strides = array<i32>} : memref<128xi32, #tpu.memory_space<vmem>>, vector<16xi32>,
      %and3A_1442 = arith.constant 16383 : i32
      %and3A_1443 = vector.broadcast %and3A_1442 : i32 to vector<16xi32>
      %and3A_1444 = arith.andi %get3A_1434, %and3A_1443 : vector<16xi32>
      %swap3A_1445 = arith.constant 96 : index
      %swap3A_1446 = tpu.vector_load %arg17[%swap3A_1445] {strides = array<i32>} : memref<128xi32, #tpu.memory_space<vmem>>, vector<16xi32>,
      %swap3A_1447 = vector.shape_cast %swap3A_1446 : vector<16xi32> to vector<16xi32>
      %swap3A_1448 = vector.shape_cast %and3A_1444 : vector<16xi32> to vector<16xi32>
      tpu.vector_store %arg17[%swap3A_1445], %swap3A_1448 {strides = array<i32>} : memref<128xi32, #tpu.memory_space<vmem>>, vector<16xi32>,
      %get3A_1449 = arith.constant 112 : index
      %get3A_1450 = tpu.vector_load %arg13[%get3A_1449] {strides = array<i32>} : memref<128xi32, #tpu.memory_space<vmem>>, vector<16xi32>,
      %get3A_1451 = vector.shape_cast %get3A_1450 : vector<16xi32> to vector<16xi32>
      %shift_right_logical3A_1452 = arith.constant 14 : i32
      %shift_right_logical3A_1453 = vector.broadcast %shift_right_logical3A_1452 : i32 to vector<16xi32>
      %shift_right_logical3A_1454 = arith.shrui %get3A_1451, %shift_right_logical3A_1453 : vector<16xi32>
      %swap3A_1455 = arith.constant 112 : index
      %swap3A_1456 = tpu.vector_load %arg16[%swap3A_1455] {strides = array<i32>} : memref<128xi32, #tpu.memory_space<vmem>>, vector<16xi32>,
      %swap3A_1457 = vector.shape_cast %swap3A_1456 : vector<16xi32> to vector<16xi32>
      %swap3A_1458 = vector.shape_cast %shift_right_logical3A_1454 : vector<16xi32> to vector<16xi32>
      tpu.vector_store %arg16[%swap3A_1455], %swap3A_1458 {strides = array<i32>} : memref<128xi32, #tpu.memory_space<vmem>>, vector<16xi32>,
      %and3A_1459 = arith.constant 16383 : i32
      %and3A_1460 = vector.broadcast %and3A_1459 : i32 to vector<16xi32>
      %and3A_1461 = arith.andi %get3A_1451, %and3A_1460 : vector<16xi32>
      %swap3A_1462 = arith.constant 112 : index
      %swap3A_1463 = tpu.vector_load %arg17[%swap3A_1462] {strides = array<i32>} : memref<128xi32, #tpu.memory_space<vmem>>, vector<16xi32>,
      %swap3A_1464 = vector.shape_cast %swap3A_1463 : vector<16xi32> to vector<16xi32>
      %swap3A_1465 = vector.shape_cast %and3A_1461 : vector<16xi32> to vector<16xi32>
      tpu.vector_store %arg17[%swap3A_1462], %swap3A_1465 {strides = array<i32>} : memref<128xi32, #tpu.memory_space<vmem>>, vector<16xi32>,
      %add3A_1466 = arith.constant 8 : i32
      %add3A_1467 = arith.addi %add3A_1318, %add3A_1466 : i32
      %sub3A_1468 = arith.constant 1 : i32
      %sub3A_1469 = arith.subi %select_n3A_12, %sub3A_1468 : i32
      %min3A_1470 = arith.minsi %add3A_1467, %sub3A_1469 : i32
      %add3A_1471 = arith.addi %select_n3A, %min3A_1470 : i32
      %dma_start3A_1472 = arith.constant 0 : i32
      %dma_start3A_1473 = tpu.memref_slice %arg3[%add3A_1471, %dma_start3A_1472] : memref<2560x128xi32, #tpu.memory_space<hbm>> -> memref<1x128xi32, #tpu.memory_space<hbm>>
      %dma_start3A_1474 = tpu.memref_squeeze %dma_start3A_1473 : memref<1x128xi32, #tpu.memory_space<hbm>> -> memref<128xi32, #tpu.memory_space<hbm>>
      %dma_start3A_1475 = arith.constant 0 : i32
      %dma_start3A_1476 = tpu.memref_slice %arg3[%add3A_1471, %dma_start3A_1475] : memref<2560x128xi32, #tpu.memory_space<hbm>> -> memref<1x128xi32, #tpu.memory_space<hbm>>
      %dma_start3A_1477 = tpu.memref_squeeze %dma_start3A_1476 : memref<1x128xi32, #tpu.memory_space<hbm>> -> memref<128xi32, #tpu.memory_space<hbm>>
      tpu.enqueue_dma source(%dma_start3A_1477 : memref<128xi32, #tpu.memory_space<hbm>>) target(%arg13 : memref<128xi32, #tpu.memory_space<vmem>>) target_semaphore(%arg28 : memref<!tpu.dma_semaphore, #tpu.memory_space<semaphore_mem>>)
      %dma_start3A_1478 = arith.constant 0 : i32
      %dma_start3A_1479 = arith.constant 0 : i32
      %dma_start3A_1480 = tpu.memref_slice %arg2[%dma_start3A_1478, %dma_start3A_1479] : memref<80000x128xf32, #tpu.memory_space<hbm>> -> memref<80000x128xf32, #tpu.memory_space<hbm>>
      tpu.enqueue_indirect_dma source(%dma_start3A_1480 : memref<80000x128xf32, #tpu.memory_space<hbm>>) target(%arg19 : memref<128x128xf32, #tpu.memory_space<vmem>>) offsets(%arg16 : memref<128xi32, #tpu.memory_space<vmem>>) semaphore(%arg30 : memref<!tpu.dma_semaphore, #tpu.memory_space<semaphore_mem>>)
    }
    %gt3A = arith.constant 0 : i32
    %gt3A_103 = arith.cmpi sgt, %select_n3A_12, %gt3A : i32
    %convert_element_type3A = arith.extui %gt3A_103 : i1 to i32
    %cond3A = arith.constant 0 : i32
    %cond3A_104 = arith.cmpi ne, %convert_element_type3A, %cond3A : i32
    scf.if %cond3A_104 {
      %dma_wait3A_157 = arith.constant 0 : i32
      %dma_wait3A_158 = arith.constant 0 : i32
      %dma_wait3A_159 = tpu.memref_slice %arg2[%dma_wait3A_157, %dma_wait3A_158] : memref<80000x128xf32, #tpu.memory_space<hbm>> -> memref<80000x128xf32, #tpu.memory_space<hbm>>
      tpu.wait_indirect_dma semaphore(%arg29 : memref<!tpu.dma_semaphore, #tpu.memory_space<semaphore_mem>>) src(%dma_wait3A_159 : memref<80000x128xf32, #tpu.memory_space<hbm>>) dst(%arg18 : memref<128x128xf32, #tpu.memory_space<vmem>>)
      "tpu.region"() ({
        %run_scoped3A = tpu.sem_alloc : memref<!tpu.dma_semaphore, #tpu.memory_space<semaphore_mem>>
        %dma_start3A_163 = arith.constant 0 : i32
        %dma_start3A_164 = arith.constant 0 : i32
        %dma_start3A_165 = tpu.memref_slice %arg20[%dma_start3A_163, %dma_start3A_164] : memref<10240x128xf32, #tpu.memory_space<vmem_shared>> -> memref<10240x128xf32, #tpu.memory_space<vmem_shared>>
        tpu.enqueue_indirect_dma source(%arg18 : memref<128x128xf32, #tpu.memory_space<vmem>>) target(%dma_start3A_165 : memref<10240x128xf32, #tpu.memory_space<vmem_shared>>) offsets(%arg15 : memref<128xi32, #tpu.memory_space<vmem>>) semaphore(%run_scoped3A : memref<!tpu.dma_semaphore, #tpu.memory_space<semaphore_mem>>) {add = true}
        %dma_wait3A_166 = arith.constant 0 : i32
        %dma_wait3A_167 = arith.constant 0 : i32
        %dma_wait3A_168 = tpu.memref_slice %arg20[%dma_wait3A_166, %dma_wait3A_167] : memref<10240x128xf32, #tpu.memory_space<vmem_shared>> -> memref<10240x128xf32, #tpu.memory_space<vmem_shared>>
        tpu.wait_indirect_dma semaphore(%run_scoped3A : memref<!tpu.dma_semaphore, #tpu.memory_space<semaphore_mem>>) src(%arg18 : memref<128x128xf32, #tpu.memory_space<vmem>>) dst(%dma_wait3A_168 : memref<10240x128xf32, #tpu.memory_space<vmem_shared>>)
        tpu.yield
      }) : () -> ()
      %dma_wait3A_160 = arith.constant 0 : i32
      %dma_wait3A_161 = arith.constant 0 : i32
      %dma_wait3A_162 = tpu.memref_slice %arg2[%dma_wait3A_160, %dma_wait3A_161] : memref<80000x128xf32, #tpu.memory_space<hbm>> -> memref<80000x128xf32, #tpu.memory_space<hbm>>
      tpu.wait_indirect_dma semaphore(%arg30 : memref<!tpu.dma_semaphore, #tpu.memory_space<semaphore_mem>>) src(%dma_wait3A_162 : memref<80000x128xf32, #tpu.memory_space<hbm>>) dst(%arg19 : memref<128x128xf32, #tpu.memory_space<vmem>>)
      "tpu.region"() ({
        %run_scoped3A = tpu.sem_alloc : memref<!tpu.dma_semaphore, #tpu.memory_space<semaphore_mem>>
        %dma_start3A_163 = arith.constant 0 : i32
        %dma_start3A_164 = arith.constant 0 : i32
        %dma_start3A_165 = tpu.memref_slice %arg20[%dma_start3A_163, %dma_start3A_164] : memref<10240x128xf32, #tpu.memory_space<vmem_shared>> -> memref<10240x128xf32, #tpu.memory_space<vmem_shared>>
        tpu.enqueue_indirect_dma source(%arg19 : memref<128x128xf32, #tpu.memory_space<vmem>>) target(%dma_start3A_165 : memref<10240x128xf32, #tpu.memory_space<vmem_shared>>) offsets(%arg17 : memref<128xi32, #tpu.memory_space<vmem>>) semaphore(%run_scoped3A : memref<!tpu.dma_semaphore, #tpu.memory_space<semaphore_mem>>) {add = true}
        %dma_wait3A_166 = arith.constant 0 : i32
        %dma_wait3A_167 = arith.constant 0 : i32
        %dma_wait3A_168 = tpu.memref_slice %arg20[%dma_wait3A_166, %dma_wait3A_167] : memref<10240x128xf32, #tpu.memory_space<vmem_shared>> -> memref<10240x128xf32, #tpu.memory_space<vmem_shared>>
        tpu.wait_indirect_dma semaphore(%run_scoped3A : memref<!tpu.dma_semaphore, #tpu.memory_space<semaphore_mem>>) src(%arg19 : memref<128x128xf32, #tpu.memory_space<vmem>>) dst(%dma_wait3A_168 : memref<10240x128xf32, #tpu.memory_space<vmem_shared>>)
        tpu.yield
      }) : () -> ()
    } else {
    }
    %dma_wait3A = arith.constant 0 : i32
    %dma_wait3A_105 = tpu.memref_slice %arg3[%select_n3A, %dma_wait3A] : memref<2560x128xi32, #tpu.memory_space<hbm>> -> memref<1x128xi32, #tpu.memory_space<hbm>>
    %dma_wait3A_106 = tpu.memref_squeeze %dma_wait3A_105 : memref<1x128xi32, #tpu.memory_space<hbm>> -> memref<128xi32, #tpu.memory_space<hbm>>
    %dma_wait3A_107 = arith.constant 0 : i32
    %dma_wait3A_108 = tpu.memref_slice %arg3[%select_n3A, %dma_wait3A_107] : memref<2560x128xi32, #tpu.memory_space<hbm>> -> memref<1x128xi32, #tpu.memory_space<hbm>>
    %dma_wait3A_109 = tpu.memref_squeeze %dma_wait3A_108 : memref<1x128xi32, #tpu.memory_space<hbm>> -> memref<128xi32, #tpu.memory_space<hbm>>
    tpu.wait_dma2 semaphore(%arg21 : memref<!tpu.dma_semaphore, #tpu.memory_space<semaphore_mem>>) src(%dma_wait3A_109 : memref<128xi32, #tpu.memory_space<hbm>>) dst(%arg6 : memref<128xi32, #tpu.memory_space<vmem>>)
    %dma_wait3A_110 = arith.constant 0 : i32
    %dma_wait3A_111 = tpu.memref_slice %arg3[%select_n3A, %dma_wait3A_110] : memref<2560x128xi32, #tpu.memory_space<hbm>> -> memref<1x128xi32, #tpu.memory_space<hbm>>
    %dma_wait3A_112 = tpu.memref_squeeze %dma_wait3A_111 : memref<1x128xi32, #tpu.memory_space<hbm>> -> memref<128xi32, #tpu.memory_space<hbm>>
    %dma_wait3A_113 = arith.constant 0 : i32
    %dma_wait3A_114 = tpu.memref_slice %arg3[%select_n3A, %dma_wait3A_113] : memref<2560x128xi32, #tpu.memory_space<hbm>> -> memref<1x128xi32, #tpu.memory_space<hbm>>
    %dma_wait3A_115 = tpu.memref_squeeze %dma_wait3A_114 : memref<1x128xi32, #tpu.memory_space<hbm>> -> memref<128xi32, #tpu.memory_space<hbm>>
    tpu.wait_dma2 semaphore(%arg22 : memref<!tpu.dma_semaphore, #tpu.memory_space<semaphore_mem>>) src(%dma_wait3A_115 : memref<128xi32, #tpu.memory_space<hbm>>) dst(%arg7 : memref<128xi32, #tpu.memory_space<vmem>>)
    %dma_wait3A_116 = arith.constant 0 : i32
    %dma_wait3A_117 = tpu.memref_slice %arg3[%select_n3A, %dma_wait3A_116] : memref<2560x128xi32, #tpu.memory_space<hbm>> -> memref<1x128xi32, #tpu.memory_space<hbm>>
    %dma_wait3A_118 = tpu.memref_squeeze %dma_wait3A_117 : memref<1x128xi32, #tpu.memory_space<hbm>> -> memref<128xi32, #tpu.memory_space<hbm>>
    %dma_wait3A_119 = arith.constant 0 : i32
    %dma_wait3A_120 = tpu.memref_slice %arg3[%select_n3A, %dma_wait3A_119] : memref<2560x128xi32, #tpu.memory_space<hbm>> -> memref<1x128xi32, #tpu.memory_space<hbm>>
    %dma_wait3A_121 = tpu.memref_squeeze %dma_wait3A_120 : memref<1x128xi32, #tpu.memory_space<hbm>> -> memref<128xi32, #tpu.memory_space<hbm>>
    tpu.wait_dma2 semaphore(%arg23 : memref<!tpu.dma_semaphore, #tpu.memory_space<semaphore_mem>>) src(%dma_wait3A_121 : memref<128xi32, #tpu.memory_space<hbm>>) dst(%arg8 : memref<128xi32, #tpu.memory_space<vmem>>)
    %dma_wait3A_122 = arith.constant 0 : i32
    %dma_wait3A_123 = tpu.memref_slice %arg3[%select_n3A, %dma_wait3A_122] : memref<2560x128xi32, #tpu.memory_space<hbm>> -> memref<1x128xi32, #tpu.memory_space<hbm>>
    %dma_wait3A_124 = tpu.memref_squeeze %dma_wait3A_123 : memref<1x128xi32, #tpu.memory_space<hbm>> -> memref<128xi32, #tpu.memory_space<hbm>>
    %dma_wait3A_125 = arith.constant 0 : i32
    %dma_wait3A_126 = tpu.memref_slice %arg3[%select_n3A, %dma_wait3A_125] : memref<2560x128xi32, #tpu.memory_space<hbm>> -> memref<1x128xi32, #tpu.memory_space<hbm>>
    %dma_wait3A_127 = tpu.memref_squeeze %dma_wait3A_126 : memref<1x128xi32, #tpu.memory_space<hbm>> -> memref<128xi32, #tpu.memory_space<hbm>>
    tpu.wait_dma2 semaphore(%arg24 : memref<!tpu.dma_semaphore, #tpu.memory_space<semaphore_mem>>) src(%dma_wait3A_127 : memref<128xi32, #tpu.memory_space<hbm>>) dst(%arg9 : memref<128xi32, #tpu.memory_space<vmem>>)
    %dma_wait3A_128 = arith.constant 0 : i32
    %dma_wait3A_129 = tpu.memref_slice %arg3[%select_n3A, %dma_wait3A_128] : memref<2560x128xi32, #tpu.memory_space<hbm>> -> memref<1x128xi32, #tpu.memory_space<hbm>>
    %dma_wait3A_130 = tpu.memref_squeeze %dma_wait3A_129 : memref<1x128xi32, #tpu.memory_space<hbm>> -> memref<128xi32, #tpu.memory_space<hbm>>
    %dma_wait3A_131 = arith.constant 0 : i32
    %dma_wait3A_132 = tpu.memref_slice %arg3[%select_n3A, %dma_wait3A_131] : memref<2560x128xi32, #tpu.memory_space<hbm>> -> memref<1x128xi32, #tpu.memory_space<hbm>>
    %dma_wait3A_133 = tpu.memref_squeeze %dma_wait3A_132 : memref<1x128xi32, #tpu.memory_space<hbm>> -> memref<128xi32, #tpu.memory_space<hbm>>
    tpu.wait_dma2 semaphore(%arg25 : memref<!tpu.dma_semaphore, #tpu.memory_space<semaphore_mem>>) src(%dma_wait3A_133 : memref<128xi32, #tpu.memory_space<hbm>>) dst(%arg10 : memref<128xi32, #tpu.memory_space<vmem>>)
    %dma_wait3A_134 = arith.constant 0 : i32
    %dma_wait3A_135 = tpu.memref_slice %arg3[%select_n3A, %dma_wait3A_134] : memref<2560x128xi32, #tpu.memory_space<hbm>> -> memref<1x128xi32, #tpu.memory_space<hbm>>
    %dma_wait3A_136 = tpu.memref_squeeze %dma_wait3A_135 : memref<1x128xi32, #tpu.memory_space<hbm>> -> memref<128xi32, #tpu.memory_space<hbm>>
    %dma_wait3A_137 = arith.constant 0 : i32
    %dma_wait3A_138 = tpu.memref_slice %arg3[%select_n3A, %dma_wait3A_137] : memref<2560x128xi32, #tpu.memory_space<hbm>> -> memref<1x128xi32, #tpu.memory_space<hbm>>
    %dma_wait3A_139 = tpu.memref_squeeze %dma_wait3A_138 : memref<1x128xi32, #tpu.memory_space<hbm>> -> memref<128xi32, #tpu.memory_space<hbm>>
    tpu.wait_dma2 semaphore(%arg26 : memref<!tpu.dma_semaphore, #tpu.memory_space<semaphore_mem>>) src(%dma_wait3A_139 : memref<128xi32, #tpu.memory_space<hbm>>) dst(%arg11 : memref<128xi32, #tpu.memory_space<vmem>>)
    %dma_wait3A_140 = arith.constant 0 : i32
    %dma_wait3A_141 = tpu.memref_slice %arg3[%select_n3A, %dma_wait3A_140] : memref<2560x128xi32, #tpu.memory_space<hbm>> -> memref<1x128xi32, #tpu.memory_space<hbm>>
    %dma_wait3A_142 = tpu.memref_squeeze %dma_wait3A_141 : memref<1x128xi32, #tpu.memory_space<hbm>> -> memref<128xi32, #tpu.memory_space<hbm>>
    %dma_wait3A_143 = arith.constant 0 : i32
    %dma_wait3A_144 = tpu.memref_slice %arg3[%select_n3A, %dma_wait3A_143] : memref<2560x128xi32, #tpu.memory_space<hbm>> -> memref<1x128xi32, #tpu.memory_space<hbm>>
    %dma_wait3A_145 = tpu.memref_squeeze %dma_wait3A_144 : memref<1x128xi32, #tpu.memory_space<hbm>> -> memref<128xi32, #tpu.memory_space<hbm>>
    tpu.wait_dma2 semaphore(%arg27 : memref<!tpu.dma_semaphore, #tpu.memory_space<semaphore_mem>>) src(%dma_wait3A_145 : memref<128xi32, #tpu.memory_space<hbm>>) dst(%arg12 : memref<128xi32, #tpu.memory_space<vmem>>)
    %dma_wait3A_146 = arith.constant 0 : i32
    %dma_wait3A_147 = tpu.memref_slice %arg3[%select_n3A, %dma_wait3A_146] : memref<2560x128xi32, #tpu.memory_space<hbm>> -> memref<1x128xi32, #tpu.memory_space<hbm>>
    %dma_wait3A_148 = tpu.memref_squeeze %dma_wait3A_147 : memref<1x128xi32, #tpu.memory_space<hbm>> -> memref<128xi32, #tpu.memory_space<hbm>>
    %dma_wait3A_149 = arith.constant 0 : i32
    %dma_wait3A_150 = tpu.memref_slice %arg3[%select_n3A, %dma_wait3A_149] : memref<2560x128xi32, #tpu.memory_space<hbm>> -> memref<1x128xi32, #tpu.memory_space<hbm>>
    %dma_wait3A_151 = tpu.memref_squeeze %dma_wait3A_150 : memref<1x128xi32, #tpu.memory_space<hbm>> -> memref<128xi32, #tpu.memory_space<hbm>>
    tpu.wait_dma2 semaphore(%arg28 : memref<!tpu.dma_semaphore, #tpu.memory_space<semaphore_mem>>) src(%dma_wait3A_151 : memref<128xi32, #tpu.memory_space<hbm>>) dst(%arg13 : memref<128xi32, #tpu.memory_space<vmem>>)
    %barrier3A_152 = arith.constant 0 : index
    tpu.barrier barrier_id(%barrier3A_152)
    %mul3A_153 = arith.constant 640 : i32
    %mul3A_154 = arith.muli %arg1, %mul3A_153 : i32
    %mul3A_155 = arith.constant 640 : i32
    %mul3A_156 = arith.muli %arg1, %mul3A_155 : i32
    "tpu.region"() ({
      %run_scoped3A = tpu.sem_alloc : memref<!tpu.dma_semaphore, #tpu.memory_space<semaphore_mem>>
      %dma_start3A_157 = arith.constant 0 : i32
      %dma_start3A_158 = tpu.memref_slice %arg5[%arg0, %mul3A_156, %dma_start3A_157] : memref<2x10240x128xf32, #tpu.memory_space<hbm>> -> memref<1x640x128xf32, #tpu.memory_space<hbm>>
      %dma_start3A_159 = tpu.memref_squeeze %dma_start3A_158 : memref<1x640x128xf32, #tpu.memory_space<hbm>> -> memref<640x128xf32, #tpu.memory_space<hbm>>
      %dma_start3A_160 = arith.constant 0 : i32
      %dma_start3A_161 = tpu.memref_slice %arg20[%mul3A_154, %dma_start3A_160] : memref<10240x128xf32, #tpu.memory_space<vmem_shared>> -> memref<640x128xf32, #tpu.memory_space<vmem_shared>>
      tpu.enqueue_dma source(%dma_start3A_161 : memref<640x128xf32, #tpu.memory_space<vmem_shared>>) target(%dma_start3A_159 : memref<640x128xf32, #tpu.memory_space<hbm>>) target_semaphore(%run_scoped3A : memref<!tpu.dma_semaphore, #tpu.memory_space<semaphore_mem>>)
      %dma_wait3A_162 = arith.constant 0 : i32
      %dma_wait3A_163 = tpu.memref_slice %arg5[%arg0, %mul3A_156, %dma_wait3A_162] : memref<2x10240x128xf32, #tpu.memory_space<hbm>> -> memref<1x640x128xf32, #tpu.memory_space<hbm>>
      %dma_wait3A_164 = tpu.memref_squeeze %dma_wait3A_163 : memref<1x640x128xf32, #tpu.memory_space<hbm>> -> memref<640x128xf32, #tpu.memory_space<hbm>>
      %dma_wait3A_165 = arith.constant 0 : i32
      %dma_wait3A_166 = tpu.memref_slice %arg20[%mul3A_154, %dma_wait3A_165] : memref<10240x128xf32, #tpu.memory_space<vmem_shared>> -> memref<640x128xf32, #tpu.memory_space<vmem_shared>>
      tpu.wait_dma2 semaphore(%run_scoped3A : memref<!tpu.dma_semaphore, #tpu.memory_space<semaphore_mem>>) src(%dma_wait3A_166 : memref<640x128xf32, #tpu.memory_space<vmem_shared>>) dst(%dma_wait3A_164 : memref<640x128xf32, #tpu.memory_space<hbm>>)
      tpu.yield
    }) : () -> ()
    return
  }
}

module attributes {stable_mosaic.version = 14 : i64} {
  func.func @_pack_kernel(%arg0: memref<2560x128xi32, #tpu.memory_space<vmem>>, %arg1: memref<2560x128xi32, #tpu.memory_space<vmem>>, %arg2: memref<2560x128xi32, #tpu.memory_space<vmem>>, %arg3: memref<2560x128xi32, #tpu.memory_space<vmem>>) attributes {dimension_semantics = [], scalar_prefetch = 0 : i64, scratch_operands = 0 : i64, tpu.core_type = #tpu.core_type<tc>} {
    %get3A = arith.constant 0 : index
    %get3A_0 = arith.constant 0 : index
    %get3A_1 = vector.load %arg1[%get3A, %get3A_0] : memref<2560x128xi32, #tpu.memory_space<vmem>>, vector<2560x128xi32>
    %mul3A = arith.constant 10000 : i32
    %mul3A_2 = vector.broadcast %mul3A : i32 to vector<2560x128xi32>
    %mul3A_3 = arith.muli %get3A_1, %mul3A_2 : vector<2560x128xi32>
    %get3A_4 = arith.constant 0 : index
    %get3A_5 = arith.constant 0 : index
    %get3A_6 = vector.load %arg0[%get3A_4, %get3A_5] : memref<2560x128xi32, #tpu.memory_space<vmem>>, vector<2560x128xi32>
    %add3A = arith.addi %mul3A_3, %get3A_6 : vector<2560x128xi32>
    %mul3A_7 = arith.constant 16384 : i32
    %mul3A_8 = vector.broadcast %mul3A_7 : i32 to vector<2560x128xi32>
    %mul3A_9 = arith.muli %add3A, %mul3A_8 : vector<2560x128xi32>
    %get3A_10 = arith.constant 0 : index
    %get3A_11 = arith.constant 0 : index
    %get3A_12 = vector.load %arg2[%get3A_10, %get3A_11] : memref<2560x128xi32, #tpu.memory_space<vmem>>, vector<2560x128xi32>
    %add3A_13 = arith.addi %mul3A_9, %get3A_12 : vector<2560x128xi32>
    %swap3A = arith.constant 0 : index
    %swap3A_14 = arith.constant 0 : index
    %swap3A_15 = vector.load %arg3[%swap3A, %swap3A_14] : memref<2560x128xi32, #tpu.memory_space<vmem>>, vector<2560x128xi32>
    tpu.vector_store %arg3[%swap3A, %swap3A_14], %add3A_13 {strides = array<i32>} : memref<2560x128xi32, #tpu.memory_space<vmem>>, vector<2560x128xi32>,
    return
  }
}

module attributes {stable_mosaic.version = 14 : i64} {
  func.func @_relmat_kernel(%arg0: i32, %arg1: memref<8x4xf32, #tpu.memory_space<vmem>>, %arg2: memref<10000x128xf32, #tpu.memory_space<vmem>>, %arg3: memref<1x64x128xf32, #tpu.memory_space<vmem>>, %arg4: memref<1x10000x128xf32, #tpu.memory_space<vmem>>) attributes {dimension_semantics = [#tpu.dimension_semantics<arbitrary>], iteration_bounds = array<i64: 8>, scalar_prefetch = 0 : i64, scratch_operands = 0 : i64, tpu.core_type = #tpu.core_type<tc>, window_params = [{pipeline_mode = #tpu.pipeline_mode<synchronous>, transform_indices = @transform_0, window_bounds = array<i64: 8, 4>}, {pipeline_mode = #tpu.pipeline_mode<synchronous>, transform_indices = @transform_1, window_bounds = array<i64: 10000, 128>}, {transform_indices = @transform_2, window_bounds = array<i64: 1, 64, 128>}, {transform_indices = @transform_3, window_bounds = array<i64: 1, 10000, 128>}]} {
    %get3A = arith.constant 0 : index
    %get3A_0 = arith.constant 0 : index
    %get3A_1 = vector.load %arg1[%get3A, %get3A_0] : memref<8x4xf32, #tpu.memory_space<vmem>>, vector<8x4xf32>
    %get3A_2 = arith.constant 0 : index
    %get3A_3 = arith.constant 0 : index
    %get3A_4 = arith.constant 0 : index
    %get3A_5 = vector.load %arg3[%get3A_2, %get3A_3, %get3A_4] : memref<1x64x128xf32, #tpu.memory_space<vmem>>, vector<1x64x128xf32>
    %get3A_6 = vector.shape_cast %get3A_5 : vector<1x64x128xf32> to vector<64x128xf32>
    %slice3A = vector.extract_strided_slice %get3A_6 {offsets = [0, 0], sizes = [4, 128], strides = [1, 1]} : vector<64x128xf32> to vector<4x128xf32>
    %dot_general3A = arith.constant dense<0.000000e+00> : vector<8x128xf32>
    %dot_general3A_7 = tpu.matmul %get3A_1, %slice3A, %dot_general3A {dimension_numbers = #tpu.dot_dimension_numbers<[1], [0], [0], [1], [0, 0, 1, 1], [], []>, transpose_lhs_hint = false} : vector<8x4xf32>, vector<4x128xf32>, vector<8x128xf32> -> vector<8x128xf32>
    %slice3A_8 = vector.extract_strided_slice %get3A_6 {offsets = [4, 0], sizes = [4, 128], strides = [1, 1]} : vector<64x128xf32> to vector<4x128xf32>
    %dot_general3A_9 = arith.constant dense<0.000000e+00> : vector<8x128xf32>
    %dot_general3A_10 = tpu.matmul %get3A_1, %slice3A_8, %dot_general3A_9 {dimension_numbers = #tpu.dot_dimension_numbers<[1], [0], [0], [1], [0, 0, 1, 1], [], []>, transpose_lhs_hint = false} : vector<8x4xf32>, vector<4x128xf32>, vector<8x128xf32> -> vector<8x128xf32>
    %slice3A_11 = vector.extract_strided_slice %get3A_6 {offsets = [8, 0], sizes = [4, 128], strides = [1, 1]} : vector<64x128xf32> to vector<4x128xf32>
    %dot_general3A_12 = arith.constant dense<0.000000e+00> : vector<8x128xf32>
    %dot_general3A_13 = tpu.matmul %get3A_1, %slice3A_11, %dot_general3A_12 {dimension_numbers = #tpu.dot_dimension_numbers<[1], [0], [0], [1], [0, 0, 1, 1], [], []>, transpose_lhs_hint = false} : vector<8x4xf32>, vector<4x128xf32>, vector<8x128xf32> -> vector<8x128xf32>
    %slice3A_14 = vector.extract_strided_slice %get3A_6 {offsets = [12, 0], sizes = [4, 128], strides = [1, 1]} : vector<64x128xf32> to vector<4x128xf32>
    %dot_general3A_15 = arith.constant dense<0.000000e+00> : vector<8x128xf32>
    %dot_general3A_16 = tpu.matmul %get3A_1, %slice3A_14, %dot_general3A_15 {dimension_numbers = #tpu.dot_dimension_numbers<[1], [0], [0], [1], [0, 0, 1, 1], [], []>, transpose_lhs_hint = false} : vector<8x4xf32>, vector<4x128xf32>, vector<8x128xf32> -> vector<8x128xf32>
    %slice3A_17 = vector.extract_strided_slice %get3A_6 {offsets = [16, 0], sizes = [4, 128], strides = [1, 1]} : vector<64x128xf32> to vector<4x128xf32>
    %dot_general3A_18 = arith.constant dense<0.000000e+00> : vector<8x128xf32>
    %dot_general3A_19 = tpu.matmul %get3A_1, %slice3A_17, %dot_general3A_18 {dimension_numbers = #tpu.dot_dimension_numbers<[1], [0], [0], [1], [0, 0, 1, 1], [], []>, transpose_lhs_hint = false} : vector<8x4xf32>, vector<4x128xf32>, vector<8x128xf32> -> vector<8x128xf32>
    %slice3A_20 = vector.extract_strided_slice %get3A_6 {offsets = [20, 0], sizes = [4, 128], strides = [1, 1]} : vector<64x128xf32> to vector<4x128xf32>
    %dot_general3A_21 = arith.constant dense<0.000000e+00> : vector<8x128xf32>
    %dot_general3A_22 = tpu.matmul %get3A_1, %slice3A_20, %dot_general3A_21 {dimension_numbers = #tpu.dot_dimension_numbers<[1], [0], [0], [1], [0, 0, 1, 1], [], []>, transpose_lhs_hint = false} : vector<8x4xf32>, vector<4x128xf32>, vector<8x128xf32> -> vector<8x128xf32>
    %slice3A_23 = vector.extract_strided_slice %get3A_6 {offsets = [24, 0], sizes = [4, 128], strides = [1, 1]} : vector<64x128xf32> to vector<4x128xf32>
    %dot_general3A_24 = arith.constant dense<0.000000e+00> : vector<8x128xf32>
    %dot_general3A_25 = tpu.matmul %get3A_1, %slice3A_23, %dot_general3A_24 {dimension_numbers = #tpu.dot_dimension_numbers<[1], [0], [0], [1], [0, 0, 1, 1], [], []>, transpose_lhs_hint = false} : vector<8x4xf32>, vector<4x128xf32>, vector<8x128xf32> -> vector<8x128xf32>
    %slice3A_26 = vector.extract_strided_slice %get3A_6 {offsets = [28, 0], sizes = [4, 128], strides = [1, 1]} : vector<64x128xf32> to vector<4x128xf32>
    %dot_general3A_27 = arith.constant dense<0.000000e+00> : vector<8x128xf32>
    %dot_general3A_28 = tpu.matmul %get3A_1, %slice3A_26, %dot_general3A_27 {dimension_numbers = #tpu.dot_dimension_numbers<[1], [0], [0], [1], [0, 0, 1, 1], [], []>, transpose_lhs_hint = false} : vector<8x4xf32>, vector<4x128xf32>, vector<8x128xf32> -> vector<8x128xf32>
    %slice3A_29 = vector.extract_strided_slice %get3A_6 {offsets = [32, 0], sizes = [4, 128], strides = [1, 1]} : vector<64x128xf32> to vector<4x128xf32>
    %dot_general3A_30 = arith.constant dense<0.000000e+00> : vector<8x128xf32>
    %dot_general3A_31 = tpu.matmul %get3A_1, %slice3A_29, %dot_general3A_30 {dimension_numbers = #tpu.dot_dimension_numbers<[1], [0], [0], [1], [0, 0, 1, 1], [], []>, transpose_lhs_hint = false} : vector<8x4xf32>, vector<4x128xf32>, vector<8x128xf32> -> vector<8x128xf32>
    %slice3A_32 = vector.extract_strided_slice %get3A_6 {offsets = [36, 0], sizes = [4, 128], strides = [1, 1]} : vector<64x128xf32> to vector<4x128xf32>
    %dot_general3A_33 = arith.constant dense<0.000000e+00> : vector<8x128xf32>
    %dot_general3A_34 = tpu.matmul %get3A_1, %slice3A_32, %dot_general3A_33 {dimension_numbers = #tpu.dot_dimension_numbers<[1], [0], [0], [1], [0, 0, 1, 1], [], []>, transpose_lhs_hint = false} : vector<8x4xf32>, vector<4x128xf32>, vector<8x128xf32> -> vector<8x128xf32>
    %slice3A_35 = vector.extract_strided_slice %get3A_6 {offsets = [40, 0], sizes = [4, 128], strides = [1, 1]} : vector<64x128xf32> to vector<4x128xf32>
    %dot_general3A_36 = arith.constant dense<0.000000e+00> : vector<8x128xf32>
    %dot_general3A_37 = tpu.matmul %get3A_1, %slice3A_35, %dot_general3A_36 {dimension_numbers = #tpu.dot_dimension_numbers<[1], [0], [0], [1], [0, 0, 1, 1], [], []>, transpose_lhs_hint = false} : vector<8x4xf32>, vector<4x128xf32>, vector<8x128xf32> -> vector<8x128xf32>
    %slice3A_38 = vector.extract_strided_slice %get3A_6 {offsets = [44, 0], sizes = [4, 128], strides = [1, 1]} : vector<64x128xf32> to vector<4x128xf32>
    %dot_general3A_39 = arith.constant dense<0.000000e+00> : vector<8x128xf32>
    %dot_general3A_40 = tpu.matmul %get3A_1, %slice3A_38, %dot_general3A_39 {dimension_numbers = #tpu.dot_dimension_numbers<[1], [0], [0], [1], [0, 0, 1, 1], [], []>, transpose_lhs_hint = false} : vector<8x4xf32>, vector<4x128xf32>, vector<8x128xf32> -> vector<8x128xf32>
    %slice3A_41 = vector.extract_strided_slice %get3A_6 {offsets = [48, 0], sizes = [4, 128], strides = [1, 1]} : vector<64x128xf32> to vector<4x128xf32>
    %dot_general3A_42 = arith.constant dense<0.000000e+00> : vector<8x128xf32>
    %dot_general3A_43 = tpu.matmul %get3A_1, %slice3A_41, %dot_general3A_42 {dimension_numbers = #tpu.dot_dimension_numbers<[1], [0], [0], [1], [0, 0, 1, 1], [], []>, transpose_lhs_hint = false} : vector<8x4xf32>, vector<4x128xf32>, vector<8x128xf32> -> vector<8x128xf32>
    %slice3A_44 = vector.extract_strided_slice %get3A_6 {offsets = [52, 0], sizes = [4, 128], strides = [1, 1]} : vector<64x128xf32> to vector<4x128xf32>
    %dot_general3A_45 = arith.constant dense<0.000000e+00> : vector<8x128xf32>
    %dot_general3A_46 = tpu.matmul %get3A_1, %slice3A_44, %dot_general3A_45 {dimension_numbers = #tpu.dot_dimension_numbers<[1], [0], [0], [1], [0, 0, 1, 1], [], []>, transpose_lhs_hint = false} : vector<8x4xf32>, vector<4x128xf32>, vector<8x128xf32> -> vector<8x128xf32>
    %slice3A_47 = vector.extract_strided_slice %get3A_6 {offsets = [56, 0], sizes = [4, 128], strides = [1, 1]} : vector<64x128xf32> to vector<4x128xf32>
    %dot_general3A_48 = arith.constant dense<0.000000e+00> : vector<8x128xf32>
    %dot_general3A_49 = tpu.matmul %get3A_1, %slice3A_47, %dot_general3A_48 {dimension_numbers = #tpu.dot_dimension_numbers<[1], [0], [0], [1], [0, 0, 1, 1], [], []>, transpose_lhs_hint = false} : vector<8x4xf32>, vector<4x128xf32>, vector<8x128xf32> -> vector<8x128xf32>
    %slice3A_50 = vector.extract_strided_slice %get3A_6 {offsets = [60, 0], sizes = [4, 128], strides = [1, 1]} : vector<64x128xf32> to vector<4x128xf32>
    %dot_general3A_51 = arith.constant dense<0.000000e+00> : vector<8x128xf32>
    %dot_general3A_52 = tpu.matmul %get3A_1, %slice3A_50, %dot_general3A_51 {dimension_numbers = #tpu.dot_dimension_numbers<[1], [0], [0], [1], [0, 0, 1, 1], [], []>, transpose_lhs_hint = false} : vector<8x4xf32>, vector<4x128xf32>, vector<8x128xf32> -> vector<8x128xf32>
    %concatenate3A = tpu.concatenate %dot_general3A_7, %dot_general3A_10, %dot_general3A_13, %dot_general3A_16, %dot_general3A_19, %dot_general3A_22, %dot_general3A_25, %dot_general3A_28, %dot_general3A_31, %dot_general3A_34, %dot_general3A_37, %dot_general3A_40, %dot_general3A_43, %dot_general3A_46, %dot_general3A_49, %dot_general3A_52 in 0 : vector<8x128xf32>, vector<8x128xf32>, vector<8x128xf32>, vector<8x128xf32>, vector<8x128xf32>, vector<8x128xf32>, vector<8x128xf32>, vector<8x128xf32>, vector<8x128xf32>, vector<8x128xf32>, vector<8x128xf32>, vector<8x128xf32>, vector<8x128xf32>, vector<8x128xf32>, vector<8x128xf32>, vector<8x128xf32> -> vector<128x128xf32>
    %get3A_53 = arith.constant 0 : index
    %get3A_54 = arith.constant 0 : index
    %get3A_55 = vector.load %arg2[%get3A_53, %get3A_54] : memref<10000x128xf32, #tpu.memory_space<vmem>>, vector<10000x128xf32>
    %dot_general3A_56 = arith.constant dense<0.000000e+00> : vector<10000x128xf32>
    %dot_general3A_57 = tpu.matmul %get3A_55, %concatenate3A, %dot_general3A_56 {dimension_numbers = #tpu.dot_dimension_numbers<[1], [0], [0], [1], [0, 0, 1, 1], [], []>, transpose_lhs_hint = false} : vector<10000x128xf32>, vector<128x128xf32>, vector<10000x128xf32> -> vector<10000x128xf32>
    %swap3A = arith.constant 0 : index
    %swap3A_58 = arith.constant 0 : index
    %swap3A_59 = arith.constant 0 : index
    %swap3A_60 = vector.load %arg4[%swap3A, %swap3A_58, %swap3A_59] : memref<1x10000x128xf32, #tpu.memory_space<vmem>>, vector<1x10000x128xf32>
    %swap3A_61 = vector.shape_cast %swap3A_60 : vector<1x10000x128xf32> to vector<10000x128xf32>
    %swap3A_62 = vector.shape_cast %dot_general3A_57 : vector<10000x128xf32> to vector<1x10000x128xf32>
    tpu.vector_store %arg4[%swap3A, %swap3A_58, %swap3A_59], %swap3A_62 {strides = array<i32>} : memref<1x10000x128xf32, #tpu.memory_space<vmem>>, vector<1x10000x128xf32>,
    return
  }
  func.func @transform_0(%arg0: i32) -> (i32, i32) {
    %c0_i32 = arith.constant 0 : i32
    %c0_i32_0 = arith.constant 0 : i32
    %c0_i32_1 = arith.constant 0 : i32
    return %c0_i32, %c0_i32_0 : i32, i32
  }
  func.func @transform_1(%arg0: i32) -> (i32, i32) {
    %c0_i32 = arith.constant 0 : i32
    %c0_i32_0 = arith.constant 0 : i32
    %c0_i32_1 = arith.constant 0 : i32
    return %c0_i32, %c0_i32_0 : i32, i32
  }
  func.func @transform_2(%arg0: i32) -> (i32, i32, i32) {
    %c0_i32 = arith.constant 0 : i32
    %c0_i32_0 = arith.constant 0 : i32
    %c0_i32_1 = arith.constant 0 : i32
    return %arg0, %c0_i32, %c0_i32_0 : i32, i32, i32
  }
  func.func @transform_3(%arg0: i32) -> (i32, i32, i32) {
    %c0_i32 = arith.constant 0 : i32
    %c0_i32_0 = arith.constant 0 : i32
    %c0_i32_1 = arith.constant 0 : i32
    return %arg0, %c0_i32, %c0_i32_0 : i32, i32, i32
  }
}

module attributes {stable_mosaic.version = 14 : i64} {
  func.func @_finish_kernel(%arg0: i32, %arg1: memref<2x2000x128xf32, #tpu.memory_space<vmem>>, %arg2: memref<1x128xf32, #tpu.memory_space<vmem>>, %arg3: memref<2000x128xf32, #tpu.memory_space<vmem>>) attributes {dimension_semantics = [#tpu.dimension_semantics<arbitrary>], iteration_bounds = array<i64: 5>, scalar_prefetch = 0 : i64, scratch_operands = 0 : i64, tpu.core_type = #tpu.core_type<tc>, window_params = [{transform_indices = @transform_0, window_bounds = array<i64: 2, 2000, 128>}, {pipeline_mode = #tpu.pipeline_mode<synchronous>, transform_indices = @transform_1, window_bounds = array<i64: 1, 128>}, {transform_indices = @transform_2, window_bounds = array<i64: 2000, 128>}]} {
    %get3A = arith.constant 0 : index
    %get3A_0 = arith.constant 0 : index
    %get3A_1 = arith.constant 0 : index
    %get3A_2 = vector.load %arg1[%get3A, %get3A_0, %get3A_1] : memref<2x2000x128xf32, #tpu.memory_space<vmem>>, vector<1x2000x128xf32>
    %get3A_3 = vector.shape_cast %get3A_2 : vector<1x2000x128xf32> to vector<2000x128xf32>
    %get3A_4 = arith.constant 1 : index
    %get3A_5 = arith.constant 0 : index
    %get3A_6 = arith.constant 0 : index
    %get3A_7 = vector.load %arg1[%get3A_4, %get3A_5, %get3A_6] : memref<2x2000x128xf32, #tpu.memory_space<vmem>>, vector<1x2000x128xf32>
    %get3A_8 = vector.shape_cast %get3A_7 : vector<1x2000x128xf32> to vector<2000x128xf32>
    %add3A = arith.addf %get3A_3, %get3A_8 : vector<2000x128xf32>
    %get3A_9 = arith.constant 0 : index
    %get3A_10 = arith.constant 0 : index
    %get3A_11 = vector.load %arg2[%get3A_9, %get3A_10] : memref<1x128xf32, #tpu.memory_space<vmem>>, vector<1x128xf32>
    %add3A_12 = vector.broadcast %get3A_11 : vector<1x128xf32> to vector<2000x128xf32>
    %add3A_13 = arith.addf %add3A, %add3A_12 : vector<2000x128xf32>
    %max3A = arith.constant 0.000000e+00 : f32
    %max3A_14 = vector.broadcast %max3A : f32 to vector<2000x128xf32>
    %max3A_15 = arith.maximumf %add3A_13, %max3A_14 : vector<2000x128xf32>
    %swap3A = arith.constant 0 : index
    %swap3A_16 = arith.constant 0 : index
    %swap3A_17 = vector.load %arg3[%swap3A, %swap3A_16] : memref<2000x128xf32, #tpu.memory_space<vmem>>, vector<2000x128xf32>
    tpu.vector_store %arg3[%swap3A, %swap3A_16], %max3A_15 {strides = array<i32>} : memref<2000x128xf32, #tpu.memory_space<vmem>>, vector<2000x128xf32>,
    return
  }
  func.func @transform_0(%arg0: i32) -> (i32, i32, i32) {
    %c0_i32 = arith.constant 0 : i32
    %c0_i32_0 = arith.constant 0 : i32
    %c0_i32_1 = arith.constant 0 : i32
    return %c0_i32, %arg0, %c0_i32_0 : i32, i32, i32
  }
  func.func @transform_1(%arg0: i32) -> (i32, i32) {
    %c0_i32 = arith.constant 0 : i32
    %c0_i32_0 = arith.constant 0 : i32
    %c0_i32_1 = arith.constant 0 : i32
    return %c0_i32, %c0_i32_0 : i32, i32
  }
  func.func @transform_2(%arg0: i32) -> (i32, i32) {
    %c0_i32 = arith.constant 0 : i32
    %c0_i32_0 = arith.constant 0 : i32
    return %arg0, %c0_i32 : i32, i32
  }
}

</mosaic_0001>

<sc_bundles>
// kernel: kernel.6.cloned.1.call-start
scs
__scs_entry_jumppad:
0x0: {  	(pc) =	sbr.rel $0x88, $3  }
0x1: {  	(tag) =	ssettag $0x0;
	lr =	simm.s32 $0x1  }
0x2: {  	[smem:$0x3F9B] =	sst lr;
	_ =	strace $0xD0000000  }
0x3: {  	_ = 	snop  }
0x4: {  	_ = 	snop  }
0x5: {  	_ = 	snop  }
0x6: {  	_ = 	snop  }
0x7: {  	_ = 	snop  }
__scs_overlays_trampoline_lowered:
0x8: {  	[smem:$0x3FAA] =	sst s0  }
0x9: {  	[smem:$0x3FAB] =	sst s1  }
0xa: {  	[smem:$0x3FAC] =	sst s2  }
0xb: {  	[smem:$0x3FAD] =	sst s3  }
0xc: {  	[smem:$0x3FAE] =	sst s4  }
0xd: {  	[smem:$0x3FAF] =	sst s5  }
0xe: {  	[smem:$0x3FB0] =	sst s6  }
0xf: {  	[smem:$0x3FB1] =	sst s7  }
0x10: {  	[smem:$0x3FB2] =	sst s8  }
0x11: {  	[smem:$0x3FB3] =	sst s9;
	s0 =	simm.s32 @!p0 $0x0  }
0x12: {  	s1 =	sld [smem:$0x3F99];
	s0 =	simm.s32 @p0 $0x1  }
0x13: {  	[smem:$0x3FB4] =	sst s0;
	s0 =	simm.s32 @!p1 $0x0  }
0x14: {  	s2 =	sld [smem:$0x3F98];
	s0 =	simm.s32 @p1 $0x1  }
0x15: {  	[smem:$0x3FB5] =	sst s0;
	s0 =	simm.s32 @!p2 $0x0  }
0x16: {  	s3 =	sld [smem:$0x3FDB];
	s0 =	simm.s32 @p2 $0x1  }
0x17: {  	s4 =	simm.s32 $0x1BF5;
	[smem:$0x3FB7] =	sst s0  }
0x18: {  	s0 =	sld [smem:$0x3F9A];
	_ =	swait.ge [sflag:s4], $0x0  }
0x19: {  	s7 =	sld [smem:$0x3F9B]  }
0x1a: {  	s8 =	sadd.s32 $0xFFFFE003, lr  }
0x1b: {  	s9 =	sadd.s32 $0xFFFFFEF7, lr;
	s5 =	simm.s32 $0xFFFFFFFF;
	p2 =	slt.u32 s8, $0xFFFFF086  }
0x1c: {  	p1 =	slt.u32 s9, $0xF7A;
	s5 =	simm.s32 @!p2 $0x0  }
0x1d: {  	s5 =	simm.s32 @p1 $0x1;
	p0 =	seq.s32 s7, s2  }
0x1e: {  	s7 =	smul.u32 @!p0 $0xF7A, s2;
	p2 =	seq.s32 @!p0 s5, $0x0  }
0x1f: {  	s9 =	smul.u32 $0xF7A, s1;
	s8 =	simm.s32 @!p0 $0x1BF5;
	p2 =	por !p2, p0  }
0x20: {  	[sflag:s8] =	ssyncset.s32 @!p0 $0xFFFFF086;
	s6 =	sadd.s32 @!p0 s3, s7;
	s7 =	simm.s32 @!p0 $0x108  }
0x21: {  	s3 =	sadd.s32 s3, s9;
	s6 =	sadd.s32 @!p0 $0x88, s6;
	s7 =	simm.s32 @p2 $0x1082  }
0x22: {  	[simem:s7], [sflag:s8] =	dma.local @!p0 [hbm:s6], $0xF7A  }
0x23: {  	s9 =	sor.u32 $0xD0000000, s2;
	s6 =	simm.s32 $0x108;
	_ =	swait.ge @!p0 [sflag:s8], $0x0  }
0x24: {  	s3 =	sadd.s32 $0x88, s3;
	s6 =	simm.s32 @!p1 $0x1082;
	[sflag:s4] =	ssyncset.s32 $0xFFFFF086  }
0x25: {  	[simem:s6], [sflag:s4] =	dma.local [hbm:s3], $0xF7A  }
0x26: {  	[smem:$0x3F9B] =	sst s1;
	(tag) =	ssettag s2;
	_ =	strace s9  }
0x27: {  	s1 =	sld [smem:$0x3FAB]  }
0x28: {  	s2 =	sld [smem:$0x3FAC]  }
0x29: {  	s4 =	sld [smem:$0x3FAE]  }
0x2a: {  	p0 =	seq.s32 s5, $0x0;
	s5 =	sld [smem:$0x3FAF]  }
0x2b: {  	s6 =	sld [smem:$0x3FB0]  }
0x2c: {  	s7 =	sld [smem:$0x3FB1]  }
0x2d: {  	s3 =	simm.s32 $0x108;
	s8 =	sld [smem:$0x3FB2]  }
0x2e: {  	s3 =	simm.s32 @!p0 $0x1082;
	s9 =	sld [smem:$0x3FB3]  }
0x2f: {  	lr =	sadd.s32 s0, s3;
	s0 =	sld [smem:$0x3FAA]  }
0x30: {  	s3 =	sld [smem:$0x3FAD]  }
0x31: {  	[smem:$0x3FB6] =	sst s10  }
0x32: {  	s10 =	sld [smem:$0x3FB4];
	_ =	sdelay $0x3  }
0x33: {  	p0 =	seq.s32 s10, $0x1;
	s10 =	sld [smem:$0x3FB6];
	_ =	sdelay $0x3  }
0x34: {  	[smem:$0x3FB6] =	sst s10  }
0x35: {  	s10 =	sld [smem:$0x3FB5];
	_ =	sdelay $0x3  }
0x36: {  	p1 =	seq.s32 s10, $0x1;
	s10 =	sld [smem:$0x3FB6];
	_ =	sdelay $0x3  }
0x37: {  	[smem:$0x3FB6] =	sst s10  }
0x38: {  	s10 =	sld [smem:$0x3FB7]  }
0x39: {  	_ = 	snop;
	(pc) =	sbr.ind lr, $3  }
0x3a: {  	_ = 	snop  }
0x3b: {  	_ = 	snop  }
0x3c: {  	p2 =	seq.s32 s10, $0x1;
	s10 =	sld [smem:$0x3FB6]  }
0x3d: {  	_ =	shalt  }
0x3e: {  	_ =	shalt  }
0x3f: {  	_ =	shalt  }
0x40: {  	_ =	shalt  }
0x41: {  	_ =	shalt  }
0x42: {  	_ =	shalt  }
0x43: {  	_ =	shalt  }
0x44: {  	_ =	shalt  }
0x45: {  	_ =	shalt  }
0x46: {  	_ =	shalt  }
0x47: {  	_ =	shalt  }
0x48: {  	_ =	shalt  }
0x49: {  	_ =	shalt  }
0x4a: {  	_ =	shalt  }
0x4b: {  	_ =	shalt  }
0x4c: {  	_ =	shalt  }
0x4d: {  	_ =	shalt  }
0x4e: {  	_ =	shalt  }
0x4f: {  	_ =	shalt  }
0x50: {  	_ =	shalt  }
0x51: {  	_ =	shalt  }
0x52: {  	_ =	shalt  }
0x53: {  	_ =	shalt  }
0x54: {  	_ =	shalt  }
0x55: {  	_ =	shalt  }
0x56: {  	_ =	shalt  }
0x57: {  	_ =	shalt  }
0x58: {  	_ =	shalt  }
0x59: {  	_ =	shalt  }
0x5a: {  	_ =	shalt  }
0x5b: {  	_ =	shalt  }
0x5c: {  	_ =	shalt  }
0x5d: {  	_ =	shalt  }
0x5e: {  	_ =	shalt  }
0x5f: {  	_ =	shalt  }
0x60: {  	_ =	shalt  }
0x61: {  	_ =	shalt  }
0x62: {  	_ =	shalt  }
0x63: {  	_ =	shalt  }
0x64: {  	_ =	shalt  }
0x65: {  	_ =	shalt  }
0x66: {  	_ =	shalt  }
0x67: {  	_ =	shalt  }
0x68: {  	_ =	shalt  }
0x69: {  	_ =	shalt  }
0x6a: {  	_ =	shalt  }
0x6b: {  	_ =	shalt  }
0x6c: {  	_ =	shalt  }
0x6d: {  	_ =	shalt  }
0x6e: {  	_ =	shalt  }
0x6f: {  	_ =	shalt  }
0x70: {  	_ =	shalt  }
0x71: {  	_ =	shalt  }
0x72: {  	_ =	shalt  }
0x73: {  	_ =	shalt  }
0x74: {  	_ =	shalt  }
0x75: {  	_ =	shalt  }
0x76: {  	_ =	shalt  }
0x77: {  	_ =	shalt  }
0x78: {  	_ =	shalt  }
0x79: {  	_ =	shalt  }
0x7a: {  	_ =	shalt  }
0x7b: {  	_ =	shalt  }
0x7c: {  	_ =	shalt  }
0x7d: {  	_ =	shalt  }
0x7e: {  	_ =	shalt  }
0x7f: {  	_ =	shalt  }
0x80: {  	_ =	shalt  }
0x81: {  	_ =	shalt  }
0x82: {  	_ =	shalt  }
0x83: {  	_ =	shalt  }
0x84: {  	_ =	shalt  }
0x85: {  	_ =	shalt  }
0x86: {  	_ =	shalt  }
0x87: {  	_ =	shalt  }
.Lfunc_end0:
.L_simem_size_0:
called_computation_lowered:
.L_overlay_start_0:
0x88: {  	s2 =	sld [smem:$0x3FD9]  }
0x89: {  	s3 =	sld [smem:$0x3FFE];
	_ =	sdelay $0x1  }
0x8a: {  	s1 =	srdreg.scid  }
0x8b: {  	s0 =	sand.u32 $0x1, s1  }
0x8c: {  	s17 =	sshll.u32 s0, $0xA;
	s2 =	sadd.s32 s3, s2  }
0x8d: {  	s2 =	sadd.s32 s2, s17  }
0x8e: {  	[smem:$0x3FC2] =	sst s2  }
0x8f: {  	_ = 	snop  }
0x90: {  	s2 =	sld [smem:$0x3FD0];
	(tm) =	ssettm $0x1  }
0x91: {  	s18 =	sld [smem:$0x3FFB];
	_ =	sdelay $0x3  }
0x92: {  	_ =	strace s18  }
0x93: {  	s3 =	sld [smem:$0x3FFC];
	_ =	sdelay $0x3  }
0x94: {  	_ =	strace s3  }
0x95: {  	s3 =	sld [smem:$0x3FFD];
	_ =	sdelay $0x3  }
0x96: {  	_ =	strace s3  }
0x97: {  	_ =	strace $0x8FFFFFFF  }
0x98: {  	s19 =	sld [smem:$0x3FDB];
	_ =	sdelay $0x1  }
0x99: {  	s4 =	simm.s32 $_scs_section_size  }
0x9a: {  	s5 =	simm.s32 $_size__tile_overlayer_lowered;
	s6 =	simm.s32 $_tile_overlayer_lowered  }
0x9b: {  	s22 =	simm.s32 $0x1BFF;
	s21 =	sshll.u32 s6, $0x1;
	s3 =	sadd.s32 s4, s19  }
0x9c: {  	s7 =	simm.s32 $0x0;
	s20 =	sshll.u32 s5, $0x1;
	s5 =	sadd.s32 s21, s3  }
0x9d: {  	[timem:s7], [sflag:s22] =	dma.local [hbm:s5], s20  }
0x9e: {  	_ =	swait.ge [sflag:s22], s20  }
0x9f: {  	s4 =	ssub.s32 $0x0, s20;
	[sflag:s22] =	ssyncset.done $0x0  }
0xa0: {  	[sflag:s22] =	ssyncadd.s32 s4;
	_ =	sdelay $0x1  }
0xa1: {  	s23 =	simm.s32 $0x1B8B  }
0xa2: {  	_ =	swait.ge [sflag:s23], $0x1  }
0xa3: {  	[sflag:s23] =	ssyncset.done $0x0  }
0xa4: {  	s25 =	simm.s32 $0x1B8E;
	s24 =	sld [smem:$0x3FFE];
	[sflag:s23] =	ssyncadd.s32 $0xFFFFFFFF  }
0xa5: {  	s26 =	simm.s32 $execute0_lowered;
	[smem:$0x3FD2] =	sst s25  }
0xa6: {  	s5 =	sshll.u32 s26, $0x1;
	_ =	strace $0x80000046;
	[dreg:$0x1] =	wrdreg $0xFFFFFFFF  }
0xa7: {  	s28 =	simm.s32 $_size_execute0_lowered;
	s3 =	sadd.s32 s3, s5;
	[dreg:$0x0] =	wrdreg $0x0  }
0xa8: {  	s5 =	sshll.u32 s28, $0x1;
	[dreg:$0x2] =	wrdreg s3  }
0xa9: {  	[dreg:$0x3] =	wrdreg s5  }
0xaa: {  	[dreg:$0x4] =	wrdreg $0xC0  }
0xab: {  	_ =	task [dreg:s7], $0x5FFFF  }
0xac: {  	[dreg:$0x1] =	wrdreg $0xFFFFFFFF  }
0xad: {  	[dreg:$0x0] =	wrdreg $0x60  }
0xae: {  	[dreg:$0x2] =	wrdreg s24  }
0xaf: {  	[dreg:$0x3] =	wrdreg s2  }
0xb0: {  	[dreg:$0x4] =	wrdreg $0x86000  }
0xb1: {  	[dreg:$0x5] =	wrdreg $0x9  }
0xb2: {  	_ =	task.clear_ibuf [dreg:s7], $0x6FFFF;
	_ =	strace $0x90000046  }
0xb3: {  	s29 =	simm.s32 $0x9;
	_ =	strace $0x80000048  }
0xb4: {  	_ =	swait.ge [sflag:s29], $0x1  }
0xb5: {  	[sflag:s29] =	ssyncadd.s32 $0xFFFFFFFF  }
0xb6: {  	_ =	strace $0x90000048  }
0xb7: {  	_ =	sfence  }
0xb8: {  	s30 =	sld [smem:$0x0];
	_ =	sdelay $0x2  }
0xb9: {  	s31 =	sshll.u32 s1, $0xD;
	s1 =	sshrl.u32 s1, $0x2  }
0xba: {  	s3 =	sand.u32 $0x4000, s31;
	s1 =	sadd.s32 s1, s30  }
0xbb: {  	s0 =	sor.u32 s3, s0;
	s1 =	sshll.u32 s1, $0x11  }
0xbc: {  	s0 =	sor.u32 s1, s0  }
0xbd: {  	s0 =	sadd.s32 $0x8F2B, s0  }
0xbe: {  	[sflag:s0] =	ssyncadd.remote.s32 $0x1  }
0xbf: {  	_ =	sfence.sel $0xFFFF  }
0xc0: {  	[dreg:$0x0] =	wrdreg $0xFFFFFFFF;
	(pc) =	sbr.abs _section_cstart, $3  }
0xc1: {  	[dreg:$0x1] =	wrdreg $0xFFFFFFFF  }
0xc2: {  	_ =	task.clear_ibuf [dreg:s7], $0x2FFFF;
	_ =	strace $0x9FFFFFFF  }
0xc3: {  	(tm) =	ssettm $0x7FFFFFFF  }
tec
execute0_lowered:
.L_overlay_start_1:
0x0: {  	(tag) =	ssettag $0x1  }
0x1: {  	s0 =	rddreg [dreg:$0x0]  }
0x2: {  	s2 =	rddreg [dreg:$0x1]  }
0x3: {  	s12 =	stileid.u32;
	s1 =	srdreg.scid  }
0x4: {  	s3 =	rddreg [dreg:$0x2];
	s4 =	simm.s32 $0x0;
	s28 =	simm.s32 $0x100  }
0x5: {  	s29 =	simm.s32 $0x180;
	s30 =	simm.s32 $0x280;
	s6 =	smul.u32 $0x14000, s12  }
0x6: {  	s31 =	simm.s32 $0x1;
	s1 =	sand.u32 $0x1, s1;
	s13 =	smul.u32 $0x50000, s12  }
0x7: {  	[smem:$0x7FF] =	sst s4;
	s10 =	smul.u32 $0x98, s12;
	s14 =	sshll.u32 s12, $0x3  }
0x8: {  	s17 =	sshll.u32 s12, $0x6;
	s12 =	simm.s32 $0x3;
	s5 =	smul.u32 $0x140000, s1  }
0x9: {  	_ =	strace $0x80000047;
	s9 =	ssub.s32 $0x2, s1;
	p0 =	seq.s32 s1, $0x0  }
0xa: {  	s24 =	sor.u32 $0x1C0B, s17;
	s1 =	simm.s32 $0x400;
	s17 =	simm.s32 $0x6  }
0xb: {  	s11 =	sshrl.u32 s9, $0x1;
	[dreg:$0x6] =	wrdreg s24;
	s7 =	sadd.s32 s6, s5  }
0xc: {  	s5 =	sadd.s32 $0xE00, s0;
	s6 =	sshrl.u32 s6, $0x3;
	s15 =	ssub.s32 s9, s11  }
0xd: {  	s11 =	simm.s32 $0x4600;
	s9 =	simm.s32 $0x8;
	s7 =	sshrl.u32 s7, $0x3  }
0xe: {  	s8 =	sadd.s32 s6, s0;
	s6 =	sor.u32 $0x980, s14;
	s26 =	smax.u32 s15, $0x1  }
0xf: {  	s14 =	simm.s32 $0x480;
	s0 =	sadd.s32 s7, s0;
	s6 =	smov.u32 @p0 s10  }
0x10: {  	s8 =	sadd.s32 $0x139600, s8;
	s10 =	simm.s32 $0x98;
	[dreg:$0x10] =	wrdreg s26  }
0x11: {  	[dreg:$0x4] =	wrdreg s8;
	s16 =	sshll.u32 s6, $0x4;
	s0 =	sadd.s32 $0x161600, s0  }
0x12: {  	s10 =	simm.s32 @!p0 $0x8;
	s8 =	sadd.s32 s2, s16;
	[dreg:$0xf] =	wrdreg s0  }
0x13: {  	s15 =	simm.s32 $0x4;
	s25 =	sshrl.u32 s10, $0x3;
	[dreg:$0x5] =	wrdreg s8  }
0x14: {  	s7 =	sshrl.u32 s13, $0x2;
	s18 =	sadd.s32 $0x10, s8;
	[dreg:$0xe] =	wrdreg s25  }
0x15: {  	s26 =	simm.s32 $0x200;
	s19 =	sadd.s32 $0x20, s8;
	[dreg:$0x7] =	wrdreg s18  }
0x16: {  	s13 =	simm.s32 $0x9;
	s20 =	sadd.s32 $0x30, s8;
	[dreg:$0x8] =	wrdreg s19  }
0x17: {  	s7 =	sadd.s32 s7, s3;
	s21 =	sadd.s32 $0x40, s8;
	[dreg:$0x9] =	wrdreg s20  }
0x18: {  	s0 =	simm.s32 $0x600;
	s22 =	sadd.s32 $0x50, s8;
	[dreg:$0xa] =	wrdreg s21  }
0x19: {  	s16 =	simm.s32 $0xA;
	s23 =	sadd.s32 $0x60, s8;
	[dreg:$0xb] =	wrdreg s22  }
0x1a: {  	s8 =	sadd.s32 $0x70, s8;
	s25 =	sshrl.u32 s7, $0x3;
	[dreg:$0xc] =	wrdreg s23  }
0x1b: {  	s7 =	simm.s32 $0x2;
	[dreg:$0xd] =	wrdreg s8;
	s18 =	sadd.s32 $0xFFFFFFFF, s10  }
0x1c: {  	s22 =	simm.s32 $0xB;
	s23 =	simm.s32 $0x80;
	s10 =	simm.s32 $0x500  }
0x1d: {  	s19 =	simm.s32 $0x580;
	s21 =	simm.s32 $0x0;
	[dreg:$0x11] =	wrdreg s25  }
0x1e: {  	s20 =	simm.s32 $0x5;
	s8 =	simm.s32 $0x7;
	[dreg:$0x12] =	wrdreg s21  }
.LBB2_1:
0x1f: {  	s21 =	rddreg [dreg:$0x4]  }
0x20: {  	[spmem:s25], [sflag:s24] =	dma.local [hbm:s21], $0x2800  }
0x21: {  	_ =	swait.ge [sflag:s22], $0x2800  }
0x22: {  	[sflag:s22] =	ssyncset.done $0x0  }
0x23: {  	[sflag:s22] =	ssyncadd.s32 $0xFFFFD800  }
0x24: {  	[bflag:$0x0] =	sbarrier.arrive $0xFFFF  }
0x25: {  	s25 =	rddreg [dreg:$0x5]  }
0x26: {  	s24 =	rddreg [dreg:$0x7]  }
0x27: {  	[tilespmem:s4], [sflag:$0x1] =	stream.linear.gather [hbm4b:s25+s4], $0x80, $0x38;
	[tilespmem:$0x1C600] =	vst v63  }
0x28: {  	s25 =	rddreg [dreg:$0x8]  }
0x29: {  	[tilespmem:s23], [sflag:$0x2] =	stream.linear.gather [hbm4b:s24+s4], $0x80, $0x38;
	[tilespmem:$0x1C600] =	vst v63  }
0x2a: {  	s24 =	rddreg [dreg:$0xa]  }
0x2b: {  	[tilespmem:s28], [sflag:$0x3] =	stream.linear.gather [hbm4b:s25+s4], $0x80, $0x38;
	[tilespmem:$0x1C600] =	vst v63  }
0x2c: {  	s28 =	rddreg [dreg:$0x9]  }
0x2d: {  	[tilespmem:s29], [sflag:$0x4] =	stream.linear.gather [hbm4b:s28+s4], $0x80, $0x38;
	[tilespmem:$0x1C600] =	vst v63  }
0x2e: {  	s25 =	rddreg [dreg:$0xb]  }
0x2f: {  	[tilespmem:s26], [sflag:$0x5] =	stream.linear.gather [hbm4b:s24+s4], $0x80, $0x38;
	[tilespmem:$0x1C600] =	vst v63  }
0x30: {  	s29 =	rddreg [dreg:$0xd]  }
0x31: {  	[tilespmem:s30], [sflag:$0x6] =	stream.linear.gather [hbm4b:s25+s4], $0x80, $0x38;
	[tilespmem:$0x1C600] =	vst v63  }
0x32: {  	s28 =	simm.s32 $0x300;
	s26 =	rddreg [dreg:$0xc]  }
0x33: {  	[tilespmem:s28], [sflag:$0x7] =	stream.linear.gather [hbm4b:s26+s4], $0x80, $0x38;
	[tilespmem:$0x1C600] =	vst v63  }
0x34: {  	s21 =	simm.s32 $0x8;
	s24 =	rddreg [dreg:$0xe];
	s30 =	simm.s32 $0x380  }
0x35: {  	[tilespmem:s30], [sflag:$0x8] =	stream.linear.gather [hbm4b:s29+s4], $0x80, $0x38;
	[tilespmem:$0x1C600] =	vst v63  }
.LBB2_2:
0x36: {  	_ =	swait.ge [sflag:s31], $0x80  }
0x37: {  	p0 =	seq.s32 s21, $0x8;
	[sflag:s31] =	ssyncset.done $0x0  }
0x38: {  	s25 =	simm.s32 @!p0 $0x9;
	[sflag:s31] =	ssyncadd.s32 $0xFFFFFF80  }
0x39: {  	_ =	swait.ge @!p0 [sflag:s25], $0x4000  }
0x3a: {  	s26 =	simm.s32 @!p0 $0x480;
	[sflag:s25] =	ssyncset.done @!p0 $0x0  }
0x3b: {  	s28 =	simm.s32 @!p0 $0x600;
	[sflag:s25] =	ssyncadd.s32 @!p0 $0xFFFFC000;
	s25 =	simm.s32 @!p0 $0x80  }
0x3c: {  	[spmem:s3] =	stream.indirect.scatter.add.f32 @!p0 [tilespmem:s28], [sflag:$0xB], $0x80, s26, s25, $0xb8;
	[tilespmem:$0x1C600] =	vst v63  }
0x3d: {  	s26 =	simm.s32 @!p0 $0xB  }
0x3e: {  	_ =	swait.ge @!p0 [sflag:s26], $0x4000  }
0x3f: {  	[sflag:s26] =	ssyncset.done @!p0 $0x0  }
0x40: {  	[sflag:s26] =	ssyncadd.s32 @!p0 $0xFFFFC000  }
0x41: {  	v0 =	vld [tilespmem:$0x0];
	_ =	sdelay $0x1  }
0x42: {  	v1 =	vld [tilespmem:$0x10];
	_ =	sdelay $0x1  }
0x43: {  	v2 =	vld [tilespmem:$0x20]  }
0x44: {  	v3 =	vshrl.u32 v0, $0xE  }
0x45: {  	v60 =	vld [tilespmem:$0x30];
	v0 =	vand.u32 $0x3FFF, v0;
	[tilespmem:$0x400] =	vst v3  }
0x46: {  	v61 =	vshrl.u32 v1, $0xE;
	[tilespmem:$0x480] =	vst v0  }
0x47: {  	v63 =	vld [tilespmem:$0x40];
	v62 =	vand.u32 $0x3FFF, v1;
	[tilespmem:$0x410] =	vst v61  }
0x48: {  	v6 =	vshrl.u32 v2, $0xE;
	[tilespmem:$0x490] =	vst v62  }
0x49: {  	v8 =	vld [tilespmem:$0x50];
	v7 =	vand.u32 $0x3FFF, v2;
	[tilespmem:$0x420] =	vst v6  }
0x4a: {  	v9 =	vshrl.u32 v60, $0xE;
	[tilespmem:$0x4A0] =	vst v7  }
0x4b: {  	v11 =	vld [tilespmem:$0x60];
	v10 =	vand.u32 $0x3FFF, v60;
	[tilespmem:$0x430] =	vst v9  }
0x4c: {  	v12 =	vshrl.u32 v63, $0xE;
	[tilespmem:$0x4B0] =	vst v10  }
0x4d: {  	p1 =	slt.s32 s21, s18;
	s28 =	smov.u32 s18;
	v14 =	vld [tilespmem:$0x70];
	v13 =	vand.u32 $0x3FFF, v63;
	[tilespmem:$0x440] =	vst v12  }
0x4e: {  	s28 =	smov.u32 @p1 s21;
	v15 =	vshrl.u32 v8, $0xE;
	[tilespmem:$0x4C0] =	vst v13  }
0x4f: {  	s29 =	sadd.s32 s6, s28;
	v16 =	vand.u32 $0x3FFF, v8;
	[tilespmem:$0x450] =	vst v15  }
0x50: {  	s28 =	sshll.u32 s28, $0x7;
	s29 =	sshll.u32 s29, $0x7;
	v17 =	vshrl.u32 v11, $0xE;
	[tilespmem:$0x4D0] =	vst v16  }
0x51: {  	s28 =	sand.u32 $0x380, s28;
	s29 =	sand.u32 $0xFFFFFC00, s29;
	v18 =	vand.u32 $0x3FFF, v11;
	[tilespmem:$0x460] =	vst v17  }
0x52: {  	s28 =	sor.u32 s28, s29;
	v19 =	vshrl.u32 v14, $0xE;
	[tilespmem:$0x4E0] =	vst v18  }
0x53: {  	s28 =	sshrl.u32 s28, $0x3;
	v20 =	vand.u32 $0x3FFF, v14;
	[tilespmem:$0x470] =	vst v19  }
0x54: {  	s28 =	sadd.s32 s2, s28;
	[tilespmem:$0x4F0] =	vst v20  }
0x55: {  	[tilespmem:s4], [sflag:$0x1] =	stream.linear.gather [hbm4b:s28+s4], $0x80, $0x38;
	[tilespmem:$0x1C600] =	vst v63  }
0x56: {  	_ = 	snop  }
0x57: {  	[tilespmem:s0], [sflag:$0x9] =	stream.indirect.gather [hbm4b:s5+s23], $0x80, s1, s23, $0xb8;
	[tilespmem:$0x1C600] =	vst v63  }
0x58: {  	_ =	swait.ge [sflag:s7], $0x80  }
0x59: {  	[sflag:s7] =	ssyncset.done $0x0  }
0x5a: {  	s28 =	simm.s32 @!p0 $0xA;
	[sflag:s7] =	ssyncadd.s32 $0xFFFFFF80  }
0x5b: {  	_ =	swait.ge @!p0 [sflag:s28], $0x4000  }
0x5c: {  	[sflag:s28] =	ssyncset.done @!p0 $0x0  }
0x5d: {  	s29 =	simm.s32 @!p0 $0x4600;
	[sflag:s28] =	ssyncadd.s32 @!p0 $0xFFFFC000;
	s28 =	simm.s32 @!p0 $0x580  }
0x5e: {  	[spmem:s3] =	stream.indirect.scatter.add.f32 @!p0 [tilespmem:s29], [sflag:$0xB], $0x80, s28, s25, $0xb8;
	[tilespmem:$0x1C600] =	vst v63  }
0x5f: {  	_ =	swait.ge @!p0 [sflag:s26], $0x4000  }
0x60: {  	[sflag:s26] =	ssyncset.done @!p0 $0x0  }
0x61: {  	[sflag:s26] =	ssyncadd.s32 @!p0 $0xFFFFC000  }
0x62: {  	v21 =	vld [tilespmem:$0x80];
	_ =	sdelay $0x1  }
0x63: {  	v22 =	vld [tilespmem:$0x90];
	_ =	sdelay $0x1  }
0x64: {  	v23 =	vld [tilespmem:$0xA0]  }
0x65: {  	v24 =	vshrl.u32 v21, $0xE  }
0x66: {  	v25 =	vld [tilespmem:$0xB0];
	v0 =	vand.u32 $0x3FFF, v21;
	[tilespmem:$0x500] =	vst v24  }
0x67: {  	v26 =	vshrl.u32 v22, $0xE;
	[tilespmem:$0x580] =	vst v0  }
0x68: {  	v28 =	vld [tilespmem:$0xC0];
	v27 =	vand.u32 $0x3FFF, v22;
	[tilespmem:$0x510] =	vst v26  }
0x69: {  	v29 =	vshrl.u32 v23, $0xE;
	[tilespmem:$0x590] =	vst v27  }
0x6a: {  	v31 =	vld [tilespmem:$0xD0];
	v30 =	vand.u32 $0x3FFF, v23;
	[tilespmem:$0x520] =	vst v29  }
0x6b: {  	v32 =	vshrl.u32 v25, $0xE;
	[tilespmem:$0x5A0] =	vst v30  }
0x6c: {  	v34 =	vld [tilespmem:$0xE0];
	v33 =	vand.u32 $0x3FFF, v25;
	[tilespmem:$0x530] =	vst v32  }
0x6d: {  	s25 =	sadd.s32 $0x1, s21;
	v35 =	vshrl.u32 v28, $0xE;
	[tilespmem:$0x5B0] =	vst v33  }
0x6e: {  	p0 =	slt.s32 s25, s18;
	s26 =	smov.u32 s18;
	v37 =	vld [tilespmem:$0xF0];
	v36 =	vand.u32 $0x3FFF, v28;
	[tilespmem:$0x540] =	vst v35  }
0x6f: {  	s26 =	smov.u32 @p0 s25;
	v38 =	vshrl.u32 v31, $0xE;
	[tilespmem:$0x5C0] =	vst v36  }
0x70: {  	s25 =	sadd.s32 s6, s26;
	v39 =	vand.u32 $0x3FFF, v31;
	[tilespmem:$0x550] =	vst v38  }
0x71: {  	s26 =	sshll.u32 s26, $0x7;
	s25 =	sshll.u32 s25, $0x7;
	v40 =	vshrl.u32 v34, $0xE;
	[tilespmem:$0x5D0] =	vst v39  }
0x72: {  	s26 =	sand.u32 $0x380, s26;
	s25 =	sand.u32 $0xFFFFFC00, s25;
	v41 =	vand.u32 $0x3FFF, v34;
	[tilespmem:$0x560] =	vst v40  }
0x73: {  	s25 =	sor.u32 s26, s25;
	v42 =	vshrl.u32 v37, $0xE;
	[tilespmem:$0x5E0] =	vst v41  }
0x74: {  	v43 =	vand.u32 $0x3FFF, v37;
	s25 =	sshrl.u32 s25, $0x3;
	[tilespmem:$0x570] =	vst v42  }
0x75: {  	[tilespmem:$0x5F0] =	vst v43;
	s25 =	sadd.s32 s2, s25  }
0x76: {  	[tilespmem:s23], [sflag:$0x2] =	stream.linear.gather [hbm4b:s25+s4], $0x80, $0x38;
	[tilespmem:$0x1C600] =	vst v63  }
0x77: {  	_ = 	snop  }
0x78: {  	[tilespmem:s11], [sflag:$0xA] =	stream.indirect.gather [hbm4b:s5+s23], $0x80, s10, s23, $0xb8;
	[tilespmem:$0x1C600] =	vst v63  }
0x79: {  	_ =	swait.ge [sflag:s12], $0x80  }
0x7a: {  	[sflag:s12] =	ssyncset.done $0x0  }
0x7b: {  	[sflag:s12] =	ssyncadd.s32 $0xFFFFFF80  }
0x7c: {  	_ =	swait.ge [sflag:s13], $0x4000  }
0x7d: {  	[sflag:s13] =	ssyncset.done $0x0  }
0x7e: {  	[sflag:s13] =	ssyncadd.s32 $0xFFFFC000  }
0x7f: {  	[spmem:s3] =	stream.indirect.scatter.add.f32 [tilespmem:s0], [sflag:$0xB], $0x80, s14, s23, $0xb8;
	[tilespmem:$0x1C600] =	vst v63  }
0x80: {  	_ =	swait.ge [sflag:s22], $0x4000  }
0x81: {  	[sflag:s22] =	ssyncset.done $0x0  }
0x82: {  	[sflag:s22] =	ssyncadd.s32 $0xFFFFC000  }
0x83: {  	v44 =	vld [tilespmem:$0x100];
	_ =	sdelay $0x1  }
0x84: {  	v45 =	vld [tilespmem:$0x110];
	_ =	sdelay $0x1  }
0x85: {  	v46 =	vld [tilespmem:$0x120]  }
0x86: {  	v47 =	vshrl.u32 v44, $0xE  }
0x87: {  	v48 =	vld [tilespmem:$0x130];
	v0 =	vand.u32 $0x3FFF, v44;
	[tilespmem:$0x400] =	vst v47  }
0x88: {  	v49 =	vshrl.u32 v45, $0xE;
	[tilespmem:$0x480] =	vst v0  }
0x89: {  	v51 =	vld [tilespmem:$0x140];
	v50 =	vand.u32 $0x3FFF, v45;
	[tilespmem:$0x410] =	vst v49  }
0x8a: {  	v52 =	vshrl.u32 v46, $0xE;
	[tilespmem:$0x490] =	vst v50  }
0x8b: {  	v54 =	vld [tilespmem:$0x150];
	v53 =	vand.u32 $0x3FFF, v46;
	[tilespmem:$0x420] =	vst v52  }
0x8c: {  	v55 =	vshrl.u32 v48, $0xE;
	[tilespmem:$0x4A0] =	vst v53  }
0x8d: {  	v57 =	vld [tilespmem:$0x160];
	v56 =	vand.u32 $0x3FFF, v48;
	[tilespmem:$0x430] =	vst v55  }
0x8e: {  	s25 =	sadd.s32 $0x2, s21;
	v58 =	vshrl.u32 v51, $0xE;
	[tilespmem:$0x4B0] =	vst v56  }
0x8f: {  	s26 =	smov.u32 s18;
	p0 =	slt.s32 s25, s18;
	v60 =	vld [tilespmem:$0x170];
	v59 =	vand.u32 $0x3FFF, v51;
	[tilespmem:$0x440] =	vst v58  }
0x90: {  	s26 =	smov.u32 @p0 s25;
	v61 =	vshrl.u32 v54, $0xE;
	[tilespmem:$0x4C0] =	vst v59  }
0x91: {  	s25 =	sadd.s32 s6, s26;
	v62 =	vand.u32 $0x3FFF, v54;
	[tilespmem:$0x450] =	vst v61  }
0x92: {  	s26 =	sshll.u32 s26, $0x7;
	s25 =	sshll.u32 s25, $0x7;
	v63 =	vshrl.u32 v57, $0xE;
	[tilespmem:$0x4D0] =	vst v62  }
0x93: {  	s26 =	sand.u32 $0x380, s26;
	s25 =	sand.u32 $0xFFFFFC00, s25;
	v4 =	vand.u32 $0x3FFF, v57;
	[tilespmem:$0x460] =	vst v63  }
0x94: {  	s25 =	sor.u32 s26, s25;
	v5 =	vshrl.u32 v60, $0xE;
	[tilespmem:$0x4E0] =	vst v4  }
0x95: {  	s25 =	sshrl.u32 s25, $0x3;
	v6 =	vand.u32 $0x3FFF, v60;
	[tilespmem:$0x470] =	vst v5  }
0x96: {  	s28 =	simm.s32 $0x100;
	s25 =	sadd.s32 s2, s25;
	[tilespmem:$0x4F0] =	vst v6  }
0x97: {  	[tilespmem:s28], [sflag:$0x3] =	stream.linear.gather [hbm4b:s25+s4], $0x80, $0x38;
	[tilespmem:$0x1C600] =	vst v63  }
0x98: {  	_ = 	snop  }
0x99: {  	[tilespmem:s0], [sflag:$0x9] =	stream.indirect.gather [hbm4b:s5+s23], $0x80, s1, s23, $0xb8;
	[tilespmem:$0x1C600] =	vst v63  }
0x9a: {  	_ =	swait.ge [sflag:s15], $0x80  }
0x9b: {  	[sflag:s15] =	ssyncset.done $0x0  }
0x9c: {  	[sflag:s15] =	ssyncadd.s32 $0xFFFFFF80  }
0x9d: {  	_ =	swait.ge [sflag:s16], $0x4000  }
0x9e: {  	[sflag:s16] =	ssyncset.done $0x0  }
0x9f: {  	[sflag:s16] =	ssyncadd.s32 $0xFFFFC000  }
0xa0: {  	[spmem:s3] =	stream.indirect.scatter.add.f32 [tilespmem:s11], [sflag:$0xB], $0x80, s19, s23, $0xb8;
	[tilespmem:$0x1C600] =	vst v63  }
0xa1: {  	_ =	swait.ge [sflag:s22], $0x4000  }
0xa2: {  	[sflag:s22] =	ssyncset.done $0x0  }
0xa3: {  	[sflag:s22] =	ssyncadd.s32 $0xFFFFC000  }
0xa4: {  	v7 =	vld [tilespmem:$0x180];
	_ =	sdelay $0x1  }
0xa5: {  	v8 =	vld [tilespmem:$0x190];
	_ =	sdelay $0x1  }
0xa6: {  	v9 =	vld [tilespmem:$0x1A0]  }
0xa7: {  	v10 =	vshrl.u32 v7, $0xE  }
0xa8: {  	v11 =	vld [tilespmem:$0x1B0];
	v0 =	vand.u32 $0x3FFF, v7;
	[tilespmem:$0x500] =	vst v10  }
0xa9: {  	v12 =	vshrl.u32 v8, $0xE;
	[tilespmem:$0x580] =	vst v0  }
0xaa: {  	v14 =	vld [tilespmem:$0x1C0];
	v13 =	vand.u32 $0x3FFF, v8;
	[tilespmem:$0x510] =	vst v12  }
0xab: {  	v15 =	vshrl.u32 v9, $0xE;
	[tilespmem:$0x590] =	vst v13  }
0xac: {  	v17 =	vld [tilespmem:$0x1D0];
	v16 =	vand.u32 $0x3FFF, v9;
	[tilespmem:$0x520] =	vst v15  }
0xad: {  	v18 =	vshrl.u32 v11, $0xE;
	[tilespmem:$0x5A0] =	vst v16  }
0xae: {  	v20 =	vld [tilespmem:$0x1E0];
	v19 =	vand.u32 $0x3FFF, v11;
	[tilespmem:$0x530] =	vst v18  }
0xaf: {  	s25 =	sadd.s32 $0x3, s21;
	v21 =	vshrl.u32 v14, $0xE;
	[tilespmem:$0x5B0] =	vst v19  }
0xb0: {  	s26 =	smov.u32 s18;
	p0 =	slt.s32 s25, s18;
	v23 =	vld [tilespmem:$0x1F0];
	v22 =	vand.u32 $0x3FFF, v14;
	[tilespmem:$0x540] =	vst v21  }
0xb1: {  	s26 =	smov.u32 @p0 s25;
	v24 =	vshrl.u32 v17, $0xE;
	[tilespmem:$0x5C0] =	vst v22  }
0xb2: {  	s25 =	sadd.s32 s6, s26;
	v25 =	vand.u32 $0x3FFF, v17;
	[tilespmem:$0x550] =	vst v24  }
0xb3: {  	s26 =	sshll.u32 s26, $0x7;
	s25 =	sshll.u32 s25, $0x7;
	v26 =	vshrl.u32 v20, $0xE;
	[tilespmem:$0x5D0] =	vst v25  }
0xb4: {  	s26 =	sand.u32 $0x380, s26;
	s25 =	sand.u32 $0xFFFFFC00, s25;
	v27 =	vand.u32 $0x3FFF, v20;
	[tilespmem:$0x560] =	vst v26  }
0xb5: {  	s25 =	sor.u32 s26, s25;
	v28 =	vshrl.u32 v23, $0xE;
	[tilespmem:$0x5E0] =	vst v27  }
0xb6: {  	s25 =	sshrl.u32 s25, $0x3;
	v29 =	vand.u32 $0x3FFF, v23;
	[tilespmem:$0x570] =	vst v28  }
0xb7: {  	s29 =	simm.s32 $0x180;
	s25 =	sadd.s32 s2, s25;
	[tilespmem:$0x5F0] =	vst v29  }
0xb8: {  	[tilespmem:s29], [sflag:$0x4] =	stream.linear.gather [hbm4b:s25+s4], $0x80, $0x38;
	[tilespmem:$0x1C600] =	vst v63  }
0xb9: {  	_ = 	snop  }
0xba: {  	[tilespmem:s11], [sflag:$0xA] =	stream.indirect.gather [hbm4b:s5+s23], $0x80, s10, s23, $0xb8;
	[tilespmem:$0x1C600] =	vst v63  }
0xbb: {  	_ =	swait.ge [sflag:s20], $0x80  }
0xbc: {  	[sflag:s20] =	ssyncset.done $0x0  }
0xbd: {  	[sflag:s20] =	ssyncadd.s32 $0xFFFFFF80  }
0xbe: {  	_ =	swait.ge [sflag:s13], $0x4000  }
0xbf: {  	[sflag:s13] =	ssyncset.done $0x0  }
0xc0: {  	[sflag:s13] =	ssyncadd.s32 $0xFFFFC000  }
0xc1: {  	[spmem:s3] =	stream.indirect.scatter.add.f32 [tilespmem:s0], [sflag:$0xB], $0x80, s14, s23, $0xb8;
	[tilespmem:$0x1C600] =	vst v63  }
0xc2: {  	_ =	swait.ge [sflag:s22], $0x4000  }
0xc3: {  	[sflag:s22] =	ssyncset.done $0x0  }
0xc4: {  	[sflag:s22] =	ssyncadd.s32 $0xFFFFC000  }
0xc5: {  	v30 =	vld [tilespmem:$0x200];
	_ =	sdelay $0x1  }
0xc6: {  	v31 =	vld [tilespmem:$0x210];
	_ =	sdelay $0x1  }
0xc7: {  	v32 =	vld [tilespmem:$0x220]  }
0xc8: {  	v33 =	vshrl.u32 v30, $0xE  }
0xc9: {  	v34 =	vld [tilespmem:$0x230];
	v0 =	vand.u32 $0x3FFF, v30;
	[tilespmem:$0x400] =	vst v33  }
0xca: {  	v35 =	vshrl.u32 v31, $0xE;
	[tilespmem:$0x480] =	vst v0  }
0xcb: {  	v37 =	vld [tilespmem:$0x240];
	v36 =	vand.u32 $0x3FFF, v31;
	[tilespmem:$0x410] =	vst v35  }
0xcc: {  	v38 =	vshrl.u32 v32, $0xE;
	[tilespmem:$0x490] =	vst v36  }
0xcd: {  	v40 =	vld [tilespmem:$0x250];
	v39 =	vand.u32 $0x3FFF, v32;
	[tilespmem:$0x420] =	vst v38  }
0xce: {  	v41 =	vshrl.u32 v34, $0xE;
	[tilespmem:$0x4A0] =	vst v39  }
0xcf: {  	v43 =	vld [tilespmem:$0x260];
	v42 =	vand.u32 $0x3FFF, v34;
	[tilespmem:$0x430] =	vst v41  }
0xd0: {  	s25 =	sadd.s32 $0x4, s21;
	v44 =	vshrl.u32 v37, $0xE;
	[tilespmem:$0x4B0] =	vst v42  }
0xd1: {  	s26 =	smov.u32 s18;
	p0 =	slt.s32 s25, s18;
	v46 =	vld [tilespmem:$0x270];
	v45 =	vand.u32 $0x3FFF, v37;
	[tilespmem:$0x440] =	vst v44  }
0xd2: {  	s26 =	smov.u32 @p0 s25;
	v47 =	vshrl.u32 v40, $0xE;
	[tilespmem:$0x4C0] =	vst v45  }
0xd3: {  	s25 =	sadd.s32 s6, s26;
	v48 =	vand.u32 $0x3FFF, v40;
	[tilespmem:$0x450] =	vst v47  }
0xd4: {  	s26 =	sshll.u32 s26, $0x7;
	s25 =	sshll.u32 s25, $0x7;
	v49 =	vshrl.u32 v43, $0xE;
	[tilespmem:$0x4D0] =	vst v48  }
0xd5: {  	s26 =	sand.u32 $0x380, s26;
	s25 =	sand.u32 $0xFFFFFC00, s25;
	v50 =	vand.u32 $0x3FFF, v43;
	[tilespmem:$0x460] =	vst v49  }
0xd6: {  	s25 =	sor.u32 s26, s25;
	v51 =	vshrl.u32 v46, $0xE;
	[tilespmem:$0x4E0] =	vst v50  }
0xd7: {  	s25 =	sshrl.u32 s25, $0x3;
	v52 =	vand.u32 $0x3FFF, v46;
	[tilespmem:$0x470] =	vst v51  }
0xd8: {  	s26 =	simm.s32 $0x200;
	s25 =	sadd.s32 s2, s25;
	[tilespmem:$0x4F0] =	vst v52  }
0xd9: {  	[tilespmem:s26], [sflag:$0x5] =	stream.linear.gather [hbm4b:s25+s4], $0x80, $0x38;
	[tilespmem:$0x1C600] =	vst v63  }
0xda: {  	_ = 	snop  }
0xdb: {  	[tilespmem:s0], [sflag:$0x9] =	stream.indirect.gather [hbm4b:s5+s23], $0x80, s1, s23, $0xb8;
	[tilespmem:$0x1C600] =	vst v63  }
0xdc: {  	_ =	swait.ge [sflag:s17], $0x80  }
0xdd: {  	[sflag:s17] =	ssyncset.done $0x0  }
0xde: {  	[sflag:s17] =	ssyncadd.s32 $0xFFFFFF80  }
0xdf: {  	_ =	swait.ge [sflag:s16], $0x4000  }
0xe0: {  	[sflag:s16] =	ssyncset.done $0x0  }
0xe1: {  	[sflag:s16] =	ssyncadd.s32 $0xFFFFC000  }
0xe2: {  	[spmem:s3] =	stream.indirect.scatter.add.f32 [tilespmem:s11], [sflag:$0xB], $0x80, s19, s23, $0xb8;
	[tilespmem:$0x1C600] =	vst v63  }
0xe3: {  	_ =	swait.ge [sflag:s22], $0x4000  }
0xe4: {  	[sflag:s22] =	ssyncset.done $0x0  }
0xe5: {  	[sflag:s22] =	ssyncadd.s32 $0xFFFFC000  }
0xe6: {  	v53 =	vld [tilespmem:$0x280];
	_ =	sdelay $0x1  }
0xe7: {  	v54 =	vld [tilespmem:$0x290];
	_ =	sdelay $0x1  }
0xe8: {  	v55 =	vld [tilespmem:$0x2A0]  }
0xe9: {  	v56 =	vshrl.u32 v53, $0xE  }
0xea: {  	v57 =	vld [tilespmem:$0x2B0];
	v0 =	vand.u32 $0x3FFF, v53;
	[tilespmem:$0x500] =	vst v56  }
0xeb: {  	v58 =	vshrl.u32 v54, $0xE;
	[tilespmem:$0x580] =	vst v0  }
0xec: {  	v60 =	vld [tilespmem:$0x2C0];
	v59 =	vand.u32 $0x3FFF, v54;
	[tilespmem:$0x510] =	vst v58  }
0xed: {  	v61 =	vshrl.u32 v55, $0xE;
	[tilespmem:$0x590] =	vst v59  }
0xee: {  	v63 =	vld [tilespmem:$0x2D0];
	v62 =	vand.u32 $0x3FFF, v55;
	[tilespmem:$0x520] =	vst v61  }
0xef: {  	v6 =	vshrl.u32 v57, $0xE;
	[tilespmem:$0x5A0] =	vst v62  }
0xf0: {  	v8 =	vld [tilespmem:$0x2E0];
	v7 =	vand.u32 $0x3FFF, v57;
	[tilespmem:$0x530] =	vst v6  }
0xf1: {  	s25 =	sadd.s32 $0x5, s21;
	v9 =	vshrl.u32 v60, $0xE;
	[tilespmem:$0x5B0] =	vst v7  }
0xf2: {  	s26 =	smov.u32 s18;
	p0 =	slt.s32 s25, s18;
	v11 =	vld [tilespmem:$0x2F0];
	v10 =	vand.u32 $0x3FFF, v60;
	[tilespmem:$0x540] =	vst v9  }
0xf3: {  	s26 =	smov.u32 @p0 s25;
	v12 =	vshrl.u32 v63, $0xE;
	[tilespmem:$0x5C0] =	vst v10  }
0xf4: {  	s25 =	sadd.s32 s6, s26;
	v13 =	vand.u32 $0x3FFF, v63;
	[tilespmem:$0x550] =	vst v12  }
0xf5: {  	s26 =	sshll.u32 s26, $0x7;
	s25 =	sshll.u32 s25, $0x7;
	v14 =	vshrl.u32 v8, $0xE;
	[tilespmem:$0x5D0] =	vst v13  }
0xf6: {  	s26 =	sand.u32 $0x380, s26;
	s25 =	sand.u32 $0xFFFFFC00, s25;
	v15 =	vand.u32 $0x3FFF, v8;
	[tilespmem:$0x560] =	vst v14  }
0xf7: {  	s25 =	sor.u32 s26, s25;
	v16 =	vshrl.u32 v11, $0xE;
	[tilespmem:$0x5E0] =	vst v15  }
0xf8: {  	s25 =	sshrl.u32 s25, $0x3;
	v17 =	vand.u32 $0x3FFF, v11;
	[tilespmem:$0x570] =	vst v16  }
0xf9: {  	s26 =	simm.s32 $0x280;
	s25 =	sadd.s32 s2, s25;
	[tilespmem:$0x5F0] =	vst v17  }
0xfa: {  	[tilespmem:s26], [sflag:$0x6] =	stream.linear.gather [hbm4b:s25+s4], $0x80, $0x38;
	[tilespmem:$0x1C600] =	vst v63  }
0xfb: {  	_ = 	snop  }
0xfc: {  	[tilespmem:s11], [sflag:$0xA] =	stream.indirect.gather [hbm4b:s5+s23], $0x80, s10, s23, $0xb8;
	[tilespmem:$0x1C600] =	vst v63  }
0xfd: {  	_ =	swait.ge [sflag:s8], $0x80  }
0xfe: {  	[sflag:s8] =	ssyncset.done $0x0  }
0xff: {  	[sflag:s8] =	ssyncadd.s32 $0xFFFFFF80  }
0x100: {  	_ =	swait.ge [sflag:s13], $0x4000  }
0x101: {  	[sflag:s13] =	ssyncset.done $0x0  }
0x102: {  	[sflag:s13] =	ssyncadd.s32 $0xFFFFC000  }
0x103: {  	[spmem:s3] =	stream.indirect.scatter.add.f32 [tilespmem:s0], [sflag:$0xB], $0x80, s14, s23, $0xb8;
	[tilespmem:$0x1C600] =	vst v63  }
0x104: {  	_ =	swait.ge [sflag:s22], $0x4000  }
0x105: {  	[sflag:s22] =	ssyncset.done $0x0  }
0x106: {  	[sflag:s22] =	ssyncadd.s32 $0xFFFFC000  }
0x107: {  	v18 =	vld [tilespmem:$0x300];
	_ =	sdelay $0x1  }
0x108: {  	v19 =	vld [tilespmem:$0x310];
	_ =	sdelay $0x1  }
0x109: {  	v20 =	vld [tilespmem:$0x320]  }
0x10a: {  	v21 =	vshrl.u32 v18, $0xE  }
0x10b: {  	v22 =	vld [tilespmem:$0x330];
	v0 =	vand.u32 $0x3FFF, v18;
	[tilespmem:$0x400] =	vst v21  }
0x10c: {  	v23 =	vshrl.u32 v19, $0xE;
	[tilespmem:$0x480] =	vst v0  }
0x10d: {  	v25 =	vld [tilespmem:$0x340];
	v24 =	vand.u32 $0x3FFF, v19;
	[tilespmem:$0x410] =	vst v23  }
0x10e: {  	v26 =	vshrl.u32 v20, $0xE;
	[tilespmem:$0x490] =	vst v24  }
0x10f: {  	v28 =	vld [tilespmem:$0x350];
	v27 =	vand.u32 $0x3FFF, v20;
	[tilespmem:$0x420] =	vst v26  }
0x110: {  	v29 =	vshrl.u32 v22, $0xE;
	[tilespmem:$0x4A0] =	vst v27  }
0x111: {  	v31 =	vld [tilespmem:$0x360];
	v30 =	vand.u32 $0x3FFF, v22;
	[tilespmem:$0x430] =	vst v29  }
0x112: {  	s25 =	sadd.s32 $0x6, s21;
	v32 =	vshrl.u32 v25, $0xE;
	[tilespmem:$0x4B0] =	vst v30  }
0x113: {  	s26 =	smov.u32 s18;
	p0 =	slt.s32 s25, s18;
	v34 =	vld [tilespmem:$0x370];
	v33 =	vand.u32 $0x3FFF, v25;
	[tilespmem:$0x440] =	vst v32  }
0x114: {  	s26 =	smov.u32 @p0 s25;
	v35 =	vshrl.u32 v28, $0xE;
	[tilespmem:$0x4C0] =	vst v33  }
0x115: {  	s25 =	sadd.s32 s6, s26;
	v36 =	vand.u32 $0x3FFF, v28;
	[tilespmem:$0x450] =	vst v35  }
0x116: {  	s26 =	sshll.u32 s26, $0x7;
	s25 =	sshll.u32 s25, $0x7;
	v37 =	vshrl.u32 v31, $0xE;
	[tilespmem:$0x4D0] =	vst v36  }
0x117: {  	s26 =	sand.u32 $0x380, s26;
	s25 =	sand.u32 $0xFFFFFC00, s25;
	v38 =	vand.u32 $0x3FFF, v31;
	[tilespmem:$0x460] =	vst v37  }
0x118: {  	s25 =	sor.u32 s26, s25;
	v39 =	vshrl.u32 v34, $0xE;
	[tilespmem:$0x4E0] =	vst v38  }
0x119: {  	s25 =	sshrl.u32 s25, $0x3;
	v40 =	vand.u32 $0x3FFF, v34;
	[tilespmem:$0x470] =	vst v39  }
0x11a: {  	s26 =	simm.s32 $0x300;
	s25 =	sadd.s32 s2, s25;
	[tilespmem:$0x4F0] =	vst v40  }
0x11b: {  	[tilespmem:s26], [sflag:$0x7] =	stream.linear.gather [hbm4b:s25+s4], $0x80, $0x38;
	[tilespmem:$0x1C600] =	vst v63  }
0x11c: {  	_ = 	snop  }
0x11d: {  	[tilespmem:s0], [sflag:$0x9] =	stream.indirect.gather [hbm4b:s5+s23], $0x80, s1, s23, $0xb8;
	[tilespmem:$0x1C600] =	vst v63  }
0x11e: {  	_ =	swait.ge [sflag:s9], $0x80  }
0x11f: {  	[sflag:s9] =	ssyncset.done $0x0  }
0x120: {  	[sflag:s9] =	ssyncadd.s32 $0xFFFFFF80  }
0x121: {  	_ =	swait.ge [sflag:s16], $0x4000  }
0x122: {  	[sflag:s16] =	ssyncset.done $0x0  }
0x123: {  	[sflag:s16] =	ssyncadd.s32 $0xFFFFC000  }
0x124: {  	[spmem:s3] =	stream.indirect.scatter.add.f32 [tilespmem:s11], [sflag:$0xB], $0x80, s19, s23, $0xb8;
	[tilespmem:$0x1C600] =	vst v63  }
0x125: {  	_ =	swait.ge [sflag:s22], $0x4000  }
0x126: {  	[sflag:s22] =	ssyncset.done $0x0  }
0x127: {  	[sflag:s22] =	ssyncadd.s32 $0xFFFFC000  }
0x128: {  	v41 =	vld [tilespmem:$0x380];
	_ =	sdelay $0x1  }
0x129: {  	v42 =	vld [tilespmem:$0x390];
	_ =	sdelay $0x1  }
0x12a: {  	v43 =	vld [tilespmem:$0x3A0]  }
0x12b: {  	v44 =	vshrl.u32 v41, $0xE  }
0x12c: {  	v45 =	vld [tilespmem:$0x3B0];
	v0 =	vand.u32 $0x3FFF, v41;
	[tilespmem:$0x500] =	vst v44  }
0x12d: {  	v46 =	vshrl.u32 v42, $0xE;
	[tilespmem:$0x580] =	vst v0  }
0x12e: {  	v48 =	vld [tilespmem:$0x3C0];
	v47 =	vand.u32 $0x3FFF, v42;
	[tilespmem:$0x510] =	vst v46  }
0x12f: {  	v49 =	vshrl.u32 v43, $0xE;
	[tilespmem:$0x590] =	vst v47  }
0x130: {  	v51 =	vld [tilespmem:$0x3D0];
	v50 =	vand.u32 $0x3FFF, v43;
	[tilespmem:$0x520] =	vst v49  }
0x131: {  	v52 =	vshrl.u32 v45, $0xE;
	[tilespmem:$0x5A0] =	vst v50  }
0x132: {  	v54 =	vld [tilespmem:$0x3E0];
	v53 =	vand.u32 $0x3FFF, v45;
	[tilespmem:$0x530] =	vst v52  }
0x133: {  	v55 =	vshrl.u32 v48, $0xE;
	[tilespmem:$0x5B0] =	vst v53  }
0x134: {  	v57 =	vld [tilespmem:$0x3F0];
	v56 =	vand.u32 $0x3FFF, v48;
	[tilespmem:$0x540] =	vst v55  }
0x135: {  	s25 =	sadd.s32 $0x7, s21;
	v58 =	vshrl.u32 v51, $0xE;
	[tilespmem:$0x5C0] =	vst v56  }
0x136: {  	s26 =	smov.u32 s18;
	p0 =	slt.s32 s25, s18;
	v59 =	vand.u32 $0x3FFF, v51;
	[tilespmem:$0x550] =	vst v58  }
0x137: {  	s26 =	smov.u32 @p0 s25;
	v60 =	vshrl.u32 v54, $0xE;
	[tilespmem:$0x5D0] =	vst v59  }
0x138: {  	s24 =	sadd.s32 $0xFFFFFFFF, s24;
	s25 =	sadd.s32 s6, s26;
	v61 =	vand.u32 $0x3FFF, v54;
	[tilespmem:$0x560] =	vst v60  }
0x139: {  	p0 =	sne.s32 s24, $0x0;
	s25 =	sshll.u32 s25, $0x4;
	v62 =	vshrl.u32 v57, $0xE;
	[tilespmem:$0x5E0] =	vst v61  }
.Ltmp0:
0x13a: {  	s25 =	sand.u32 $0x1FFFFFF0, s25;
	v63 =	vand.u32 $0x3FFF, v57;
	[tilespmem:$0x570] =	vst v62;
	(pc) =	sbr.rel @p0 .LBB2_2-.Ltmp0, $4  }
0x13b: {  	s25 =	sadd.s32 s2, s25;
	[tilespmem:$0x5F0] =	vst v63  }
0x13c: {  	[tilespmem:s30], [sflag:$0x8] =	stream.linear.gather [hbm4b:s25+s4], $0x80, $0x38;
	[tilespmem:$0x1C600] =	vst v63  }
0x13d: {  	s21 =	sadd.s32 $0x8, s21  }
0x13e: {  	[tilespmem:s11], [sflag:$0xA] =	stream.indirect.gather [hbm4b:s5+s23], $0x80, s10, s23, $0xb8;
	[tilespmem:$0x1C600] =	vst v63  }
0x13f: {  	_ =	swait.ge [sflag:s13], $0x4000  }
0x140: {  	[sflag:s13] =	ssyncset.done $0x0  }
0x141: {  	[sflag:s13] =	ssyncadd.s32 $0xFFFFC000  }
0x142: {  	[spmem:s3] =	stream.indirect.scatter.add.f32 [tilespmem:s0], [sflag:$0xB], $0x80, s14, s23, $0xb8;
	[tilespmem:$0x1C600] =	vst v63  }
0x143: {  	_ =	swait.ge [sflag:s22], $0x4000  }
0x144: {  	[sflag:s22] =	ssyncset.done $0x0  }
0x145: {  	[sflag:s22] =	ssyncadd.s32 $0xFFFFC000  }
0x146: {  	_ =	swait.ge [sflag:s16], $0x4000  }
0x147: {  	[sflag:s16] =	ssyncset.done $0x0  }
0x148: {  	[sflag:s16] =	ssyncadd.s32 $0xFFFFC000  }
0x149: {  	[spmem:s3] =	stream.indirect.scatter.add.f32 [tilespmem:s11], [sflag:$0xB], $0x80, s19, s23, $0xb8;
	[tilespmem:$0x1C600] =	vst v63  }
0x14a: {  	_ =	swait.ge [sflag:s22], $0x4000  }
0x14b: {  	[sflag:s22] =	ssyncset.done $0x0  }
0x14c: {  	[sflag:s22] =	ssyncadd.s32 $0xFFFFC000  }
0x14d: {  	_ =	swait.ge [sflag:s31], $0x80  }
0x14e: {  	[sflag:s31] =	ssyncset.done $0x0  }
0x14f: {  	[sflag:s31] =	ssyncadd.s32 $0xFFFFFF80  }
0x150: {  	_ =	swait.ge [sflag:s7], $0x80  }
0x151: {  	[sflag:s7] =	ssyncset.done $0x0  }
0x152: {  	[sflag:s7] =	ssyncadd.s32 $0xFFFFFF80  }
0x153: {  	_ =	swait.ge [sflag:s12], $0x80  }
0x154: {  	[sflag:s12] =	ssyncset.done $0x0  }
0x155: {  	[sflag:s12] =	ssyncadd.s32 $0xFFFFFF80  }
0x156: {  	_ =	swait.ge [sflag:s15], $0x80  }
0x157: {  	[sflag:s15] =	ssyncset.done $0x0  }
0x158: {  	[sflag:s15] =	ssyncadd.s32 $0xFFFFFF80  }
0x159: {  	_ =	swait.ge [sflag:s20], $0x80  }
0x15a: {  	[sflag:s20] =	ssyncset.done $0x0  }
0x15b: {  	[sflag:s20] =	ssyncadd.s32 $0xFFFFFF80  }
0x15c: {  	_ =	swait.ge [sflag:s17], $0x80  }
0x15d: {  	[sflag:s17] =	ssyncset.done $0x0  }
0x15e: {  	[sflag:s17] =	ssyncadd.s32 $0xFFFFFF80  }
0x15f: {  	_ =	swait.ge [sflag:s8], $0x80  }
0x160: {  	[sflag:s8] =	ssyncset.done $0x0  }
0x161: {  	[sflag:s8] =	ssyncadd.s32 $0xFFFFFF80  }
0x162: {  	_ =	swait.ge [sflag:s9], $0x80  }
0x163: {  	[sflag:s9] =	ssyncset.done $0x0  }
0x164: {  	[sflag:s9] =	ssyncadd.s32 $0xFFFFFF80  }
0x165: {  	[bflag:$0x0] =	sbarrier.arrive $0xFFFF  }
0x166: {  	s24 =	rddreg [dreg:$0x6]  }
0x167: {  	s21 =	rddreg [dreg:$0xf]  }
0x168: {  	s25 =	rddreg [dreg:$0x11]  }
0x169: {  	[hbm:s21], [sflag:s24] =	dma.local [spmem:s25], $0x2800  }
0x16a: {  	_ =	swait.ge [sflag:s22], $0x2800  }
0x16b: {  	s26 =	rddreg [dreg:$0x12]  }
0x16c: {  	s21 =	rddreg [dreg:$0x10];
	s26 =	sadd.s32 $0x1, s26  }
0x16d: {  	p0 =	sne.s32 s26, s21  }
.Ltmp1:
0x16e: {  	_ = 	snop;
	(pc) =	sbr.rel @p0 .LBB2_1-.Ltmp1, $3  }
0x16f: {  	_ =	sdelay $0x1  }
0x170: {  	s30 =	simm.s32 $0x280;
	[sflag:s22] =	ssyncset.done $0x0  }
0x171: {  	[sflag:s22] =	ssyncadd.s32 $0xFFFFD800;
	[dreg:$0x12] =	wrdreg s26;
	s26 =	simm.s32 $0x200  }
0x172: {  	_ =	sfence.sel $0x180000  }
0x173: {  	[bflag:$0x0] =	sbarrier.arrive $0xFFFF  }
0x174: {  	_ =	strace $0x90000047  }
0x175: {  	s0 =	stileid.u32;
	[bflag:$0x2] =	sbarrier.arrive $0xFFFF  }
0x176: {  	p0 =	sne.s32 s0, $0x0;
	s0 =	rddreg [dreg:$0x3]  }
0x177: {  	s0 =	sadd.s32 @!p0 $0x100000, s0  }
0x178: {  	[sflag:s0] =	ssyncadd.tile.s32 @!p0 $0x1;
	_ =	shalt  }
.Lfunc_end2:
_tile_overlayer_lowered:
.L_overlay_start_2:
0x179: {  	(tag) =	ssettag $0x2  }
0x17a: {  	s0 =	rddreg [dreg:$0x0];
	s2 =	stileid.u32  }
0x17b: {  	s1 =	rddreg [dreg:$0x1];
	p0 =	sne.s32 s2, $0x0  }
0x17c: {  	s3 =	rddreg [dreg:$0x2];
	[bflag:$0x3] =	sbarrier.arrive $0xFFFF;
	s2 =	simm.s32 @!p0 $0x1C0B  }
0x17d: {  	[timem:s3], [sflag:s2] =	dma.local @!p0 [hbm:s0], s1  }
0x17e: {  	s0 =	simm.s32 @!p0 $0xB  }
0x17f: {  	_ =	swait.ge @!p0 [sflag:s0], s1  }
0x180: {  	s1 =	ssub.s32 @!p0 $0x0, s1;
	[sflag:s0] =	ssyncset.done @!p0 $0x0  }
0x181: {  	[sflag:s0] =	ssyncadd.s32 @!p0 s1  }
0x182: {  	[bflag:$0x3] =	sbarrier.arrive $0xFFFF  }
0x183: {  	_ =	shalt  }

</sc_bundles>
